<compile_context>
chip_gen: v7x
topology: tpu7x:2x2x1
jax: 0.10.2.dev20260603
libtpu: 0.0.44.dev20260713+nightly
codegen_flags: <defaults>
</compile_context>

<pallas_src>
import jax
import jax.numpy as jnp
from jax import lax
from jax.experimental import pallas as pl
from jax.experimental.pallas import tpu as pltpu
from jax.experimental.pallas import tpu_sc as plsc

_N = 10000
_E = 320000
_DIN = 128
_H = 256
_C = 64
_F = 64

_NC = 2
_NS = 16
_B = 80
_NBUF = 5
_BM = 2000
_ZR = 1000

_ROWS_E = _E // (_NC * _NS) // _B

_BP = 80
_PROWS_F = 250
_PROWS_E = 125
_RING = 5

_mesh = plsc.VectorSubcoreMesh(core_axis_name="c", subcore_axis_name="s")
_params = pltpu.CompilerParams(use_tc_tiling_on_sc=False)


def _m8(x):
    return pl.multiple_of(x, 8)



def _deg_body(src_e, dst_e, zeros1, out, src_v, dst_v, ones_v, acc_o, acc_i,
              sem):
    c = lax.axis_index("c")
    s = lax.axis_index("s")
    w = c * _NS + s
    pltpu.sync_copy(src_e.at[w], src_v)
    pltpu.sync_copy(dst_e.at[w], dst_v)
    for k in range(_B // 16):
        ones_v[pl.ds(k * 16, 16)] = jnp.ones((16,), jnp.float32)

    @pl.when(s < 10)
    def _():
        pltpu.sync_copy(zeros1, acc_o.at[pl.ds(_m8(s * _ZR), _ZR)])
        pltpu.sync_copy(zeros1, acc_i.at[pl.ds(_m8(s * _ZR), _ZR)])

    plsc.subcore_barrier()

    def jbody(j2, carry):
        handles = []
        for par in range(_NBUF):
            j = j2 * _NBUF + par
            handles.append(
                pltpu.async_copy(ones_v, acc_o.at[src_v.at[j]], sem, add=True))
            handles.append(
                pltpu.async_copy(ones_v, acc_i.at[dst_v.at[j]], sem, add=True))
        for h in handles:
            h.wait()
        return carry

    lax.fori_loop(0, _ROWS_E // _NBUF, jbody, 0)
    plsc.subcore_barrier()

    @pl.when(s < 10)
    def _():
        pltpu.sync_copy(acc_o.at[pl.ds(_m8(s * _ZR), _ZR)], out.at[2 * c, s])
        pltpu.sync_copy(acc_i.at[pl.ds(_m8(s * _ZR), _ZR)],
                        out.at[2 * c + 1, s])


_deg = pl.kernel(
    _deg_body,
    out_type=jax.ShapeDtypeStruct((4, 10, _ZR), jnp.float32),
    mesh=_mesh,
    compiler_params=_params,
    scratch_types=[
        pltpu.VMEM((_ROWS_E, _B), jnp.int32),
        pltpu.VMEM((_ROWS_E, _B), jnp.int32),
        pltpu.VMEM((_B,), jnp.float32),
        pltpu.VMEM_SHARED((_N,), jnp.float32),
        pltpu.VMEM_SHARED((_N,), jnp.float32),
        pltpu.SemaphoreType.DMA,
    ],
)



def _edge_loop(h_cat, src_v, dst_v, acc, bufs, gsems, nrows):
    for k in range(_RING):
        pltpu.async_copy(h_cat.at[src_v.at[k]], bufs[k], gsems[k])

    def jbody(j2, carry):
        for par in range(_RING):
            j = j2 * _RING + par
            pltpu.make_async_copy(h_cat.at[src_v.at[j]], bufs[par],
                                  gsems[par]).wait()
            pltpu.sync_copy(bufs[par], acc.at[dst_v.at[j]], add=True)

            @pl.when(j + _RING < nrows)
            def _():
                pltpu.async_copy(h_cat.at[src_v.at[j + _RING]], bufs[par],
                                 gsems[par])
        return carry

    lax.fori_loop(0, nrows // _RING, jbody, 0)



def _make_prop(npass):
    def body(h_cat, idx, dst_f, zeros, out, *scr):
        c = lax.axis_index("c")
        s = lax.axis_index("s")
        src_v, dst_v = scr[0], scr[1]
        bufs = scr[2:2 + _RING]
        acc = scr[2 + _RING]
        gsems = scr[3 + _RING:3 + 2 * _RING]
        pltpu.sync_copy(dst_f.at[s], dst_v)
        for q in range(npass):
            pltpu.sync_copy(idx.at[q * 2 * _NS + c * _NS + s], src_v)

            @pl.when(s < 10)
            def _():
                pltpu.sync_copy(zeros, acc.at[pl.ds(_m8(s * _ZR), _ZR)])

            plsc.subcore_barrier()
            _edge_loop(h_cat, src_v, dst_v, acc, bufs, gsems, _PROWS_F)
            plsc.subcore_barrier()

            @pl.when(s < 10)
            def _():
                pltpu.sync_copy(
                    acc.at[pl.ds(_m8(s * _ZR), _ZR)],
                    out.at[pl.ds(_m8((q * 2 + c) * _N + s * _ZR), _ZR)])

    return pl.kernel(
        body,
        out_type=jax.ShapeDtypeStruct((npass * 2 * _N, _F), jnp.float32),
        mesh=_mesh,
        compiler_params=_params,
        scratch_types=(
            [pltpu.VMEM((_PROWS_F, _BP), jnp.int32)] * 2
            + [pltpu.VMEM((_BP, _F), jnp.float32)] * _RING
            + [pltpu.VMEM_SHARED((_N + 8, _F), jnp.float32)]
            + [pltpu.SemaphoreType.DMA] * _RING
        ),
    )


_prop1 = _make_prop(1)
_prop2 = _make_prop(2)



def _prop3_body(h3, src_p, dst_p, zeros, out, *scr):
    c = lax.axis_index("c")
    s = lax.axis_index("s")
    src_v, dst_v = scr[0], scr[1]
    bufs = scr[2:2 + _RING]
    acc = scr[2 + _RING]
    gsems = scr[3 + _RING:3 + 2 * _RING]
    w = c * _NS + s
    pltpu.sync_copy(src_p.at[w], src_v)
    pltpu.sync_copy(dst_p.at[w], dst_v)

    @pl.when(s < 10)
    def _():
        pltpu.sync_copy(zeros, acc.at[pl.ds(_m8(s * _ZR), _ZR)])

    plsc.subcore_barrier()
    _edge_loop(h3, src_v, dst_v, acc, bufs, gsems, _PROWS_E)
    plsc.subcore_barrier()

    @pl.when(s < 10)
    def _():
        pltpu.sync_copy(acc.at[pl.ds(_m8(s * _ZR), _ZR)],
                        out.at[pl.ds(_m8(c * _N + s * _ZR), _ZR)])


_prop3 = pl.kernel(
    _prop3_body,
    out_type=jax.ShapeDtypeStruct((2 * _N, _C), jnp.float32),
    mesh=_mesh,
    compiler_params=_params,
    scratch_types=(
        [pltpu.VMEM((_PROWS_E, _BP), jnp.int32)] * 2
        + [pltpu.VMEM((_BP, _C), jnp.float32)] * _RING
        + [pltpu.VMEM_SHARED((_N + 8, _C), jnp.float32)]
        + [pltpu.SemaphoreType.DMA] * _RING
    ),
)



def _tc1_body(x_ref, dgo_ref, dgi_ref, xs_ref, ns_ref, nd_ref):
    ns = lax.rsqrt(jnp.maximum(dgo_ref[0] + dgo_ref[1], 1.0))
    nd = lax.rsqrt(jnp.maximum(dgi_ref[0] + dgi_ref[1], 1.0))
    xs = x_ref[...] * ns
    xs_ref[0] = xs[:, :_F]
    xs_ref[1] = xs[:, _F:]
    ns_ref[...] = ns
    nd_ref[...] = nd


def _tc1(x, dgo, dgi):
    return pl.pallas_call(
        _tc1_body,
        grid=(_N // _BM,),
        in_specs=[
            pl.BlockSpec((_BM, _DIN), lambda i: (i, 0)),
            pl.BlockSpec((2, _BM, 1), lambda i: (0, i, 0)),
            pl.BlockSpec((2, _BM, 1), lambda i: (0, i, 0)),
        ],
        out_specs=[
            pl.BlockSpec((2, _BM, _F), lambda i: (0, i, 0)),
            pl.BlockSpec((_BM, 1), lambda i: (i, 0)),
            pl.BlockSpec((_BM, 1), lambda i: (i, 0)),
        ],
        out_shape=[
            jax.ShapeDtypeStruct((2, _N, _F), jnp.float32),
            jax.ShapeDtypeStruct((_N, 1), jnp.float32),
            jax.ShapeDtypeStruct((_N, 1), jnp.float32),
        ],
    )(x, dgo, dgi)


def _tc2_body(a_ref, nd_ref, ns_ref, b_ref, w_ref, h_ref):
    ax = jnp.concatenate([a_ref[0], a_ref[1]], axis=1)
    h1 = jnp.dot(ax, w_ref[...], preferred_element_type=jnp.float32)
    out1 = jnp.maximum(h1 * nd_ref[...] + b_ref[...], 0.0) * ns_ref[...]
    for q in range(4):
        h_ref[q] = out1[:, q * _F:(q + 1) * _F]


def _tc2(a, nd, ns, b, w1):
    return pl.pallas_call(
        _tc2_body,
        grid=(_N // _BM,),
        in_specs=[
            pl.BlockSpec((2, _BM, _F), lambda i: (0, i, 0)),
            pl.BlockSpec((_BM, 1), lambda i: (i, 0)),
            pl.BlockSpec((_BM, 1), lambda i: (i, 0)),
            pl.BlockSpec((1, _H), lambda i: (0, 0)),
            pl.BlockSpec((_DIN, _H), lambda i: (0, 0)),
        ],
        out_specs=pl.BlockSpec((4, _BM, _F), lambda i: (0, i, 0)),
        out_shape=jax.ShapeDtypeStruct((4, _N, _F), jnp.float32),
    )(a, nd, ns, b, w1)


def _tc3_body(a_ref, nd_ref, ns_ref, b_ref, w2_ref, w3_ref, h_ref):
    agg = jnp.concatenate([a_ref[0], a_ref[1], a_ref[2], a_ref[3]], axis=1)
    h2 = jnp.dot(agg, w2_ref[...], preferred_element_type=jnp.float32)
    out2 = jnp.maximum(h2 * nd_ref[...] + b_ref[...], 0.0) * ns_ref[...]
    h_ref[...] = jnp.dot(out2, w3_ref[...], preferred_element_type=jnp.float32)


def _tc3(a, nd, ns, b, w2, w3):
    return pl.pallas_call(
        _tc3_body,
        grid=(_N // _BM,),
        in_specs=[
            pl.BlockSpec((4, _BM, _F), lambda i: (0, i, 0)),
            pl.BlockSpec((_BM, 1), lambda i: (i, 0)),
            pl.BlockSpec((_BM, 1), lambda i: (i, 0)),
            pl.BlockSpec((1, _H), lambda i: (0, 0)),
            pl.BlockSpec((_H, _H), lambda i: (0, 0)),
            pl.BlockSpec((_H, _C), lambda i: (0, 0)),
        ],
        out_specs=pl.BlockSpec((_BM, _C), lambda i: (i, 0)),
        out_shape=jax.ShapeDtypeStruct((_N, _C), jnp.float32),
    )(a, nd, ns, b, w2, w3)


def _tcf_body(p_ref, nd_ref, b_ref, o_ref):
    o_ref[...] = (p_ref[0] + p_ref[1]) * nd_ref[...] + b_ref[...]


def _tcf(p, nd, b):
    return pl.pallas_call(
        _tcf_body,
        grid=(_N // _BM,),
        in_specs=[
            pl.BlockSpec((2, _BM, _C), lambda i: (0, i, 0)),
            pl.BlockSpec((_BM, 1), lambda i: (i, 0)),
            pl.BlockSpec((1, _C), lambda i: (0, 0)),
        ],
        out_specs=pl.BlockSpec((_BM, _C), lambda i: (i, 0)),
        out_shape=jax.ShapeDtypeStruct((_N, _C), jnp.float32),
    )(p, nd, b)



@jax.jit
def _run(x, edge_index, W1, b1, W2, b2, W3, b3):
    src = edge_index[0]
    dst = edge_index[1]
    src_e = src.reshape(_NC * _NS, _ROWS_E, _B)
    dst_e = dst.reshape(_NC * _NS, _ROWS_E, _B)

    padf = _PROWS_F * _BP - _E // _NS
    pade = _PROWS_E * _BP - _E // (_NC * _NS)
    rotf = jnp.arange(padf, dtype=jnp.int32) % 8
    rote = jnp.arange(pade, dtype=jnp.int32) % 8
    src_f = jnp.concatenate(
        [src.reshape(_NS, -1), jnp.broadcast_to(rotf, (_NS, padf))],
        axis=1).reshape(_NS, _PROWS_F, _BP)
    dst_f = jnp.concatenate(
        [dst.reshape(_NS, -1), jnp.broadcast_to(_N + rotf, (_NS, padf))],
        axis=1).reshape(_NS, _PROWS_F, _BP)
    idx4 = jnp.concatenate(
        [src_f, src_f + _N, src_f + 2 * _N, src_f + 3 * _N], axis=0)
    nw = _NC * _NS
    src_p = jnp.concatenate(
        [src.reshape(nw, -1), jnp.broadcast_to(rote, (nw, pade))],
        axis=1).reshape(nw, _PROWS_E, _BP)
    dst_p = jnp.concatenate(
        [dst.reshape(nw, -1), jnp.broadcast_to(_N + rote, (nw, pade))],
        axis=1).reshape(nw, _PROWS_E, _BP)

    zeros1 = jnp.zeros((_ZR,), jnp.float32)
    zeros64 = jnp.zeros((_ZR, _F), jnp.float32)

    d = _deg(src_e, dst_e, zeros1).reshape(2, 2, _N)
    dgo = d[:, 0, :][..., None]
    dgi = d[:, 1, :][..., None]

    xs, ns, nd = _tc1(x, dgo, dgi)
    ax = _prop1(xs.reshape(2 * _N, _F), idx4[:2 * _NS], dst_f, zeros64)
    h1 = _tc2(ax.reshape(2, _N, _F), nd, ns, b1.reshape(1, _H), W1)
    a2 = _prop2(h1.reshape(4 * _N, _F), idx4, dst_f, zeros64)
    h3 = _tc3(a2.reshape(4, _N, _F), nd, ns, b2.reshape(1, _H), W2, W3)
    p = _prop3(h3, src_p, dst_p, zeros64)
    return _tcf(p.reshape(2, _N, _C), nd, b3.reshape(1, _C))


def kernel(x, edge_index, W1, b1, W2, b2, W3, b3):
    return _run(x, edge_index, W1, b1, W2, b2, W3, b3)

# --- scband reference (transcript-rebuilt; emitter-appended) ---
"""Pipeline reference for scband-gcn-635655160270 (READ-ONLY COPY).

The authoritative reference and input builder live on the scoring server;
editing this copy changes nothing except your own understanding.
"""

import jax, jax.numpy as jnp
import numpy as np

N = 10000
E = 320000
D_IN = 128
H = 256
C = 64


def setup_inputs(seed: int = 0) -> dict:
    key = jax.random.key(seed)
    ks = jax.random.split(key, 9)
    x = jax.random.normal(ks[0], (N, D_IN), dtype=jnp.float32)
    edge_index = jax.random.randint(ks[1], (2, E), 0, N, dtype=jnp.int32)
    # GraphConv weights (glorot-ish init) for 3 layers: in->256, 256->256, 256->64
    W1 = jax.random.normal(ks[2], (D_IN, H), dtype=jnp.float32) * (1.0 / np.sqrt(D_IN))
    b1 = jnp.zeros((H,), dtype=jnp.float32)
    W2 = jax.random.normal(ks[3], (H, H), dtype=jnp.float32) * (1.0 / np.sqrt(H))
    b2 = jnp.zeros((H,), dtype=jnp.float32)
    W3 = jax.random.normal(ks[4], (H, C), dtype=jnp.float32) * (1.0 / np.sqrt(H))
    b3 = jnp.zeros((C,), dtype=jnp.float32)
    return {"x": x, "edge_index": edge_index, "W1": W1, "b1": b1, "W2": W2, "b2": b2, "W3": W3, "b3": b3}


def _gcn_layer(h, W, b, src, dst, norm_src, norm_dst, act):
    # DGL GraphConv norm='both': D^{-1/2} A D^{-1/2} X W + b
    h = h * norm_src[:, None]
    h = h @ W
    msg = jnp.take(h, src, axis=0)
    agg = jax.ops.segment_sum(msg, dst, num_segments=N)
    out = agg * norm_dst[:, None] + b
    if act:
        out = jax.nn.relu(out)
    return out


def reference(x, edge_index, W1, b1, W2, b2, W3, b3):
    src = edge_index[0]
    dst = edge_index[1]
    ones = jnp.ones((E,), dtype=jnp.float32)
    deg_out = jax.ops.segment_sum(ones, src, num_segments=N)
    deg_in = jax.ops.segment_sum(ones, dst, num_segments=N)
    # DGL clamps degree to min 1 before pow(-0.5)
    norm_src = jnp.power(jnp.clip(deg_out, 1.0, None), -0.5)
    norm_dst = jnp.power(jnp.clip(deg_in, 1.0, None), -0.5)
    h = _gcn_layer(x, W1, b1, src, dst, norm_src, norm_dst, act=True)
    h = _gcn_layer(h, W2, b2, src, dst, norm_src, norm_dst, act=True)
    logits = _gcn_layer(h, W3, b3, src, dst, norm_src, norm_dst, act=False)
    return logits

if __name__ == "__main__":
    import jax
    _d = setup_inputs()
    print(jax.jit(kernel)(*tuple(_d.values())))

</pallas_src>

<mosaic_0001>
#map = affine_map<(d0, d1) -> (0, 0)>
#map1 = affine_map<(d0, d1) -> (0, 0, 0)>
module attributes {stable_mosaic.version = 14 : i64} {
  func.func @_prop3_body(%arg0: i32, %arg1: i32, %arg2: memref<10000x64xf32, #tpu.memory_space<hbm>>, %arg3: memref<32x125x80xi32, #tpu.memory_space<hbm>>, %arg4: memref<32x125x80xi32, #tpu.memory_space<hbm>>, %arg5: memref<1000x64xf32, #tpu.memory_space<hbm>>, %arg6: memref<20000x64xf32, #tpu.memory_space<hbm>>, %arg7: memref<125x80xi32, #tpu.memory_space<vmem>>, %arg8: memref<125x80xi32, #tpu.memory_space<vmem>>, %arg9: memref<80x64xf32, #tpu.memory_space<vmem>>, %arg10: memref<80x64xf32, #tpu.memory_space<vmem>>, %arg11: memref<80x64xf32, #tpu.memory_space<vmem>>, %arg12: memref<80x64xf32, #tpu.memory_space<vmem>>, %arg13: memref<80x64xf32, #tpu.memory_space<vmem>>, %arg14: memref<10008x64xf32, #tpu.memory_space<vmem_shared>>, %arg15: memref<!tpu.dma_semaphore, #tpu.memory_space<semaphore_mem>>, %arg16: memref<!tpu.dma_semaphore, #tpu.memory_space<semaphore_mem>>, %arg17: memref<!tpu.dma_semaphore, #tpu.memory_space<semaphore_mem>>, %arg18: memref<!tpu.dma_semaphore, #tpu.memory_space<semaphore_mem>>, %arg19: memref<!tpu.dma_semaphore, #tpu.memory_space<semaphore_mem>>) attributes {dimension_semantics = [#tpu.dimension_semantics<core_parallel>, #tpu.dimension_semantics<subcore_parallel>], iteration_bounds = array<i64: 2, 16>, scalar_prefetch = 0 : i64, scratch_operands = 13 : i64, tpu.core_type = #tpu.core_type<sc_vector_subcore>, window_params = [{transform_indices = #map}, {transform_indices = #map1}, {transform_indices = #map1}, {transform_indices = #map}, {transform_indices = #map}]} {
    %mul3A = arith.constant 16 : i32
    %mul3A_0 = arith.muli %arg0, %mul3A : i32
    %add3A = arith.addi %mul3A_0, %arg1 : i32
    "tpu.region"() ({
      %run_scoped3A = tpu.sem_alloc : memref<!tpu.dma_semaphore, #tpu.memory_space<semaphore_mem>>
      %dma_start3A_48 = arith.constant 0 : i32
      %dma_start3A_49 = arith.constant 0 : i32
      %dma_start3A_50 = tpu.memref_slice %arg3[%add3A, %dma_start3A_48, %dma_start3A_49] : memref<32x125x80xi32, #tpu.memory_space<hbm>> -> memref<1x125x80xi32, #tpu.memory_space<hbm>>
      %dma_start3A_51 = tpu.memref_squeeze %dma_start3A_50 : memref<1x125x80xi32, #tpu.memory_space<hbm>> -> memref<125x80xi32, #tpu.memory_space<hbm>>
      %dma_start3A_52 = arith.constant 0 : i32
      %dma_start3A_53 = arith.constant 0 : i32
      %dma_start3A_54 = tpu.memref_slice %arg3[%add3A, %dma_start3A_52, %dma_start3A_53] : memref<32x125x80xi32, #tpu.memory_space<hbm>> -> memref<1x125x80xi32, #tpu.memory_space<hbm>>
      %dma_start3A_55 = tpu.memref_squeeze %dma_start3A_54 : memref<1x125x80xi32, #tpu.memory_space<hbm>> -> memref<125x80xi32, #tpu.memory_space<hbm>>
      tpu.enqueue_dma source(%dma_start3A_55 : memref<125x80xi32, #tpu.memory_space<hbm>>) target(%arg7 : memref<125x80xi32, #tpu.memory_space<vmem>>) target_semaphore(%run_scoped3A : memref<!tpu.dma_semaphore, #tpu.memory_space<semaphore_mem>>)
      %dma_wait3A = arith.constant 0 : i32
      %dma_wait3A_56 = arith.constant 0 : i32
      %dma_wait3A_57 = tpu.memref_slice %arg3[%add3A, %dma_wait3A, %dma_wait3A_56] : memref<32x125x80xi32, #tpu.memory_space<hbm>> -> memref<1x125x80xi32, #tpu.memory_space<hbm>>
      %dma_wait3A_58 = tpu.memref_squeeze %dma_wait3A_57 : memref<1x125x80xi32, #tpu.memory_space<hbm>> -> memref<125x80xi32, #tpu.memory_space<hbm>>
      %dma_wait3A_59 = arith.constant 0 : i32
      %dma_wait3A_60 = arith.constant 0 : i32
      %dma_wait3A_61 = tpu.memref_slice %arg3[%add3A, %dma_wait3A_59, %dma_wait3A_60] : memref<32x125x80xi32, #tpu.memory_space<hbm>> -> memref<1x125x80xi32, #tpu.memory_space<hbm>>
      %dma_wait3A_62 = tpu.memref_squeeze %dma_wait3A_61 : memref<1x125x80xi32, #tpu.memory_space<hbm>> -> memref<125x80xi32, #tpu.memory_space<hbm>>
      tpu.wait_dma2 semaphore(%run_scoped3A : memref<!tpu.dma_semaphore, #tpu.memory_space<semaphore_mem>>) src(%dma_wait3A_62 : memref<125x80xi32, #tpu.memory_space<hbm>>) dst(%arg7 : memref<125x80xi32, #tpu.memory_space<vmem>>)
      tpu.yield
    }) : () -> ()
    "tpu.region"() ({
      %run_scoped3A = tpu.sem_alloc : memref<!tpu.dma_semaphore, #tpu.memory_space<semaphore_mem>>
      %dma_start3A_48 = arith.constant 0 : i32
      %dma_start3A_49 = arith.constant 0 : i32
      %dma_start3A_50 = tpu.memref_slice %arg4[%add3A, %dma_start3A_48, %dma_start3A_49] : memref<32x125x80xi32, #tpu.memory_space<hbm>> -> memref<1x125x80xi32, #tpu.memory_space<hbm>>
      %dma_start3A_51 = tpu.memref_squeeze %dma_start3A_50 : memref<1x125x80xi32, #tpu.memory_space<hbm>> -> memref<125x80xi32, #tpu.memory_space<hbm>>
      %dma_start3A_52 = arith.constant 0 : i32
      %dma_start3A_53 = arith.constant 0 : i32
      %dma_start3A_54 = tpu.memref_slice %arg4[%add3A, %dma_start3A_52, %dma_start3A_53] : memref<32x125x80xi32, #tpu.memory_space<hbm>> -> memref<1x125x80xi32, #tpu.memory_space<hbm>>
      %dma_start3A_55 = tpu.memref_squeeze %dma_start3A_54 : memref<1x125x80xi32, #tpu.memory_space<hbm>> -> memref<125x80xi32, #tpu.memory_space<hbm>>
      tpu.enqueue_dma source(%dma_start3A_55 : memref<125x80xi32, #tpu.memory_space<hbm>>) target(%arg8 : memref<125x80xi32, #tpu.memory_space<vmem>>) target_semaphore(%run_scoped3A : memref<!tpu.dma_semaphore, #tpu.memory_space<semaphore_mem>>)
      %dma_wait3A = arith.constant 0 : i32
      %dma_wait3A_56 = arith.constant 0 : i32
      %dma_wait3A_57 = tpu.memref_slice %arg4[%add3A, %dma_wait3A, %dma_wait3A_56] : memref<32x125x80xi32, #tpu.memory_space<hbm>> -> memref<1x125x80xi32, #tpu.memory_space<hbm>>
      %dma_wait3A_58 = tpu.memref_squeeze %dma_wait3A_57 : memref<1x125x80xi32, #tpu.memory_space<hbm>> -> memref<125x80xi32, #tpu.memory_space<hbm>>
      %dma_wait3A_59 = arith.constant 0 : i32
      %dma_wait3A_60 = arith.constant 0 : i32
      %dma_wait3A_61 = tpu.memref_slice %arg4[%add3A, %dma_wait3A_59, %dma_wait3A_60] : memref<32x125x80xi32, #tpu.memory_space<hbm>> -> memref<1x125x80xi32, #tpu.memory_space<hbm>>
      %dma_wait3A_62 = tpu.memref_squeeze %dma_wait3A_61 : memref<1x125x80xi32, #tpu.memory_space<hbm>> -> memref<125x80xi32, #tpu.memory_space<hbm>>
      tpu.wait_dma2 semaphore(%run_scoped3A : memref<!tpu.dma_semaphore, #tpu.memory_space<semaphore_mem>>) src(%dma_wait3A_62 : memref<125x80xi32, #tpu.memory_space<hbm>>) dst(%arg8 : memref<125x80xi32, #tpu.memory_space<vmem>>)
      tpu.yield
    }) : () -> ()
    %lt3A = arith.constant 10 : i32
    %lt3A_1 = arith.cmpi slt, %arg1, %lt3A : i32
    %convert_element_type3A = arith.extui %lt3A_1 : i1 to i32
    %cond3A = arith.constant 0 : i32
    %cond3A_2 = arith.cmpi ne, %convert_element_type3A, %cond3A : i32
    scf.if %cond3A_2 {
      %mul3A_48 = arith.constant 1000 : i32
      %mul3A_49 = arith.muli %arg1, %mul3A_48 : i32
      %multiple_of3A = tpu.assume_multiple %mul3A_49, 8 : i32
      "tpu.region"() ({
        %run_scoped3A = tpu.sem_alloc : memref<!tpu.dma_semaphore, #tpu.memory_space<semaphore_mem>>
        %dma_start3A_50 = arith.constant 0 : i32
        %dma_start3A_51 = tpu.memref_slice %arg14[%multiple_of3A, %dma_start3A_50] : memref<10008x64xf32, #tpu.memory_space<vmem_shared>> -> memref<1000x64xf32, #tpu.memory_space<vmem_shared>>
        tpu.enqueue_dma source(%arg5 : memref<1000x64xf32, #tpu.memory_space<hbm>>) target(%dma_start3A_51 : memref<1000x64xf32, #tpu.memory_space<vmem_shared>>) target_semaphore(%run_scoped3A : memref<!tpu.dma_semaphore, #tpu.memory_space<semaphore_mem>>)
        %dma_wait3A = arith.constant 0 : i32
        %dma_wait3A_52 = tpu.memref_slice %arg14[%multiple_of3A, %dma_wait3A] : memref<10008x64xf32, #tpu.memory_space<vmem_shared>> -> memref<1000x64xf32, #tpu.memory_space<vmem_shared>>
        tpu.wait_dma2 semaphore(%run_scoped3A : memref<!tpu.dma_semaphore, #tpu.memory_space<semaphore_mem>>) src(%arg5 : memref<1000x64xf32, #tpu.memory_space<hbm>>) dst(%dma_wait3A_52 : memref<1000x64xf32, #tpu.memory_space<vmem_shared>>)
        tpu.yield
      }) : () -> ()
    } else {
    }
    %barrier3A = arith.constant 0 : index
    tpu.barrier barrier_id(%barrier3A)
    %dma_start3A = arith.constant 0 : i32
    %dma_start3A_3 = arith.constant 0 : i32
    %dma_start3A_4 = tpu.memref_slice %arg7[%dma_start3A, %dma_start3A_3] : memref<125x80xi32, #tpu.memory_space<vmem>> -> memref<1x80xi32, #tpu.memory_space<vmem>>
    %dma_start3A_5 = tpu.memref_squeeze %dma_start3A_4 : memref<1x80xi32, #tpu.memory_space<vmem>> -> memref<80xi32, #tpu.memory_space<vmem>>
    %dma_start3A_6 = arith.constant 0 : i32
    %dma_start3A_7 = arith.constant 0 : i32
    %dma_start3A_8 = tpu.memref_slice %arg2[%dma_start3A_6, %dma_start3A_7] : memref<10000x64xf32, #tpu.memory_space<hbm>> -> memref<10000x64xf32, #tpu.memory_space<hbm>>
    tpu.enqueue_indirect_dma source(%dma_start3A_8 : memref<10000x64xf32, #tpu.memory_space<hbm>>) target(%arg9 : memref<80x64xf32, #tpu.memory_space<vmem>>) offsets(%dma_start3A_5 : memref<80xi32, #tpu.memory_space<vmem>>) semaphore(%arg15 : memref<!tpu.dma_semaphore, #tpu.memory_space<semaphore_mem>>)
    %dma_start3A_9 = arith.constant 1 : i32
    %dma_start3A_10 = arith.constant 0 : i32
    %dma_start3A_11 = tpu.memref_slice %arg7[%dma_start3A_9, %dma_start3A_10] : memref<125x80xi32, #tpu.memory_space<vmem>> -> memref<1x80xi32, #tpu.memory_space<vmem>>
    %dma_start3A_12 = tpu.memref_squeeze %dma_start3A_11 : memref<1x80xi32, #tpu.memory_space<vmem>> -> memref<80xi32, #tpu.memory_space<vmem>>
    %dma_start3A_13 = arith.constant 0 : i32
    %dma_start3A_14 = arith.constant 0 : i32
    %dma_start3A_15 = tpu.memref_slice %arg2[%dma_start3A_13, %dma_start3A_14] : memref<10000x64xf32, #tpu.memory_space<hbm>> -> memref<10000x64xf32, #tpu.memory_space<hbm>>
    tpu.enqueue_indirect_dma source(%dma_start3A_15 : memref<10000x64xf32, #tpu.memory_space<hbm>>) target(%arg10 : memref<80x64xf32, #tpu.memory_space<vmem>>) offsets(%dma_start3A_12 : memref<80xi32, #tpu.memory_space<vmem>>) semaphore(%arg16 : memref<!tpu.dma_semaphore, #tpu.memory_space<semaphore_mem>>)
    %dma_start3A_16 = arith.constant 2 : i32
    %dma_start3A_17 = arith.constant 0 : i32
    %dma_start3A_18 = tpu.memref_slice %arg7[%dma_start3A_16, %dma_start3A_17] : memref<125x80xi32, #tpu.memory_space<vmem>> -> memref<1x80xi32, #tpu.memory_space<vmem>>
    %dma_start3A_19 = tpu.memref_squeeze %dma_start3A_18 : memref<1x80xi32, #tpu.memory_space<vmem>> -> memref<80xi32, #tpu.memory_space<vmem>>
    %dma_start3A_20 = arith.constant 0 : i32
    %dma_start3A_21 = arith.constant 0 : i32
    %dma_start3A_22 = tpu.memref_slice %arg2[%dma_start3A_20, %dma_start3A_21] : memref<10000x64xf32, #tpu.memory_space<hbm>> -> memref<10000x64xf32, #tpu.memory_space<hbm>>
    tpu.enqueue_indirect_dma source(%dma_start3A_22 : memref<10000x64xf32, #tpu.memory_space<hbm>>) target(%arg11 : memref<80x64xf32, #tpu.memory_space<vmem>>) offsets(%dma_start3A_19 : memref<80xi32, #tpu.memory_space<vmem>>) semaphore(%arg17 : memref<!tpu.dma_semaphore, #tpu.memory_space<semaphore_mem>>)
    %dma_start3A_23 = arith.constant 3 : i32
    %dma_start3A_24 = arith.constant 0 : i32
    %dma_start3A_25 = tpu.memref_slice %arg7[%dma_start3A_23, %dma_start3A_24] : memref<125x80xi32, #tpu.memory_space<vmem>> -> memref<1x80xi32, #tpu.memory_space<vmem>>
    %dma_start3A_26 = tpu.memref_squeeze %dma_start3A_25 : memref<1x80xi32, #tpu.memory_space<vmem>> -> memref<80xi32, #tpu.memory_space<vmem>>
    %dma_start3A_27 = arith.constant 0 : i32
    %dma_start3A_28 = arith.constant 0 : i32
    %dma_start3A_29 = tpu.memref_slice %arg2[%dma_start3A_27, %dma_start3A_28] : memref<10000x64xf32, #tpu.memory_space<hbm>> -> memref<10000x64xf32, #tpu.memory_space<hbm>>
    tpu.enqueue_indirect_dma source(%dma_start3A_29 : memref<10000x64xf32, #tpu.memory_space<hbm>>) target(%arg12 : memref<80x64xf32, #tpu.memory_space<vmem>>) offsets(%dma_start3A_26 : memref<80xi32, #tpu.memory_space<vmem>>) semaphore(%arg18 : memref<!tpu.dma_semaphore, #tpu.memory_space<semaphore_mem>>)
    %dma_start3A_30 = arith.constant 4 : i32
    %dma_start3A_31 = arith.constant 0 : i32
    %dma_start3A_32 = tpu.memref_slice %arg7[%dma_start3A_30, %dma_start3A_31] : memref<125x80xi32, #tpu.memory_space<vmem>> -> memref<1x80xi32, #tpu.memory_space<vmem>>
    %dma_start3A_33 = tpu.memref_squeeze %dma_start3A_32 : memref<1x80xi32, #tpu.memory_space<vmem>> -> memref<80xi32, #tpu.memory_space<vmem>>
    %dma_start3A_34 = arith.constant 0 : i32
    %dma_start3A_35 = arith.constant 0 : i32
    %dma_start3A_36 = tpu.memref_slice %arg2[%dma_start3A_34, %dma_start3A_35] : memref<10000x64xf32, #tpu.memory_space<hbm>> -> memref<10000x64xf32, #tpu.memory_space<hbm>>
    tpu.enqueue_indirect_dma source(%dma_start3A_36 : memref<10000x64xf32, #tpu.memory_space<hbm>>) target(%arg13 : memref<80x64xf32, #tpu.memory_space<vmem>>) offsets(%dma_start3A_33 : memref<80xi32, #tpu.memory_space<vmem>>) semaphore(%arg19 : memref<!tpu.dma_semaphore, #tpu.memory_space<semaphore_mem>>)
    %scan3A = arith.constant 0 : i32
    %scan3A_37 = arith.constant 0 : i32
    %scan3A_38 = arith.constant 25 : i32
    %scan3A_39 = arith.addi %scan3A_37, %scan3A_38 : i32
    %scan3A_40 = arith.constant 1 : i32
    scf.for %scan3A_48 = %scan3A_37 to %scan3A_39 step %scan3A_40  : i32 {
      %mul3A_49 = arith.constant 5 : i32
      %mul3A_50 = arith.muli %scan3A_48, %mul3A_49 : i32
      %add3A_51 = arith.constant 0 : i32
      %add3A_52 = arith.addi %mul3A_50, %add3A_51 : i32
      %dma_wait3A = arith.constant 0 : i32
      %dma_wait3A_53 = tpu.memref_slice %arg7[%add3A_52, %dma_wait3A] : memref<125x80xi32, #tpu.memory_space<vmem>> -> memref<1x80xi32, #tpu.memory_space<vmem>>
      %dma_wait3A_54 = tpu.memref_squeeze %dma_wait3A_53 : memref<1x80xi32, #tpu.memory_space<vmem>> -> memref<80xi32, #tpu.memory_space<vmem>>
      %dma_wait3A_55 = arith.constant 0 : i32
      %dma_wait3A_56 = arith.constant 0 : i32
      %dma_wait3A_57 = tpu.memref_slice %arg2[%dma_wait3A_55, %dma_wait3A_56] : memref<10000x64xf32, #tpu.memory_space<hbm>> -> memref<10000x64xf32, #tpu.memory_space<hbm>>
      tpu.wait_indirect_dma semaphore(%arg15 : memref<!tpu.dma_semaphore, #tpu.memory_space<semaphore_mem>>) src(%dma_wait3A_57 : memref<10000x64xf32, #tpu.memory_space<hbm>>) dst(%arg9 : memref<80x64xf32, #tpu.memory_space<vmem>>)
      "tpu.region"() ({
        %run_scoped3A = tpu.sem_alloc : memref<!tpu.dma_semaphore, #tpu.memory_space<semaphore_mem>>
        %dma_start3A_133 = arith.constant 0 : i32
        %dma_start3A_134 = tpu.memref_slice %arg8[%add3A_52, %dma_start3A_133] : memref<125x80xi32, #tpu.memory_space<vmem>> -> memref<1x80xi32, #tpu.memory_space<vmem>>
        %dma_start3A_135 = tpu.memref_squeeze %dma_start3A_134 : memref<1x80xi32, #tpu.memory_space<vmem>> -> memref<80xi32, #tpu.memory_space<vmem>>
        %dma_start3A_136 = arith.constant 0 : i32
        %dma_start3A_137 = arith.constant 0 : i32
        %dma_start3A_138 = tpu.memref_slice %arg14[%dma_start3A_136, %dma_start3A_137] : memref<10008x64xf32, #tpu.memory_space<vmem_shared>> -> memref<10008x64xf32, #tpu.memory_space<vmem_shared>>
        tpu.enqueue_indirect_dma source(%arg9 : memref<80x64xf32, #tpu.memory_space<vmem>>) target(%dma_start3A_138 : memref<10008x64xf32, #tpu.memory_space<vmem_shared>>) offsets(%dma_start3A_135 : memref<80xi32, #tpu.memory_space<vmem>>) semaphore(%run_scoped3A : memref<!tpu.dma_semaphore, #tpu.memory_space<semaphore_mem>>) {add = true}
        %dma_wait3A_139 = arith.constant 0 : i32
        %dma_wait3A_140 = tpu.memref_slice %arg8[%add3A_52, %dma_wait3A_139] : memref<125x80xi32, #tpu.memory_space<vmem>> -> memref<1x80xi32, #tpu.memory_space<vmem>>
        %dma_wait3A_141 = tpu.memref_squeeze %dma_wait3A_140 : memref<1x80xi32, #tpu.memory_space<vmem>> -> memref<80xi32, #tpu.memory_space<vmem>>
        %dma_wait3A_142 = arith.constant 0 : i32
        %dma_wait3A_143 = arith.constant 0 : i32
        %dma_wait3A_144 = tpu.memref_slice %arg14[%dma_wait3A_142, %dma_wait3A_143] : memref<10008x64xf32, #tpu.memory_space<vmem_shared>> -> memref<10008x64xf32, #tpu.memory_space<vmem_shared>>
        tpu.wait_indirect_dma semaphore(%run_scoped3A : memref<!tpu.dma_semaphore, #tpu.memory_space<semaphore_mem>>) src(%arg9 : memref<80x64xf32, #tpu.memory_space<vmem>>) dst(%dma_wait3A_144 : memref<10008x64xf32, #tpu.memory_space<vmem_shared>>)
        tpu.yield
      }) : () -> ()
      %add3A_58 = arith.constant 5 : i32
      %add3A_59 = arith.addi %add3A_52, %add3A_58 : i32
      %lt3A_60 = arith.constant 125 : i32
      %lt3A_61 = arith.cmpi slt, %add3A_59, %lt3A_60 : i32
      %convert_element_type3A_62 = arith.extui %lt3A_61 : i1 to i32
      %cond3A_63 = arith.constant 0 : i32
      %cond3A_64 = arith.cmpi ne, %convert_element_type3A_62, %cond3A_63 : i32
      scf.if %cond3A_64 {
        %add3A_133 = arith.constant 5 : i32
        %add3A_134 = arith.addi %add3A_52, %add3A_133 : i32
        %dma_start3A_135 = arith.constant 0 : i32
        %dma_start3A_136 = tpu.memref_slice %arg7[%add3A_134, %dma_start3A_135] : memref<125x80xi32, #tpu.memory_space<vmem>> -> memref<1x80xi32, #tpu.memory_space<vmem>>
        %dma_start3A_137 = tpu.memref_squeeze %dma_start3A_136 : memref<1x80xi32, #tpu.memory_space<vmem>> -> memref<80xi32, #tpu.memory_space<vmem>>
        %dma_start3A_138 = arith.constant 0 : i32
        %dma_start3A_139 = arith.constant 0 : i32
        %dma_start3A_140 = tpu.memref_slice %arg2[%dma_start3A_138, %dma_start3A_139] : memref<10000x64xf32, #tpu.memory_space<hbm>> -> memref<10000x64xf32, #tpu.memory_space<hbm>>
        tpu.enqueue_indirect_dma source(%dma_start3A_140 : memref<10000x64xf32, #tpu.memory_space<hbm>>) target(%arg9 : memref<80x64xf32, #tpu.memory_space<vmem>>) offsets(%dma_start3A_137 : memref<80xi32, #tpu.memory_space<vmem>>) semaphore(%arg15 : memref<!tpu.dma_semaphore, #tpu.memory_space<semaphore_mem>>)
      } else {
      }
      %mul3A_65 = arith.constant 5 : i32
      %mul3A_66 = arith.muli %scan3A_48, %mul3A_65 : i32
      %add3A_67 = arith.constant 1 : i32
      %add3A_68 = arith.addi %mul3A_66, %add3A_67 : i32
      %dma_wait3A_69 = arith.constant 0 : i32
      %dma_wait3A_70 = tpu.memref_slice %arg7[%add3A_68, %dma_wait3A_69] : memref<125x80xi32, #tpu.memory_space<vmem>> -> memref<1x80xi32, #tpu.memory_space<vmem>>
      %dma_wait3A_71 = tpu.memref_squeeze %dma_wait3A_70 : memref<1x80xi32, #tpu.memory_space<vmem>> -> memref<80xi32, #tpu.memory_space<vmem>>
      %dma_wait3A_72 = arith.constant 0 : i32
      %dma_wait3A_73 = arith.constant 0 : i32
      %dma_wait3A_74 = tpu.memref_slice %arg2[%dma_wait3A_72, %dma_wait3A_73] : memref<10000x64xf32, #tpu.memory_space<hbm>> -> memref<10000x64xf32, #tpu.memory_space<hbm>>
      tpu.wait_indirect_dma semaphore(%arg16 : memref<!tpu.dma_semaphore, #tpu.memory_space<semaphore_mem>>) src(%dma_wait3A_74 : memref<10000x64xf32, #tpu.memory_space<hbm>>) dst(%arg10 : memref<80x64xf32, #tpu.memory_space<vmem>>)
      "tpu.region"() ({
        %run_scoped3A = tpu.sem_alloc : memref<!tpu.dma_semaphore, #tpu.memory_space<semaphore_mem>>
        %dma_start3A_133 = arith.constant 0 : i32
        %dma_start3A_134 = tpu.memref_slice %arg8[%add3A_68, %dma_start3A_133] : memref<125x80xi32, #tpu.memory_space<vmem>> -> memref<1x80xi32, #tpu.memory_space<vmem>>
        %dma_start3A_135 = tpu.memref_squeeze %dma_start3A_134 : memref<1x80xi32, #tpu.memory_space<vmem>> -> memref<80xi32, #tpu.memory_space<vmem>>
        %dma_start3A_136 = arith.constant 0 : i32
        %dma_start3A_137 = arith.constant 0 : i32
        %dma_start3A_138 = tpu.memref_slice %arg14[%dma_start3A_136, %dma_start3A_137] : memref<10008x64xf32, #tpu.memory_space<vmem_shared>> -> memref<10008x64xf32, #tpu.memory_space<vmem_shared>>
        tpu.enqueue_indirect_dma source(%arg10 : memref<80x64xf32, #tpu.memory_space<vmem>>) target(%dma_start3A_138 : memref<10008x64xf32, #tpu.memory_space<vmem_shared>>) offsets(%dma_start3A_135 : memref<80xi32, #tpu.memory_space<vmem>>) semaphore(%run_scoped3A : memref<!tpu.dma_semaphore, #tpu.memory_space<semaphore_mem>>) {add = true}
        %dma_wait3A_139 = arith.constant 0 : i32
        %dma_wait3A_140 = tpu.memref_slice %arg8[%add3A_68, %dma_wait3A_139] : memref<125x80xi32, #tpu.memory_space<vmem>> -> memref<1x80xi32, #tpu.memory_space<vmem>>
        %dma_wait3A_141 = tpu.memref_squeeze %dma_wait3A_140 : memref<1x80xi32, #tpu.memory_space<vmem>> -> memref<80xi32, #tpu.memory_space<vmem>>
        %dma_wait3A_142 = arith.constant 0 : i32
        %dma_wait3A_143 = arith.constant 0 : i32
        %dma_wait3A_144 = tpu.memref_slice %arg14[%dma_wait3A_142, %dma_wait3A_143] : memref<10008x64xf32, #tpu.memory_space<vmem_shared>> -> memref<10008x64xf32, #tpu.memory_space<vmem_shared>>
        tpu.wait_indirect_dma semaphore(%run_scoped3A : memref<!tpu.dma_semaphore, #tpu.memory_space<semaphore_mem>>) src(%arg10 : memref<80x64xf32, #tpu.memory_space<vmem>>) dst(%dma_wait3A_144 : memref<10008x64xf32, #tpu.memory_space<vmem_shared>>)
        tpu.yield
      }) : () -> ()
      %add3A_75 = arith.constant 5 : i32
      %add3A_76 = arith.addi %add3A_68, %add3A_75 : i32
      %lt3A_77 = arith.constant 125 : i32
      %lt3A_78 = arith.cmpi slt, %add3A_76, %lt3A_77 : i32
      %convert_element_type3A_79 = arith.extui %lt3A_78 : i1 to i32
      %cond3A_80 = arith.constant 0 : i32
      %cond3A_81 = arith.cmpi ne, %convert_element_type3A_79, %cond3A_80 : i32
      scf.if %cond3A_81 {
        %add3A_133 = arith.constant 5 : i32
        %add3A_134 = arith.addi %add3A_68, %add3A_133 : i32
        %dma_start3A_135 = arith.constant 0 : i32
        %dma_start3A_136 = tpu.memref_slice %arg7[%add3A_134, %dma_start3A_135] : memref<125x80xi32, #tpu.memory_space<vmem>> -> memref<1x80xi32, #tpu.memory_space<vmem>>
        %dma_start3A_137 = tpu.memref_squeeze %dma_start3A_136 : memref<1x80xi32, #tpu.memory_space<vmem>> -> memref<80xi32, #tpu.memory_space<vmem>>
        %dma_start3A_138 = arith.constant 0 : i32
        %dma_start3A_139 = arith.constant 0 : i32
        %dma_start3A_140 = tpu.memref_slice %arg2[%dma_start3A_138, %dma_start3A_139] : memref<10000x64xf32, #tpu.memory_space<hbm>> -> memref<10000x64xf32, #tpu.memory_space<hbm>>
        tpu.enqueue_indirect_dma source(%dma_start3A_140 : memref<10000x64xf32, #tpu.memory_space<hbm>>) target(%arg10 : memref<80x64xf32, #tpu.memory_space<vmem>>) offsets(%dma_start3A_137 : memref<80xi32, #tpu.memory_space<vmem>>) semaphore(%arg16 : memref<!tpu.dma_semaphore, #tpu.memory_space<semaphore_mem>>)
      } else {
      }
      %mul3A_82 = arith.constant 5 : i32
      %mul3A_83 = arith.muli %scan3A_48, %mul3A_82 : i32
      %add3A_84 = arith.constant 2 : i32
      %add3A_85 = arith.addi %mul3A_83, %add3A_84 : i32
      %dma_wait3A_86 = arith.constant 0 : i32
      %dma_wait3A_87 = tpu.memref_slice %arg7[%add3A_85, %dma_wait3A_86] : memref<125x80xi32, #tpu.memory_space<vmem>> -> memref<1x80xi32, #tpu.memory_space<vmem>>
      %dma_wait3A_88 = tpu.memref_squeeze %dma_wait3A_87 : memref<1x80xi32, #tpu.memory_space<vmem>> -> memref<80xi32, #tpu.memory_space<vmem>>
      %dma_wait3A_89 = arith.constant 0 : i32
      %dma_wait3A_90 = arith.constant 0 : i32
      %dma_wait3A_91 = tpu.memref_slice %arg2[%dma_wait3A_89, %dma_wait3A_90] : memref<10000x64xf32, #tpu.memory_space<hbm>> -> memref<10000x64xf32, #tpu.memory_space<hbm>>
      tpu.wait_indirect_dma semaphore(%arg17 : memref<!tpu.dma_semaphore, #tpu.memory_space<semaphore_mem>>) src(%dma_wait3A_91 : memref<10000x64xf32, #tpu.memory_space<hbm>>) dst(%arg11 : memref<80x64xf32, #tpu.memory_space<vmem>>)
      "tpu.region"() ({
        %run_scoped3A = tpu.sem_alloc : memref<!tpu.dma_semaphore, #tpu.memory_space<semaphore_mem>>
        %dma_start3A_133 = arith.constant 0 : i32
        %dma_start3A_134 = tpu.memref_slice %arg8[%add3A_85, %dma_start3A_133] : memref<125x80xi32, #tpu.memory_space<vmem>> -> memref<1x80xi32, #tpu.memory_space<vmem>>
        %dma_start3A_135 = tpu.memref_squeeze %dma_start3A_134 : memref<1x80xi32, #tpu.memory_space<vmem>> -> memref<80xi32, #tpu.memory_space<vmem>>
        %dma_start3A_136 = arith.constant 0 : i32
        %dma_start3A_137 = arith.constant 0 : i32
        %dma_start3A_138 = tpu.memref_slice %arg14[%dma_start3A_136, %dma_start3A_137] : memref<10008x64xf32, #tpu.memory_space<vmem_shared>> -> memref<10008x64xf32, #tpu.memory_space<vmem_shared>>
        tpu.enqueue_indirect_dma source(%arg11 : memref<80x64xf32, #tpu.memory_space<vmem>>) target(%dma_start3A_138 : memref<10008x64xf32, #tpu.memory_space<vmem_shared>>) offsets(%dma_start3A_135 : memref<80xi32, #tpu.memory_space<vmem>>) semaphore(%run_scoped3A : memref<!tpu.dma_semaphore, #tpu.memory_space<semaphore_mem>>) {add = true}
        %dma_wait3A_139 = arith.constant 0 : i32
        %dma_wait3A_140 = tpu.memref_slice %arg8[%add3A_85, %dma_wait3A_139] : memref<125x80xi32, #tpu.memory_space<vmem>> -> memref<1x80xi32, #tpu.memory_space<vmem>>
        %dma_wait3A_141 = tpu.memref_squeeze %dma_wait3A_140 : memref<1x80xi32, #tpu.memory_space<vmem>> -> memref<80xi32, #tpu.memory_space<vmem>>
        %dma_wait3A_142 = arith.constant 0 : i32
        %dma_wait3A_143 = arith.constant 0 : i32
        %dma_wait3A_144 = tpu.memref_slice %arg14[%dma_wait3A_142, %dma_wait3A_143] : memref<10008x64xf32, #tpu.memory_space<vmem_shared>> -> memref<10008x64xf32, #tpu.memory_space<vmem_shared>>
        tpu.wait_indirect_dma semaphore(%run_scoped3A : memref<!tpu.dma_semaphore, #tpu.memory_space<semaphore_mem>>) src(%arg11 : memref<80x64xf32, #tpu.memory_space<vmem>>) dst(%dma_wait3A_144 : memref<10008x64xf32, #tpu.memory_space<vmem_shared>>)
        tpu.yield
      }) : () -> ()
      %add3A_92 = arith.constant 5 : i32
      %add3A_93 = arith.addi %add3A_85, %add3A_92 : i32
      %lt3A_94 = arith.constant 125 : i32
      %lt3A_95 = arith.cmpi slt, %add3A_93, %lt3A_94 : i32
      %convert_element_type3A_96 = arith.extui %lt3A_95 : i1 to i32
      %cond3A_97 = arith.constant 0 : i32
      %cond3A_98 = arith.cmpi ne, %convert_element_type3A_96, %cond3A_97 : i32
      scf.if %cond3A_98 {
        %add3A_133 = arith.constant 5 : i32
        %add3A_134 = arith.addi %add3A_85, %add3A_133 : i32
        %dma_start3A_135 = arith.constant 0 : i32
        %dma_start3A_136 = tpu.memref_slice %arg7[%add3A_134, %dma_start3A_135] : memref<125x80xi32, #tpu.memory_space<vmem>> -> memref<1x80xi32, #tpu.memory_space<vmem>>
        %dma_start3A_137 = tpu.memref_squeeze %dma_start3A_136 : memref<1x80xi32, #tpu.memory_space<vmem>> -> memref<80xi32, #tpu.memory_space<vmem>>
        %dma_start3A_138 = arith.constant 0 : i32
        %dma_start3A_139 = arith.constant 0 : i32
        %dma_start3A_140 = tpu.memref_slice %arg2[%dma_start3A_138, %dma_start3A_139] : memref<10000x64xf32, #tpu.memory_space<hbm>> -> memref<10000x64xf32, #tpu.memory_space<hbm>>
        tpu.enqueue_indirect_dma source(%dma_start3A_140 : memref<10000x64xf32, #tpu.memory_space<hbm>>) target(%arg11 : memref<80x64xf32, #tpu.memory_space<vmem>>) offsets(%dma_start3A_137 : memref<80xi32, #tpu.memory_space<vmem>>) semaphore(%arg17 : memref<!tpu.dma_semaphore, #tpu.memory_space<semaphore_mem>>)
      } else {
      }
      %mul3A_99 = arith.constant 5 : i32
      %mul3A_100 = arith.muli %scan3A_48, %mul3A_99 : i32
      %add3A_101 = arith.constant 3 : i32
      %add3A_102 = arith.addi %mul3A_100, %add3A_101 : i32
      %dma_wait3A_103 = arith.constant 0 : i32
      %dma_wait3A_104 = tpu.memref_slice %arg7[%add3A_102, %dma_wait3A_103] : memref<125x80xi32, #tpu.memory_space<vmem>> -> memref<1x80xi32, #tpu.memory_space<vmem>>
      %dma_wait3A_105 = tpu.memref_squeeze %dma_wait3A_104 : memref<1x80xi32, #tpu.memory_space<vmem>> -> memref<80xi32, #tpu.memory_space<vmem>>
      %dma_wait3A_106 = arith.constant 0 : i32
      %dma_wait3A_107 = arith.constant 0 : i32
      %dma_wait3A_108 = tpu.memref_slice %arg2[%dma_wait3A_106, %dma_wait3A_107] : memref<10000x64xf32, #tpu.memory_space<hbm>> -> memref<10000x64xf32, #tpu.memory_space<hbm>>
      tpu.wait_indirect_dma semaphore(%arg18 : memref<!tpu.dma_semaphore, #tpu.memory_space<semaphore_mem>>) src(%dma_wait3A_108 : memref<10000x64xf32, #tpu.memory_space<hbm>>) dst(%arg12 : memref<80x64xf32, #tpu.memory_space<vmem>>)
      "tpu.region"() ({
        %run_scoped3A = tpu.sem_alloc : memref<!tpu.dma_semaphore, #tpu.memory_space<semaphore_mem>>
        %dma_start3A_133 = arith.constant 0 : i32
        %dma_start3A_134 = tpu.memref_slice %arg8[%add3A_102, %dma_start3A_133] : memref<125x80xi32, #tpu.memory_space<vmem>> -> memref<1x80xi32, #tpu.memory_space<vmem>>
        %dma_start3A_135 = tpu.memref_squeeze %dma_start3A_134 : memref<1x80xi32, #tpu.memory_space<vmem>> -> memref<80xi32, #tpu.memory_space<vmem>>
        %dma_start3A_136 = arith.constant 0 : i32
        %dma_start3A_137 = arith.constant 0 : i32
        %dma_start3A_138 = tpu.memref_slice %arg14[%dma_start3A_136, %dma_start3A_137] : memref<10008x64xf32, #tpu.memory_space<vmem_shared>> -> memref<10008x64xf32, #tpu.memory_space<vmem_shared>>
        tpu.enqueue_indirect_dma source(%arg12 : memref<80x64xf32, #tpu.memory_space<vmem>>) target(%dma_start3A_138 : memref<10008x64xf32, #tpu.memory_space<vmem_shared>>) offsets(%dma_start3A_135 : memref<80xi32, #tpu.memory_space<vmem>>) semaphore(%run_scoped3A : memref<!tpu.dma_semaphore, #tpu.memory_space<semaphore_mem>>) {add = true}
        %dma_wait3A_139 = arith.constant 0 : i32
        %dma_wait3A_140 = tpu.memref_slice %arg8[%add3A_102, %dma_wait3A_139] : memref<125x80xi32, #tpu.memory_space<vmem>> -> memref<1x80xi32, #tpu.memory_space<vmem>>
        %dma_wait3A_141 = tpu.memref_squeeze %dma_wait3A_140 : memref<1x80xi32, #tpu.memory_space<vmem>> -> memref<80xi32, #tpu.memory_space<vmem>>
        %dma_wait3A_142 = arith.constant 0 : i32
        %dma_wait3A_143 = arith.constant 0 : i32
        %dma_wait3A_144 = tpu.memref_slice %arg14[%dma_wait3A_142, %dma_wait3A_143] : memref<10008x64xf32, #tpu.memory_space<vmem_shared>> -> memref<10008x64xf32, #tpu.memory_space<vmem_shared>>
        tpu.wait_indirect_dma semaphore(%run_scoped3A : memref<!tpu.dma_semaphore, #tpu.memory_space<semaphore_mem>>) src(%arg12 : memref<80x64xf32, #tpu.memory_space<vmem>>) dst(%dma_wait3A_144 : memref<10008x64xf32, #tpu.memory_space<vmem_shared>>)
        tpu.yield
      }) : () -> ()
      %add3A_109 = arith.constant 5 : i32
      %add3A_110 = arith.addi %add3A_102, %add3A_109 : i32
      %lt3A_111 = arith.constant 125 : i32
      %lt3A_112 = arith.cmpi slt, %add3A_110, %lt3A_111 : i32
      %convert_element_type3A_113 = arith.extui %lt3A_112 : i1 to i32
      %cond3A_114 = arith.constant 0 : i32
      %cond3A_115 = arith.cmpi ne, %convert_element_type3A_113, %cond3A_114 : i32
      scf.if %cond3A_115 {
        %add3A_133 = arith.constant 5 : i32
        %add3A_134 = arith.addi %add3A_102, %add3A_133 : i32
        %dma_start3A_135 = arith.constant 0 : i32
        %dma_start3A_136 = tpu.memref_slice %arg7[%add3A_134, %dma_start3A_135] : memref<125x80xi32, #tpu.memory_space<vmem>> -> memref<1x80xi32, #tpu.memory_space<vmem>>
        %dma_start3A_137 = tpu.memref_squeeze %dma_start3A_136 : memref<1x80xi32, #tpu.memory_space<vmem>> -> memref<80xi32, #tpu.memory_space<vmem>>
        %dma_start3A_138 = arith.constant 0 : i32
        %dma_start3A_139 = arith.constant 0 : i32
        %dma_start3A_140 = tpu.memref_slice %arg2[%dma_start3A_138, %dma_start3A_139] : memref<10000x64xf32, #tpu.memory_space<hbm>> -> memref<10000x64xf32, #tpu.memory_space<hbm>>
        tpu.enqueue_indirect_dma source(%dma_start3A_140 : memref<10000x64xf32, #tpu.memory_space<hbm>>) target(%arg12 : memref<80x64xf32, #tpu.memory_space<vmem>>) offsets(%dma_start3A_137 : memref<80xi32, #tpu.memory_space<vmem>>) semaphore(%arg18 : memref<!tpu.dma_semaphore, #tpu.memory_space<semaphore_mem>>)
      } else {
      }
      %mul3A_116 = arith.constant 5 : i32
      %mul3A_117 = arith.muli %scan3A_48, %mul3A_116 : i32
      %add3A_118 = arith.constant 4 : i32
      %add3A_119 = arith.addi %mul3A_117, %add3A_118 : i32
      %dma_wait3A_120 = arith.constant 0 : i32
      %dma_wait3A_121 = tpu.memref_slice %arg7[%add3A_119, %dma_wait3A_120] : memref<125x80xi32, #tpu.memory_space<vmem>> -> memref<1x80xi32, #tpu.memory_space<vmem>>
      %dma_wait3A_122 = tpu.memref_squeeze %dma_wait3A_121 : memref<1x80xi32, #tpu.memory_space<vmem>> -> memref<80xi32, #tpu.memory_space<vmem>>
      %dma_wait3A_123 = arith.constant 0 : i32
      %dma_wait3A_124 = arith.constant 0 : i32
      %dma_wait3A_125 = tpu.memref_slice %arg2[%dma_wait3A_123, %dma_wait3A_124] : memref<10000x64xf32, #tpu.memory_space<hbm>> -> memref<10000x64xf32, #tpu.memory_space<hbm>>
      tpu.wait_indirect_dma semaphore(%arg19 : memref<!tpu.dma_semaphore, #tpu.memory_space<semaphore_mem>>) src(%dma_wait3A_125 : memref<10000x64xf32, #tpu.memory_space<hbm>>) dst(%arg13 : memref<80x64xf32, #tpu.memory_space<vmem>>)
      "tpu.region"() ({
        %run_scoped3A = tpu.sem_alloc : memref<!tpu.dma_semaphore, #tpu.memory_space<semaphore_mem>>
        %dma_start3A_133 = arith.constant 0 : i32
        %dma_start3A_134 = tpu.memref_slice %arg8[%add3A_119, %dma_start3A_133] : memref<125x80xi32, #tpu.memory_space<vmem>> -> memref<1x80xi32, #tpu.memory_space<vmem>>
        %dma_start3A_135 = tpu.memref_squeeze %dma_start3A_134 : memref<1x80xi32, #tpu.memory_space<vmem>> -> memref<80xi32, #tpu.memory_space<vmem>>
        %dma_start3A_136 = arith.constant 0 : i32
        %dma_start3A_137 = arith.constant 0 : i32
        %dma_start3A_138 = tpu.memref_slice %arg14[%dma_start3A_136, %dma_start3A_137] : memref<10008x64xf32, #tpu.memory_space<vmem_shared>> -> memref<10008x64xf32, #tpu.memory_space<vmem_shared>>
        tpu.enqueue_indirect_dma source(%arg13 : memref<80x64xf32, #tpu.memory_space<vmem>>) target(%dma_start3A_138 : memref<10008x64xf32, #tpu.memory_space<vmem_shared>>) offsets(%dma_start3A_135 : memref<80xi32, #tpu.memory_space<vmem>>) semaphore(%run_scoped3A : memref<!tpu.dma_semaphore, #tpu.memory_space<semaphore_mem>>) {add = true}
        %dma_wait3A_139 = arith.constant 0 : i32
        %dma_wait3A_140 = tpu.memref_slice %arg8[%add3A_119, %dma_wait3A_139] : memref<125x80xi32, #tpu.memory_space<vmem>> -> memref<1x80xi32, #tpu.memory_space<vmem>>
        %dma_wait3A_141 = tpu.memref_squeeze %dma_wait3A_140 : memref<1x80xi32, #tpu.memory_space<vmem>> -> memref<80xi32, #tpu.memory_space<vmem>>
        %dma_wait3A_142 = arith.constant 0 : i32
        %dma_wait3A_143 = arith.constant 0 : i32
        %dma_wait3A_144 = tpu.memref_slice %arg14[%dma_wait3A_142, %dma_wait3A_143] : memref<10008x64xf32, #tpu.memory_space<vmem_shared>> -> memref<10008x64xf32, #tpu.memory_space<vmem_shared>>
        tpu.wait_indirect_dma semaphore(%run_scoped3A : memref<!tpu.dma_semaphore, #tpu.memory_space<semaphore_mem>>) src(%arg13 : memref<80x64xf32, #tpu.memory_space<vmem>>) dst(%dma_wait3A_144 : memref<10008x64xf32, #tpu.memory_space<vmem_shared>>)
        tpu.yield
      }) : () -> ()
      %add3A_126 = arith.constant 5 : i32
      %add3A_127 = arith.addi %add3A_119, %add3A_126 : i32
      %lt3A_128 = arith.constant 125 : i32
      %lt3A_129 = arith.cmpi slt, %add3A_127, %lt3A_128 : i32
      %convert_element_type3A_130 = arith.extui %lt3A_129 : i1 to i32
      %cond3A_131 = arith.constant 0 : i32
      %cond3A_132 = arith.cmpi ne, %convert_element_type3A_130, %cond3A_131 : i32
      scf.if %cond3A_132 {
        %add3A_133 = arith.constant 5 : i32
        %add3A_134 = arith.addi %add3A_119, %add3A_133 : i32
        %dma_start3A_135 = arith.constant 0 : i32
        %dma_start3A_136 = tpu.memref_slice %arg7[%add3A_134, %dma_start3A_135] : memref<125x80xi32, #tpu.memory_space<vmem>> -> memref<1x80xi32, #tpu.memory_space<vmem>>
        %dma_start3A_137 = tpu.memref_squeeze %dma_start3A_136 : memref<1x80xi32, #tpu.memory_space<vmem>> -> memref<80xi32, #tpu.memory_space<vmem>>
        %dma_start3A_138 = arith.constant 0 : i32
        %dma_start3A_139 = arith.constant 0 : i32
        %dma_start3A_140 = tpu.memref_slice %arg2[%dma_start3A_138, %dma_start3A_139] : memref<10000x64xf32, #tpu.memory_space<hbm>> -> memref<10000x64xf32, #tpu.memory_space<hbm>>
        tpu.enqueue_indirect_dma source(%dma_start3A_140 : memref<10000x64xf32, #tpu.memory_space<hbm>>) target(%arg13 : memref<80x64xf32, #tpu.memory_space<vmem>>) offsets(%dma_start3A_137 : memref<80xi32, #tpu.memory_space<vmem>>) semaphore(%arg19 : memref<!tpu.dma_semaphore, #tpu.memory_space<semaphore_mem>>)
      } else {
      }
    }
    %scan3A_41 = arith.constant 25 : i32
    %barrier3A_42 = arith.constant 0 : index
    tpu.barrier barrier_id(%barrier3A_42)
    %lt3A_43 = arith.constant 10 : i32
    %lt3A_44 = arith.cmpi slt, %arg1, %lt3A_43 : i32
    %convert_element_type3A_45 = arith.extui %lt3A_44 : i1 to i32
    %cond3A_46 = arith.constant 0 : i32
    %cond3A_47 = arith.cmpi ne, %convert_element_type3A_45, %cond3A_46 : i32
    scf.if %cond3A_47 {
      %mul3A_48 = arith.constant 1000 : i32
      %mul3A_49 = arith.muli %arg1, %mul3A_48 : i32
      %multiple_of3A = tpu.assume_multiple %mul3A_49, 8 : i32
      %mul3A_50 = arith.constant 10000 : i32
      %mul3A_51 = arith.muli %arg0, %mul3A_50 : i32
      %mul3A_52 = arith.constant 1000 : i32
      %mul3A_53 = arith.muli %arg1, %mul3A_52 : i32
      %add3A_54 = arith.addi %mul3A_51, %mul3A_53 : i32
      %multiple_of3A_55 = tpu.assume_multiple %add3A_54, 8 : i32
      "tpu.region"() ({
        %run_scoped3A = tpu.sem_alloc : memref<!tpu.dma_semaphore, #tpu.memory_space<semaphore_mem>>
        %dma_start3A_56 = arith.constant 0 : i32
        %dma_start3A_57 = tpu.memref_slice %arg6[%multiple_of3A_55, %dma_start3A_56] : memref<20000x64xf32, #tpu.memory_space<hbm>> -> memref<1000x64xf32, #tpu.memory_space<hbm>>
        %dma_start3A_58 = arith.constant 0 : i32
        %dma_start3A_59 = tpu.memref_slice %arg14[%multiple_of3A, %dma_start3A_58] : memref<10008x64xf32, #tpu.memory_space<vmem_shared>> -> memref<1000x64xf32, #tpu.memory_space<vmem_shared>>
        tpu.enqueue_dma source(%dma_start3A_59 : memref<1000x64xf32, #tpu.memory_space<vmem_shared>>) target(%dma_start3A_57 : memref<1000x64xf32, #tpu.memory_space<hbm>>) target_semaphore(%run_scoped3A : memref<!tpu.dma_semaphore, #tpu.memory_space<semaphore_mem>>)
        %dma_wait3A = arith.constant 0 : i32
        %dma_wait3A_60 = tpu.memref_slice %arg6[%multiple_of3A_55, %dma_wait3A] : memref<20000x64xf32, #tpu.memory_space<hbm>> -> memref<1000x64xf32, #tpu.memory_space<hbm>>
        %dma_wait3A_61 = arith.constant 0 : i32
        %dma_wait3A_62 = tpu.memref_slice %arg14[%multiple_of3A, %dma_wait3A_61] : memref<10008x64xf32, #tpu.memory_space<vmem_shared>> -> memref<1000x64xf32, #tpu.memory_space<vmem_shared>>
        tpu.wait_dma2 semaphore(%run_scoped3A : memref<!tpu.dma_semaphore, #tpu.memory_space<semaphore_mem>>) src(%dma_wait3A_62 : memref<1000x64xf32, #tpu.memory_space<vmem_shared>>) dst(%dma_wait3A_60 : memref<1000x64xf32, #tpu.memory_space<hbm>>)
        tpu.yield
      }) : () -> ()
    } else {
    }
    return
  }
}

#map = affine_map<(d0, d1) -> (0, 0, 0)>
#map1 = affine_map<(d0, d1) -> (0)>
module attributes {stable_mosaic.version = 14 : i64} {
  func.func @_deg_body(%arg0: i32, %arg1: i32, %arg2: memref<32x125x80xi32, #tpu.memory_space<hbm>>, %arg3: memref<32x125x80xi32, #tpu.memory_space<hbm>>, %arg4: memref<1000xf32, #tpu.memory_space<hbm>>, %arg5: memref<4x10x1000xf32, #tpu.memory_space<hbm>>, %arg6: memref<125x80xi32, #tpu.memory_space<vmem>>, %arg7: memref<125x80xi32, #tpu.memory_space<vmem>>, %arg8: memref<80xf32, #tpu.memory_space<vmem>>, %arg9: memref<10000xf32, #tpu.memory_space<vmem_shared>>, %arg10: memref<10000xf32, #tpu.memory_space<vmem_shared>>, %arg11: memref<!tpu.dma_semaphore, #tpu.memory_space<semaphore_mem>>) attributes {dimension_semantics = [#tpu.dimension_semantics<core_parallel>, #tpu.dimension_semantics<subcore_parallel>], iteration_bounds = array<i64: 2, 16>, scalar_prefetch = 0 : i64, scratch_operands = 6 : i64, tpu.core_type = #tpu.core_type<sc_vector_subcore>, window_params = [{transform_indices = #map}, {transform_indices = #map}, {transform_indices = #map1}, {transform_indices = #map}]} {
    %mul3A = arith.constant 16 : i32
    %mul3A_0 = arith.muli %arg0, %mul3A : i32
    %add3A = arith.addi %mul3A_0, %arg1 : i32
    "tpu.region"() ({
      %run_scoped3A = tpu.sem_alloc : memref<!tpu.dma_semaphore, #tpu.memory_space<semaphore_mem>>
      %dma_start3A = arith.constant 0 : i32
      %dma_start3A_42 = arith.constant 0 : i32
      %dma_start3A_43 = tpu.memref_slice %arg2[%add3A, %dma_start3A, %dma_start3A_42] : memref<32x125x80xi32, #tpu.memory_space<hbm>> -> memref<1x125x80xi32, #tpu.memory_space<hbm>>
      %dma_start3A_44 = tpu.memref_squeeze %dma_start3A_43 : memref<1x125x80xi32, #tpu.memory_space<hbm>> -> memref<125x80xi32, #tpu.memory_space<hbm>>
      %dma_start3A_45 = arith.constant 0 : i32
      %dma_start3A_46 = arith.constant 0 : i32
      %dma_start3A_47 = tpu.memref_slice %arg2[%add3A, %dma_start3A_45, %dma_start3A_46] : memref<32x125x80xi32, #tpu.memory_space<hbm>> -> memref<1x125x80xi32, #tpu.memory_space<hbm>>
      %dma_start3A_48 = tpu.memref_squeeze %dma_start3A_47 : memref<1x125x80xi32, #tpu.memory_space<hbm>> -> memref<125x80xi32, #tpu.memory_space<hbm>>
      tpu.enqueue_dma source(%dma_start3A_48 : memref<125x80xi32, #tpu.memory_space<hbm>>) target(%arg6 : memref<125x80xi32, #tpu.memory_space<vmem>>) target_semaphore(%run_scoped3A : memref<!tpu.dma_semaphore, #tpu.memory_space<semaphore_mem>>)
      %dma_wait3A = arith.constant 0 : i32
      %dma_wait3A_49 = arith.constant 0 : i32
      %dma_wait3A_50 = tpu.memref_slice %arg2[%add3A, %dma_wait3A, %dma_wait3A_49] : memref<32x125x80xi32, #tpu.memory_space<hbm>> -> memref<1x125x80xi32, #tpu.memory_space<hbm>>
      %dma_wait3A_51 = tpu.memref_squeeze %dma_wait3A_50 : memref<1x125x80xi32, #tpu.memory_space<hbm>> -> memref<125x80xi32, #tpu.memory_space<hbm>>
      %dma_wait3A_52 = arith.constant 0 : i32
      %dma_wait3A_53 = arith.constant 0 : i32
      %dma_wait3A_54 = tpu.memref_slice %arg2[%add3A, %dma_wait3A_52, %dma_wait3A_53] : memref<32x125x80xi32, #tpu.memory_space<hbm>> -> memref<1x125x80xi32, #tpu.memory_space<hbm>>
      %dma_wait3A_55 = tpu.memref_squeeze %dma_wait3A_54 : memref<1x125x80xi32, #tpu.memory_space<hbm>> -> memref<125x80xi32, #tpu.memory_space<hbm>>
      tpu.wait_dma2 semaphore(%run_scoped3A : memref<!tpu.dma_semaphore, #tpu.memory_space<semaphore_mem>>) src(%dma_wait3A_55 : memref<125x80xi32, #tpu.memory_space<hbm>>) dst(%arg6 : memref<125x80xi32, #tpu.memory_space<vmem>>)
      tpu.yield
    }) : () -> ()
    "tpu.region"() ({
      %run_scoped3A = tpu.sem_alloc : memref<!tpu.dma_semaphore, #tpu.memory_space<semaphore_mem>>
      %dma_start3A = arith.constant 0 : i32
      %dma_start3A_42 = arith.constant 0 : i32
      %dma_start3A_43 = tpu.memref_slice %arg3[%add3A, %dma_start3A, %dma_start3A_42] : memref<32x125x80xi32, #tpu.memory_space<hbm>> -> memref<1x125x80xi32, #tpu.memory_space<hbm>>
      %dma_start3A_44 = tpu.memref_squeeze %dma_start3A_43 : memref<1x125x80xi32, #tpu.memory_space<hbm>> -> memref<125x80xi32, #tpu.memory_space<hbm>>
      %dma_start3A_45 = arith.constant 0 : i32
      %dma_start3A_46 = arith.constant 0 : i32
      %dma_start3A_47 = tpu.memref_slice %arg3[%add3A, %dma_start3A_45, %dma_start3A_46] : memref<32x125x80xi32, #tpu.memory_space<hbm>> -> memref<1x125x80xi32, #tpu.memory_space<hbm>>
      %dma_start3A_48 = tpu.memref_squeeze %dma_start3A_47 : memref<1x125x80xi32, #tpu.memory_space<hbm>> -> memref<125x80xi32, #tpu.memory_space<hbm>>
      tpu.enqueue_dma source(%dma_start3A_48 : memref<125x80xi32, #tpu.memory_space<hbm>>) target(%arg7 : memref<125x80xi32, #tpu.memory_space<vmem>>) target_semaphore(%run_scoped3A : memref<!tpu.dma_semaphore, #tpu.memory_space<semaphore_mem>>)
      %dma_wait3A = arith.constant 0 : i32
      %dma_wait3A_49 = arith.constant 0 : i32
      %dma_wait3A_50 = tpu.memref_slice %arg3[%add3A, %dma_wait3A, %dma_wait3A_49] : memref<32x125x80xi32, #tpu.memory_space<hbm>> -> memref<1x125x80xi32, #tpu.memory_space<hbm>>
      %dma_wait3A_51 = tpu.memref_squeeze %dma_wait3A_50 : memref<1x125x80xi32, #tpu.memory_space<hbm>> -> memref<125x80xi32, #tpu.memory_space<hbm>>
      %dma_wait3A_52 = arith.constant 0 : i32
      %dma_wait3A_53 = arith.constant 0 : i32
      %dma_wait3A_54 = tpu.memref_slice %arg3[%add3A, %dma_wait3A_52, %dma_wait3A_53] : memref<32x125x80xi32, #tpu.memory_space<hbm>> -> memref<1x125x80xi32, #tpu.memory_space<hbm>>
      %dma_wait3A_55 = tpu.memref_squeeze %dma_wait3A_54 : memref<1x125x80xi32, #tpu.memory_space<hbm>> -> memref<125x80xi32, #tpu.memory_space<hbm>>
      tpu.wait_dma2 semaphore(%run_scoped3A : memref<!tpu.dma_semaphore, #tpu.memory_space<semaphore_mem>>) src(%dma_wait3A_55 : memref<125x80xi32, #tpu.memory_space<hbm>>) dst(%arg7 : memref<125x80xi32, #tpu.memory_space<vmem>>)
      tpu.yield
    }) : () -> ()
    %broadcast_in_dim3A = arith.constant 1.000000e+00 : f32
    %broadcast_in_dim3A_1 = vector.broadcast %broadcast_in_dim3A : f32 to vector<16xf32>
    %swap3A = arith.constant 0 : index
    %swap3A_2 = tpu.vector_load %arg8[%swap3A] {strides = array<i32>} : memref<80xf32, #tpu.memory_space<vmem>>, vector<16xf32>,
    %swap3A_3 = vector.shape_cast %swap3A_2 : vector<16xf32> to vector<16xf32>
    %swap3A_4 = vector.shape_cast %broadcast_in_dim3A_1 : vector<16xf32> to vector<16xf32>
    tpu.vector_store %arg8[%swap3A], %swap3A_4 {strides = array<i32>} : memref<80xf32, #tpu.memory_space<vmem>>, vector<16xf32>,
    %broadcast_in_dim3A_5 = arith.constant 1.000000e+00 : f32
    %broadcast_in_dim3A_6 = vector.broadcast %broadcast_in_dim3A_5 : f32 to vector<16xf32>
    %swap3A_7 = arith.constant 16 : index
    %swap3A_8 = tpu.vector_load %arg8[%swap3A_7] {strides = array<i32>} : memref<80xf32, #tpu.memory_space<vmem>>, vector<16xf32>,
    %swap3A_9 = vector.shape_cast %swap3A_8 : vector<16xf32> to vector<16xf32>
    %swap3A_10 = vector.shape_cast %broadcast_in_dim3A_6 : vector<16xf32> to vector<16xf32>
    tpu.vector_store %arg8[%swap3A_7], %swap3A_10 {strides = array<i32>} : memref<80xf32, #tpu.memory_space<vmem>>, vector<16xf32>,
    %broadcast_in_dim3A_11 = arith.constant 1.000000e+00 : f32
    %broadcast_in_dim3A_12 = vector.broadcast %broadcast_in_dim3A_11 : f32 to vector<16xf32>
    %swap3A_13 = arith.constant 32 : index
    %swap3A_14 = tpu.vector_load %arg8[%swap3A_13] {strides = array<i32>} : memref<80xf32, #tpu.memory_space<vmem>>, vector<16xf32>,
    %swap3A_15 = vector.shape_cast %swap3A_14 : vector<16xf32> to vector<16xf32>
    %swap3A_16 = vector.shape_cast %broadcast_in_dim3A_12 : vector<16xf32> to vector<16xf32>
    tpu.vector_store %arg8[%swap3A_13], %swap3A_16 {strides = array<i32>} : memref<80xf32, #tpu.memory_space<vmem>>, vector<16xf32>,
    %broadcast_in_dim3A_17 = arith.constant 1.000000e+00 : f32
    %broadcast_in_dim3A_18 = vector.broadcast %broadcast_in_dim3A_17 : f32 to vector<16xf32>
    %swap3A_19 = arith.constant 48 : index
    %swap3A_20 = tpu.vector_load %arg8[%swap3A_19] {strides = array<i32>} : memref<80xf32, #tpu.memory_space<vmem>>, vector<16xf32>,
    %swap3A_21 = vector.shape_cast %swap3A_20 : vector<16xf32> to vector<16xf32>
    %swap3A_22 = vector.shape_cast %broadcast_in_dim3A_18 : vector<16xf32> to vector<16xf32>
    tpu.vector_store %arg8[%swap3A_19], %swap3A_22 {strides = array<i32>} : memref<80xf32, #tpu.memory_space<vmem>>, vector<16xf32>,
    %broadcast_in_dim3A_23 = arith.constant 1.000000e+00 : f32
    %broadcast_in_dim3A_24 = vector.broadcast %broadcast_in_dim3A_23 : f32 to vector<16xf32>
    %swap3A_25 = arith.constant 64 : index
    %swap3A_26 = tpu.vector_load %arg8[%swap3A_25] {strides = array<i32>} : memref<80xf32, #tpu.memory_space<vmem>>, vector<16xf32>,
    %swap3A_27 = vector.shape_cast %swap3A_26 : vector<16xf32> to vector<16xf32>
    %swap3A_28 = vector.shape_cast %broadcast_in_dim3A_24 : vector<16xf32> to vector<16xf32>
    tpu.vector_store %arg8[%swap3A_25], %swap3A_28 {strides = array<i32>} : memref<80xf32, #tpu.memory_space<vmem>>, vector<16xf32>,
    %lt3A = arith.constant 10 : i32
    %lt3A_29 = arith.cmpi slt, %arg1, %lt3A : i32
    %convert_element_type3A = arith.extui %lt3A_29 : i1 to i32
    %cond3A = arith.constant 0 : i32
    %cond3A_30 = arith.cmpi ne, %convert_element_type3A, %cond3A : i32
    scf.if %cond3A_30 {
      %mul3A_42 = arith.constant 1000 : i32
      %mul3A_43 = arith.muli %arg1, %mul3A_42 : i32
      %multiple_of3A = tpu.assume_multiple %mul3A_43, 8 : i32
      "tpu.region"() ({
        %run_scoped3A = tpu.sem_alloc : memref<!tpu.dma_semaphore, #tpu.memory_space<semaphore_mem>>
        %dma_start3A = tpu.memref_slice %arg9[%multiple_of3A] : memref<10000xf32, #tpu.memory_space<vmem_shared>> -> memref<1000xf32, #tpu.memory_space<vmem_shared>>
        tpu.enqueue_dma source(%arg4 : memref<1000xf32, #tpu.memory_space<hbm>>) target(%dma_start3A : memref<1000xf32, #tpu.memory_space<vmem_shared>>) target_semaphore(%run_scoped3A : memref<!tpu.dma_semaphore, #tpu.memory_space<semaphore_mem>>)
        %dma_wait3A = tpu.memref_slice %arg9[%multiple_of3A] : memref<10000xf32, #tpu.memory_space<vmem_shared>> -> memref<1000xf32, #tpu.memory_space<vmem_shared>>
        tpu.wait_dma2 semaphore(%run_scoped3A : memref<!tpu.dma_semaphore, #tpu.memory_space<semaphore_mem>>) src(%arg4 : memref<1000xf32, #tpu.memory_space<hbm>>) dst(%dma_wait3A : memref<1000xf32, #tpu.memory_space<vmem_shared>>)
        tpu.yield
      }) : () -> ()
      %mul3A_44 = arith.constant 1000 : i32
      %mul3A_45 = arith.muli %arg1, %mul3A_44 : i32
      %multiple_of3A_46 = tpu.assume_multiple %mul3A_45, 8 : i32
      "tpu.region"() ({
        %run_scoped3A = tpu.sem_alloc : memref<!tpu.dma_semaphore, #tpu.memory_space<semaphore_mem>>
        %dma_start3A = tpu.memref_slice %arg10[%multiple_of3A_46] : memref<10000xf32, #tpu.memory_space<vmem_shared>> -> memref<1000xf32, #tpu.memory_space<vmem_shared>>
        tpu.enqueue_dma source(%arg4 : memref<1000xf32, #tpu.memory_space<hbm>>) target(%dma_start3A : memref<1000xf32, #tpu.memory_space<vmem_shared>>) target_semaphore(%run_scoped3A : memref<!tpu.dma_semaphore, #tpu.memory_space<semaphore_mem>>)
        %dma_wait3A = tpu.memref_slice %arg10[%multiple_of3A_46] : memref<10000xf32, #tpu.memory_space<vmem_shared>> -> memref<1000xf32, #tpu.memory_space<vmem_shared>>
        tpu.wait_dma2 semaphore(%run_scoped3A : memref<!tpu.dma_semaphore, #tpu.memory_space<semaphore_mem>>) src(%arg4 : memref<1000xf32, #tpu.memory_space<hbm>>) dst(%dma_wait3A : memref<1000xf32, #tpu.memory_space<vmem_shared>>)
        tpu.yield
      }) : () -> ()
    } else {
    }
    %barrier3A = arith.constant 0 : index
    tpu.barrier barrier_id(%barrier3A)
    %scan3A = arith.constant 0 : i32
    %scan3A_31 = arith.constant 0 : i32
    %scan3A_32 = arith.constant 25 : i32
    %scan3A_33 = arith.addi %scan3A_31, %scan3A_32 : i32
    %scan3A_34 = arith.constant 1 : i32
    scf.for %scan3A_42 = %scan3A_31 to %scan3A_33 step %scan3A_34  : i32 {
      %mul3A_43 = arith.constant 5 : i32
      %mul3A_44 = arith.muli %scan3A_42, %mul3A_43 : i32
      %add3A_45 = arith.constant 0 : i32
      %add3A_46 = arith.addi %mul3A_44, %add3A_45 : i32
      %dma_start3A = arith.constant 0 : i32
      %dma_start3A_47 = tpu.memref_slice %arg6[%add3A_46, %dma_start3A] : memref<125x80xi32, #tpu.memory_space<vmem>> -> memref<1x80xi32, #tpu.memory_space<vmem>>
      %dma_start3A_48 = tpu.memref_squeeze %dma_start3A_47 : memref<1x80xi32, #tpu.memory_space<vmem>> -> memref<80xi32, #tpu.memory_space<vmem>>
      %dma_start3A_49 = arith.constant 0 : i32
      %dma_start3A_50 = tpu.memref_slice %arg9[%dma_start3A_49] : memref<10000xf32, #tpu.memory_space<vmem_shared>> -> memref<10000xf32, #tpu.memory_space<vmem_shared>>
      tpu.enqueue_indirect_dma source(%arg8 : memref<80xf32, #tpu.memory_space<vmem>>) target(%dma_start3A_50 : memref<10000xf32, #tpu.memory_space<vmem_shared>>) offsets(%dma_start3A_48 : memref<80xi32, #tpu.memory_space<vmem>>) semaphore(%arg11 : memref<!tpu.dma_semaphore, #tpu.memory_space<semaphore_mem>>) {add = true}
      %dma_start3A_51 = arith.constant 0 : i32
      %dma_start3A_52 = tpu.memref_slice %arg7[%add3A_46, %dma_start3A_51] : memref<125x80xi32, #tpu.memory_space<vmem>> -> memref<1x80xi32, #tpu.memory_space<vmem>>
      %dma_start3A_53 = tpu.memref_squeeze %dma_start3A_52 : memref<1x80xi32, #tpu.memory_space<vmem>> -> memref<80xi32, #tpu.memory_space<vmem>>
      %dma_start3A_54 = arith.constant 0 : i32
      %dma_start3A_55 = tpu.memref_slice %arg10[%dma_start3A_54] : memref<10000xf32, #tpu.memory_space<vmem_shared>> -> memref<10000xf32, #tpu.memory_space<vmem_shared>>
      tpu.enqueue_indirect_dma source(%arg8 : memref<80xf32, #tpu.memory_space<vmem>>) target(%dma_start3A_55 : memref<10000xf32, #tpu.memory_space<vmem_shared>>) offsets(%dma_start3A_53 : memref<80xi32, #tpu.memory_space<vmem>>) semaphore(%arg11 : memref<!tpu.dma_semaphore, #tpu.memory_space<semaphore_mem>>) {add = true}
      %mul3A_56 = arith.constant 5 : i32
      %mul3A_57 = arith.muli %scan3A_42, %mul3A_56 : i32
      %add3A_58 = arith.constant 1 : i32
      %add3A_59 = arith.addi %mul3A_57, %add3A_58 : i32
      %dma_start3A_60 = arith.constant 0 : i32
      %dma_start3A_61 = tpu.memref_slice %arg6[%add3A_59, %dma_start3A_60] : memref<125x80xi32, #tpu.memory_space<vmem>> -> memref<1x80xi32, #tpu.memory_space<vmem>>
      %dma_start3A_62 = tpu.memref_squeeze %dma_start3A_61 : memref<1x80xi32, #tpu.memory_space<vmem>> -> memref<80xi32, #tpu.memory_space<vmem>>
      %dma_start3A_63 = arith.constant 0 : i32
      %dma_start3A_64 = tpu.memref_slice %arg9[%dma_start3A_63] : memref<10000xf32, #tpu.memory_space<vmem_shared>> -> memref<10000xf32, #tpu.memory_space<vmem_shared>>
      tpu.enqueue_indirect_dma source(%arg8 : memref<80xf32, #tpu.memory_space<vmem>>) target(%dma_start3A_64 : memref<10000xf32, #tpu.memory_space<vmem_shared>>) offsets(%dma_start3A_62 : memref<80xi32, #tpu.memory_space<vmem>>) semaphore(%arg11 : memref<!tpu.dma_semaphore, #tpu.memory_space<semaphore_mem>>) {add = true}
      %dma_start3A_65 = arith.constant 0 : i32
      %dma_start3A_66 = tpu.memref_slice %arg7[%add3A_59, %dma_start3A_65] : memref<125x80xi32, #tpu.memory_space<vmem>> -> memref<1x80xi32, #tpu.memory_space<vmem>>
      %dma_start3A_67 = tpu.memref_squeeze %dma_start3A_66 : memref<1x80xi32, #tpu.memory_space<vmem>> -> memref<80xi32, #tpu.memory_space<vmem>>
      %dma_start3A_68 = arith.constant 0 : i32
      %dma_start3A_69 = tpu.memref_slice %arg10[%dma_start3A_68] : memref<10000xf32, #tpu.memory_space<vmem_shared>> -> memref<10000xf32, #tpu.memory_space<vmem_shared>>
      tpu.enqueue_indirect_dma source(%arg8 : memref<80xf32, #tpu.memory_space<vmem>>) target(%dma_start3A_69 : memref<10000xf32, #tpu.memory_space<vmem_shared>>) offsets(%dma_start3A_67 : memref<80xi32, #tpu.memory_space<vmem>>) semaphore(%arg11 : memref<!tpu.dma_semaphore, #tpu.memory_space<semaphore_mem>>) {add = true}
      %mul3A_70 = arith.constant 5 : i32
      %mul3A_71 = arith.muli %scan3A_42, %mul3A_70 : i32
      %add3A_72 = arith.constant 2 : i32
      %add3A_73 = arith.addi %mul3A_71, %add3A_72 : i32
      %dma_start3A_74 = arith.constant 0 : i32
      %dma_start3A_75 = tpu.memref_slice %arg6[%add3A_73, %dma_start3A_74] : memref<125x80xi32, #tpu.memory_space<vmem>> -> memref<1x80xi32, #tpu.memory_space<vmem>>
      %dma_start3A_76 = tpu.memref_squeeze %dma_start3A_75 : memref<1x80xi32, #tpu.memory_space<vmem>> -> memref<80xi32, #tpu.memory_space<vmem>>
      %dma_start3A_77 = arith.constant 0 : i32
      %dma_start3A_78 = tpu.memref_slice %arg9[%dma_start3A_77] : memref<10000xf32, #tpu.memory_space<vmem_shared>> -> memref<10000xf32, #tpu.memory_space<vmem_shared>>
      tpu.enqueue_indirect_dma source(%arg8 : memref<80xf32, #tpu.memory_space<vmem>>) target(%dma_start3A_78 : memref<10000xf32, #tpu.memory_space<vmem_shared>>) offsets(%dma_start3A_76 : memref<80xi32, #tpu.memory_space<vmem>>) semaphore(%arg11 : memref<!tpu.dma_semaphore, #tpu.memory_space<semaphore_mem>>) {add = true}
      %dma_start3A_79 = arith.constant 0 : i32
      %dma_start3A_80 = tpu.memref_slice %arg7[%add3A_73, %dma_start3A_79] : memref<125x80xi32, #tpu.memory_space<vmem>> -> memref<1x80xi32, #tpu.memory_space<vmem>>
      %dma_start3A_81 = tpu.memref_squeeze %dma_start3A_80 : memref<1x80xi32, #tpu.memory_space<vmem>> -> memref<80xi32, #tpu.memory_space<vmem>>
      %dma_start3A_82 = arith.constant 0 : i32
      %dma_start3A_83 = tpu.memref_slice %arg10[%dma_start3A_82] : memref<10000xf32, #tpu.memory_space<vmem_shared>> -> memref<10000xf32, #tpu.memory_space<vmem_shared>>
      tpu.enqueue_indirect_dma source(%arg8 : memref<80xf32, #tpu.memory_space<vmem>>) target(%dma_start3A_83 : memref<10000xf32, #tpu.memory_space<vmem_shared>>) offsets(%dma_start3A_81 : memref<80xi32, #tpu.memory_space<vmem>>) semaphore(%arg11 : memref<!tpu.dma_semaphore, #tpu.memory_space<semaphore_mem>>) {add = true}
      %mul3A_84 = arith.constant 5 : i32
      %mul3A_85 = arith.muli %scan3A_42, %mul3A_84 : i32
      %add3A_86 = arith.constant 3 : i32
      %add3A_87 = arith.addi %mul3A_85, %add3A_86 : i32
      %dma_start3A_88 = arith.constant 0 : i32
      %dma_start3A_89 = tpu.memref_slice %arg6[%add3A_87, %dma_start3A_88] : memref<125x80xi32, #tpu.memory_space<vmem>> -> memref<1x80xi32, #tpu.memory_space<vmem>>
      %dma_start3A_90 = tpu.memref_squeeze %dma_start3A_89 : memref<1x80xi32, #tpu.memory_space<vmem>> -> memref<80xi32, #tpu.memory_space<vmem>>
      %dma_start3A_91 = arith.constant 0 : i32
      %dma_start3A_92 = tpu.memref_slice %arg9[%dma_start3A_91] : memref<10000xf32, #tpu.memory_space<vmem_shared>> -> memref<10000xf32, #tpu.memory_space<vmem_shared>>
      tpu.enqueue_indirect_dma source(%arg8 : memref<80xf32, #tpu.memory_space<vmem>>) target(%dma_start3A_92 : memref<10000xf32, #tpu.memory_space<vmem_shared>>) offsets(%dma_start3A_90 : memref<80xi32, #tpu.memory_space<vmem>>) semaphore(%arg11 : memref<!tpu.dma_semaphore, #tpu.memory_space<semaphore_mem>>) {add = true}
      %dma_start3A_93 = arith.constant 0 : i32
      %dma_start3A_94 = tpu.memref_slice %arg7[%add3A_87, %dma_start3A_93] : memref<125x80xi32, #tpu.memory_space<vmem>> -> memref<1x80xi32, #tpu.memory_space<vmem>>
      %dma_start3A_95 = tpu.memref_squeeze %dma_start3A_94 : memref<1x80xi32, #tpu.memory_space<vmem>> -> memref<80xi32, #tpu.memory_space<vmem>>
      %dma_start3A_96 = arith.constant 0 : i32
      %dma_start3A_97 = tpu.memref_slice %arg10[%dma_start3A_96] : memref<10000xf32, #tpu.memory_space<vmem_shared>> -> memref<10000xf32, #tpu.memory_space<vmem_shared>>
      tpu.enqueue_indirect_dma source(%arg8 : memref<80xf32, #tpu.memory_space<vmem>>) target(%dma_start3A_97 : memref<10000xf32, #tpu.memory_space<vmem_shared>>) offsets(%dma_start3A_95 : memref<80xi32, #tpu.memory_space<vmem>>) semaphore(%arg11 : memref<!tpu.dma_semaphore, #tpu.memory_space<semaphore_mem>>) {add = true}
      %mul3A_98 = arith.constant 5 : i32
      %mul3A_99 = arith.muli %scan3A_42, %mul3A_98 : i32
      %add3A_100 = arith.constant 4 : i32
      %add3A_101 = arith.addi %mul3A_99, %add3A_100 : i32
      %dma_start3A_102 = arith.constant 0 : i32
      %dma_start3A_103 = tpu.memref_slice %arg6[%add3A_101, %dma_start3A_102] : memref<125x80xi32, #tpu.memory_space<vmem>> -> memref<1x80xi32, #tpu.memory_space<vmem>>
      %dma_start3A_104 = tpu.memref_squeeze %dma_start3A_103 : memref<1x80xi32, #tpu.memory_space<vmem>> -> memref<80xi32, #tpu.memory_space<vmem>>
      %dma_start3A_105 = arith.constant 0 : i32
      %dma_start3A_106 = tpu.memref_slice %arg9[%dma_start3A_105] : memref<10000xf32, #tpu.memory_space<vmem_shared>> -> memref<10000xf32, #tpu.memory_space<vmem_shared>>
      tpu.enqueue_indirect_dma source(%arg8 : memref<80xf32, #tpu.memory_space<vmem>>) target(%dma_start3A_106 : memref<10000xf32, #tpu.memory_space<vmem_shared>>) offsets(%dma_start3A_104 : memref<80xi32, #tpu.memory_space<vmem>>) semaphore(%arg11 : memref<!tpu.dma_semaphore, #tpu.memory_space<semaphore_mem>>) {add = true}
      %dma_start3A_107 = arith.constant 0 : i32
      %dma_start3A_108 = tpu.memref_slice %arg7[%add3A_101, %dma_start3A_107] : memref<125x80xi32, #tpu.memory_space<vmem>> -> memref<1x80xi32, #tpu.memory_space<vmem>>
      %dma_start3A_109 = tpu.memref_squeeze %dma_start3A_108 : memref<1x80xi32, #tpu.memory_space<vmem>> -> memref<80xi32, #tpu.memory_space<vmem>>
      %dma_start3A_110 = arith.constant 0 : i32
      %dma_start3A_111 = tpu.memref_slice %arg10[%dma_start3A_110] : memref<10000xf32, #tpu.memory_space<vmem_shared>> -> memref<10000xf32, #tpu.memory_space<vmem_shared>>
      tpu.enqueue_indirect_dma source(%arg8 : memref<80xf32, #tpu.memory_space<vmem>>) target(%dma_start3A_111 : memref<10000xf32, #tpu.memory_space<vmem_shared>>) offsets(%dma_start3A_109 : memref<80xi32, #tpu.memory_space<vmem>>) semaphore(%arg11 : memref<!tpu.dma_semaphore, #tpu.memory_space<semaphore_mem>>) {add = true}
      %dma_wait3A = arith.constant 0 : i32
      %dma_wait3A_112 = tpu.memref_slice %arg6[%add3A_46, %dma_wait3A] : memref<125x80xi32, #tpu.memory_space<vmem>> -> memref<1x80xi32, #tpu.memory_space<vmem>>
      %dma_wait3A_113 = tpu.memref_squeeze %dma_wait3A_112 : memref<1x80xi32, #tpu.memory_space<vmem>> -> memref<80xi32, #tpu.memory_space<vmem>>
      %dma_wait3A_114 = arith.constant 0 : i32
      %dma_wait3A_115 = tpu.memref_slice %arg9[%dma_wait3A_114] : memref<10000xf32, #tpu.memory_space<vmem_shared>> -> memref<10000xf32, #tpu.memory_space<vmem_shared>>
      tpu.wait_indirect_dma semaphore(%arg11 : memref<!tpu.dma_semaphore, #tpu.memory_space<semaphore_mem>>) src(%arg8 : memref<80xf32, #tpu.memory_space<vmem>>) dst(%dma_wait3A_115 : memref<10000xf32, #tpu.memory_space<vmem_shared>>)
      %dma_wait3A_116 = arith.constant 0 : i32
      %dma_wait3A_117 = tpu.memref_slice %arg7[%add3A_46, %dma_wait3A_116] : memref<125x80xi32, #tpu.memory_space<vmem>> -> memref<1x80xi32, #tpu.memory_space<vmem>>
      %dma_wait3A_118 = tpu.memref_squeeze %dma_wait3A_117 : memref<1x80xi32, #tpu.memory_space<vmem>> -> memref<80xi32, #tpu.memory_space<vmem>>
      %dma_wait3A_119 = arith.constant 0 : i32
      %dma_wait3A_120 = tpu.memref_slice %arg10[%dma_wait3A_119] : memref<10000xf32, #tpu.memory_space<vmem_shared>> -> memref<10000xf32, #tpu.memory_space<vmem_shared>>
      tpu.wait_indirect_dma semaphore(%arg11 : memref<!tpu.dma_semaphore, #tpu.memory_space<semaphore_mem>>) src(%arg8 : memref<80xf32, #tpu.memory_space<vmem>>) dst(%dma_wait3A_120 : memref<10000xf32, #tpu.memory_space<vmem_shared>>)
      %dma_wait3A_121 = arith.constant 0 : i32
      %dma_wait3A_122 = tpu.memref_slice %arg6[%add3A_59, %dma_wait3A_121] : memref<125x80xi32, #tpu.memory_space<vmem>> -> memref<1x80xi32, #tpu.memory_space<vmem>>
      %dma_wait3A_123 = tpu.memref_squeeze %dma_wait3A_122 : memref<1x80xi32, #tpu.memory_space<vmem>> -> memref<80xi32, #tpu.memory_space<vmem>>
      %dma_wait3A_124 = arith.constant 0 : i32
      %dma_wait3A_125 = tpu.memref_slice %arg9[%dma_wait3A_124] : memref<10000xf32, #tpu.memory_space<vmem_shared>> -> memref<10000xf32, #tpu.memory_space<vmem_shared>>
      tpu.wait_indirect_dma semaphore(%arg11 : memref<!tpu.dma_semaphore, #tpu.memory_space<semaphore_mem>>) src(%arg8 : memref<80xf32, #tpu.memory_space<vmem>>) dst(%dma_wait3A_125 : memref<10000xf32, #tpu.memory_space<vmem_shared>>)
      %dma_wait3A_126 = arith.constant 0 : i32
      %dma_wait3A_127 = tpu.memref_slice %arg7[%add3A_59, %dma_wait3A_126] : memref<125x80xi32, #tpu.memory_space<vmem>> -> memref<1x80xi32, #tpu.memory_space<vmem>>
      %dma_wait3A_128 = tpu.memref_squeeze %dma_wait3A_127 : memref<1x80xi32, #tpu.memory_space<vmem>> -> memref<80xi32, #tpu.memory_space<vmem>>
      %dma_wait3A_129 = arith.constant 0 : i32
      %dma_wait3A_130 = tpu.memref_slice %arg10[%dma_wait3A_129] : memref<10000xf32, #tpu.memory_space<vmem_shared>> -> memref<10000xf32, #tpu.memory_space<vmem_shared>>
      tpu.wait_indirect_dma semaphore(%arg11 : memref<!tpu.dma_semaphore, #tpu.memory_space<semaphore_mem>>) src(%arg8 : memref<80xf32, #tpu.memory_space<vmem>>) dst(%dma_wait3A_130 : memref<10000xf32, #tpu.memory_space<vmem_shared>>)
      %dma_wait3A_131 = arith.constant 0 : i32
      %dma_wait3A_132 = tpu.memref_slice %arg6[%add3A_73, %dma_wait3A_131] : memref<125x80xi32, #tpu.memory_space<vmem>> -> memref<1x80xi32, #tpu.memory_space<vmem>>
      %dma_wait3A_133 = tpu.memref_squeeze %dma_wait3A_132 : memref<1x80xi32, #tpu.memory_space<vmem>> -> memref<80xi32, #tpu.memory_space<vmem>>
      %dma_wait3A_134 = arith.constant 0 : i32
      %dma_wait3A_135 = tpu.memref_slice %arg9[%dma_wait3A_134] : memref<10000xf32, #tpu.memory_space<vmem_shared>> -> memref<10000xf32, #tpu.memory_space<vmem_shared>>
      tpu.wait_indirect_dma semaphore(%arg11 : memref<!tpu.dma_semaphore, #tpu.memory_space<semaphore_mem>>) src(%arg8 : memref<80xf32, #tpu.memory_space<vmem>>) dst(%dma_wait3A_135 : memref<10000xf32, #tpu.memory_space<vmem_shared>>)
      %dma_wait3A_136 = arith.constant 0 : i32
      %dma_wait3A_137 = tpu.memref_slice %arg7[%add3A_73, %dma_wait3A_136] : memref<125x80xi32, #tpu.memory_space<vmem>> -> memref<1x80xi32, #tpu.memory_space<vmem>>
      %dma_wait3A_138 = tpu.memref_squeeze %dma_wait3A_137 : memref<1x80xi32, #tpu.memory_space<vmem>> -> memref<80xi32, #tpu.memory_space<vmem>>
      %dma_wait3A_139 = arith.constant 0 : i32
      %dma_wait3A_140 = tpu.memref_slice %arg10[%dma_wait3A_139] : memref<10000xf32, #tpu.memory_space<vmem_shared>> -> memref<10000xf32, #tpu.memory_space<vmem_shared>>
      tpu.wait_indirect_dma semaphore(%arg11 : memref<!tpu.dma_semaphore, #tpu.memory_space<semaphore_mem>>) src(%arg8 : memref<80xf32, #tpu.memory_space<vmem>>) dst(%dma_wait3A_140 : memref<10000xf32, #tpu.memory_space<vmem_shared>>)
      %dma_wait3A_141 = arith.constant 0 : i32
      %dma_wait3A_142 = tpu.memref_slice %arg6[%add3A_87, %dma_wait3A_141] : memref<125x80xi32, #tpu.memory_space<vmem>> -> memref<1x80xi32, #tpu.memory_space<vmem>>
      %dma_wait3A_143 = tpu.memref_squeeze %dma_wait3A_142 : memref<1x80xi32, #tpu.memory_space<vmem>> -> memref<80xi32, #tpu.memory_space<vmem>>
      %dma_wait3A_144 = arith.constant 0 : i32
      %dma_wait3A_145 = tpu.memref_slice %arg9[%dma_wait3A_144] : memref<10000xf32, #tpu.memory_space<vmem_shared>> -> memref<10000xf32, #tpu.memory_space<vmem_shared>>
      tpu.wait_indirect_dma semaphore(%arg11 : memref<!tpu.dma_semaphore, #tpu.memory_space<semaphore_mem>>) src(%arg8 : memref<80xf32, #tpu.memory_space<vmem>>) dst(%dma_wait3A_145 : memref<10000xf32, #tpu.memory_space<vmem_shared>>)
      %dma_wait3A_146 = arith.constant 0 : i32
      %dma_wait3A_147 = tpu.memref_slice %arg7[%add3A_87, %dma_wait3A_146] : memref<125x80xi32, #tpu.memory_space<vmem>> -> memref<1x80xi32, #tpu.memory_space<vmem>>
      %dma_wait3A_148 = tpu.memref_squeeze %dma_wait3A_147 : memref<1x80xi32, #tpu.memory_space<vmem>> -> memref<80xi32, #tpu.memory_space<vmem>>
      %dma_wait3A_149 = arith.constant 0 : i32
      %dma_wait3A_150 = tpu.memref_slice %arg10[%dma_wait3A_149] : memref<10000xf32, #tpu.memory_space<vmem_shared>> -> memref<10000xf32, #tpu.memory_space<vmem_shared>>
      tpu.wait_indirect_dma semaphore(%arg11 : memref<!tpu.dma_semaphore, #tpu.memory_space<semaphore_mem>>) src(%arg8 : memref<80xf32, #tpu.memory_space<vmem>>) dst(%dma_wait3A_150 : memref<10000xf32, #tpu.memory_space<vmem_shared>>)
      %dma_wait3A_151 = arith.constant 0 : i32
      %dma_wait3A_152 = tpu.memref_slice %arg6[%add3A_101, %dma_wait3A_151] : memref<125x80xi32, #tpu.memory_space<vmem>> -> memref<1x80xi32, #tpu.memory_space<vmem>>
      %dma_wait3A_153 = tpu.memref_squeeze %dma_wait3A_152 : memref<1x80xi32, #tpu.memory_space<vmem>> -> memref<80xi32, #tpu.memory_space<vmem>>
      %dma_wait3A_154 = arith.constant 0 : i32
      %dma_wait3A_155 = tpu.memref_slice %arg9[%dma_wait3A_154] : memref<10000xf32, #tpu.memory_space<vmem_shared>> -> memref<10000xf32, #tpu.memory_space<vmem_shared>>
      tpu.wait_indirect_dma semaphore(%arg11 : memref<!tpu.dma_semaphore, #tpu.memory_space<semaphore_mem>>) src(%arg8 : memref<80xf32, #tpu.memory_space<vmem>>) dst(%dma_wait3A_155 : memref<10000xf32, #tpu.memory_space<vmem_shared>>)
      %dma_wait3A_156 = arith.constant 0 : i32
      %dma_wait3A_157 = tpu.memref_slice %arg7[%add3A_101, %dma_wait3A_156] : memref<125x80xi32, #tpu.memory_space<vmem>> -> memref<1x80xi32, #tpu.memory_space<vmem>>
      %dma_wait3A_158 = tpu.memref_squeeze %dma_wait3A_157 : memref<1x80xi32, #tpu.memory_space<vmem>> -> memref<80xi32, #tpu.memory_space<vmem>>
      %dma_wait3A_159 = arith.constant 0 : i32
      %dma_wait3A_160 = tpu.memref_slice %arg10[%dma_wait3A_159] : memref<10000xf32, #tpu.memory_space<vmem_shared>> -> memref<10000xf32, #tpu.memory_space<vmem_shared>>
      tpu.wait_indirect_dma semaphore(%arg11 : memref<!tpu.dma_semaphore, #tpu.memory_space<semaphore_mem>>) src(%arg8 : memref<80xf32, #tpu.memory_space<vmem>>) dst(%dma_wait3A_160 : memref<10000xf32, #tpu.memory_space<vmem_shared>>)
    }
    %scan3A_35 = arith.constant 25 : i32
    %barrier3A_36 = arith.constant 0 : index
    tpu.barrier barrier_id(%barrier3A_36)
    %lt3A_37 = arith.constant 10 : i32
    %lt3A_38 = arith.cmpi slt, %arg1, %lt3A_37 : i32
    %convert_element_type3A_39 = arith.extui %lt3A_38 : i1 to i32
    %cond3A_40 = arith.constant 0 : i32
    %cond3A_41 = arith.cmpi ne, %convert_element_type3A_39, %cond3A_40 : i32
    scf.if %cond3A_41 {
      %mul3A_42 = arith.constant 1000 : i32
      %mul3A_43 = arith.muli %arg1, %mul3A_42 : i32
      %multiple_of3A = tpu.assume_multiple %mul3A_43, 8 : i32
      %mul3A_44 = arith.constant 2 : i32
      %mul3A_45 = arith.muli %mul3A_44, %arg0 : i32
      "tpu.region"() ({
        %run_scoped3A = tpu.sem_alloc : memref<!tpu.dma_semaphore, #tpu.memory_space<semaphore_mem>>
        %dma_start3A = arith.constant 0 : i32
        %dma_start3A_53 = tpu.memref_slice %arg5[%mul3A_45, %arg1, %dma_start3A] : memref<4x10x1000xf32, #tpu.memory_space<hbm>> -> memref<1x1x1000xf32, #tpu.memory_space<hbm>>
        %dma_start3A_54 = tpu.memref_squeeze %dma_start3A_53 : memref<1x1x1000xf32, #tpu.memory_space<hbm>> -> memref<1000xf32, #tpu.memory_space<hbm>>
        %dma_start3A_55 = tpu.memref_slice %arg9[%multiple_of3A] : memref<10000xf32, #tpu.memory_space<vmem_shared>> -> memref<1000xf32, #tpu.memory_space<vmem_shared>>
        tpu.enqueue_dma source(%dma_start3A_55 : memref<1000xf32, #tpu.memory_space<vmem_shared>>) target(%dma_start3A_54 : memref<1000xf32, #tpu.memory_space<hbm>>) target_semaphore(%run_scoped3A : memref<!tpu.dma_semaphore, #tpu.memory_space<semaphore_mem>>)
        %dma_wait3A = arith.constant 0 : i32
        %dma_wait3A_56 = tpu.memref_slice %arg5[%mul3A_45, %arg1, %dma_wait3A] : memref<4x10x1000xf32, #tpu.memory_space<hbm>> -> memref<1x1x1000xf32, #tpu.memory_space<hbm>>
        %dma_wait3A_57 = tpu.memref_squeeze %dma_wait3A_56 : memref<1x1x1000xf32, #tpu.memory_space<hbm>> -> memref<1000xf32, #tpu.memory_space<hbm>>
        %dma_wait3A_58 = tpu.memref_slice %arg9[%multiple_of3A] : memref<10000xf32, #tpu.memory_space<vmem_shared>> -> memref<1000xf32, #tpu.memory_space<vmem_shared>>
        tpu.wait_dma2 semaphore(%run_scoped3A : memref<!tpu.dma_semaphore, #tpu.memory_space<semaphore_mem>>) src(%dma_wait3A_58 : memref<1000xf32, #tpu.memory_space<vmem_shared>>) dst(%dma_wait3A_57 : memref<1000xf32, #tpu.memory_space<hbm>>)
        tpu.yield
      }) : () -> ()
      %mul3A_46 = arith.constant 1000 : i32
      %mul3A_47 = arith.muli %arg1, %mul3A_46 : i32
      %multiple_of3A_48 = tpu.assume_multiple %mul3A_47, 8 : i32
      %mul3A_49 = arith.constant 2 : i32
      %mul3A_50 = arith.muli %mul3A_49, %arg0 : i32
      %add3A_51 = arith.constant 1 : i32
      %add3A_52 = arith.addi %mul3A_50, %add3A_51 : i32
      "tpu.region"() ({
        %run_scoped3A = tpu.sem_alloc : memref<!tpu.dma_semaphore, #tpu.memory_space<semaphore_mem>>
        %dma_start3A = arith.constant 0 : i32
        %dma_start3A_53 = tpu.memref_slice %arg5[%add3A_52, %arg1, %dma_start3A] : memref<4x10x1000xf32, #tpu.memory_space<hbm>> -> memref<1x1x1000xf32, #tpu.memory_space<hbm>>
        %dma_start3A_54 = tpu.memref_squeeze %dma_start3A_53 : memref<1x1x1000xf32, #tpu.memory_space<hbm>> -> memref<1000xf32, #tpu.memory_space<hbm>>
        %dma_start3A_55 = tpu.memref_slice %arg10[%multiple_of3A_48] : memref<10000xf32, #tpu.memory_space<vmem_shared>> -> memref<1000xf32, #tpu.memory_space<vmem_shared>>
        tpu.enqueue_dma source(%dma_start3A_55 : memref<1000xf32, #tpu.memory_space<vmem_shared>>) target(%dma_start3A_54 : memref<1000xf32, #tpu.memory_space<hbm>>) target_semaphore(%run_scoped3A : memref<!tpu.dma_semaphore, #tpu.memory_space<semaphore_mem>>)
        %dma_wait3A = arith.constant 0 : i32
        %dma_wait3A_56 = tpu.memref_slice %arg5[%add3A_52, %arg1, %dma_wait3A] : memref<4x10x1000xf32, #tpu.memory_space<hbm>> -> memref<1x1x1000xf32, #tpu.memory_space<hbm>>
        %dma_wait3A_57 = tpu.memref_squeeze %dma_wait3A_56 : memref<1x1x1000xf32, #tpu.memory_space<hbm>> -> memref<1000xf32, #tpu.memory_space<hbm>>
        %dma_wait3A_58 = tpu.memref_slice %arg10[%multiple_of3A_48] : memref<10000xf32, #tpu.memory_space<vmem_shared>> -> memref<1000xf32, #tpu.memory_space<vmem_shared>>
        tpu.wait_dma2 semaphore(%run_scoped3A : memref<!tpu.dma_semaphore, #tpu.memory_space<semaphore_mem>>) src(%dma_wait3A_58 : memref<1000xf32, #tpu.memory_space<vmem_shared>>) dst(%dma_wait3A_57 : memref<1000xf32, #tpu.memory_space<hbm>>)
        tpu.yield
      }) : () -> ()
    } else {
    }
    return
  }
}

#map = affine_map<(d0, d1) -> (0, 0)>
#map1 = affine_map<(d0, d1) -> (0, 0, 0)>
module attributes {stable_mosaic.version = 14 : i64} {
  func.func @body(%arg0: i32, %arg1: i32, %arg2: memref<40000x64xf32, #tpu.memory_space<hbm>>, %arg3: memref<64x250x80xi32, #tpu.memory_space<hbm>>, %arg4: memref<16x250x80xi32, #tpu.memory_space<hbm>>, %arg5: memref<1000x64xf32, #tpu.memory_space<hbm>>, %arg6: memref<40000x64xf32, #tpu.memory_space<hbm>>, %arg7: memref<250x80xi32, #tpu.memory_space<vmem>>, %arg8: memref<250x80xi32, #tpu.memory_space<vmem>>, %arg9: memref<80x64xf32, #tpu.memory_space<vmem>>, %arg10: memref<80x64xf32, #tpu.memory_space<vmem>>, %arg11: memref<80x64xf32, #tpu.memory_space<vmem>>, %arg12: memref<80x64xf32, #tpu.memory_space<vmem>>, %arg13: memref<80x64xf32, #tpu.memory_space<vmem>>, %arg14: memref<10008x64xf32, #tpu.memory_space<vmem_shared>>, %arg15: memref<!tpu.dma_semaphore, #tpu.memory_space<semaphore_mem>>, %arg16: memref<!tpu.dma_semaphore, #tpu.memory_space<semaphore_mem>>, %arg17: memref<!tpu.dma_semaphore, #tpu.memory_space<semaphore_mem>>, %arg18: memref<!tpu.dma_semaphore, #tpu.memory_space<semaphore_mem>>, %arg19: memref<!tpu.dma_semaphore, #tpu.memory_space<semaphore_mem>>) attributes {dimension_semantics = [#tpu.dimension_semantics<core_parallel>, #tpu.dimension_semantics<subcore_parallel>], iteration_bounds = array<i64: 2, 16>, scalar_prefetch = 0 : i64, scratch_operands = 13 : i64, tpu.core_type = #tpu.core_type<sc_vector_subcore>, window_params = [{transform_indices = #map}, {transform_indices = #map1}, {transform_indices = #map1}, {transform_indices = #map}, {transform_indices = #map}]} {
    "tpu.region"() ({
      %run_scoped3A = tpu.sem_alloc : memref<!tpu.dma_semaphore, #tpu.memory_space<semaphore_mem>>
      %dma_start3A_108 = arith.constant 0 : i32
      %dma_start3A_109 = arith.constant 0 : i32
      %dma_start3A_110 = tpu.memref_slice %arg4[%arg1, %dma_start3A_108, %dma_start3A_109] : memref<16x250x80xi32, #tpu.memory_space<hbm>> -> memref<1x250x80xi32, #tpu.memory_space<hbm>>
      %dma_start3A_111 = tpu.memref_squeeze %dma_start3A_110 : memref<1x250x80xi32, #tpu.memory_space<hbm>> -> memref<250x80xi32, #tpu.memory_space<hbm>>
      %dma_start3A_112 = arith.constant 0 : i32
      %dma_start3A_113 = arith.constant 0 : i32
      %dma_start3A_114 = tpu.memref_slice %arg4[%arg1, %dma_start3A_112, %dma_start3A_113] : memref<16x250x80xi32, #tpu.memory_space<hbm>> -> memref<1x250x80xi32, #tpu.memory_space<hbm>>
      %dma_start3A_115 = tpu.memref_squeeze %dma_start3A_114 : memref<1x250x80xi32, #tpu.memory_space<hbm>> -> memref<250x80xi32, #tpu.memory_space<hbm>>
      tpu.enqueue_dma source(%dma_start3A_115 : memref<250x80xi32, #tpu.memory_space<hbm>>) target(%arg8 : memref<250x80xi32, #tpu.memory_space<vmem>>) target_semaphore(%run_scoped3A : memref<!tpu.dma_semaphore, #tpu.memory_space<semaphore_mem>>)
      %dma_wait3A = arith.constant 0 : i32
      %dma_wait3A_116 = arith.constant 0 : i32
      %dma_wait3A_117 = tpu.memref_slice %arg4[%arg1, %dma_wait3A, %dma_wait3A_116] : memref<16x250x80xi32, #tpu.memory_space<hbm>> -> memref<1x250x80xi32, #tpu.memory_space<hbm>>
      %dma_wait3A_118 = tpu.memref_squeeze %dma_wait3A_117 : memref<1x250x80xi32, #tpu.memory_space<hbm>> -> memref<250x80xi32, #tpu.memory_space<hbm>>
      %dma_wait3A_119 = arith.constant 0 : i32
      %dma_wait3A_120 = arith.constant 0 : i32
      %dma_wait3A_121 = tpu.memref_slice %arg4[%arg1, %dma_wait3A_119, %dma_wait3A_120] : memref<16x250x80xi32, #tpu.memory_space<hbm>> -> memref<1x250x80xi32, #tpu.memory_space<hbm>>
      %dma_wait3A_122 = tpu.memref_squeeze %dma_wait3A_121 : memref<1x250x80xi32, #tpu.memory_space<hbm>> -> memref<250x80xi32, #tpu.memory_space<hbm>>
      tpu.wait_dma2 semaphore(%run_scoped3A : memref<!tpu.dma_semaphore, #tpu.memory_space<semaphore_mem>>) src(%dma_wait3A_122 : memref<250x80xi32, #tpu.memory_space<hbm>>) dst(%arg8 : memref<250x80xi32, #tpu.memory_space<vmem>>)
      tpu.yield
    }) : () -> ()
    %mul3A = arith.constant 16 : i32
    %mul3A_0 = arith.muli %arg0, %mul3A : i32
    %add3A = arith.constant 0 : i32
    %add3A_1 = arith.addi %add3A, %mul3A_0 : i32
    %add3A_2 = arith.addi %add3A_1, %arg1 : i32
    "tpu.region"() ({
      %run_scoped3A = tpu.sem_alloc : memref<!tpu.dma_semaphore, #tpu.memory_space<semaphore_mem>>
      %dma_start3A_108 = arith.constant 0 : i32
      %dma_start3A_109 = arith.constant 0 : i32
      %dma_start3A_110 = tpu.memref_slice %arg3[%add3A_2, %dma_start3A_108, %dma_start3A_109] : memref<64x250x80xi32, #tpu.memory_space<hbm>> -> memref<1x250x80xi32, #tpu.memory_space<hbm>>
      %dma_start3A_111 = tpu.memref_squeeze %dma_start3A_110 : memref<1x250x80xi32, #tpu.memory_space<hbm>> -> memref<250x80xi32, #tpu.memory_space<hbm>>
      %dma_start3A_112 = arith.constant 0 : i32
      %dma_start3A_113 = arith.constant 0 : i32
      %dma_start3A_114 = tpu.memref_slice %arg3[%add3A_2, %dma_start3A_112, %dma_start3A_113] : memref<64x250x80xi32, #tpu.memory_space<hbm>> -> memref<1x250x80xi32, #tpu.memory_space<hbm>>
      %dma_start3A_115 = tpu.memref_squeeze %dma_start3A_114 : memref<1x250x80xi32, #tpu.memory_space<hbm>> -> memref<250x80xi32, #tpu.memory_space<hbm>>
      tpu.enqueue_dma source(%dma_start3A_115 : memref<250x80xi32, #tpu.memory_space<hbm>>) target(%arg7 : memref<250x80xi32, #tpu.memory_space<vmem>>) target_semaphore(%run_scoped3A : memref<!tpu.dma_semaphore, #tpu.memory_space<semaphore_mem>>)
      %dma_wait3A = arith.constant 0 : i32
      %dma_wait3A_116 = arith.constant 0 : i32
      %dma_wait3A_117 = tpu.memref_slice %arg3[%add3A_2, %dma_wait3A, %dma_wait3A_116] : memref<64x250x80xi32, #tpu.memory_space<hbm>> -> memref<1x250x80xi32, #tpu.memory_space<hbm>>
      %dma_wait3A_118 = tpu.memref_squeeze %dma_wait3A_117 : memref<1x250x80xi32, #tpu.memory_space<hbm>> -> memref<250x80xi32, #tpu.memory_space<hbm>>
      %dma_wait3A_119 = arith.constant 0 : i32
      %dma_wait3A_120 = arith.constant 0 : i32
      %dma_wait3A_121 = tpu.memref_slice %arg3[%add3A_2, %dma_wait3A_119, %dma_wait3A_120] : memref<64x250x80xi32, #tpu.memory_space<hbm>> -> memref<1x250x80xi32, #tpu.memory_space<hbm>>
      %dma_wait3A_122 = tpu.memref_squeeze %dma_wait3A_121 : memref<1x250x80xi32, #tpu.memory_space<hbm>> -> memref<250x80xi32, #tpu.memory_space<hbm>>
      tpu.wait_dma2 semaphore(%run_scoped3A : memref<!tpu.dma_semaphore, #tpu.memory_space<semaphore_mem>>) src(%dma_wait3A_122 : memref<250x80xi32, #tpu.memory_space<hbm>>) dst(%arg7 : memref<250x80xi32, #tpu.memory_space<vmem>>)
      tpu.yield
    }) : () -> ()
    %lt3A = arith.constant 10 : i32
    %lt3A_3 = arith.cmpi slt, %arg1, %lt3A : i32
    %convert_element_type3A = arith.extui %lt3A_3 : i1 to i32
    %cond3A = arith.constant 0 : i32
    %cond3A_4 = arith.cmpi ne, %convert_element_type3A, %cond3A : i32
    scf.if %cond3A_4 {
      %mul3A_108 = arith.constant 1000 : i32
      %mul3A_109 = arith.muli %arg1, %mul3A_108 : i32
      %multiple_of3A = tpu.assume_multiple %mul3A_109, 8 : i32
      "tpu.region"() ({
        %run_scoped3A = tpu.sem_alloc : memref<!tpu.dma_semaphore, #tpu.memory_space<semaphore_mem>>
        %dma_start3A_110 = arith.constant 0 : i32
        %dma_start3A_111 = tpu.memref_slice %arg14[%multiple_of3A, %dma_start3A_110] : memref<10008x64xf32, #tpu.memory_space<vmem_shared>> -> memref<1000x64xf32, #tpu.memory_space<vmem_shared>>
        tpu.enqueue_dma source(%arg5 : memref<1000x64xf32, #tpu.memory_space<hbm>>) target(%dma_start3A_111 : memref<1000x64xf32, #tpu.memory_space<vmem_shared>>) target_semaphore(%run_scoped3A : memref<!tpu.dma_semaphore, #tpu.memory_space<semaphore_mem>>)
        %dma_wait3A = arith.constant 0 : i32
        %dma_wait3A_112 = tpu.memref_slice %arg14[%multiple_of3A, %dma_wait3A] : memref<10008x64xf32, #tpu.memory_space<vmem_shared>> -> memref<1000x64xf32, #tpu.memory_space<vmem_shared>>
        tpu.wait_dma2 semaphore(%run_scoped3A : memref<!tpu.dma_semaphore, #tpu.memory_space<semaphore_mem>>) src(%arg5 : memref<1000x64xf32, #tpu.memory_space<hbm>>) dst(%dma_wait3A_112 : memref<1000x64xf32, #tpu.memory_space<vmem_shared>>)
        tpu.yield
      }) : () -> ()
    } else {
    }
    %barrier3A = arith.constant 0 : index
    tpu.barrier barrier_id(%barrier3A)
    %dma_start3A = arith.constant 0 : i32
    %dma_start3A_5 = arith.constant 0 : i32
    %dma_start3A_6 = tpu.memref_slice %arg7[%dma_start3A, %dma_start3A_5] : memref<250x80xi32, #tpu.memory_space<vmem>> -> memref<1x80xi32, #tpu.memory_space<vmem>>
    %dma_start3A_7 = tpu.memref_squeeze %dma_start3A_6 : memref<1x80xi32, #tpu.memory_space<vmem>> -> memref<80xi32, #tpu.memory_space<vmem>>
    %dma_start3A_8 = arith.constant 0 : i32
    %dma_start3A_9 = arith.constant 0 : i32
    %dma_start3A_10 = tpu.memref_slice %arg2[%dma_start3A_8, %dma_start3A_9] : memref<40000x64xf32, #tpu.memory_space<hbm>> -> memref<40000x64xf32, #tpu.memory_space<hbm>>
    tpu.enqueue_indirect_dma source(%dma_start3A_10 : memref<40000x64xf32, #tpu.memory_space<hbm>>) target(%arg9 : memref<80x64xf32, #tpu.memory_space<vmem>>) offsets(%dma_start3A_7 : memref<80xi32, #tpu.memory_space<vmem>>) semaphore(%arg15 : memref<!tpu.dma_semaphore, #tpu.memory_space<semaphore_mem>>)
    %dma_start3A_11 = arith.constant 1 : i32
    %dma_start3A_12 = arith.constant 0 : i32
    %dma_start3A_13 = tpu.memref_slice %arg7[%dma_start3A_11, %dma_start3A_12] : memref<250x80xi32, #tpu.memory_space<vmem>> -> memref<1x80xi32, #tpu.memory_space<vmem>>
    %dma_start3A_14 = tpu.memref_squeeze %dma_start3A_13 : memref<1x80xi32, #tpu.memory_space<vmem>> -> memref<80xi32, #tpu.memory_space<vmem>>
    %dma_start3A_15 = arith.constant 0 : i32
    %dma_start3A_16 = arith.constant 0 : i32
    %dma_start3A_17 = tpu.memref_slice %arg2[%dma_start3A_15, %dma_start3A_16] : memref<40000x64xf32, #tpu.memory_space<hbm>> -> memref<40000x64xf32, #tpu.memory_space<hbm>>
    tpu.enqueue_indirect_dma source(%dma_start3A_17 : memref<40000x64xf32, #tpu.memory_space<hbm>>) target(%arg10 : memref<80x64xf32, #tpu.memory_space<vmem>>) offsets(%dma_start3A_14 : memref<80xi32, #tpu.memory_space<vmem>>) semaphore(%arg16 : memref<!tpu.dma_semaphore, #tpu.memory_space<semaphore_mem>>)
    %dma_start3A_18 = arith.constant 2 : i32
    %dma_start3A_19 = arith.constant 0 : i32
    %dma_start3A_20 = tpu.memref_slice %arg7[%dma_start3A_18, %dma_start3A_19] : memref<250x80xi32, #tpu.memory_space<vmem>> -> memref<1x80xi32, #tpu.memory_space<vmem>>
    %dma_start3A_21 = tpu.memref_squeeze %dma_start3A_20 : memref<1x80xi32, #tpu.memory_space<vmem>> -> memref<80xi32, #tpu.memory_space<vmem>>
    %dma_start3A_22 = arith.constant 0 : i32
    %dma_start3A_23 = arith.constant 0 : i32
    %dma_start3A_24 = tpu.memref_slice %arg2[%dma_start3A_22, %dma_start3A_23] : memref<40000x64xf32, #tpu.memory_space<hbm>> -> memref<40000x64xf32, #tpu.memory_space<hbm>>
    tpu.enqueue_indirect_dma source(%dma_start3A_24 : memref<40000x64xf32, #tpu.memory_space<hbm>>) target(%arg11 : memref<80x64xf32, #tpu.memory_space<vmem>>) offsets(%dma_start3A_21 : memref<80xi32, #tpu.memory_space<vmem>>) semaphore(%arg17 : memref<!tpu.dma_semaphore, #tpu.memory_space<semaphore_mem>>)
    %dma_start3A_25 = arith.constant 3 : i32
    %dma_start3A_26 = arith.constant 0 : i32
    %dma_start3A_27 = tpu.memref_slice %arg7[%dma_start3A_25, %dma_start3A_26] : memref<250x80xi32, #tpu.memory_space<vmem>> -> memref<1x80xi32, #tpu.memory_space<vmem>>
    %dma_start3A_28 = tpu.memref_squeeze %dma_start3A_27 : memref<1x80xi32, #tpu.memory_space<vmem>> -> memref<80xi32, #tpu.memory_space<vmem>>
    %dma_start3A_29 = arith.constant 0 : i32
    %dma_start3A_30 = arith.constant 0 : i32
    %dma_start3A_31 = tpu.memref_slice %arg2[%dma_start3A_29, %dma_start3A_30] : memref<40000x64xf32, #tpu.memory_space<hbm>> -> memref<40000x64xf32, #tpu.memory_space<hbm>>
    tpu.enqueue_indirect_dma source(%dma_start3A_31 : memref<40000x64xf32, #tpu.memory_space<hbm>>) target(%arg12 : memref<80x64xf32, #tpu.memory_space<vmem>>) offsets(%dma_start3A_28 : memref<80xi32, #tpu.memory_space<vmem>>) semaphore(%arg18 : memref<!tpu.dma_semaphore, #tpu.memory_space<semaphore_mem>>)
    %dma_start3A_32 = arith.constant 4 : i32
    %dma_start3A_33 = arith.constant 0 : i32
    %dma_start3A_34 = tpu.memref_slice %arg7[%dma_start3A_32, %dma_start3A_33] : memref<250x80xi32, #tpu.memory_space<vmem>> -> memref<1x80xi32, #tpu.memory_space<vmem>>
    %dma_start3A_35 = tpu.memref_squeeze %dma_start3A_34 : memref<1x80xi32, #tpu.memory_space<vmem>> -> memref<80xi32, #tpu.memory_space<vmem>>
    %dma_start3A_36 = arith.constant 0 : i32
    %dma_start3A_37 = arith.constant 0 : i32
    %dma_start3A_38 = tpu.memref_slice %arg2[%dma_start3A_36, %dma_start3A_37] : memref<40000x64xf32, #tpu.memory_space<hbm>> -> memref<40000x64xf32, #tpu.memory_space<hbm>>
    tpu.enqueue_indirect_dma source(%dma_start3A_38 : memref<40000x64xf32, #tpu.memory_space<hbm>>) target(%arg13 : memref<80x64xf32, #tpu.memory_space<vmem>>) offsets(%dma_start3A_35 : memref<80xi32, #tpu.memory_space<vmem>>) semaphore(%arg19 : memref<!tpu.dma_semaphore, #tpu.memory_space<semaphore_mem>>)
    %scan3A = arith.constant 0 : i32
    %scan3A_39 = arith.constant 0 : i32
    %scan3A_40 = arith.constant 50 : i32
    %scan3A_41 = arith.addi %scan3A_39, %scan3A_40 : i32
    %scan3A_42 = arith.constant 1 : i32
    scf.for %scan3A_108 = %scan3A_39 to %scan3A_41 step %scan3A_42  : i32 {
      %mul3A_109 = arith.constant 5 : i32
      %mul3A_110 = arith.muli %scan3A_108, %mul3A_109 : i32
      %add3A_111 = arith.constant 0 : i32
      %add3A_112 = arith.addi %mul3A_110, %add3A_111 : i32
      %dma_wait3A = arith.constant 0 : i32
      %dma_wait3A_113 = tpu.memref_slice %arg7[%add3A_112, %dma_wait3A] : memref<250x80xi32, #tpu.memory_space<vmem>> -> memref<1x80xi32, #tpu.memory_space<vmem>>
      %dma_wait3A_114 = tpu.memref_squeeze %dma_wait3A_113 : memref<1x80xi32, #tpu.memory_space<vmem>> -> memref<80xi32, #tpu.memory_space<vmem>>
      %dma_wait3A_115 = arith.constant 0 : i32
      %dma_wait3A_116 = arith.constant 0 : i32
      %dma_wait3A_117 = tpu.memref_slice %arg2[%dma_wait3A_115, %dma_wait3A_116] : memref<40000x64xf32, #tpu.memory_space<hbm>> -> memref<40000x64xf32, #tpu.memory_space<hbm>>
      tpu.wait_indirect_dma semaphore(%arg15 : memref<!tpu.dma_semaphore, #tpu.memory_space<semaphore_mem>>) src(%dma_wait3A_117 : memref<40000x64xf32, #tpu.memory_space<hbm>>) dst(%arg9 : memref<80x64xf32, #tpu.memory_space<vmem>>)
      "tpu.region"() ({
        %run_scoped3A = tpu.sem_alloc : memref<!tpu.dma_semaphore, #tpu.memory_space<semaphore_mem>>
        %dma_start3A_193 = arith.constant 0 : i32
        %dma_start3A_194 = tpu.memref_slice %arg8[%add3A_112, %dma_start3A_193] : memref<250x80xi32, #tpu.memory_space<vmem>> -> memref<1x80xi32, #tpu.memory_space<vmem>>
        %dma_start3A_195 = tpu.memref_squeeze %dma_start3A_194 : memref<1x80xi32, #tpu.memory_space<vmem>> -> memref<80xi32, #tpu.memory_space<vmem>>
        %dma_start3A_196 = arith.constant 0 : i32
        %dma_start3A_197 = arith.constant 0 : i32
        %dma_start3A_198 = tpu.memref_slice %arg14[%dma_start3A_196, %dma_start3A_197] : memref<10008x64xf32, #tpu.memory_space<vmem_shared>> -> memref<10008x64xf32, #tpu.memory_space<vmem_shared>>
        tpu.enqueue_indirect_dma source(%arg9 : memref<80x64xf32, #tpu.memory_space<vmem>>) target(%dma_start3A_198 : memref<10008x64xf32, #tpu.memory_space<vmem_shared>>) offsets(%dma_start3A_195 : memref<80xi32, #tpu.memory_space<vmem>>) semaphore(%run_scoped3A : memref<!tpu.dma_semaphore, #tpu.memory_space<semaphore_mem>>) {add = true}
        %dma_wait3A_199 = arith.constant 0 : i32
        %dma_wait3A_200 = tpu.memref_slice %arg8[%add3A_112, %dma_wait3A_199] : memref<250x80xi32, #tpu.memory_space<vmem>> -> memref<1x80xi32, #tpu.memory_space<vmem>>
        %dma_wait3A_201 = tpu.memref_squeeze %dma_wait3A_200 : memref<1x80xi32, #tpu.memory_space<vmem>> -> memref<80xi32, #tpu.memory_space<vmem>>
        %dma_wait3A_202 = arith.constant 0 : i32
        %dma_wait3A_203 = arith.constant 0 : i32
        %dma_wait3A_204 = tpu.memref_slice %arg14[%dma_wait3A_202, %dma_wait3A_203] : memref<10008x64xf32, #tpu.memory_space<vmem_shared>> -> memref<10008x64xf32, #tpu.memory_space<vmem_shared>>
        tpu.wait_indirect_dma semaphore(%run_scoped3A : memref<!tpu.dma_semaphore, #tpu.memory_space<semaphore_mem>>) src(%arg9 : memref<80x64xf32, #tpu.memory_space<vmem>>) dst(%dma_wait3A_204 : memref<10008x64xf32, #tpu.memory_space<vmem_shared>>)
        tpu.yield
      }) : () -> ()
      %add3A_118 = arith.constant 5 : i32
      %add3A_119 = arith.addi %add3A_112, %add3A_118 : i32
      %lt3A_120 = arith.constant 250 : i32
      %lt3A_121 = arith.cmpi slt, %add3A_119, %lt3A_120 : i32
      %convert_element_type3A_122 = arith.extui %lt3A_121 : i1 to i32
      %cond3A_123 = arith.constant 0 : i32
      %cond3A_124 = arith.cmpi ne, %convert_element_type3A_122, %cond3A_123 : i32
      scf.if %cond3A_124 {
        %add3A_193 = arith.constant 5 : i32
        %add3A_194 = arith.addi %add3A_112, %add3A_193 : i32
        %dma_start3A_195 = arith.constant 0 : i32
        %dma_start3A_196 = tpu.memref_slice %arg7[%add3A_194, %dma_start3A_195] : memref<250x80xi32, #tpu.memory_space<vmem>> -> memref<1x80xi32, #tpu.memory_space<vmem>>
        %dma_start3A_197 = tpu.memref_squeeze %dma_start3A_196 : memref<1x80xi32, #tpu.memory_space<vmem>> -> memref<80xi32, #tpu.memory_space<vmem>>
        %dma_start3A_198 = arith.constant 0 : i32
        %dma_start3A_199 = arith.constant 0 : i32
        %dma_start3A_200 = tpu.memref_slice %arg2[%dma_start3A_198, %dma_start3A_199] : memref<40000x64xf32, #tpu.memory_space<hbm>> -> memref<40000x64xf32, #tpu.memory_space<hbm>>
        tpu.enqueue_indirect_dma source(%dma_start3A_200 : memref<40000x64xf32, #tpu.memory_space<hbm>>) target(%arg9 : memref<80x64xf32, #tpu.memory_space<vmem>>) offsets(%dma_start3A_197 : memref<80xi32, #tpu.memory_space<vmem>>) semaphore(%arg15 : memref<!tpu.dma_semaphore, #tpu.memory_space<semaphore_mem>>)
      } else {
      }
      %mul3A_125 = arith.constant 5 : i32
      %mul3A_126 = arith.muli %scan3A_108, %mul3A_125 : i32
      %add3A_127 = arith.constant 1 : i32
      %add3A_128 = arith.addi %mul3A_126, %add3A_127 : i32
      %dma_wait3A_129 = arith.constant 0 : i32
      %dma_wait3A_130 = tpu.memref_slice %arg7[%add3A_128, %dma_wait3A_129] : memref<250x80xi32, #tpu.memory_space<vmem>> -> memref<1x80xi32, #tpu.memory_space<vmem>>
      %dma_wait3A_131 = tpu.memref_squeeze %dma_wait3A_130 : memref<1x80xi32, #tpu.memory_space<vmem>> -> memref<80xi32, #tpu.memory_space<vmem>>
      %dma_wait3A_132 = arith.constant 0 : i32
      %dma_wait3A_133 = arith.constant 0 : i32
      %dma_wait3A_134 = tpu.memref_slice %arg2[%dma_wait3A_132, %dma_wait3A_133] : memref<40000x64xf32, #tpu.memory_space<hbm>> -> memref<40000x64xf32, #tpu.memory_space<hbm>>
      tpu.wait_indirect_dma semaphore(%arg16 : memref<!tpu.dma_semaphore, #tpu.memory_space<semaphore_mem>>) src(%dma_wait3A_134 : memref<40000x64xf32, #tpu.memory_space<hbm>>) dst(%arg10 : memref<80x64xf32, #tpu.memory_space<vmem>>)
      "tpu.region"() ({
        %run_scoped3A = tpu.sem_alloc : memref<!tpu.dma_semaphore, #tpu.memory_space<semaphore_mem>>
        %dma_start3A_193 = arith.constant 0 : i32
        %dma_start3A_194 = tpu.memref_slice %arg8[%add3A_128, %dma_start3A_193] : memref<250x80xi32, #tpu.memory_space<vmem>> -> memref<1x80xi32, #tpu.memory_space<vmem>>
        %dma_start3A_195 = tpu.memref_squeeze %dma_start3A_194 : memref<1x80xi32, #tpu.memory_space<vmem>> -> memref<80xi32, #tpu.memory_space<vmem>>
        %dma_start3A_196 = arith.constant 0 : i32
        %dma_start3A_197 = arith.constant 0 : i32
        %dma_start3A_198 = tpu.memref_slice %arg14[%dma_start3A_196, %dma_start3A_197] : memref<10008x64xf32, #tpu.memory_space<vmem_shared>> -> memref<10008x64xf32, #tpu.memory_space<vmem_shared>>
        tpu.enqueue_indirect_dma source(%arg10 : memref<80x64xf32, #tpu.memory_space<vmem>>) target(%dma_start3A_198 : memref<10008x64xf32, #tpu.memory_space<vmem_shared>>) offsets(%dma_start3A_195 : memref<80xi32, #tpu.memory_space<vmem>>) semaphore(%run_scoped3A : memref<!tpu.dma_semaphore, #tpu.memory_space<semaphore_mem>>) {add = true}
        %dma_wait3A_199 = arith.constant 0 : i32
        %dma_wait3A_200 = tpu.memref_slice %arg8[%add3A_128, %dma_wait3A_199] : memref<250x80xi32, #tpu.memory_space<vmem>> -> memref<1x80xi32, #tpu.memory_space<vmem>>
        %dma_wait3A_201 = tpu.memref_squeeze %dma_wait3A_200 : memref<1x80xi32, #tpu.memory_space<vmem>> -> memref<80xi32, #tpu.memory_space<vmem>>
        %dma_wait3A_202 = arith.constant 0 : i32
        %dma_wait3A_203 = arith.constant 0 : i32
        %dma_wait3A_204 = tpu.memref_slice %arg14[%dma_wait3A_202, %dma_wait3A_203] : memref<10008x64xf32, #tpu.memory_space<vmem_shared>> -> memref<10008x64xf32, #tpu.memory_space<vmem_shared>>
        tpu.wait_indirect_dma semaphore(%run_scoped3A : memref<!tpu.dma_semaphore, #tpu.memory_space<semaphore_mem>>) src(%arg10 : memref<80x64xf32, #tpu.memory_space<vmem>>) dst(%dma_wait3A_204 : memref<10008x64xf32, #tpu.memory_space<vmem_shared>>)
        tpu.yield
      }) : () -> ()
      %add3A_135 = arith.constant 5 : i32
      %add3A_136 = arith.addi %add3A_128, %add3A_135 : i32
      %lt3A_137 = arith.constant 250 : i32
      %lt3A_138 = arith.cmpi slt, %add3A_136, %lt3A_137 : i32
      %convert_element_type3A_139 = arith.extui %lt3A_138 : i1 to i32
      %cond3A_140 = arith.constant 0 : i32
      %cond3A_141 = arith.cmpi ne, %convert_element_type3A_139, %cond3A_140 : i32
      scf.if %cond3A_141 {
        %add3A_193 = arith.constant 5 : i32
        %add3A_194 = arith.addi %add3A_128, %add3A_193 : i32
        %dma_start3A_195 = arith.constant 0 : i32
        %dma_start3A_196 = tpu.memref_slice %arg7[%add3A_194, %dma_start3A_195] : memref<250x80xi32, #tpu.memory_space<vmem>> -> memref<1x80xi32, #tpu.memory_space<vmem>>
        %dma_start3A_197 = tpu.memref_squeeze %dma_start3A_196 : memref<1x80xi32, #tpu.memory_space<vmem>> -> memref<80xi32, #tpu.memory_space<vmem>>
        %dma_start3A_198 = arith.constant 0 : i32
        %dma_start3A_199 = arith.constant 0 : i32
        %dma_start3A_200 = tpu.memref_slice %arg2[%dma_start3A_198, %dma_start3A_199] : memref<40000x64xf32, #tpu.memory_space<hbm>> -> memref<40000x64xf32, #tpu.memory_space<hbm>>
        tpu.enqueue_indirect_dma source(%dma_start3A_200 : memref<40000x64xf32, #tpu.memory_space<hbm>>) target(%arg10 : memref<80x64xf32, #tpu.memory_space<vmem>>) offsets(%dma_start3A_197 : memref<80xi32, #tpu.memory_space<vmem>>) semaphore(%arg16 : memref<!tpu.dma_semaphore, #tpu.memory_space<semaphore_mem>>)
      } else {
      }
      %mul3A_142 = arith.constant 5 : i32
      %mul3A_143 = arith.muli %scan3A_108, %mul3A_142 : i32
      %add3A_144 = arith.constant 2 : i32
      %add3A_145 = arith.addi %mul3A_143, %add3A_144 : i32
      %dma_wait3A_146 = arith.constant 0 : i32
      %dma_wait3A_147 = tpu.memref_slice %arg7[%add3A_145, %dma_wait3A_146] : memref<250x80xi32, #tpu.memory_space<vmem>> -> memref<1x80xi32, #tpu.memory_space<vmem>>
      %dma_wait3A_148 = tpu.memref_squeeze %dma_wait3A_147 : memref<1x80xi32, #tpu.memory_space<vmem>> -> memref<80xi32, #tpu.memory_space<vmem>>
      %dma_wait3A_149 = arith.constant 0 : i32
      %dma_wait3A_150 = arith.constant 0 : i32
      %dma_wait3A_151 = tpu.memref_slice %arg2[%dma_wait3A_149, %dma_wait3A_150] : memref<40000x64xf32, #tpu.memory_space<hbm>> -> memref<40000x64xf32, #tpu.memory_space<hbm>>
      tpu.wait_indirect_dma semaphore(%arg17 : memref<!tpu.dma_semaphore, #tpu.memory_space<semaphore_mem>>) src(%dma_wait3A_151 : memref<40000x64xf32, #tpu.memory_space<hbm>>) dst(%arg11 : memref<80x64xf32, #tpu.memory_space<vmem>>)
      "tpu.region"() ({
        %run_scoped3A = tpu.sem_alloc : memref<!tpu.dma_semaphore, #tpu.memory_space<semaphore_mem>>
        %dma_start3A_193 = arith.constant 0 : i32
        %dma_start3A_194 = tpu.memref_slice %arg8[%add3A_145, %dma_start3A_193] : memref<250x80xi32, #tpu.memory_space<vmem>> -> memref<1x80xi32, #tpu.memory_space<vmem>>
        %dma_start3A_195 = tpu.memref_squeeze %dma_start3A_194 : memref<1x80xi32, #tpu.memory_space<vmem>> -> memref<80xi32, #tpu.memory_space<vmem>>
        %dma_start3A_196 = arith.constant 0 : i32
        %dma_start3A_197 = arith.constant 0 : i32
        %dma_start3A_198 = tpu.memref_slice %arg14[%dma_start3A_196, %dma_start3A_197] : memref<10008x64xf32, #tpu.memory_space<vmem_shared>> -> memref<10008x64xf32, #tpu.memory_space<vmem_shared>>
        tpu.enqueue_indirect_dma source(%arg11 : memref<80x64xf32, #tpu.memory_space<vmem>>) target(%dma_start3A_198 : memref<10008x64xf32, #tpu.memory_space<vmem_shared>>) offsets(%dma_start3A_195 : memref<80xi32, #tpu.memory_space<vmem>>) semaphore(%run_scoped3A : memref<!tpu.dma_semaphore, #tpu.memory_space<semaphore_mem>>) {add = true}
        %dma_wait3A_199 = arith.constant 0 : i32
        %dma_wait3A_200 = tpu.memref_slice %arg8[%add3A_145, %dma_wait3A_199] : memref<250x80xi32, #tpu.memory_space<vmem>> -> memref<1x80xi32, #tpu.memory_space<vmem>>
        %dma_wait3A_201 = tpu.memref_squeeze %dma_wait3A_200 : memref<1x80xi32, #tpu.memory_space<vmem>> -> memref<80xi32, #tpu.memory_space<vmem>>
        %dma_wait3A_202 = arith.constant 0 : i32
        %dma_wait3A_203 = arith.constant 0 : i32
        %dma_wait3A_204 = tpu.memref_slice %arg14[%dma_wait3A_202, %dma_wait3A_203] : memref<10008x64xf32, #tpu.memory_space<vmem_shared>> -> memref<10008x64xf32, #tpu.memory_space<vmem_shared>>
        tpu.wait_indirect_dma semaphore(%run_scoped3A : memref<!tpu.dma_semaphore, #tpu.memory_space<semaphore_mem>>) src(%arg11 : memref<80x64xf32, #tpu.memory_space<vmem>>) dst(%dma_wait3A_204 : memref<10008x64xf32, #tpu.memory_space<vmem_shared>>)
        tpu.yield
      }) : () -> ()
      %add3A_152 = arith.constant 5 : i32
      %add3A_153 = arith.addi %add3A_145, %add3A_152 : i32
      %lt3A_154 = arith.constant 250 : i32
      %lt3A_155 = arith.cmpi slt, %add3A_153, %lt3A_154 : i32
      %convert_element_type3A_156 = arith.extui %lt3A_155 : i1 to i32
      %cond3A_157 = arith.constant 0 : i32
      %cond3A_158 = arith.cmpi ne, %convert_element_type3A_156, %cond3A_157 : i32
      scf.if %cond3A_158 {
        %add3A_193 = arith.constant 5 : i32
        %add3A_194 = arith.addi %add3A_145, %add3A_193 : i32
        %dma_start3A_195 = arith.constant 0 : i32
        %dma_start3A_196 = tpu.memref_slice %arg7[%add3A_194, %dma_start3A_195] : memref<250x80xi32, #tpu.memory_space<vmem>> -> memref<1x80xi32, #tpu.memory_space<vmem>>
        %dma_start3A_197 = tpu.memref_squeeze %dma_start3A_196 : memref<1x80xi32, #tpu.memory_space<vmem>> -> memref<80xi32, #tpu.memory_space<vmem>>
        %dma_start3A_198 = arith.constant 0 : i32
        %dma_start3A_199 = arith.constant 0 : i32
        %dma_start3A_200 = tpu.memref_slice %arg2[%dma_start3A_198, %dma_start3A_199] : memref<40000x64xf32, #tpu.memory_space<hbm>> -> memref<40000x64xf32, #tpu.memory_space<hbm>>
        tpu.enqueue_indirect_dma source(%dma_start3A_200 : memref<40000x64xf32, #tpu.memory_space<hbm>>) target(%arg11 : memref<80x64xf32, #tpu.memory_space<vmem>>) offsets(%dma_start3A_197 : memref<80xi32, #tpu.memory_space<vmem>>) semaphore(%arg17 : memref<!tpu.dma_semaphore, #tpu.memory_space<semaphore_mem>>)
      } else {
      }
      %mul3A_159 = arith.constant 5 : i32
      %mul3A_160 = arith.muli %scan3A_108, %mul3A_159 : i32
      %add3A_161 = arith.constant 3 : i32
      %add3A_162 = arith.addi %mul3A_160, %add3A_161 : i32
      %dma_wait3A_163 = arith.constant 0 : i32
      %dma_wait3A_164 = tpu.memref_slice %arg7[%add3A_162, %dma_wait3A_163] : memref<250x80xi32, #tpu.memory_space<vmem>> -> memref<1x80xi32, #tpu.memory_space<vmem>>
      %dma_wait3A_165 = tpu.memref_squeeze %dma_wait3A_164 : memref<1x80xi32, #tpu.memory_space<vmem>> -> memref<80xi32, #tpu.memory_space<vmem>>
      %dma_wait3A_166 = arith.constant 0 : i32
      %dma_wait3A_167 = arith.constant 0 : i32
      %dma_wait3A_168 = tpu.memref_slice %arg2[%dma_wait3A_166, %dma_wait3A_167] : memref<40000x64xf32, #tpu.memory_space<hbm>> -> memref<40000x64xf32, #tpu.memory_space<hbm>>
      tpu.wait_indirect_dma semaphore(%arg18 : memref<!tpu.dma_semaphore, #tpu.memory_space<semaphore_mem>>) src(%dma_wait3A_168 : memref<40000x64xf32, #tpu.memory_space<hbm>>) dst(%arg12 : memref<80x64xf32, #tpu.memory_space<vmem>>)
      "tpu.region"() ({
        %run_scoped3A = tpu.sem_alloc : memref<!tpu.dma_semaphore, #tpu.memory_space<semaphore_mem>>
        %dma_start3A_193 = arith.constant 0 : i32
        %dma_start3A_194 = tpu.memref_slice %arg8[%add3A_162, %dma_start3A_193] : memref<250x80xi32, #tpu.memory_space<vmem>> -> memref<1x80xi32, #tpu.memory_space<vmem>>
        %dma_start3A_195 = tpu.memref_squeeze %dma_start3A_194 : memref<1x80xi32, #tpu.memory_space<vmem>> -> memref<80xi32, #tpu.memory_space<vmem>>
        %dma_start3A_196 = arith.constant 0 : i32
        %dma_start3A_197 = arith.constant 0 : i32
        %dma_start3A_198 = tpu.memref_slice %arg14[%dma_start3A_196, %dma_start3A_197] : memref<10008x64xf32, #tpu.memory_space<vmem_shared>> -> memref<10008x64xf32, #tpu.memory_space<vmem_shared>>
        tpu.enqueue_indirect_dma source(%arg12 : memref<80x64xf32, #tpu.memory_space<vmem>>) target(%dma_start3A_198 : memref<10008x64xf32, #tpu.memory_space<vmem_shared>>) offsets(%dma_start3A_195 : memref<80xi32, #tpu.memory_space<vmem>>) semaphore(%run_scoped3A : memref<!tpu.dma_semaphore, #tpu.memory_space<semaphore_mem>>) {add = true}
        %dma_wait3A_199 = arith.constant 0 : i32
        %dma_wait3A_200 = tpu.memref_slice %arg8[%add3A_162, %dma_wait3A_199] : memref<250x80xi32, #tpu.memory_space<vmem>> -> memref<1x80xi32, #tpu.memory_space<vmem>>
        %dma_wait3A_201 = tpu.memref_squeeze %dma_wait3A_200 : memref<1x80xi32, #tpu.memory_space<vmem>> -> memref<80xi32, #tpu.memory_space<vmem>>
        %dma_wait3A_202 = arith.constant 0 : i32
        %dma_wait3A_203 = arith.constant 0 : i32
        %dma_wait3A_204 = tpu.memref_slice %arg14[%dma_wait3A_202, %dma_wait3A_203] : memref<10008x64xf32, #tpu.memory_space<vmem_shared>> -> memref<10008x64xf32, #tpu.memory_space<vmem_shared>>
        tpu.wait_indirect_dma semaphore(%run_scoped3A : memref<!tpu.dma_semaphore, #tpu.memory_space<semaphore_mem>>) src(%arg12 : memref<80x64xf32, #tpu.memory_space<vmem>>) dst(%dma_wait3A_204 : memref<10008x64xf32, #tpu.memory_space<vmem_shared>>)
        tpu.yield
      }) : () -> ()
      %add3A_169 = arith.constant 5 : i32
      %add3A_170 = arith.addi %add3A_162, %add3A_169 : i32
      %lt3A_171 = arith.constant 250 : i32
      %lt3A_172 = arith.cmpi slt, %add3A_170, %lt3A_171 : i32
      %convert_element_type3A_173 = arith.extui %lt3A_172 : i1 to i32
      %cond3A_174 = arith.constant 0 : i32
      %cond3A_175 = arith.cmpi ne, %convert_element_type3A_173, %cond3A_174 : i32
      scf.if %cond3A_175 {
        %add3A_193 = arith.constant 5 : i32
        %add3A_194 = arith.addi %add3A_162, %add3A_193 : i32
        %dma_start3A_195 = arith.constant 0 : i32
        %dma_start3A_196 = tpu.memref_slice %arg7[%add3A_194, %dma_start3A_195] : memref<250x80xi32, #tpu.memory_space<vmem>> -> memref<1x80xi32, #tpu.memory_space<vmem>>
        %dma_start3A_197 = tpu.memref_squeeze %dma_start3A_196 : memref<1x80xi32, #tpu.memory_space<vmem>> -> memref<80xi32, #tpu.memory_space<vmem>>
        %dma_start3A_198 = arith.constant 0 : i32
        %dma_start3A_199 = arith.constant 0 : i32
        %dma_start3A_200 = tpu.memref_slice %arg2[%dma_start3A_198, %dma_start3A_199] : memref<40000x64xf32, #tpu.memory_space<hbm>> -> memref<40000x64xf32, #tpu.memory_space<hbm>>
        tpu.enqueue_indirect_dma source(%dma_start3A_200 : memref<40000x64xf32, #tpu.memory_space<hbm>>) target(%arg12 : memref<80x64xf32, #tpu.memory_space<vmem>>) offsets(%dma_start3A_197 : memref<80xi32, #tpu.memory_space<vmem>>) semaphore(%arg18 : memref<!tpu.dma_semaphore, #tpu.memory_space<semaphore_mem>>)
      } else {
      }
      %mul3A_176 = arith.constant 5 : i32
      %mul3A_177 = arith.muli %scan3A_108, %mul3A_176 : i32
      %add3A_178 = arith.constant 4 : i32
      %add3A_179 = arith.addi %mul3A_177, %add3A_178 : i32
      %dma_wait3A_180 = arith.constant 0 : i32
      %dma_wait3A_181 = tpu.memref_slice %arg7[%add3A_179, %dma_wait3A_180] : memref<250x80xi32, #tpu.memory_space<vmem>> -> memref<1x80xi32, #tpu.memory_space<vmem>>
      %dma_wait3A_182 = tpu.memref_squeeze %dma_wait3A_181 : memref<1x80xi32, #tpu.memory_space<vmem>> -> memref<80xi32, #tpu.memory_space<vmem>>
      %dma_wait3A_183 = arith.constant 0 : i32
      %dma_wait3A_184 = arith.constant 0 : i32
      %dma_wait3A_185 = tpu.memref_slice %arg2[%dma_wait3A_183, %dma_wait3A_184] : memref<40000x64xf32, #tpu.memory_space<hbm>> -> memref<40000x64xf32, #tpu.memory_space<hbm>>
      tpu.wait_indirect_dma semaphore(%arg19 : memref<!tpu.dma_semaphore, #tpu.memory_space<semaphore_mem>>) src(%dma_wait3A_185 : memref<40000x64xf32, #tpu.memory_space<hbm>>) dst(%arg13 : memref<80x64xf32, #tpu.memory_space<vmem>>)
      "tpu.region"() ({
        %run_scoped3A = tpu.sem_alloc : memref<!tpu.dma_semaphore, #tpu.memory_space<semaphore_mem>>
        %dma_start3A_193 = arith.constant 0 : i32
        %dma_start3A_194 = tpu.memref_slice %arg8[%add3A_179, %dma_start3A_193] : memref<250x80xi32, #tpu.memory_space<vmem>> -> memref<1x80xi32, #tpu.memory_space<vmem>>
        %dma_start3A_195 = tpu.memref_squeeze %dma_start3A_194 : memref<1x80xi32, #tpu.memory_space<vmem>> -> memref<80xi32, #tpu.memory_space<vmem>>
        %dma_start3A_196 = arith.constant 0 : i32
        %dma_start3A_197 = arith.constant 0 : i32
        %dma_start3A_198 = tpu.memref_slice %arg14[%dma_start3A_196, %dma_start3A_197] : memref<10008x64xf32, #tpu.memory_space<vmem_shared>> -> memref<10008x64xf32, #tpu.memory_space<vmem_shared>>
        tpu.enqueue_indirect_dma source(%arg13 : memref<80x64xf32, #tpu.memory_space<vmem>>) target(%dma_start3A_198 : memref<10008x64xf32, #tpu.memory_space<vmem_shared>>) offsets(%dma_start3A_195 : memref<80xi32, #tpu.memory_space<vmem>>) semaphore(%run_scoped3A : memref<!tpu.dma_semaphore, #tpu.memory_space<semaphore_mem>>) {add = true}
        %dma_wait3A_199 = arith.constant 0 : i32
        %dma_wait3A_200 = tpu.memref_slice %arg8[%add3A_179, %dma_wait3A_199] : memref<250x80xi32, #tpu.memory_space<vmem>> -> memref<1x80xi32, #tpu.memory_space<vmem>>
        %dma_wait3A_201 = tpu.memref_squeeze %dma_wait3A_200 : memref<1x80xi32, #tpu.memory_space<vmem>> -> memref<80xi32, #tpu.memory_space<vmem>>
        %dma_wait3A_202 = arith.constant 0 : i32
        %dma_wait3A_203 = arith.constant 0 : i32
        %dma_wait3A_204 = tpu.memref_slice %arg14[%dma_wait3A_202, %dma_wait3A_203] : memref<10008x64xf32, #tpu.memory_space<vmem_shared>> -> memref<10008x64xf32, #tpu.memory_space<vmem_shared>>
        tpu.wait_indirect_dma semaphore(%run_scoped3A : memref<!tpu.dma_semaphore, #tpu.memory_space<semaphore_mem>>) src(%arg13 : memref<80x64xf32, #tpu.memory_space<vmem>>) dst(%dma_wait3A_204 : memref<10008x64xf32, #tpu.memory_space<vmem_shared>>)
        tpu.yield
      }) : () -> ()
      %add3A_186 = arith.constant 5 : i32
      %add3A_187 = arith.addi %add3A_179, %add3A_186 : i32
      %lt3A_188 = arith.constant 250 : i32
      %lt3A_189 = arith.cmpi slt, %add3A_187, %lt3A_188 : i32
      %convert_element_type3A_190 = arith.extui %lt3A_189 : i1 to i32
      %cond3A_191 = arith.constant 0 : i32
      %cond3A_192 = arith.cmpi ne, %convert_element_type3A_190, %cond3A_191 : i32
      scf.if %cond3A_192 {
        %add3A_193 = arith.constant 5 : i32
        %add3A_194 = arith.addi %add3A_179, %add3A_193 : i32
        %dma_start3A_195 = arith.constant 0 : i32
        %dma_start3A_196 = tpu.memref_slice %arg7[%add3A_194, %dma_start3A_195] : memref<250x80xi32, #tpu.memory_space<vmem>> -> memref<1x80xi32, #tpu.memory_space<vmem>>
        %dma_start3A_197 = tpu.memref_squeeze %dma_start3A_196 : memref<1x80xi32, #tpu.memory_space<vmem>> -> memref<80xi32, #tpu.memory_space<vmem>>
        %dma_start3A_198 = arith.constant 0 : i32
        %dma_start3A_199 = arith.constant 0 : i32
        %dma_start3A_200 = tpu.memref_slice %arg2[%dma_start3A_198, %dma_start3A_199] : memref<40000x64xf32, #tpu.memory_space<hbm>> -> memref<40000x64xf32, #tpu.memory_space<hbm>>
        tpu.enqueue_indirect_dma source(%dma_start3A_200 : memref<40000x64xf32, #tpu.memory_space<hbm>>) target(%arg13 : memref<80x64xf32, #tpu.memory_space<vmem>>) offsets(%dma_start3A_197 : memref<80xi32, #tpu.memory_space<vmem>>) semaphore(%arg19 : memref<!tpu.dma_semaphore, #tpu.memory_space<semaphore_mem>>)
      } else {
      }
    }
    %scan3A_43 = arith.constant 50 : i32
    %barrier3A_44 = arith.constant 0 : index
    tpu.barrier barrier_id(%barrier3A_44)
    %lt3A_45 = arith.constant 10 : i32
    %lt3A_46 = arith.cmpi slt, %arg1, %lt3A_45 : i32
    %convert_element_type3A_47 = arith.extui %lt3A_46 : i1 to i32
    %cond3A_48 = arith.constant 0 : i32
    %cond3A_49 = arith.cmpi ne, %convert_element_type3A_47, %cond3A_48 : i32
    scf.if %cond3A_49 {
      %mul3A_108 = arith.constant 1000 : i32
      %mul3A_109 = arith.muli %arg1, %mul3A_108 : i32
      %multiple_of3A = tpu.assume_multiple %mul3A_109, 8 : i32
      %add3A_110 = arith.constant 0 : i32
      %add3A_111 = arith.addi %add3A_110, %arg0 : i32
      %mul3A_112 = arith.constant 10000 : i32
      %mul3A_113 = arith.muli %add3A_111, %mul3A_112 : i32
      %mul3A_114 = arith.constant 1000 : i32
      %mul3A_115 = arith.muli %arg1, %mul3A_114 : i32
      %add3A_116 = arith.addi %mul3A_113, %mul3A_115 : i32
      %multiple_of3A_117 = tpu.assume_multiple %add3A_116, 8 : i32
      "tpu.region"() ({
        %run_scoped3A = tpu.sem_alloc : memref<!tpu.dma_semaphore, #tpu.memory_space<semaphore_mem>>
        %dma_start3A_118 = arith.constant 0 : i32
        %dma_start3A_119 = tpu.memref_slice %arg6[%multiple_of3A_117, %dma_start3A_118] : memref<40000x64xf32, #tpu.memory_space<hbm>> -> memref<1000x64xf32, #tpu.memory_space<hbm>>
        %dma_start3A_120 = arith.constant 0 : i32
        %dma_start3A_121 = tpu.memref_slice %arg14[%multiple_of3A, %dma_start3A_120] : memref<10008x64xf32, #tpu.memory_space<vmem_shared>> -> memref<1000x64xf32, #tpu.memory_space<vmem_shared>>
        tpu.enqueue_dma source(%dma_start3A_121 : memref<1000x64xf32, #tpu.memory_space<vmem_shared>>) target(%dma_start3A_119 : memref<1000x64xf32, #tpu.memory_space<hbm>>) target_semaphore(%run_scoped3A : memref<!tpu.dma_semaphore, #tpu.memory_space<semaphore_mem>>)
        %dma_wait3A = arith.constant 0 : i32
        %dma_wait3A_122 = tpu.memref_slice %arg6[%multiple_of3A_117, %dma_wait3A] : memref<40000x64xf32, #tpu.memory_space<hbm>> -> memref<1000x64xf32, #tpu.memory_space<hbm>>
        %dma_wait3A_123 = arith.constant 0 : i32
        %dma_wait3A_124 = tpu.memref_slice %arg14[%multiple_of3A, %dma_wait3A_123] : memref<10008x64xf32, #tpu.memory_space<vmem_shared>> -> memref<1000x64xf32, #tpu.memory_space<vmem_shared>>
        tpu.wait_dma2 semaphore(%run_scoped3A : memref<!tpu.dma_semaphore, #tpu.memory_space<semaphore_mem>>) src(%dma_wait3A_124 : memref<1000x64xf32, #tpu.memory_space<vmem_shared>>) dst(%dma_wait3A_122 : memref<1000x64xf32, #tpu.memory_space<hbm>>)
        tpu.yield
      }) : () -> ()
    } else {
    }
    %mul3A_50 = arith.constant 16 : i32
    %mul3A_51 = arith.muli %arg0, %mul3A_50 : i32
    %add3A_52 = arith.constant 32 : i32
    %add3A_53 = arith.addi %add3A_52, %mul3A_51 : i32
    %add3A_54 = arith.addi %add3A_53, %arg1 : i32
    "tpu.region"() ({
      %run_scoped3A = tpu.sem_alloc : memref<!tpu.dma_semaphore, #tpu.memory_space<semaphore_mem>>
      %dma_start3A_108 = arith.constant 0 : i32
      %dma_start3A_109 = arith.constant 0 : i32
      %dma_start3A_110 = tpu.memref_slice %arg3[%add3A_54, %dma_start3A_108, %dma_start3A_109] : memref<64x250x80xi32, #tpu.memory_space<hbm>> -> memref<1x250x80xi32, #tpu.memory_space<hbm>>
      %dma_start3A_111 = tpu.memref_squeeze %dma_start3A_110 : memref<1x250x80xi32, #tpu.memory_space<hbm>> -> memref<250x80xi32, #tpu.memory_space<hbm>>
      %dma_start3A_112 = arith.constant 0 : i32
      %dma_start3A_113 = arith.constant 0 : i32
      %dma_start3A_114 = tpu.memref_slice %arg3[%add3A_54, %dma_start3A_112, %dma_start3A_113] : memref<64x250x80xi32, #tpu.memory_space<hbm>> -> memref<1x250x80xi32, #tpu.memory_space<hbm>>
      %dma_start3A_115 = tpu.memref_squeeze %dma_start3A_114 : memref<1x250x80xi32, #tpu.memory_space<hbm>> -> memref<250x80xi32, #tpu.memory_space<hbm>>
      tpu.enqueue_dma source(%dma_start3A_115 : memref<250x80xi32, #tpu.memory_space<hbm>>) target(%arg7 : memref<250x80xi32, #tpu.memory_space<vmem>>) target_semaphore(%run_scoped3A : memref<!tpu.dma_semaphore, #tpu.memory_space<semaphore_mem>>)
      %dma_wait3A = arith.constant 0 : i32
      %dma_wait3A_116 = arith.constant 0 : i32
      %dma_wait3A_117 = tpu.memref_slice %arg3[%add3A_54, %dma_wait3A, %dma_wait3A_116] : memref<64x250x80xi32, #tpu.memory_space<hbm>> -> memref<1x250x80xi32, #tpu.memory_space<hbm>>
      %dma_wait3A_118 = tpu.memref_squeeze %dma_wait3A_117 : memref<1x250x80xi32, #tpu.memory_space<hbm>> -> memref<250x80xi32, #tpu.memory_space<hbm>>
      %dma_wait3A_119 = arith.constant 0 : i32
      %dma_wait3A_120 = arith.constant 0 : i32
      %dma_wait3A_121 = tpu.memref_slice %arg3[%add3A_54, %dma_wait3A_119, %dma_wait3A_120] : memref<64x250x80xi32, #tpu.memory_space<hbm>> -> memref<1x250x80xi32, #tpu.memory_space<hbm>>
      %dma_wait3A_122 = tpu.memref_squeeze %dma_wait3A_121 : memref<1x250x80xi32, #tpu.memory_space<hbm>> -> memref<250x80xi32, #tpu.memory_space<hbm>>
      tpu.wait_dma2 semaphore(%run_scoped3A : memref<!tpu.dma_semaphore, #tpu.memory_space<semaphore_mem>>) src(%dma_wait3A_122 : memref<250x80xi32, #tpu.memory_space<hbm>>) dst(%arg7 : memref<250x80xi32, #tpu.memory_space<vmem>>)
      tpu.yield
    }) : () -> ()
    %lt3A_55 = arith.constant 10 : i32
    %lt3A_56 = arith.cmpi slt, %arg1, %lt3A_55 : i32
    %convert_element_type3A_57 = arith.extui %lt3A_56 : i1 to i32
    %cond3A_58 = arith.constant 0 : i32
    %cond3A_59 = arith.cmpi ne, %convert_element_type3A_57, %cond3A_58 : i32
    scf.if %cond3A_59 {
      %mul3A_108 = arith.constant 1000 : i32
      %mul3A_109 = arith.muli %arg1, %mul3A_108 : i32
      %multiple_of3A = tpu.assume_multiple %mul3A_109, 8 : i32
      "tpu.region"() ({
        %run_scoped3A = tpu.sem_alloc : memref<!tpu.dma_semaphore, #tpu.memory_space<semaphore_mem>>
        %dma_start3A_110 = arith.constant 0 : i32
        %dma_start3A_111 = tpu.memref_slice %arg14[%multiple_of3A, %dma_start3A_110] : memref<10008x64xf32, #tpu.memory_space<vmem_shared>> -> memref<1000x64xf32, #tpu.memory_space<vmem_shared>>
        tpu.enqueue_dma source(%arg5 : memref<1000x64xf32, #tpu.memory_space<hbm>>) target(%dma_start3A_111 : memref<1000x64xf32, #tpu.memory_space<vmem_shared>>) target_semaphore(%run_scoped3A : memref<!tpu.dma_semaphore, #tpu.memory_space<semaphore_mem>>)
        %dma_wait3A = arith.constant 0 : i32
        %dma_wait3A_112 = tpu.memref_slice %arg14[%multiple_of3A, %dma_wait3A] : memref<10008x64xf32, #tpu.memory_space<vmem_shared>> -> memref<1000x64xf32, #tpu.memory_space<vmem_shared>>
        tpu.wait_dma2 semaphore(%run_scoped3A : memref<!tpu.dma_semaphore, #tpu.memory_space<semaphore_mem>>) src(%arg5 : memref<1000x64xf32, #tpu.memory_space<hbm>>) dst(%dma_wait3A_112 : memref<1000x64xf32, #tpu.memory_space<vmem_shared>>)
        tpu.yield
      }) : () -> ()
    } else {
    }
    %barrier3A_60 = arith.constant 0 : index
    tpu.barrier barrier_id(%barrier3A_60)
    %dma_start3A_61 = arith.constant 0 : i32
    %dma_start3A_62 = arith.constant 0 : i32
    %dma_start3A_63 = tpu.memref_slice %arg7[%dma_start3A_61, %dma_start3A_62] : memref<250x80xi32, #tpu.memory_space<vmem>> -> memref<1x80xi32, #tpu.memory_space<vmem>>
    %dma_start3A_64 = tpu.memref_squeeze %dma_start3A_63 : memref<1x80xi32, #tpu.memory_space<vmem>> -> memref<80xi32, #tpu.memory_space<vmem>>
    %dma_start3A_65 = arith.constant 0 : i32
    %dma_start3A_66 = arith.constant 0 : i32
    %dma_start3A_67 = tpu.memref_slice %arg2[%dma_start3A_65, %dma_start3A_66] : memref<40000x64xf32, #tpu.memory_space<hbm>> -> memref<40000x64xf32, #tpu.memory_space<hbm>>
    tpu.enqueue_indirect_dma source(%dma_start3A_67 : memref<40000x64xf32, #tpu.memory_space<hbm>>) target(%arg9 : memref<80x64xf32, #tpu.memory_space<vmem>>) offsets(%dma_start3A_64 : memref<80xi32, #tpu.memory_space<vmem>>) semaphore(%arg15 : memref<!tpu.dma_semaphore, #tpu.memory_space<semaphore_mem>>)
    %dma_start3A_68 = arith.constant 1 : i32
    %dma_start3A_69 = arith.constant 0 : i32
    %dma_start3A_70 = tpu.memref_slice %arg7[%dma_start3A_68, %dma_start3A_69] : memref<250x80xi32, #tpu.memory_space<vmem>> -> memref<1x80xi32, #tpu.memory_space<vmem>>
    %dma_start3A_71 = tpu.memref_squeeze %dma_start3A_70 : memref<1x80xi32, #tpu.memory_space<vmem>> -> memref<80xi32, #tpu.memory_space<vmem>>
    %dma_start3A_72 = arith.constant 0 : i32
    %dma_start3A_73 = arith.constant 0 : i32
    %dma_start3A_74 = tpu.memref_slice %arg2[%dma_start3A_72, %dma_start3A_73] : memref<40000x64xf32, #tpu.memory_space<hbm>> -> memref<40000x64xf32, #tpu.memory_space<hbm>>
    tpu.enqueue_indirect_dma source(%dma_start3A_74 : memref<40000x64xf32, #tpu.memory_space<hbm>>) target(%arg10 : memref<80x64xf32, #tpu.memory_space<vmem>>) offsets(%dma_start3A_71 : memref<80xi32, #tpu.memory_space<vmem>>) semaphore(%arg16 : memref<!tpu.dma_semaphore, #tpu.memory_space<semaphore_mem>>)
    %dma_start3A_75 = arith.constant 2 : i32
    %dma_start3A_76 = arith.constant 0 : i32
    %dma_start3A_77 = tpu.memref_slice %arg7[%dma_start3A_75, %dma_start3A_76] : memref<250x80xi32, #tpu.memory_space<vmem>> -> memref<1x80xi32, #tpu.memory_space<vmem>>
    %dma_start3A_78 = tpu.memref_squeeze %dma_start3A_77 : memref<1x80xi32, #tpu.memory_space<vmem>> -> memref<80xi32, #tpu.memory_space<vmem>>
    %dma_start3A_79 = arith.constant 0 : i32
    %dma_start3A_80 = arith.constant 0 : i32
    %dma_start3A_81 = tpu.memref_slice %arg2[%dma_start3A_79, %dma_start3A_80] : memref<40000x64xf32, #tpu.memory_space<hbm>> -> memref<40000x64xf32, #tpu.memory_space<hbm>>
    tpu.enqueue_indirect_dma source(%dma_start3A_81 : memref<40000x64xf32, #tpu.memory_space<hbm>>) target(%arg11 : memref<80x64xf32, #tpu.memory_space<vmem>>) offsets(%dma_start3A_78 : memref<80xi32, #tpu.memory_space<vmem>>) semaphore(%arg17 : memref<!tpu.dma_semaphore, #tpu.memory_space<semaphore_mem>>)
    %dma_start3A_82 = arith.constant 3 : i32
    %dma_start3A_83 = arith.constant 0 : i32
    %dma_start3A_84 = tpu.memref_slice %arg7[%dma_start3A_82, %dma_start3A_83] : memref<250x80xi32, #tpu.memory_space<vmem>> -> memref<1x80xi32, #tpu.memory_space<vmem>>
    %dma_start3A_85 = tpu.memref_squeeze %dma_start3A_84 : memref<1x80xi32, #tpu.memory_space<vmem>> -> memref<80xi32, #tpu.memory_space<vmem>>
    %dma_start3A_86 = arith.constant 0 : i32
    %dma_start3A_87 = arith.constant 0 : i32
    %dma_start3A_88 = tpu.memref_slice %arg2[%dma_start3A_86, %dma_start3A_87] : memref<40000x64xf32, #tpu.memory_space<hbm>> -> memref<40000x64xf32, #tpu.memory_space<hbm>>
    tpu.enqueue_indirect_dma source(%dma_start3A_88 : memref<40000x64xf32, #tpu.memory_space<hbm>>) target(%arg12 : memref<80x64xf32, #tpu.memory_space<vmem>>) offsets(%dma_start3A_85 : memref<80xi32, #tpu.memory_space<vmem>>) semaphore(%arg18 : memref<!tpu.dma_semaphore, #tpu.memory_space<semaphore_mem>>)
    %dma_start3A_89 = arith.constant 4 : i32
    %dma_start3A_90 = arith.constant 0 : i32
    %dma_start3A_91 = tpu.memref_slice %arg7[%dma_start3A_89, %dma_start3A_90] : memref<250x80xi32, #tpu.memory_space<vmem>> -> memref<1x80xi32, #tpu.memory_space<vmem>>
    %dma_start3A_92 = tpu.memref_squeeze %dma_start3A_91 : memref<1x80xi32, #tpu.memory_space<vmem>> -> memref<80xi32, #tpu.memory_space<vmem>>
    %dma_start3A_93 = arith.constant 0 : i32
    %dma_start3A_94 = arith.constant 0 : i32
    %dma_start3A_95 = tpu.memref_slice %arg2[%dma_start3A_93, %dma_start3A_94] : memref<40000x64xf32, #tpu.memory_space<hbm>> -> memref<40000x64xf32, #tpu.memory_space<hbm>>
    tpu.enqueue_indirect_dma source(%dma_start3A_95 : memref<40000x64xf32, #tpu.memory_space<hbm>>) target(%arg13 : memref<80x64xf32, #tpu.memory_space<vmem>>) offsets(%dma_start3A_92 : memref<80xi32, #tpu.memory_space<vmem>>) semaphore(%arg19 : memref<!tpu.dma_semaphore, #tpu.memory_space<semaphore_mem>>)
    %scan3A_96 = arith.constant 0 : i32
    %scan3A_97 = arith.constant 0 : i32
    %scan3A_98 = arith.constant 50 : i32
    %scan3A_99 = arith.addi %scan3A_97, %scan3A_98 : i32
    %scan3A_100 = arith.constant 1 : i32
    scf.for %scan3A_108 = %scan3A_97 to %scan3A_99 step %scan3A_100  : i32 {
      %mul3A_109 = arith.constant 5 : i32
      %mul3A_110 = arith.muli %scan3A_108, %mul3A_109 : i32
      %add3A_111 = arith.constant 0 : i32
      %add3A_112 = arith.addi %mul3A_110, %add3A_111 : i32
      %dma_wait3A = arith.constant 0 : i32
      %dma_wait3A_113 = tpu.memref_slice %arg7[%add3A_112, %dma_wait3A] : memref<250x80xi32, #tpu.memory_space<vmem>> -> memref<1x80xi32, #tpu.memory_space<vmem>>
      %dma_wait3A_114 = tpu.memref_squeeze %dma_wait3A_113 : memref<1x80xi32, #tpu.memory_space<vmem>> -> memref<80xi32, #tpu.memory_space<vmem>>
      %dma_wait3A_115 = arith.constant 0 : i32
      %dma_wait3A_116 = arith.constant 0 : i32
      %dma_wait3A_117 = tpu.memref_slice %arg2[%dma_wait3A_115, %dma_wait3A_116] : memref<40000x64xf32, #tpu.memory_space<hbm>> -> memref<40000x64xf32, #tpu.memory_space<hbm>>
      tpu.wait_indirect_dma semaphore(%arg15 : memref<!tpu.dma_semaphore, #tpu.memory_space<semaphore_mem>>) src(%dma_wait3A_117 : memref<40000x64xf32, #tpu.memory_space<hbm>>) dst(%arg9 : memref<80x64xf32, #tpu.memory_space<vmem>>)
      "tpu.region"() ({
        %run_scoped3A = tpu.sem_alloc : memref<!tpu.dma_semaphore, #tpu.memory_space<semaphore_mem>>
        %dma_start3A_193 = arith.constant 0 : i32
        %dma_start3A_194 = tpu.memref_slice %arg8[%add3A_112, %dma_start3A_193] : memref<250x80xi32, #tpu.memory_space<vmem>> -> memref<1x80xi32, #tpu.memory_space<vmem>>
        %dma_start3A_195 = tpu.memref_squeeze %dma_start3A_194 : memref<1x80xi32, #tpu.memory_space<vmem>> -> memref<80xi32, #tpu.memory_space<vmem>>
        %dma_start3A_196 = arith.constant 0 : i32
        %dma_start3A_197 = arith.constant 0 : i32
        %dma_start3A_198 = tpu.memref_slice %arg14[%dma_start3A_196, %dma_start3A_197] : memref<10008x64xf32, #tpu.memory_space<vmem_shared>> -> memref<10008x64xf32, #tpu.memory_space<vmem_shared>>
        tpu.enqueue_indirect_dma source(%arg9 : memref<80x64xf32, #tpu.memory_space<vmem>>) target(%dma_start3A_198 : memref<10008x64xf32, #tpu.memory_space<vmem_shared>>) offsets(%dma_start3A_195 : memref<80xi32, #tpu.memory_space<vmem>>) semaphore(%run_scoped3A : memref<!tpu.dma_semaphore, #tpu.memory_space<semaphore_mem>>) {add = true}
        %dma_wait3A_199 = arith.constant 0 : i32
        %dma_wait3A_200 = tpu.memref_slice %arg8[%add3A_112, %dma_wait3A_199] : memref<250x80xi32, #tpu.memory_space<vmem>> -> memref<1x80xi32, #tpu.memory_space<vmem>>
        %dma_wait3A_201 = tpu.memref_squeeze %dma_wait3A_200 : memref<1x80xi32, #tpu.memory_space<vmem>> -> memref<80xi32, #tpu.memory_space<vmem>>
        %dma_wait3A_202 = arith.constant 0 : i32
        %dma_wait3A_203 = arith.constant 0 : i32
        %dma_wait3A_204 = tpu.memref_slice %arg14[%dma_wait3A_202, %dma_wait3A_203] : memref<10008x64xf32, #tpu.memory_space<vmem_shared>> -> memref<10008x64xf32, #tpu.memory_space<vmem_shared>>
        tpu.wait_indirect_dma semaphore(%run_scoped3A : memref<!tpu.dma_semaphore, #tpu.memory_space<semaphore_mem>>) src(%arg9 : memref<80x64xf32, #tpu.memory_space<vmem>>) dst(%dma_wait3A_204 : memref<10008x64xf32, #tpu.memory_space<vmem_shared>>)
        tpu.yield
      }) : () -> ()
      %add3A_118 = arith.constant 5 : i32
      %add3A_119 = arith.addi %add3A_112, %add3A_118 : i32
      %lt3A_120 = arith.constant 250 : i32
      %lt3A_121 = arith.cmpi slt, %add3A_119, %lt3A_120 : i32
      %convert_element_type3A_122 = arith.extui %lt3A_121 : i1 to i32
      %cond3A_123 = arith.constant 0 : i32
      %cond3A_124 = arith.cmpi ne, %convert_element_type3A_122, %cond3A_123 : i32
      scf.if %cond3A_124 {
        %add3A_193 = arith.constant 5 : i32
        %add3A_194 = arith.addi %add3A_112, %add3A_193 : i32
        %dma_start3A_195 = arith.constant 0 : i32
        %dma_start3A_196 = tpu.memref_slice %arg7[%add3A_194, %dma_start3A_195] : memref<250x80xi32, #tpu.memory_space<vmem>> -> memref<1x80xi32, #tpu.memory_space<vmem>>
        %dma_start3A_197 = tpu.memref_squeeze %dma_start3A_196 : memref<1x80xi32, #tpu.memory_space<vmem>> -> memref<80xi32, #tpu.memory_space<vmem>>
        %dma_start3A_198 = arith.constant 0 : i32
        %dma_start3A_199 = arith.constant 0 : i32
        %dma_start3A_200 = tpu.memref_slice %arg2[%dma_start3A_198, %dma_start3A_199] : memref<40000x64xf32, #tpu.memory_space<hbm>> -> memref<40000x64xf32, #tpu.memory_space<hbm>>
        tpu.enqueue_indirect_dma source(%dma_start3A_200 : memref<40000x64xf32, #tpu.memory_space<hbm>>) target(%arg9 : memref<80x64xf32, #tpu.memory_space<vmem>>) offsets(%dma_start3A_197 : memref<80xi32, #tpu.memory_space<vmem>>) semaphore(%arg15 : memref<!tpu.dma_semaphore, #tpu.memory_space<semaphore_mem>>)
      } else {
      }
      %mul3A_125 = arith.constant 5 : i32
      %mul3A_126 = arith.muli %scan3A_108, %mul3A_125 : i32
      %add3A_127 = arith.constant 1 : i32
      %add3A_128 = arith.addi %mul3A_126, %add3A_127 : i32
      %dma_wait3A_129 = arith.constant 0 : i32
      %dma_wait3A_130 = tpu.memref_slice %arg7[%add3A_128, %dma_wait3A_129] : memref<250x80xi32, #tpu.memory_space<vmem>> -> memref<1x80xi32, #tpu.memory_space<vmem>>
      %dma_wait3A_131 = tpu.memref_squeeze %dma_wait3A_130 : memref<1x80xi32, #tpu.memory_space<vmem>> -> memref<80xi32, #tpu.memory_space<vmem>>
      %dma_wait3A_132 = arith.constant 0 : i32
      %dma_wait3A_133 = arith.constant 0 : i32
      %dma_wait3A_134 = tpu.memref_slice %arg2[%dma_wait3A_132, %dma_wait3A_133] : memref<40000x64xf32, #tpu.memory_space<hbm>> -> memref<40000x64xf32, #tpu.memory_space<hbm>>
      tpu.wait_indirect_dma semaphore(%arg16 : memref<!tpu.dma_semaphore, #tpu.memory_space<semaphore_mem>>) src(%dma_wait3A_134 : memref<40000x64xf32, #tpu.memory_space<hbm>>) dst(%arg10 : memref<80x64xf32, #tpu.memory_space<vmem>>)
      "tpu.region"() ({
        %run_scoped3A = tpu.sem_alloc : memref<!tpu.dma_semaphore, #tpu.memory_space<semaphore_mem>>
        %dma_start3A_193 = arith.constant 0 : i32
        %dma_start3A_194 = tpu.memref_slice %arg8[%add3A_128, %dma_start3A_193] : memref<250x80xi32, #tpu.memory_space<vmem>> -> memref<1x80xi32, #tpu.memory_space<vmem>>
        %dma_start3A_195 = tpu.memref_squeeze %dma_start3A_194 : memref<1x80xi32, #tpu.memory_space<vmem>> -> memref<80xi32, #tpu.memory_space<vmem>>
        %dma_start3A_196 = arith.constant 0 : i32
        %dma_start3A_197 = arith.constant 0 : i32
        %dma_start3A_198 = tpu.memref_slice %arg14[%dma_start3A_196, %dma_start3A_197] : memref<10008x64xf32, #tpu.memory_space<vmem_shared>> -> memref<10008x64xf32, #tpu.memory_space<vmem_shared>>
        tpu.enqueue_indirect_dma source(%arg10 : memref<80x64xf32, #tpu.memory_space<vmem>>) target(%dma_start3A_198 : memref<10008x64xf32, #tpu.memory_space<vmem_shared>>) offsets(%dma_start3A_195 : memref<80xi32, #tpu.memory_space<vmem>>) semaphore(%run_scoped3A : memref<!tpu.dma_semaphore, #tpu.memory_space<semaphore_mem>>) {add = true}
        %dma_wait3A_199 = arith.constant 0 : i32
        %dma_wait3A_200 = tpu.memref_slice %arg8[%add3A_128, %dma_wait3A_199] : memref<250x80xi32, #tpu.memory_space<vmem>> -> memref<1x80xi32, #tpu.memory_space<vmem>>
        %dma_wait3A_201 = tpu.memref_squeeze %dma_wait3A_200 : memref<1x80xi32, #tpu.memory_space<vmem>> -> memref<80xi32, #tpu.memory_space<vmem>>
        %dma_wait3A_202 = arith.constant 0 : i32
        %dma_wait3A_203 = arith.constant 0 : i32
        %dma_wait3A_204 = tpu.memref_slice %arg14[%dma_wait3A_202, %dma_wait3A_203] : memref<10008x64xf32, #tpu.memory_space<vmem_shared>> -> memref<10008x64xf32, #tpu.memory_space<vmem_shared>>
        tpu.wait_indirect_dma semaphore(%run_scoped3A : memref<!tpu.dma_semaphore, #tpu.memory_space<semaphore_mem>>) src(%arg10 : memref<80x64xf32, #tpu.memory_space<vmem>>) dst(%dma_wait3A_204 : memref<10008x64xf32, #tpu.memory_space<vmem_shared>>)
        tpu.yield
      }) : () -> ()
      %add3A_135 = arith.constant 5 : i32
      %add3A_136 = arith.addi %add3A_128, %add3A_135 : i32
      %lt3A_137 = arith.constant 250 : i32
      %lt3A_138 = arith.cmpi slt, %add3A_136, %lt3A_137 : i32
      %convert_element_type3A_139 = arith.extui %lt3A_138 : i1 to i32
      %cond3A_140 = arith.constant 0 : i32
      %cond3A_141 = arith.cmpi ne, %convert_element_type3A_139, %cond3A_140 : i32
      scf.if %cond3A_141 {
        %add3A_193 = arith.constant 5 : i32
        %add3A_194 = arith.addi %add3A_128, %add3A_193 : i32
        %dma_start3A_195 = arith.constant 0 : i32
        %dma_start3A_196 = tpu.memref_slice %arg7[%add3A_194, %dma_start3A_195] : memref<250x80xi32, #tpu.memory_space<vmem>> -> memref<1x80xi32, #tpu.memory_space<vmem>>
        %dma_start3A_197 = tpu.memref_squeeze %dma_start3A_196 : memref<1x80xi32, #tpu.memory_space<vmem>> -> memref<80xi32, #tpu.memory_space<vmem>>
        %dma_start3A_198 = arith.constant 0 : i32
        %dma_start3A_199 = arith.constant 0 : i32
        %dma_start3A_200 = tpu.memref_slice %arg2[%dma_start3A_198, %dma_start3A_199] : memref<40000x64xf32, #tpu.memory_space<hbm>> -> memref<40000x64xf32, #tpu.memory_space<hbm>>
        tpu.enqueue_indirect_dma source(%dma_start3A_200 : memref<40000x64xf32, #tpu.memory_space<hbm>>) target(%arg10 : memref<80x64xf32, #tpu.memory_space<vmem>>) offsets(%dma_start3A_197 : memref<80xi32, #tpu.memory_space<vmem>>) semaphore(%arg16 : memref<!tpu.dma_semaphore, #tpu.memory_space<semaphore_mem>>)
      } else {
      }
      %mul3A_142 = arith.constant 5 : i32
      %mul3A_143 = arith.muli %scan3A_108, %mul3A_142 : i32
      %add3A_144 = arith.constant 2 : i32
      %add3A_145 = arith.addi %mul3A_143, %add3A_144 : i32
      %dma_wait3A_146 = arith.constant 0 : i32
      %dma_wait3A_147 = tpu.memref_slice %arg7[%add3A_145, %dma_wait3A_146] : memref<250x80xi32, #tpu.memory_space<vmem>> -> memref<1x80xi32, #tpu.memory_space<vmem>>
      %dma_wait3A_148 = tpu.memref_squeeze %dma_wait3A_147 : memref<1x80xi32, #tpu.memory_space<vmem>> -> memref<80xi32, #tpu.memory_space<vmem>>
      %dma_wait3A_149 = arith.constant 0 : i32
      %dma_wait3A_150 = arith.constant 0 : i32
      %dma_wait3A_151 = tpu.memref_slice %arg2[%dma_wait3A_149, %dma_wait3A_150] : memref<40000x64xf32, #tpu.memory_space<hbm>> -> memref<40000x64xf32, #tpu.memory_space<hbm>>
      tpu.wait_indirect_dma semaphore(%arg17 : memref<!tpu.dma_semaphore, #tpu.memory_space<semaphore_mem>>) src(%dma_wait3A_151 : memref<40000x64xf32, #tpu.memory_space<hbm>>) dst(%arg11 : memref<80x64xf32, #tpu.memory_space<vmem>>)
      "tpu.region"() ({
        %run_scoped3A = tpu.sem_alloc : memref<!tpu.dma_semaphore, #tpu.memory_space<semaphore_mem>>
        %dma_start3A_193 = arith.constant 0 : i32
        %dma_start3A_194 = tpu.memref_slice %arg8[%add3A_145, %dma_start3A_193] : memref<250x80xi32, #tpu.memory_space<vmem>> -> memref<1x80xi32, #tpu.memory_space<vmem>>
        %dma_start3A_195 = tpu.memref_squeeze %dma_start3A_194 : memref<1x80xi32, #tpu.memory_space<vmem>> -> memref<80xi32, #tpu.memory_space<vmem>>
        %dma_start3A_196 = arith.constant 0 : i32
        %dma_start3A_197 = arith.constant 0 : i32
        %dma_start3A_198 = tpu.memref_slice %arg14[%dma_start3A_196, %dma_start3A_197] : memref<10008x64xf32, #tpu.memory_space<vmem_shared>> -> memref<10008x64xf32, #tpu.memory_space<vmem_shared>>
        tpu.enqueue_indirect_dma source(%arg11 : memref<80x64xf32, #tpu.memory_space<vmem>>) target(%dma_start3A_198 : memref<10008x64xf32, #tpu.memory_space<vmem_shared>>) offsets(%dma_start3A_195 : memref<80xi32, #tpu.memory_space<vmem>>) semaphore(%run_scoped3A : memref<!tpu.dma_semaphore, #tpu.memory_space<semaphore_mem>>) {add = true}
        %dma_wait3A_199 = arith.constant 0 : i32
        %dma_wait3A_200 = tpu.memref_slice %arg8[%add3A_145, %dma_wait3A_199] : memref<250x80xi32, #tpu.memory_space<vmem>> -> memref<1x80xi32, #tpu.memory_space<vmem>>
        %dma_wait3A_201 = tpu.memref_squeeze %dma_wait3A_200 : memref<1x80xi32, #tpu.memory_space<vmem>> -> memref<80xi32, #tpu.memory_space<vmem>>
        %dma_wait3A_202 = arith.constant 0 : i32
        %dma_wait3A_203 = arith.constant 0 : i32
        %dma_wait3A_204 = tpu.memref_slice %arg14[%dma_wait3A_202, %dma_wait3A_203] : memref<10008x64xf32, #tpu.memory_space<vmem_shared>> -> memref<10008x64xf32, #tpu.memory_space<vmem_shared>>
        tpu.wait_indirect_dma semaphore(%run_scoped3A : memref<!tpu.dma_semaphore, #tpu.memory_space<semaphore_mem>>) src(%arg11 : memref<80x64xf32, #tpu.memory_space<vmem>>) dst(%dma_wait3A_204 : memref<10008x64xf32, #tpu.memory_space<vmem_shared>>)
        tpu.yield
      }) : () -> ()
      %add3A_152 = arith.constant 5 : i32
      %add3A_153 = arith.addi %add3A_145, %add3A_152 : i32
      %lt3A_154 = arith.constant 250 : i32
      %lt3A_155 = arith.cmpi slt, %add3A_153, %lt3A_154 : i32
      %convert_element_type3A_156 = arith.extui %lt3A_155 : i1 to i32
      %cond3A_157 = arith.constant 0 : i32
      %cond3A_158 = arith.cmpi ne, %convert_element_type3A_156, %cond3A_157 : i32
      scf.if %cond3A_158 {
        %add3A_193 = arith.constant 5 : i32
        %add3A_194 = arith.addi %add3A_145, %add3A_193 : i32
        %dma_start3A_195 = arith.constant 0 : i32
        %dma_start3A_196 = tpu.memref_slice %arg7[%add3A_194, %dma_start3A_195] : memref<250x80xi32, #tpu.memory_space<vmem>> -> memref<1x80xi32, #tpu.memory_space<vmem>>
        %dma_start3A_197 = tpu.memref_squeeze %dma_start3A_196 : memref<1x80xi32, #tpu.memory_space<vmem>> -> memref<80xi32, #tpu.memory_space<vmem>>
        %dma_start3A_198 = arith.constant 0 : i32
        %dma_start3A_199 = arith.constant 0 : i32
        %dma_start3A_200 = tpu.memref_slice %arg2[%dma_start3A_198, %dma_start3A_199] : memref<40000x64xf32, #tpu.memory_space<hbm>> -> memref<40000x64xf32, #tpu.memory_space<hbm>>
        tpu.enqueue_indirect_dma source(%dma_start3A_200 : memref<40000x64xf32, #tpu.memory_space<hbm>>) target(%arg11 : memref<80x64xf32, #tpu.memory_space<vmem>>) offsets(%dma_start3A_197 : memref<80xi32, #tpu.memory_space<vmem>>) semaphore(%arg17 : memref<!tpu.dma_semaphore, #tpu.memory_space<semaphore_mem>>)
      } else {
      }
      %mul3A_159 = arith.constant 5 : i32
      %mul3A_160 = arith.muli %scan3A_108, %mul3A_159 : i32
      %add3A_161 = arith.constant 3 : i32
      %add3A_162 = arith.addi %mul3A_160, %add3A_161 : i32
      %dma_wait3A_163 = arith.constant 0 : i32
      %dma_wait3A_164 = tpu.memref_slice %arg7[%add3A_162, %dma_wait3A_163] : memref<250x80xi32, #tpu.memory_space<vmem>> -> memref<1x80xi32, #tpu.memory_space<vmem>>
      %dma_wait3A_165 = tpu.memref_squeeze %dma_wait3A_164 : memref<1x80xi32, #tpu.memory_space<vmem>> -> memref<80xi32, #tpu.memory_space<vmem>>
      %dma_wait3A_166 = arith.constant 0 : i32
      %dma_wait3A_167 = arith.constant 0 : i32
      %dma_wait3A_168 = tpu.memref_slice %arg2[%dma_wait3A_166, %dma_wait3A_167] : memref<40000x64xf32, #tpu.memory_space<hbm>> -> memref<40000x64xf32, #tpu.memory_space<hbm>>
      tpu.wait_indirect_dma semaphore(%arg18 : memref<!tpu.dma_semaphore, #tpu.memory_space<semaphore_mem>>) src(%dma_wait3A_168 : memref<40000x64xf32, #tpu.memory_space<hbm>>) dst(%arg12 : memref<80x64xf32, #tpu.memory_space<vmem>>)
      "tpu.region"() ({
        %run_scoped3A = tpu.sem_alloc : memref<!tpu.dma_semaphore, #tpu.memory_space<semaphore_mem>>
        %dma_start3A_193 = arith.constant 0 : i32
        %dma_start3A_194 = tpu.memref_slice %arg8[%add3A_162, %dma_start3A_193] : memref<250x80xi32, #tpu.memory_space<vmem>> -> memref<1x80xi32, #tpu.memory_space<vmem>>
        %dma_start3A_195 = tpu.memref_squeeze %dma_start3A_194 : memref<1x80xi32, #tpu.memory_space<vmem>> -> memref<80xi32, #tpu.memory_space<vmem>>
        %dma_start3A_196 = arith.constant 0 : i32
        %dma_start3A_197 = arith.constant 0 : i32
        %dma_start3A_198 = tpu.memref_slice %arg14[%dma_start3A_196, %dma_start3A_197] : memref<10008x64xf32, #tpu.memory_space<vmem_shared>> -> memref<10008x64xf32, #tpu.memory_space<vmem_shared>>
        tpu.enqueue_indirect_dma source(%arg12 : memref<80x64xf32, #tpu.memory_space<vmem>>) target(%dma_start3A_198 : memref<10008x64xf32, #tpu.memory_space<vmem_shared>>) offsets(%dma_start3A_195 : memref<80xi32, #tpu.memory_space<vmem>>) semaphore(%run_scoped3A : memref<!tpu.dma_semaphore, #tpu.memory_space<semaphore_mem>>) {add = true}
        %dma_wait3A_199 = arith.constant 0 : i32
        %dma_wait3A_200 = tpu.memref_slice %arg8[%add3A_162, %dma_wait3A_199] : memref<250x80xi32, #tpu.memory_space<vmem>> -> memref<1x80xi32, #tpu.memory_space<vmem>>
        %dma_wait3A_201 = tpu.memref_squeeze %dma_wait3A_200 : memref<1x80xi32, #tpu.memory_space<vmem>> -> memref<80xi32, #tpu.memory_space<vmem>>
        %dma_wait3A_202 = arith.constant 0 : i32
        %dma_wait3A_203 = arith.constant 0 : i32
        %dma_wait3A_204 = tpu.memref_slice %arg14[%dma_wait3A_202, %dma_wait3A_203] : memref<10008x64xf32, #tpu.memory_space<vmem_shared>> -> memref<10008x64xf32, #tpu.memory_space<vmem_shared>>
        tpu.wait_indirect_dma semaphore(%run_scoped3A : memref<!tpu.dma_semaphore, #tpu.memory_space<semaphore_mem>>) src(%arg12 : memref<80x64xf32, #tpu.memory_space<vmem>>) dst(%dma_wait3A_204 : memref<10008x64xf32, #tpu.memory_space<vmem_shared>>)
        tpu.yield
      }) : () -> ()
      %add3A_169 = arith.constant 5 : i32
      %add3A_170 = arith.addi %add3A_162, %add3A_169 : i32
      %lt3A_171 = arith.constant 250 : i32
      %lt3A_172 = arith.cmpi slt, %add3A_170, %lt3A_171 : i32
      %convert_element_type3A_173 = arith.extui %lt3A_172 : i1 to i32
      %cond3A_174 = arith.constant 0 : i32
      %cond3A_175 = arith.cmpi ne, %convert_element_type3A_173, %cond3A_174 : i32
      scf.if %cond3A_175 {
        %add3A_193 = arith.constant 5 : i32
        %add3A_194 = arith.addi %add3A_162, %add3A_193 : i32
        %dma_start3A_195 = arith.constant 0 : i32
        %dma_start3A_196 = tpu.memref_slice %arg7[%add3A_194, %dma_start3A_195] : memref<250x80xi32, #tpu.memory_space<vmem>> -> memref<1x80xi32, #tpu.memory_space<vmem>>
        %dma_start3A_197 = tpu.memref_squeeze %dma_start3A_196 : memref<1x80xi32, #tpu.memory_space<vmem>> -> memref<80xi32, #tpu.memory_space<vmem>>
        %dma_start3A_198 = arith.constant 0 : i32
        %dma_start3A_199 = arith.constant 0 : i32
        %dma_start3A_200 = tpu.memref_slice %arg2[%dma_start3A_198, %dma_start3A_199] : memref<40000x64xf32, #tpu.memory_space<hbm>> -> memref<40000x64xf32, #tpu.memory_space<hbm>>
        tpu.enqueue_indirect_dma source(%dma_start3A_200 : memref<40000x64xf32, #tpu.memory_space<hbm>>) target(%arg12 : memref<80x64xf32, #tpu.memory_space<vmem>>) offsets(%dma_start3A_197 : memref<80xi32, #tpu.memory_space<vmem>>) semaphore(%arg18 : memref<!tpu.dma_semaphore, #tpu.memory_space<semaphore_mem>>)
      } else {
      }
      %mul3A_176 = arith.constant 5 : i32
      %mul3A_177 = arith.muli %scan3A_108, %mul3A_176 : i32
      %add3A_178 = arith.constant 4 : i32
      %add3A_179 = arith.addi %mul3A_177, %add3A_178 : i32
      %dma_wait3A_180 = arith.constant 0 : i32
      %dma_wait3A_181 = tpu.memref_slice %arg7[%add3A_179, %dma_wait3A_180] : memref<250x80xi32, #tpu.memory_space<vmem>> -> memref<1x80xi32, #tpu.memory_space<vmem>>
      %dma_wait3A_182 = tpu.memref_squeeze %dma_wait3A_181 : memref<1x80xi32, #tpu.memory_space<vmem>> -> memref<80xi32, #tpu.memory_space<vmem>>
      %dma_wait3A_183 = arith.constant 0 : i32
      %dma_wait3A_184 = arith.constant 0 : i32
      %dma_wait3A_185 = tpu.memref_slice %arg2[%dma_wait3A_183, %dma_wait3A_184] : memref<40000x64xf32, #tpu.memory_space<hbm>> -> memref<40000x64xf32, #tpu.memory_space<hbm>>
      tpu.wait_indirect_dma semaphore(%arg19 : memref<!tpu.dma_semaphore, #tpu.memory_space<semaphore_mem>>) src(%dma_wait3A_185 : memref<40000x64xf32, #tpu.memory_space<hbm>>) dst(%arg13 : memref<80x64xf32, #tpu.memory_space<vmem>>)
      "tpu.region"() ({
        %run_scoped3A = tpu.sem_alloc : memref<!tpu.dma_semaphore, #tpu.memory_space<semaphore_mem>>
        %dma_start3A_193 = arith.constant 0 : i32
        %dma_start3A_194 = tpu.memref_slice %arg8[%add3A_179, %dma_start3A_193] : memref<250x80xi32, #tpu.memory_space<vmem>> -> memref<1x80xi32, #tpu.memory_space<vmem>>
        %dma_start3A_195 = tpu.memref_squeeze %dma_start3A_194 : memref<1x80xi32, #tpu.memory_space<vmem>> -> memref<80xi32, #tpu.memory_space<vmem>>
        %dma_start3A_196 = arith.constant 0 : i32
        %dma_start3A_197 = arith.constant 0 : i32
        %dma_start3A_198 = tpu.memref_slice %arg14[%dma_start3A_196, %dma_start3A_197] : memref<10008x64xf32, #tpu.memory_space<vmem_shared>> -> memref<10008x64xf32, #tpu.memory_space<vmem_shared>>
        tpu.enqueue_indirect_dma source(%arg13 : memref<80x64xf32, #tpu.memory_space<vmem>>) target(%dma_start3A_198 : memref<10008x64xf32, #tpu.memory_space<vmem_shared>>) offsets(%dma_start3A_195 : memref<80xi32, #tpu.memory_space<vmem>>) semaphore(%run_scoped3A : memref<!tpu.dma_semaphore, #tpu.memory_space<semaphore_mem>>) {add = true}
        %dma_wait3A_199 = arith.constant 0 : i32
        %dma_wait3A_200 = tpu.memref_slice %arg8[%add3A_179, %dma_wait3A_199] : memref<250x80xi32, #tpu.memory_space<vmem>> -> memref<1x80xi32, #tpu.memory_space<vmem>>
        %dma_wait3A_201 = tpu.memref_squeeze %dma_wait3A_200 : memref<1x80xi32, #tpu.memory_space<vmem>> -> memref<80xi32, #tpu.memory_space<vmem>>
        %dma_wait3A_202 = arith.constant 0 : i32
        %dma_wait3A_203 = arith.constant 0 : i32
        %dma_wait3A_204 = tpu.memref_slice %arg14[%dma_wait3A_202, %dma_wait3A_203] : memref<10008x64xf32, #tpu.memory_space<vmem_shared>> -> memref<10008x64xf32, #tpu.memory_space<vmem_shared>>
        tpu.wait_indirect_dma semaphore(%run_scoped3A : memref<!tpu.dma_semaphore, #tpu.memory_space<semaphore_mem>>) src(%arg13 : memref<80x64xf32, #tpu.memory_space<vmem>>) dst(%dma_wait3A_204 : memref<10008x64xf32, #tpu.memory_space<vmem_shared>>)
        tpu.yield
      }) : () -> ()
      %add3A_186 = arith.constant 5 : i32
      %add3A_187 = arith.addi %add3A_179, %add3A_186 : i32
      %lt3A_188 = arith.constant 250 : i32
      %lt3A_189 = arith.cmpi slt, %add3A_187, %lt3A_188 : i32
      %convert_element_type3A_190 = arith.extui %lt3A_189 : i1 to i32
      %cond3A_191 = arith.constant 0 : i32
      %cond3A_192 = arith.cmpi ne, %convert_element_type3A_190, %cond3A_191 : i32
      scf.if %cond3A_192 {
        %add3A_193 = arith.constant 5 : i32
        %add3A_194 = arith.addi %add3A_179, %add3A_193 : i32
        %dma_start3A_195 = arith.constant 0 : i32
        %dma_start3A_196 = tpu.memref_slice %arg7[%add3A_194, %dma_start3A_195] : memref<250x80xi32, #tpu.memory_space<vmem>> -> memref<1x80xi32, #tpu.memory_space<vmem>>
        %dma_start3A_197 = tpu.memref_squeeze %dma_start3A_196 : memref<1x80xi32, #tpu.memory_space<vmem>> -> memref<80xi32, #tpu.memory_space<vmem>>
        %dma_start3A_198 = arith.constant 0 : i32
        %dma_start3A_199 = arith.constant 0 : i32
        %dma_start3A_200 = tpu.memref_slice %arg2[%dma_start3A_198, %dma_start3A_199] : memref<40000x64xf32, #tpu.memory_space<hbm>> -> memref<40000x64xf32, #tpu.memory_space<hbm>>
        tpu.enqueue_indirect_dma source(%dma_start3A_200 : memref<40000x64xf32, #tpu.memory_space<hbm>>) target(%arg13 : memref<80x64xf32, #tpu.memory_space<vmem>>) offsets(%dma_start3A_197 : memref<80xi32, #tpu.memory_space<vmem>>) semaphore(%arg19 : memref<!tpu.dma_semaphore, #tpu.memory_space<semaphore_mem>>)
      } else {
      }
    }
    %scan3A_101 = arith.constant 50 : i32
    %barrier3A_102 = arith.constant 0 : index
    tpu.barrier barrier_id(%barrier3A_102)
    %lt3A_103 = arith.constant 10 : i32
    %lt3A_104 = arith.cmpi slt, %arg1, %lt3A_103 : i32
    %convert_element_type3A_105 = arith.extui %lt3A_104 : i1 to i32
    %cond3A_106 = arith.constant 0 : i32
    %cond3A_107 = arith.cmpi ne, %convert_element_type3A_105, %cond3A_106 : i32
    scf.if %cond3A_107 {
      %mul3A_108 = arith.constant 1000 : i32
      %mul3A_109 = arith.muli %arg1, %mul3A_108 : i32
      %multiple_of3A = tpu.assume_multiple %mul3A_109, 8 : i32
      %add3A_110 = arith.constant 2 : i32
      %add3A_111 = arith.addi %add3A_110, %arg0 : i32
      %mul3A_112 = arith.constant 10000 : i32
      %mul3A_113 = arith.muli %add3A_111, %mul3A_112 : i32
      %mul3A_114 = arith.constant 1000 : i32
      %mul3A_115 = arith.muli %arg1, %mul3A_114 : i32
      %add3A_116 = arith.addi %mul3A_113, %mul3A_115 : i32
      %multiple_of3A_117 = tpu.assume_multiple %add3A_116, 8 : i32
      "tpu.region"() ({
        %run_scoped3A = tpu.sem_alloc : memref<!tpu.dma_semaphore, #tpu.memory_space<semaphore_mem>>
        %dma_start3A_118 = arith.constant 0 : i32
        %dma_start3A_119 = tpu.memref_slice %arg6[%multiple_of3A_117, %dma_start3A_118] : memref<40000x64xf32, #tpu.memory_space<hbm>> -> memref<1000x64xf32, #tpu.memory_space<hbm>>
        %dma_start3A_120 = arith.constant 0 : i32
        %dma_start3A_121 = tpu.memref_slice %arg14[%multiple_of3A, %dma_start3A_120] : memref<10008x64xf32, #tpu.memory_space<vmem_shared>> -> memref<1000x64xf32, #tpu.memory_space<vmem_shared>>
        tpu.enqueue_dma source(%dma_start3A_121 : memref<1000x64xf32, #tpu.memory_space<vmem_shared>>) target(%dma_start3A_119 : memref<1000x64xf32, #tpu.memory_space<hbm>>) target_semaphore(%run_scoped3A : memref<!tpu.dma_semaphore, #tpu.memory_space<semaphore_mem>>)
        %dma_wait3A = arith.constant 0 : i32
        %dma_wait3A_122 = tpu.memref_slice %arg6[%multiple_of3A_117, %dma_wait3A] : memref<40000x64xf32, #tpu.memory_space<hbm>> -> memref<1000x64xf32, #tpu.memory_space<hbm>>
        %dma_wait3A_123 = arith.constant 0 : i32
        %dma_wait3A_124 = tpu.memref_slice %arg14[%multiple_of3A, %dma_wait3A_123] : memref<10008x64xf32, #tpu.memory_space<vmem_shared>> -> memref<1000x64xf32, #tpu.memory_space<vmem_shared>>
        tpu.wait_dma2 semaphore(%run_scoped3A : memref<!tpu.dma_semaphore, #tpu.memory_space<semaphore_mem>>) src(%dma_wait3A_124 : memref<1000x64xf32, #tpu.memory_space<vmem_shared>>) dst(%dma_wait3A_122 : memref<1000x64xf32, #tpu.memory_space<hbm>>)
        tpu.yield
      }) : () -> ()
    } else {
    }
    return
  }
}

#map = affine_map<(d0, d1) -> (0, 0)>
#map1 = affine_map<(d0, d1) -> (0, 0, 0)>
module attributes {stable_mosaic.version = 14 : i64} {
  func.func @body(%arg0: i32, %arg1: i32, %arg2: memref<20000x64xf32, #tpu.memory_space<hbm>>, %arg3: memref<32x250x80xi32, #tpu.memory_space<hbm>>, %arg4: memref<16x250x80xi32, #tpu.memory_space<hbm>>, %arg5: memref<1000x64xf32, #tpu.memory_space<hbm>>, %arg6: memref<20000x64xf32, #tpu.memory_space<hbm>>, %arg7: memref<250x80xi32, #tpu.memory_space<vmem>>, %arg8: memref<250x80xi32, #tpu.memory_space<vmem>>, %arg9: memref<80x64xf32, #tpu.memory_space<vmem>>, %arg10: memref<80x64xf32, #tpu.memory_space<vmem>>, %arg11: memref<80x64xf32, #tpu.memory_space<vmem>>, %arg12: memref<80x64xf32, #tpu.memory_space<vmem>>, %arg13: memref<80x64xf32, #tpu.memory_space<vmem>>, %arg14: memref<10008x64xf32, #tpu.memory_space<vmem_shared>>, %arg15: memref<!tpu.dma_semaphore, #tpu.memory_space<semaphore_mem>>, %arg16: memref<!tpu.dma_semaphore, #tpu.memory_space<semaphore_mem>>, %arg17: memref<!tpu.dma_semaphore, #tpu.memory_space<semaphore_mem>>, %arg18: memref<!tpu.dma_semaphore, #tpu.memory_space<semaphore_mem>>, %arg19: memref<!tpu.dma_semaphore, #tpu.memory_space<semaphore_mem>>) attributes {dimension_semantics = [#tpu.dimension_semantics<core_parallel>, #tpu.dimension_semantics<subcore_parallel>], iteration_bounds = array<i64: 2, 16>, scalar_prefetch = 0 : i64, scratch_operands = 13 : i64, tpu.core_type = #tpu.core_type<sc_vector_subcore>, window_params = [{transform_indices = #map}, {transform_indices = #map1}, {transform_indices = #map1}, {transform_indices = #map}, {transform_indices = #map}]} {
    "tpu.region"() ({
      %run_scoped3A = tpu.sem_alloc : memref<!tpu.dma_semaphore, #tpu.memory_space<semaphore_mem>>
      %dma_start3A_50 = arith.constant 0 : i32
      %dma_start3A_51 = arith.constant 0 : i32
      %dma_start3A_52 = tpu.memref_slice %arg4[%arg1, %dma_start3A_50, %dma_start3A_51] : memref<16x250x80xi32, #tpu.memory_space<hbm>> -> memref<1x250x80xi32, #tpu.memory_space<hbm>>
      %dma_start3A_53 = tpu.memref_squeeze %dma_start3A_52 : memref<1x250x80xi32, #tpu.memory_space<hbm>> -> memref<250x80xi32, #tpu.memory_space<hbm>>
      %dma_start3A_54 = arith.constant 0 : i32
      %dma_start3A_55 = arith.constant 0 : i32
      %dma_start3A_56 = tpu.memref_slice %arg4[%arg1, %dma_start3A_54, %dma_start3A_55] : memref<16x250x80xi32, #tpu.memory_space<hbm>> -> memref<1x250x80xi32, #tpu.memory_space<hbm>>
      %dma_start3A_57 = tpu.memref_squeeze %dma_start3A_56 : memref<1x250x80xi32, #tpu.memory_space<hbm>> -> memref<250x80xi32, #tpu.memory_space<hbm>>
      tpu.enqueue_dma source(%dma_start3A_57 : memref<250x80xi32, #tpu.memory_space<hbm>>) target(%arg8 : memref<250x80xi32, #tpu.memory_space<vmem>>) target_semaphore(%run_scoped3A : memref<!tpu.dma_semaphore, #tpu.memory_space<semaphore_mem>>)
      %dma_wait3A = arith.constant 0 : i32
      %dma_wait3A_58 = arith.constant 0 : i32
      %dma_wait3A_59 = tpu.memref_slice %arg4[%arg1, %dma_wait3A, %dma_wait3A_58] : memref<16x250x80xi32, #tpu.memory_space<hbm>> -> memref<1x250x80xi32, #tpu.memory_space<hbm>>
      %dma_wait3A_60 = tpu.memref_squeeze %dma_wait3A_59 : memref<1x250x80xi32, #tpu.memory_space<hbm>> -> memref<250x80xi32, #tpu.memory_space<hbm>>
      %dma_wait3A_61 = arith.constant 0 : i32
      %dma_wait3A_62 = arith.constant 0 : i32
      %dma_wait3A_63 = tpu.memref_slice %arg4[%arg1, %dma_wait3A_61, %dma_wait3A_62] : memref<16x250x80xi32, #tpu.memory_space<hbm>> -> memref<1x250x80xi32, #tpu.memory_space<hbm>>
      %dma_wait3A_64 = tpu.memref_squeeze %dma_wait3A_63 : memref<1x250x80xi32, #tpu.memory_space<hbm>> -> memref<250x80xi32, #tpu.memory_space<hbm>>
      tpu.wait_dma2 semaphore(%run_scoped3A : memref<!tpu.dma_semaphore, #tpu.memory_space<semaphore_mem>>) src(%dma_wait3A_64 : memref<250x80xi32, #tpu.memory_space<hbm>>) dst(%arg8 : memref<250x80xi32, #tpu.memory_space<vmem>>)
      tpu.yield
    }) : () -> ()
    %mul3A = arith.constant 16 : i32
    %mul3A_0 = arith.muli %arg0, %mul3A : i32
    %add3A = arith.constant 0 : i32
    %add3A_1 = arith.addi %add3A, %mul3A_0 : i32
    %add3A_2 = arith.addi %add3A_1, %arg1 : i32
    "tpu.region"() ({
      %run_scoped3A = tpu.sem_alloc : memref<!tpu.dma_semaphore, #tpu.memory_space<semaphore_mem>>
      %dma_start3A_50 = arith.constant 0 : i32
      %dma_start3A_51 = arith.constant 0 : i32
      %dma_start3A_52 = tpu.memref_slice %arg3[%add3A_2, %dma_start3A_50, %dma_start3A_51] : memref<32x250x80xi32, #tpu.memory_space<hbm>> -> memref<1x250x80xi32, #tpu.memory_space<hbm>>
      %dma_start3A_53 = tpu.memref_squeeze %dma_start3A_52 : memref<1x250x80xi32, #tpu.memory_space<hbm>> -> memref<250x80xi32, #tpu.memory_space<hbm>>
      %dma_start3A_54 = arith.constant 0 : i32
      %dma_start3A_55 = arith.constant 0 : i32
      %dma_start3A_56 = tpu.memref_slice %arg3[%add3A_2, %dma_start3A_54, %dma_start3A_55] : memref<32x250x80xi32, #tpu.memory_space<hbm>> -> memref<1x250x80xi32, #tpu.memory_space<hbm>>
      %dma_start3A_57 = tpu.memref_squeeze %dma_start3A_56 : memref<1x250x80xi32, #tpu.memory_space<hbm>> -> memref<250x80xi32, #tpu.memory_space<hbm>>
      tpu.enqueue_dma source(%dma_start3A_57 : memref<250x80xi32, #tpu.memory_space<hbm>>) target(%arg7 : memref<250x80xi32, #tpu.memory_space<vmem>>) target_semaphore(%run_scoped3A : memref<!tpu.dma_semaphore, #tpu.memory_space<semaphore_mem>>)
      %dma_wait3A = arith.constant 0 : i32
      %dma_wait3A_58 = arith.constant 0 : i32
      %dma_wait3A_59 = tpu.memref_slice %arg3[%add3A_2, %dma_wait3A, %dma_wait3A_58] : memref<32x250x80xi32, #tpu.memory_space<hbm>> -> memref<1x250x80xi32, #tpu.memory_space<hbm>>
      %dma_wait3A_60 = tpu.memref_squeeze %dma_wait3A_59 : memref<1x250x80xi32, #tpu.memory_space<hbm>> -> memref<250x80xi32, #tpu.memory_space<hbm>>
      %dma_wait3A_61 = arith.constant 0 : i32
      %dma_wait3A_62 = arith.constant 0 : i32
      %dma_wait3A_63 = tpu.memref_slice %arg3[%add3A_2, %dma_wait3A_61, %dma_wait3A_62] : memref<32x250x80xi32, #tpu.memory_space<hbm>> -> memref<1x250x80xi32, #tpu.memory_space<hbm>>
      %dma_wait3A_64 = tpu.memref_squeeze %dma_wait3A_63 : memref<1x250x80xi32, #tpu.memory_space<hbm>> -> memref<250x80xi32, #tpu.memory_space<hbm>>
      tpu.wait_dma2 semaphore(%run_scoped3A : memref<!tpu.dma_semaphore, #tpu.memory_space<semaphore_mem>>) src(%dma_wait3A_64 : memref<250x80xi32, #tpu.memory_space<hbm>>) dst(%arg7 : memref<250x80xi32, #tpu.memory_space<vmem>>)
      tpu.yield
    }) : () -> ()
    %lt3A = arith.constant 10 : i32
    %lt3A_3 = arith.cmpi slt, %arg1, %lt3A : i32
    %convert_element_type3A = arith.extui %lt3A_3 : i1 to i32
    %cond3A = arith.constant 0 : i32
    %cond3A_4 = arith.cmpi ne, %convert_element_type3A, %cond3A : i32
    scf.if %cond3A_4 {
      %mul3A_50 = arith.constant 1000 : i32
      %mul3A_51 = arith.muli %arg1, %mul3A_50 : i32
      %multiple_of3A = tpu.assume_multiple %mul3A_51, 8 : i32
      "tpu.region"() ({
        %run_scoped3A = tpu.sem_alloc : memref<!tpu.dma_semaphore, #tpu.memory_space<semaphore_mem>>
        %dma_start3A_52 = arith.constant 0 : i32
        %dma_start3A_53 = tpu.memref_slice %arg14[%multiple_of3A, %dma_start3A_52] : memref<10008x64xf32, #tpu.memory_space<vmem_shared>> -> memref<1000x64xf32, #tpu.memory_space<vmem_shared>>
        tpu.enqueue_dma source(%arg5 : memref<1000x64xf32, #tpu.memory_space<hbm>>) target(%dma_start3A_53 : memref<1000x64xf32, #tpu.memory_space<vmem_shared>>) target_semaphore(%run_scoped3A : memref<!tpu.dma_semaphore, #tpu.memory_space<semaphore_mem>>)
        %dma_wait3A = arith.constant 0 : i32
        %dma_wait3A_54 = tpu.memref_slice %arg14[%multiple_of3A, %dma_wait3A] : memref<10008x64xf32, #tpu.memory_space<vmem_shared>> -> memref<1000x64xf32, #tpu.memory_space<vmem_shared>>
        tpu.wait_dma2 semaphore(%run_scoped3A : memref<!tpu.dma_semaphore, #tpu.memory_space<semaphore_mem>>) src(%arg5 : memref<1000x64xf32, #tpu.memory_space<hbm>>) dst(%dma_wait3A_54 : memref<1000x64xf32, #tpu.memory_space<vmem_shared>>)
        tpu.yield
      }) : () -> ()
    } else {
    }
    %barrier3A = arith.constant 0 : index
    tpu.barrier barrier_id(%barrier3A)
    %dma_start3A = arith.constant 0 : i32
    %dma_start3A_5 = arith.constant 0 : i32
    %dma_start3A_6 = tpu.memref_slice %arg7[%dma_start3A, %dma_start3A_5] : memref<250x80xi32, #tpu.memory_space<vmem>> -> memref<1x80xi32, #tpu.memory_space<vmem>>
    %dma_start3A_7 = tpu.memref_squeeze %dma_start3A_6 : memref<1x80xi32, #tpu.memory_space<vmem>> -> memref<80xi32, #tpu.memory_space<vmem>>
    %dma_start3A_8 = arith.constant 0 : i32
    %dma_start3A_9 = arith.constant 0 : i32
    %dma_start3A_10 = tpu.memref_slice %arg2[%dma_start3A_8, %dma_start3A_9] : memref<20000x64xf32, #tpu.memory_space<hbm>> -> memref<20000x64xf32, #tpu.memory_space<hbm>>
    tpu.enqueue_indirect_dma source(%dma_start3A_10 : memref<20000x64xf32, #tpu.memory_space<hbm>>) target(%arg9 : memref<80x64xf32, #tpu.memory_space<vmem>>) offsets(%dma_start3A_7 : memref<80xi32, #tpu.memory_space<vmem>>) semaphore(%arg15 : memref<!tpu.dma_semaphore, #tpu.memory_space<semaphore_mem>>)
    %dma_start3A_11 = arith.constant 1 : i32
    %dma_start3A_12 = arith.constant 0 : i32
    %dma_start3A_13 = tpu.memref_slice %arg7[%dma_start3A_11, %dma_start3A_12] : memref<250x80xi32, #tpu.memory_space<vmem>> -> memref<1x80xi32, #tpu.memory_space<vmem>>
    %dma_start3A_14 = tpu.memref_squeeze %dma_start3A_13 : memref<1x80xi32, #tpu.memory_space<vmem>> -> memref<80xi32, #tpu.memory_space<vmem>>
    %dma_start3A_15 = arith.constant 0 : i32
    %dma_start3A_16 = arith.constant 0 : i32
    %dma_start3A_17 = tpu.memref_slice %arg2[%dma_start3A_15, %dma_start3A_16] : memref<20000x64xf32, #tpu.memory_space<hbm>> -> memref<20000x64xf32, #tpu.memory_space<hbm>>
    tpu.enqueue_indirect_dma source(%dma_start3A_17 : memref<20000x64xf32, #tpu.memory_space<hbm>>) target(%arg10 : memref<80x64xf32, #tpu.memory_space<vmem>>) offsets(%dma_start3A_14 : memref<80xi32, #tpu.memory_space<vmem>>) semaphore(%arg16 : memref<!tpu.dma_semaphore, #tpu.memory_space<semaphore_mem>>)
    %dma_start3A_18 = arith.constant 2 : i32
    %dma_start3A_19 = arith.constant 0 : i32
    %dma_start3A_20 = tpu.memref_slice %arg7[%dma_start3A_18, %dma_start3A_19] : memref<250x80xi32, #tpu.memory_space<vmem>> -> memref<1x80xi32, #tpu.memory_space<vmem>>
    %dma_start3A_21 = tpu.memref_squeeze %dma_start3A_20 : memref<1x80xi32, #tpu.memory_space<vmem>> -> memref<80xi32, #tpu.memory_space<vmem>>
    %dma_start3A_22 = arith.constant 0 : i32
    %dma_start3A_23 = arith.constant 0 : i32
    %dma_start3A_24 = tpu.memref_slice %arg2[%dma_start3A_22, %dma_start3A_23] : memref<20000x64xf32, #tpu.memory_space<hbm>> -> memref<20000x64xf32, #tpu.memory_space<hbm>>
    tpu.enqueue_indirect_dma source(%dma_start3A_24 : memref<20000x64xf32, #tpu.memory_space<hbm>>) target(%arg11 : memref<80x64xf32, #tpu.memory_space<vmem>>) offsets(%dma_start3A_21 : memref<80xi32, #tpu.memory_space<vmem>>) semaphore(%arg17 : memref<!tpu.dma_semaphore, #tpu.memory_space<semaphore_mem>>)
    %dma_start3A_25 = arith.constant 3 : i32
    %dma_start3A_26 = arith.constant 0 : i32
    %dma_start3A_27 = tpu.memref_slice %arg7[%dma_start3A_25, %dma_start3A_26] : memref<250x80xi32, #tpu.memory_space<vmem>> -> memref<1x80xi32, #tpu.memory_space<vmem>>
    %dma_start3A_28 = tpu.memref_squeeze %dma_start3A_27 : memref<1x80xi32, #tpu.memory_space<vmem>> -> memref<80xi32, #tpu.memory_space<vmem>>
    %dma_start3A_29 = arith.constant 0 : i32
    %dma_start3A_30 = arith.constant 0 : i32
    %dma_start3A_31 = tpu.memref_slice %arg2[%dma_start3A_29, %dma_start3A_30] : memref<20000x64xf32, #tpu.memory_space<hbm>> -> memref<20000x64xf32, #tpu.memory_space<hbm>>
    tpu.enqueue_indirect_dma source(%dma_start3A_31 : memref<20000x64xf32, #tpu.memory_space<hbm>>) target(%arg12 : memref<80x64xf32, #tpu.memory_space<vmem>>) offsets(%dma_start3A_28 : memref<80xi32, #tpu.memory_space<vmem>>) semaphore(%arg18 : memref<!tpu.dma_semaphore, #tpu.memory_space<semaphore_mem>>)
    %dma_start3A_32 = arith.constant 4 : i32
    %dma_start3A_33 = arith.constant 0 : i32
    %dma_start3A_34 = tpu.memref_slice %arg7[%dma_start3A_32, %dma_start3A_33] : memref<250x80xi32, #tpu.memory_space<vmem>> -> memref<1x80xi32, #tpu.memory_space<vmem>>
    %dma_start3A_35 = tpu.memref_squeeze %dma_start3A_34 : memref<1x80xi32, #tpu.memory_space<vmem>> -> memref<80xi32, #tpu.memory_space<vmem>>
    %dma_start3A_36 = arith.constant 0 : i32
    %dma_start3A_37 = arith.constant 0 : i32
    %dma_start3A_38 = tpu.memref_slice %arg2[%dma_start3A_36, %dma_start3A_37] : memref<20000x64xf32, #tpu.memory_space<hbm>> -> memref<20000x64xf32, #tpu.memory_space<hbm>>
    tpu.enqueue_indirect_dma source(%dma_start3A_38 : memref<20000x64xf32, #tpu.memory_space<hbm>>) target(%arg13 : memref<80x64xf32, #tpu.memory_space<vmem>>) offsets(%dma_start3A_35 : memref<80xi32, #tpu.memory_space<vmem>>) semaphore(%arg19 : memref<!tpu.dma_semaphore, #tpu.memory_space<semaphore_mem>>)
    %scan3A = arith.constant 0 : i32
    %scan3A_39 = arith.constant 0 : i32
    %scan3A_40 = arith.constant 50 : i32
    %scan3A_41 = arith.addi %scan3A_39, %scan3A_40 : i32
    %scan3A_42 = arith.constant 1 : i32
    scf.for %scan3A_50 = %scan3A_39 to %scan3A_41 step %scan3A_42  : i32 {
      %mul3A_51 = arith.constant 5 : i32
      %mul3A_52 = arith.muli %scan3A_50, %mul3A_51 : i32
      %add3A_53 = arith.constant 0 : i32
      %add3A_54 = arith.addi %mul3A_52, %add3A_53 : i32
      %dma_wait3A = arith.constant 0 : i32
      %dma_wait3A_55 = tpu.memref_slice %arg7[%add3A_54, %dma_wait3A] : memref<250x80xi32, #tpu.memory_space<vmem>> -> memref<1x80xi32, #tpu.memory_space<vmem>>
      %dma_wait3A_56 = tpu.memref_squeeze %dma_wait3A_55 : memref<1x80xi32, #tpu.memory_space<vmem>> -> memref<80xi32, #tpu.memory_space<vmem>>
      %dma_wait3A_57 = arith.constant 0 : i32
      %dma_wait3A_58 = arith.constant 0 : i32
      %dma_wait3A_59 = tpu.memref_slice %arg2[%dma_wait3A_57, %dma_wait3A_58] : memref<20000x64xf32, #tpu.memory_space<hbm>> -> memref<20000x64xf32, #tpu.memory_space<hbm>>
      tpu.wait_indirect_dma semaphore(%arg15 : memref<!tpu.dma_semaphore, #tpu.memory_space<semaphore_mem>>) src(%dma_wait3A_59 : memref<20000x64xf32, #tpu.memory_space<hbm>>) dst(%arg9 : memref<80x64xf32, #tpu.memory_space<vmem>>)
      "tpu.region"() ({
        %run_scoped3A = tpu.sem_alloc : memref<!tpu.dma_semaphore, #tpu.memory_space<semaphore_mem>>
        %dma_start3A_135 = arith.constant 0 : i32
        %dma_start3A_136 = tpu.memref_slice %arg8[%add3A_54, %dma_start3A_135] : memref<250x80xi32, #tpu.memory_space<vmem>> -> memref<1x80xi32, #tpu.memory_space<vmem>>
        %dma_start3A_137 = tpu.memref_squeeze %dma_start3A_136 : memref<1x80xi32, #tpu.memory_space<vmem>> -> memref<80xi32, #tpu.memory_space<vmem>>
        %dma_start3A_138 = arith.constant 0 : i32
        %dma_start3A_139 = arith.constant 0 : i32
        %dma_start3A_140 = tpu.memref_slice %arg14[%dma_start3A_138, %dma_start3A_139] : memref<10008x64xf32, #tpu.memory_space<vmem_shared>> -> memref<10008x64xf32, #tpu.memory_space<vmem_shared>>
        tpu.enqueue_indirect_dma source(%arg9 : memref<80x64xf32, #tpu.memory_space<vmem>>) target(%dma_start3A_140 : memref<10008x64xf32, #tpu.memory_space<vmem_shared>>) offsets(%dma_start3A_137 : memref<80xi32, #tpu.memory_space<vmem>>) semaphore(%run_scoped3A : memref<!tpu.dma_semaphore, #tpu.memory_space<semaphore_mem>>) {add = true}
        %dma_wait3A_141 = arith.constant 0 : i32
        %dma_wait3A_142 = tpu.memref_slice %arg8[%add3A_54, %dma_wait3A_141] : memref<250x80xi32, #tpu.memory_space<vmem>> -> memref<1x80xi32, #tpu.memory_space<vmem>>
        %dma_wait3A_143 = tpu.memref_squeeze %dma_wait3A_142 : memref<1x80xi32, #tpu.memory_space<vmem>> -> memref<80xi32, #tpu.memory_space<vmem>>
        %dma_wait3A_144 = arith.constant 0 : i32
        %dma_wait3A_145 = arith.constant 0 : i32
        %dma_wait3A_146 = tpu.memref_slice %arg14[%dma_wait3A_144, %dma_wait3A_145] : memref<10008x64xf32, #tpu.memory_space<vmem_shared>> -> memref<10008x64xf32, #tpu.memory_space<vmem_shared>>
        tpu.wait_indirect_dma semaphore(%run_scoped3A : memref<!tpu.dma_semaphore, #tpu.memory_space<semaphore_mem>>) src(%arg9 : memref<80x64xf32, #tpu.memory_space<vmem>>) dst(%dma_wait3A_146 : memref<10008x64xf32, #tpu.memory_space<vmem_shared>>)
        tpu.yield
      }) : () -> ()
      %add3A_60 = arith.constant 5 : i32
      %add3A_61 = arith.addi %add3A_54, %add3A_60 : i32
      %lt3A_62 = arith.constant 250 : i32
      %lt3A_63 = arith.cmpi slt, %add3A_61, %lt3A_62 : i32
      %convert_element_type3A_64 = arith.extui %lt3A_63 : i1 to i32
      %cond3A_65 = arith.constant 0 : i32
      %cond3A_66 = arith.cmpi ne, %convert_element_type3A_64, %cond3A_65 : i32
      scf.if %cond3A_66 {
        %add3A_135 = arith.constant 5 : i32
        %add3A_136 = arith.addi %add3A_54, %add3A_135 : i32
        %dma_start3A_137 = arith.constant 0 : i32
        %dma_start3A_138 = tpu.memref_slice %arg7[%add3A_136, %dma_start3A_137] : memref<250x80xi32, #tpu.memory_space<vmem>> -> memref<1x80xi32, #tpu.memory_space<vmem>>
        %dma_start3A_139 = tpu.memref_squeeze %dma_start3A_138 : memref<1x80xi32, #tpu.memory_space<vmem>> -> memref<80xi32, #tpu.memory_space<vmem>>
        %dma_start3A_140 = arith.constant 0 : i32
        %dma_start3A_141 = arith.constant 0 : i32
        %dma_start3A_142 = tpu.memref_slice %arg2[%dma_start3A_140, %dma_start3A_141] : memref<20000x64xf32, #tpu.memory_space<hbm>> -> memref<20000x64xf32, #tpu.memory_space<hbm>>
        tpu.enqueue_indirect_dma source(%dma_start3A_142 : memref<20000x64xf32, #tpu.memory_space<hbm>>) target(%arg9 : memref<80x64xf32, #tpu.memory_space<vmem>>) offsets(%dma_start3A_139 : memref<80xi32, #tpu.memory_space<vmem>>) semaphore(%arg15 : memref<!tpu.dma_semaphore, #tpu.memory_space<semaphore_mem>>)
      } else {
      }
      %mul3A_67 = arith.constant 5 : i32
      %mul3A_68 = arith.muli %scan3A_50, %mul3A_67 : i32
      %add3A_69 = arith.constant 1 : i32
      %add3A_70 = arith.addi %mul3A_68, %add3A_69 : i32
      %dma_wait3A_71 = arith.constant 0 : i32
      %dma_wait3A_72 = tpu.memref_slice %arg7[%add3A_70, %dma_wait3A_71] : memref<250x80xi32, #tpu.memory_space<vmem>> -> memref<1x80xi32, #tpu.memory_space<vmem>>
      %dma_wait3A_73 = tpu.memref_squeeze %dma_wait3A_72 : memref<1x80xi32, #tpu.memory_space<vmem>> -> memref<80xi32, #tpu.memory_space<vmem>>
      %dma_wait3A_74 = arith.constant 0 : i32
      %dma_wait3A_75 = arith.constant 0 : i32
      %dma_wait3A_76 = tpu.memref_slice %arg2[%dma_wait3A_74, %dma_wait3A_75] : memref<20000x64xf32, #tpu.memory_space<hbm>> -> memref<20000x64xf32, #tpu.memory_space<hbm>>
      tpu.wait_indirect_dma semaphore(%arg16 : memref<!tpu.dma_semaphore, #tpu.memory_space<semaphore_mem>>) src(%dma_wait3A_76 : memref<20000x64xf32, #tpu.memory_space<hbm>>) dst(%arg10 : memref<80x64xf32, #tpu.memory_space<vmem>>)
      "tpu.region"() ({
        %run_scoped3A = tpu.sem_alloc : memref<!tpu.dma_semaphore, #tpu.memory_space<semaphore_mem>>
        %dma_start3A_135 = arith.constant 0 : i32
        %dma_start3A_136 = tpu.memref_slice %arg8[%add3A_70, %dma_start3A_135] : memref<250x80xi32, #tpu.memory_space<vmem>> -> memref<1x80xi32, #tpu.memory_space<vmem>>
        %dma_start3A_137 = tpu.memref_squeeze %dma_start3A_136 : memref<1x80xi32, #tpu.memory_space<vmem>> -> memref<80xi32, #tpu.memory_space<vmem>>
        %dma_start3A_138 = arith.constant 0 : i32
        %dma_start3A_139 = arith.constant 0 : i32
        %dma_start3A_140 = tpu.memref_slice %arg14[%dma_start3A_138, %dma_start3A_139] : memref<10008x64xf32, #tpu.memory_space<vmem_shared>> -> memref<10008x64xf32, #tpu.memory_space<vmem_shared>>
        tpu.enqueue_indirect_dma source(%arg10 : memref<80x64xf32, #tpu.memory_space<vmem>>) target(%dma_start3A_140 : memref<10008x64xf32, #tpu.memory_space<vmem_shared>>) offsets(%dma_start3A_137 : memref<80xi32, #tpu.memory_space<vmem>>) semaphore(%run_scoped3A : memref<!tpu.dma_semaphore, #tpu.memory_space<semaphore_mem>>) {add = true}
        %dma_wait3A_141 = arith.constant 0 : i32
        %dma_wait3A_142 = tpu.memref_slice %arg8[%add3A_70, %dma_wait3A_141] : memref<250x80xi32, #tpu.memory_space<vmem>> -> memref<1x80xi32, #tpu.memory_space<vmem>>
        %dma_wait3A_143 = tpu.memref_squeeze %dma_wait3A_142 : memref<1x80xi32, #tpu.memory_space<vmem>> -> memref<80xi32, #tpu.memory_space<vmem>>
        %dma_wait3A_144 = arith.constant 0 : i32
        %dma_wait3A_145 = arith.constant 0 : i32
        %dma_wait3A_146 = tpu.memref_slice %arg14[%dma_wait3A_144, %dma_wait3A_145] : memref<10008x64xf32, #tpu.memory_space<vmem_shared>> -> memref<10008x64xf32, #tpu.memory_space<vmem_shared>>
        tpu.wait_indirect_dma semaphore(%run_scoped3A : memref<!tpu.dma_semaphore, #tpu.memory_space<semaphore_mem>>) src(%arg10 : memref<80x64xf32, #tpu.memory_space<vmem>>) dst(%dma_wait3A_146 : memref<10008x64xf32, #tpu.memory_space<vmem_shared>>)
        tpu.yield
      }) : () -> ()
      %add3A_77 = arith.constant 5 : i32
      %add3A_78 = arith.addi %add3A_70, %add3A_77 : i32
      %lt3A_79 = arith.constant 250 : i32
      %lt3A_80 = arith.cmpi slt, %add3A_78, %lt3A_79 : i32
      %convert_element_type3A_81 = arith.extui %lt3A_80 : i1 to i32
      %cond3A_82 = arith.constant 0 : i32
      %cond3A_83 = arith.cmpi ne, %convert_element_type3A_81, %cond3A_82 : i32
      scf.if %cond3A_83 {
        %add3A_135 = arith.constant 5 : i32
        %add3A_136 = arith.addi %add3A_70, %add3A_135 : i32
        %dma_start3A_137 = arith.constant 0 : i32
        %dma_start3A_138 = tpu.memref_slice %arg7[%add3A_136, %dma_start3A_137] : memref<250x80xi32, #tpu.memory_space<vmem>> -> memref<1x80xi32, #tpu.memory_space<vmem>>
        %dma_start3A_139 = tpu.memref_squeeze %dma_start3A_138 : memref<1x80xi32, #tpu.memory_space<vmem>> -> memref<80xi32, #tpu.memory_space<vmem>>
        %dma_start3A_140 = arith.constant 0 : i32
        %dma_start3A_141 = arith.constant 0 : i32
        %dma_start3A_142 = tpu.memref_slice %arg2[%dma_start3A_140, %dma_start3A_141] : memref<20000x64xf32, #tpu.memory_space<hbm>> -> memref<20000x64xf32, #tpu.memory_space<hbm>>
        tpu.enqueue_indirect_dma source(%dma_start3A_142 : memref<20000x64xf32, #tpu.memory_space<hbm>>) target(%arg10 : memref<80x64xf32, #tpu.memory_space<vmem>>) offsets(%dma_start3A_139 : memref<80xi32, #tpu.memory_space<vmem>>) semaphore(%arg16 : memref<!tpu.dma_semaphore, #tpu.memory_space<semaphore_mem>>)
      } else {
      }
      %mul3A_84 = arith.constant 5 : i32
      %mul3A_85 = arith.muli %scan3A_50, %mul3A_84 : i32
      %add3A_86 = arith.constant 2 : i32
      %add3A_87 = arith.addi %mul3A_85, %add3A_86 : i32
      %dma_wait3A_88 = arith.constant 0 : i32
      %dma_wait3A_89 = tpu.memref_slice %arg7[%add3A_87, %dma_wait3A_88] : memref<250x80xi32, #tpu.memory_space<vmem>> -> memref<1x80xi32, #tpu.memory_space<vmem>>
      %dma_wait3A_90 = tpu.memref_squeeze %dma_wait3A_89 : memref<1x80xi32, #tpu.memory_space<vmem>> -> memref<80xi32, #tpu.memory_space<vmem>>
      %dma_wait3A_91 = arith.constant 0 : i32
      %dma_wait3A_92 = arith.constant 0 : i32
      %dma_wait3A_93 = tpu.memref_slice %arg2[%dma_wait3A_91, %dma_wait3A_92] : memref<20000x64xf32, #tpu.memory_space<hbm>> -> memref<20000x64xf32, #tpu.memory_space<hbm>>
      tpu.wait_indirect_dma semaphore(%arg17 : memref<!tpu.dma_semaphore, #tpu.memory_space<semaphore_mem>>) src(%dma_wait3A_93 : memref<20000x64xf32, #tpu.memory_space<hbm>>) dst(%arg11 : memref<80x64xf32, #tpu.memory_space<vmem>>)
      "tpu.region"() ({
        %run_scoped3A = tpu.sem_alloc : memref<!tpu.dma_semaphore, #tpu.memory_space<semaphore_mem>>
        %dma_start3A_135 = arith.constant 0 : i32
        %dma_start3A_136 = tpu.memref_slice %arg8[%add3A_87, %dma_start3A_135] : memref<250x80xi32, #tpu.memory_space<vmem>> -> memref<1x80xi32, #tpu.memory_space<vmem>>
        %dma_start3A_137 = tpu.memref_squeeze %dma_start3A_136 : memref<1x80xi32, #tpu.memory_space<vmem>> -> memref<80xi32, #tpu.memory_space<vmem>>
        %dma_start3A_138 = arith.constant 0 : i32
        %dma_start3A_139 = arith.constant 0 : i32
        %dma_start3A_140 = tpu.memref_slice %arg14[%dma_start3A_138, %dma_start3A_139] : memref<10008x64xf32, #tpu.memory_space<vmem_shared>> -> memref<10008x64xf32, #tpu.memory_space<vmem_shared>>
        tpu.enqueue_indirect_dma source(%arg11 : memref<80x64xf32, #tpu.memory_space<vmem>>) target(%dma_start3A_140 : memref<10008x64xf32, #tpu.memory_space<vmem_shared>>) offsets(%dma_start3A_137 : memref<80xi32, #tpu.memory_space<vmem>>) semaphore(%run_scoped3A : memref<!tpu.dma_semaphore, #tpu.memory_space<semaphore_mem>>) {add = true}
        %dma_wait3A_141 = arith.constant 0 : i32
        %dma_wait3A_142 = tpu.memref_slice %arg8[%add3A_87, %dma_wait3A_141] : memref<250x80xi32, #tpu.memory_space<vmem>> -> memref<1x80xi32, #tpu.memory_space<vmem>>
        %dma_wait3A_143 = tpu.memref_squeeze %dma_wait3A_142 : memref<1x80xi32, #tpu.memory_space<vmem>> -> memref<80xi32, #tpu.memory_space<vmem>>
        %dma_wait3A_144 = arith.constant 0 : i32
        %dma_wait3A_145 = arith.constant 0 : i32
        %dma_wait3A_146 = tpu.memref_slice %arg14[%dma_wait3A_144, %dma_wait3A_145] : memref<10008x64xf32, #tpu.memory_space<vmem_shared>> -> memref<10008x64xf32, #tpu.memory_space<vmem_shared>>
        tpu.wait_indirect_dma semaphore(%run_scoped3A : memref<!tpu.dma_semaphore, #tpu.memory_space<semaphore_mem>>) src(%arg11 : memref<80x64xf32, #tpu.memory_space<vmem>>) dst(%dma_wait3A_146 : memref<10008x64xf32, #tpu.memory_space<vmem_shared>>)
        tpu.yield
      }) : () -> ()
      %add3A_94 = arith.constant 5 : i32
      %add3A_95 = arith.addi %add3A_87, %add3A_94 : i32
      %lt3A_96 = arith.constant 250 : i32
      %lt3A_97 = arith.cmpi slt, %add3A_95, %lt3A_96 : i32
      %convert_element_type3A_98 = arith.extui %lt3A_97 : i1 to i32
      %cond3A_99 = arith.constant 0 : i32
      %cond3A_100 = arith.cmpi ne, %convert_element_type3A_98, %cond3A_99 : i32
      scf.if %cond3A_100 {
        %add3A_135 = arith.constant 5 : i32
        %add3A_136 = arith.addi %add3A_87, %add3A_135 : i32
        %dma_start3A_137 = arith.constant 0 : i32
        %dma_start3A_138 = tpu.memref_slice %arg7[%add3A_136, %dma_start3A_137] : memref<250x80xi32, #tpu.memory_space<vmem>> -> memref<1x80xi32, #tpu.memory_space<vmem>>
        %dma_start3A_139 = tpu.memref_squeeze %dma_start3A_138 : memref<1x80xi32, #tpu.memory_space<vmem>> -> memref<80xi32, #tpu.memory_space<vmem>>
        %dma_start3A_140 = arith.constant 0 : i32
        %dma_start3A_141 = arith.constant 0 : i32
        %dma_start3A_142 = tpu.memref_slice %arg2[%dma_start3A_140, %dma_start3A_141] : memref<20000x64xf32, #tpu.memory_space<hbm>> -> memref<20000x64xf32, #tpu.memory_space<hbm>>
        tpu.enqueue_indirect_dma source(%dma_start3A_142 : memref<20000x64xf32, #tpu.memory_space<hbm>>) target(%arg11 : memref<80x64xf32, #tpu.memory_space<vmem>>) offsets(%dma_start3A_139 : memref<80xi32, #tpu.memory_space<vmem>>) semaphore(%arg17 : memref<!tpu.dma_semaphore, #tpu.memory_space<semaphore_mem>>)
      } else {
      }
      %mul3A_101 = arith.constant 5 : i32
      %mul3A_102 = arith.muli %scan3A_50, %mul3A_101 : i32
      %add3A_103 = arith.constant 3 : i32
      %add3A_104 = arith.addi %mul3A_102, %add3A_103 : i32
      %dma_wait3A_105 = arith.constant 0 : i32
      %dma_wait3A_106 = tpu.memref_slice %arg7[%add3A_104, %dma_wait3A_105] : memref<250x80xi32, #tpu.memory_space<vmem>> -> memref<1x80xi32, #tpu.memory_space<vmem>>
      %dma_wait3A_107 = tpu.memref_squeeze %dma_wait3A_106 : memref<1x80xi32, #tpu.memory_space<vmem>> -> memref<80xi32, #tpu.memory_space<vmem>>
      %dma_wait3A_108 = arith.constant 0 : i32
      %dma_wait3A_109 = arith.constant 0 : i32
      %dma_wait3A_110 = tpu.memref_slice %arg2[%dma_wait3A_108, %dma_wait3A_109] : memref<20000x64xf32, #tpu.memory_space<hbm>> -> memref<20000x64xf32, #tpu.memory_space<hbm>>
      tpu.wait_indirect_dma semaphore(%arg18 : memref<!tpu.dma_semaphore, #tpu.memory_space<semaphore_mem>>) src(%dma_wait3A_110 : memref<20000x64xf32, #tpu.memory_space<hbm>>) dst(%arg12 : memref<80x64xf32, #tpu.memory_space<vmem>>)
      "tpu.region"() ({
        %run_scoped3A = tpu.sem_alloc : memref<!tpu.dma_semaphore, #tpu.memory_space<semaphore_mem>>
        %dma_start3A_135 = arith.constant 0 : i32
        %dma_start3A_136 = tpu.memref_slice %arg8[%add3A_104, %dma_start3A_135] : memref<250x80xi32, #tpu.memory_space<vmem>> -> memref<1x80xi32, #tpu.memory_space<vmem>>
        %dma_start3A_137 = tpu.memref_squeeze %dma_start3A_136 : memref<1x80xi32, #tpu.memory_space<vmem>> -> memref<80xi32, #tpu.memory_space<vmem>>
        %dma_start3A_138 = arith.constant 0 : i32
        %dma_start3A_139 = arith.constant 0 : i32
        %dma_start3A_140 = tpu.memref_slice %arg14[%dma_start3A_138, %dma_start3A_139] : memref<10008x64xf32, #tpu.memory_space<vmem_shared>> -> memref<10008x64xf32, #tpu.memory_space<vmem_shared>>
        tpu.enqueue_indirect_dma source(%arg12 : memref<80x64xf32, #tpu.memory_space<vmem>>) target(%dma_start3A_140 : memref<10008x64xf32, #tpu.memory_space<vmem_shared>>) offsets(%dma_start3A_137 : memref<80xi32, #tpu.memory_space<vmem>>) semaphore(%run_scoped3A : memref<!tpu.dma_semaphore, #tpu.memory_space<semaphore_mem>>) {add = true}
        %dma_wait3A_141 = arith.constant 0 : i32
        %dma_wait3A_142 = tpu.memref_slice %arg8[%add3A_104, %dma_wait3A_141] : memref<250x80xi32, #tpu.memory_space<vmem>> -> memref<1x80xi32, #tpu.memory_space<vmem>>
        %dma_wait3A_143 = tpu.memref_squeeze %dma_wait3A_142 : memref<1x80xi32, #tpu.memory_space<vmem>> -> memref<80xi32, #tpu.memory_space<vmem>>
        %dma_wait3A_144 = arith.constant 0 : i32
        %dma_wait3A_145 = arith.constant 0 : i32
        %dma_wait3A_146 = tpu.memref_slice %arg14[%dma_wait3A_144, %dma_wait3A_145] : memref<10008x64xf32, #tpu.memory_space<vmem_shared>> -> memref<10008x64xf32, #tpu.memory_space<vmem_shared>>
        tpu.wait_indirect_dma semaphore(%run_scoped3A : memref<!tpu.dma_semaphore, #tpu.memory_space<semaphore_mem>>) src(%arg12 : memref<80x64xf32, #tpu.memory_space<vmem>>) dst(%dma_wait3A_146 : memref<10008x64xf32, #tpu.memory_space<vmem_shared>>)
        tpu.yield
      }) : () -> ()
      %add3A_111 = arith.constant 5 : i32
      %add3A_112 = arith.addi %add3A_104, %add3A_111 : i32
      %lt3A_113 = arith.constant 250 : i32
      %lt3A_114 = arith.cmpi slt, %add3A_112, %lt3A_113 : i32
      %convert_element_type3A_115 = arith.extui %lt3A_114 : i1 to i32
      %cond3A_116 = arith.constant 0 : i32
      %cond3A_117 = arith.cmpi ne, %convert_element_type3A_115, %cond3A_116 : i32
      scf.if %cond3A_117 {
        %add3A_135 = arith.constant 5 : i32
        %add3A_136 = arith.addi %add3A_104, %add3A_135 : i32
        %dma_start3A_137 = arith.constant 0 : i32
        %dma_start3A_138 = tpu.memref_slice %arg7[%add3A_136, %dma_start3A_137] : memref<250x80xi32, #tpu.memory_space<vmem>> -> memref<1x80xi32, #tpu.memory_space<vmem>>
        %dma_start3A_139 = tpu.memref_squeeze %dma_start3A_138 : memref<1x80xi32, #tpu.memory_space<vmem>> -> memref<80xi32, #tpu.memory_space<vmem>>
        %dma_start3A_140 = arith.constant 0 : i32
        %dma_start3A_141 = arith.constant 0 : i32
        %dma_start3A_142 = tpu.memref_slice %arg2[%dma_start3A_140, %dma_start3A_141] : memref<20000x64xf32, #tpu.memory_space<hbm>> -> memref<20000x64xf32, #tpu.memory_space<hbm>>
        tpu.enqueue_indirect_dma source(%dma_start3A_142 : memref<20000x64xf32, #tpu.memory_space<hbm>>) target(%arg12 : memref<80x64xf32, #tpu.memory_space<vmem>>) offsets(%dma_start3A_139 : memref<80xi32, #tpu.memory_space<vmem>>) semaphore(%arg18 : memref<!tpu.dma_semaphore, #tpu.memory_space<semaphore_mem>>)
      } else {
      }
      %mul3A_118 = arith.constant 5 : i32
      %mul3A_119 = arith.muli %scan3A_50, %mul3A_118 : i32
      %add3A_120 = arith.constant 4 : i32
      %add3A_121 = arith.addi %mul3A_119, %add3A_120 : i32
      %dma_wait3A_122 = arith.constant 0 : i32
      %dma_wait3A_123 = tpu.memref_slice %arg7[%add3A_121, %dma_wait3A_122] : memref<250x80xi32, #tpu.memory_space<vmem>> -> memref<1x80xi32, #tpu.memory_space<vmem>>
      %dma_wait3A_124 = tpu.memref_squeeze %dma_wait3A_123 : memref<1x80xi32, #tpu.memory_space<vmem>> -> memref<80xi32, #tpu.memory_space<vmem>>
      %dma_wait3A_125 = arith.constant 0 : i32
      %dma_wait3A_126 = arith.constant 0 : i32
      %dma_wait3A_127 = tpu.memref_slice %arg2[%dma_wait3A_125, %dma_wait3A_126] : memref<20000x64xf32, #tpu.memory_space<hbm>> -> memref<20000x64xf32, #tpu.memory_space<hbm>>
      tpu.wait_indirect_dma semaphore(%arg19 : memref<!tpu.dma_semaphore, #tpu.memory_space<semaphore_mem>>) src(%dma_wait3A_127 : memref<20000x64xf32, #tpu.memory_space<hbm>>) dst(%arg13 : memref<80x64xf32, #tpu.memory_space<vmem>>)
      "tpu.region"() ({
        %run_scoped3A = tpu.sem_alloc : memref<!tpu.dma_semaphore, #tpu.memory_space<semaphore_mem>>
        %dma_start3A_135 = arith.constant 0 : i32
        %dma_start3A_136 = tpu.memref_slice %arg8[%add3A_121, %dma_start3A_135] : memref<250x80xi32, #tpu.memory_space<vmem>> -> memref<1x80xi32, #tpu.memory_space<vmem>>
        %dma_start3A_137 = tpu.memref_squeeze %dma_start3A_136 : memref<1x80xi32, #tpu.memory_space<vmem>> -> memref<80xi32, #tpu.memory_space<vmem>>
        %dma_start3A_138 = arith.constant 0 : i32
        %dma_start3A_139 = arith.constant 0 : i32
        %dma_start3A_140 = tpu.memref_slice %arg14[%dma_start3A_138, %dma_start3A_139] : memref<10008x64xf32, #tpu.memory_space<vmem_shared>> -> memref<10008x64xf32, #tpu.memory_space<vmem_shared>>
        tpu.enqueue_indirect_dma source(%arg13 : memref<80x64xf32, #tpu.memory_space<vmem>>) target(%dma_start3A_140 : memref<10008x64xf32, #tpu.memory_space<vmem_shared>>) offsets(%dma_start3A_137 : memref<80xi32, #tpu.memory_space<vmem>>) semaphore(%run_scoped3A : memref<!tpu.dma_semaphore, #tpu.memory_space<semaphore_mem>>) {add = true}
        %dma_wait3A_141 = arith.constant 0 : i32
        %dma_wait3A_142 = tpu.memref_slice %arg8[%add3A_121, %dma_wait3A_141] : memref<250x80xi32, #tpu.memory_space<vmem>> -> memref<1x80xi32, #tpu.memory_space<vmem>>
        %dma_wait3A_143 = tpu.memref_squeeze %dma_wait3A_142 : memref<1x80xi32, #tpu.memory_space<vmem>> -> memref<80xi32, #tpu.memory_space<vmem>>
        %dma_wait3A_144 = arith.constant 0 : i32
        %dma_wait3A_145 = arith.constant 0 : i32
        %dma_wait3A_146 = tpu.memref_slice %arg14[%dma_wait3A_144, %dma_wait3A_145] : memref<10008x64xf32, #tpu.memory_space<vmem_shared>> -> memref<10008x64xf32, #tpu.memory_space<vmem_shared>>
        tpu.wait_indirect_dma semaphore(%run_scoped3A : memref<!tpu.dma_semaphore, #tpu.memory_space<semaphore_mem>>) src(%arg13 : memref<80x64xf32, #tpu.memory_space<vmem>>) dst(%dma_wait3A_146 : memref<10008x64xf32, #tpu.memory_space<vmem_shared>>)
        tpu.yield
      }) : () -> ()
      %add3A_128 = arith.constant 5 : i32
      %add3A_129 = arith.addi %add3A_121, %add3A_128 : i32
      %lt3A_130 = arith.constant 250 : i32
      %lt3A_131 = arith.cmpi slt, %add3A_129, %lt3A_130 : i32
      %convert_element_type3A_132 = arith.extui %lt3A_131 : i1 to i32
      %cond3A_133 = arith.constant 0 : i32
      %cond3A_134 = arith.cmpi ne, %convert_element_type3A_132, %cond3A_133 : i32
      scf.if %cond3A_134 {
        %add3A_135 = arith.constant 5 : i32
        %add3A_136 = arith.addi %add3A_121, %add3A_135 : i32
        %dma_start3A_137 = arith.constant 0 : i32
        %dma_start3A_138 = tpu.memref_slice %arg7[%add3A_136, %dma_start3A_137] : memref<250x80xi32, #tpu.memory_space<vmem>> -> memref<1x80xi32, #tpu.memory_space<vmem>>
        %dma_start3A_139 = tpu.memref_squeeze %dma_start3A_138 : memref<1x80xi32, #tpu.memory_space<vmem>> -> memref<80xi32, #tpu.memory_space<vmem>>
        %dma_start3A_140 = arith.constant 0 : i32
        %dma_start3A_141 = arith.constant 0 : i32
        %dma_start3A_142 = tpu.memref_slice %arg2[%dma_start3A_140, %dma_start3A_141] : memref<20000x64xf32, #tpu.memory_space<hbm>> -> memref<20000x64xf32, #tpu.memory_space<hbm>>
        tpu.enqueue_indirect_dma source(%dma_start3A_142 : memref<20000x64xf32, #tpu.memory_space<hbm>>) target(%arg13 : memref<80x64xf32, #tpu.memory_space<vmem>>) offsets(%dma_start3A_139 : memref<80xi32, #tpu.memory_space<vmem>>) semaphore(%arg19 : memref<!tpu.dma_semaphore, #tpu.memory_space<semaphore_mem>>)
      } else {
      }
    }
    %scan3A_43 = arith.constant 50 : i32
    %barrier3A_44 = arith.constant 0 : index
    tpu.barrier barrier_id(%barrier3A_44)
    %lt3A_45 = arith.constant 10 : i32
    %lt3A_46 = arith.cmpi slt, %arg1, %lt3A_45 : i32
    %convert_element_type3A_47 = arith.extui %lt3A_46 : i1 to i32
    %cond3A_48 = arith.constant 0 : i32
    %cond3A_49 = arith.cmpi ne, %convert_element_type3A_47, %cond3A_48 : i32
    scf.if %cond3A_49 {
      %mul3A_50 = arith.constant 1000 : i32
      %mul3A_51 = arith.muli %arg1, %mul3A_50 : i32
      %multiple_of3A = tpu.assume_multiple %mul3A_51, 8 : i32
      %add3A_52 = arith.constant 0 : i32
      %add3A_53 = arith.addi %add3A_52, %arg0 : i32
      %mul3A_54 = arith.constant 10000 : i32
      %mul3A_55 = arith.muli %add3A_53, %mul3A_54 : i32
      %mul3A_56 = arith.constant 1000 : i32
      %mul3A_57 = arith.muli %arg1, %mul3A_56 : i32
      %add3A_58 = arith.addi %mul3A_55, %mul3A_57 : i32
      %multiple_of3A_59 = tpu.assume_multiple %add3A_58, 8 : i32
      "tpu.region"() ({
        %run_scoped3A = tpu.sem_alloc : memref<!tpu.dma_semaphore, #tpu.memory_space<semaphore_mem>>
        %dma_start3A_60 = arith.constant 0 : i32
        %dma_start3A_61 = tpu.memref_slice %arg6[%multiple_of3A_59, %dma_start3A_60] : memref<20000x64xf32, #tpu.memory_space<hbm>> -> memref<1000x64xf32, #tpu.memory_space<hbm>>
        %dma_start3A_62 = arith.constant 0 : i32
        %dma_start3A_63 = tpu.memref_slice %arg14[%multiple_of3A, %dma_start3A_62] : memref<10008x64xf32, #tpu.memory_space<vmem_shared>> -> memref<1000x64xf32, #tpu.memory_space<vmem_shared>>
        tpu.enqueue_dma source(%dma_start3A_63 : memref<1000x64xf32, #tpu.memory_space<vmem_shared>>) target(%dma_start3A_61 : memref<1000x64xf32, #tpu.memory_space<hbm>>) target_semaphore(%run_scoped3A : memref<!tpu.dma_semaphore, #tpu.memory_space<semaphore_mem>>)
        %dma_wait3A = arith.constant 0 : i32
        %dma_wait3A_64 = tpu.memref_slice %arg6[%multiple_of3A_59, %dma_wait3A] : memref<20000x64xf32, #tpu.memory_space<hbm>> -> memref<1000x64xf32, #tpu.memory_space<hbm>>
        %dma_wait3A_65 = arith.constant 0 : i32
        %dma_wait3A_66 = tpu.memref_slice %arg14[%multiple_of3A, %dma_wait3A_65] : memref<10008x64xf32, #tpu.memory_space<vmem_shared>> -> memref<1000x64xf32, #tpu.memory_space<vmem_shared>>
        tpu.wait_dma2 semaphore(%run_scoped3A : memref<!tpu.dma_semaphore, #tpu.memory_space<semaphore_mem>>) src(%dma_wait3A_66 : memref<1000x64xf32, #tpu.memory_space<vmem_shared>>) dst(%dma_wait3A_64 : memref<1000x64xf32, #tpu.memory_space<hbm>>)
        tpu.yield
      }) : () -> ()
    } else {
    }
    return
  }
}

module attributes {stable_mosaic.version = 14 : i64} {
  func.func @_tc1_body(%arg0: i32, %arg1: memref<2000x128xf32, #tpu.memory_space<vmem>>, %arg2: memref<2x2000x1xf32, #tpu.memory_space<vmem>>, %arg3: memref<2x2000x1xf32, #tpu.memory_space<vmem>>, %arg4: memref<2x2000x64xf32, #tpu.memory_space<vmem>>, %arg5: memref<2000x1xf32, #tpu.memory_space<vmem>>, %arg6: memref<2000x1xf32, #tpu.memory_space<vmem>>) attributes {dimension_semantics = [#tpu.dimension_semantics<arbitrary>], iteration_bounds = array<i64: 5>, scalar_prefetch = 0 : i64, scratch_operands = 0 : i64, tpu.core_type = #tpu.core_type<tc>, window_params = [{transform_indices = @transform_0, window_bounds = array<i64: 2000, 128>}, {transform_indices = @transform_1, window_bounds = array<i64: 2, 2000, 1>}, {transform_indices = @transform_2, window_bounds = array<i64: 2, 2000, 1>}, {transform_indices = @transform_3, window_bounds = array<i64: 2, 2000, 64>}, {transform_indices = @transform_4, window_bounds = array<i64: 2000, 1>}, {transform_indices = @transform_5, window_bounds = array<i64: 2000, 1>}]} {
    %get3A = arith.constant 0 : index
    %get3A_0 = arith.constant 0 : index
    %get3A_1 = arith.constant 0 : index
    %get3A_2 = vector.load %arg2[%get3A, %get3A_0, %get3A_1] : memref<2x2000x1xf32, #tpu.memory_space<vmem>>, vector<1x2000x1xf32>
    %get3A_3 = vector.shape_cast %get3A_2 : vector<1x2000x1xf32> to vector<2000x1xf32>
    %get3A_4 = arith.constant 1 : index
    %get3A_5 = arith.constant 0 : index
    %get3A_6 = arith.constant 0 : index
    %get3A_7 = vector.load %arg2[%get3A_4, %get3A_5, %get3A_6] : memref<2x2000x1xf32, #tpu.memory_space<vmem>>, vector<1x2000x1xf32>
    %get3A_8 = vector.shape_cast %get3A_7 : vector<1x2000x1xf32> to vector<2000x1xf32>
    %add3A = arith.addf %get3A_3, %get3A_8 : vector<2000x1xf32>
    %max3A = arith.constant 1.000000e+00 : f32
    %max3A_9 = vector.broadcast %max3A : f32 to vector<2000x1xf32>
    %max3A_10 = arith.maximumf %add3A, %max3A_9 : vector<2000x1xf32>
    %rsqrt3A = math.rsqrt %max3A_10 : vector<2000x1xf32>
    %get3A_11 = arith.constant 0 : index
    %get3A_12 = arith.constant 0 : index
    %get3A_13 = arith.constant 0 : index
    %get3A_14 = vector.load %arg3[%get3A_11, %get3A_12, %get3A_13] : memref<2x2000x1xf32, #tpu.memory_space<vmem>>, vector<1x2000x1xf32>
    %get3A_15 = vector.shape_cast %get3A_14 : vector<1x2000x1xf32> to vector<2000x1xf32>
    %get3A_16 = arith.constant 1 : index
    %get3A_17 = arith.constant 0 : index
    %get3A_18 = arith.constant 0 : index
    %get3A_19 = vector.load %arg3[%get3A_16, %get3A_17, %get3A_18] : memref<2x2000x1xf32, #tpu.memory_space<vmem>>, vector<1x2000x1xf32>
    %get3A_20 = vector.shape_cast %get3A_19 : vector<1x2000x1xf32> to vector<2000x1xf32>
    %add3A_21 = arith.addf %get3A_15, %get3A_20 : vector<2000x1xf32>
    %max3A_22 = arith.constant 1.000000e+00 : f32
    %max3A_23 = vector.broadcast %max3A_22 : f32 to vector<2000x1xf32>
    %max3A_24 = arith.maximumf %add3A_21, %max3A_23 : vector<2000x1xf32>
    %rsqrt3A_25 = math.rsqrt %max3A_24 : vector<2000x1xf32>
    %get3A_26 = arith.constant 0 : index
    %get3A_27 = arith.constant 0 : index
    %get3A_28 = vector.load %arg1[%get3A_26, %get3A_27] : memref<2000x128xf32, #tpu.memory_space<vmem>>, vector<2000x128xf32>
    %mul3A = vector.broadcast %rsqrt3A : vector<2000x1xf32> to vector<2000x128xf32>
    %mul3A_29 = arith.mulf %get3A_28, %mul3A : vector<2000x128xf32>
    %slice3A = vector.extract_strided_slice %mul3A_29 {offsets = [0, 0], sizes = [2000, 64], strides = [1, 1]} : vector<2000x128xf32> to vector<2000x64xf32>
    %swap3A = arith.constant 0 : index
    %swap3A_30 = arith.constant 0 : index
    %swap3A_31 = arith.constant 0 : index
    %swap3A_32 = vector.load %arg4[%swap3A, %swap3A_30, %swap3A_31] : memref<2x2000x64xf32, #tpu.memory_space<vmem>>, vector<1x2000x64xf32>
    %swap3A_33 = vector.shape_cast %swap3A_32 : vector<1x2000x64xf32> to vector<2000x64xf32>
    %swap3A_34 = vector.shape_cast %slice3A : vector<2000x64xf32> to vector<1x2000x64xf32>
    tpu.vector_store %arg4[%swap3A, %swap3A_30, %swap3A_31], %swap3A_34 {strides = array<i32>} : memref<2x2000x64xf32, #tpu.memory_space<vmem>>, vector<1x2000x64xf32>,
    %slice3A_35 = vector.extract_strided_slice %mul3A_29 {offsets = [0, 64], sizes = [2000, 64], strides = [1, 1]} : vector<2000x128xf32> to vector<2000x64xf32>
    %swap3A_36 = arith.constant 1 : index
    %swap3A_37 = arith.constant 0 : index
    %swap3A_38 = arith.constant 0 : index
    %swap3A_39 = vector.load %arg4[%swap3A_36, %swap3A_37, %swap3A_38] : memref<2x2000x64xf32, #tpu.memory_space<vmem>>, vector<1x2000x64xf32>
    %swap3A_40 = vector.shape_cast %swap3A_39 : vector<1x2000x64xf32> to vector<2000x64xf32>
    %swap3A_41 = vector.shape_cast %slice3A_35 : vector<2000x64xf32> to vector<1x2000x64xf32>
    tpu.vector_store %arg4[%swap3A_36, %swap3A_37, %swap3A_38], %swap3A_41 {strides = array<i32>} : memref<2x2000x64xf32, #tpu.memory_space<vmem>>, vector<1x2000x64xf32>,
    %swap3A_42 = arith.constant 0 : index
    %swap3A_43 = arith.constant 0 : index
    %swap3A_44 = vector.load %arg5[%swap3A_42, %swap3A_43] : memref<2000x1xf32, #tpu.memory_space<vmem>>, vector<2000x1xf32>
    tpu.vector_store %arg5[%swap3A_42, %swap3A_43], %rsqrt3A {strides = array<i32>} : memref<2000x1xf32, #tpu.memory_space<vmem>>, vector<2000x1xf32>,
    %swap3A_45 = arith.constant 0 : index
    %swap3A_46 = arith.constant 0 : index
    %swap3A_47 = vector.load %arg6[%swap3A_45, %swap3A_46] : memref<2000x1xf32, #tpu.memory_space<vmem>>, vector<2000x1xf32>
    tpu.vector_store %arg6[%swap3A_45, %swap3A_46], %rsqrt3A_25 {strides = array<i32>} : memref<2000x1xf32, #tpu.memory_space<vmem>>, vector<2000x1xf32>,
    return
  }
  func.func @transform_0(%arg0: i32) -> (i32, i32) {
    %c0_i32 = arith.constant 0 : i32
    %c0_i32_0 = arith.constant 0 : i32
    return %arg0, %c0_i32 : i32, i32
  }
  func.func @transform_1(%arg0: i32) -> (i32, i32, i32) {
    %c0_i32 = arith.constant 0 : i32
    %c0_i32_0 = arith.constant 0 : i32
    %c0_i32_1 = arith.constant 0 : i32
    return %c0_i32, %arg0, %c0_i32_0 : i32, i32, i32
  }
  func.func @transform_2(%arg0: i32) -> (i32, i32, i32) {
    %c0_i32 = arith.constant 0 : i32
    %c0_i32_0 = arith.constant 0 : i32
    %c0_i32_1 = arith.constant 0 : i32
    return %c0_i32, %arg0, %c0_i32_0 : i32, i32, i32
  }
  func.func @transform_3(%arg0: i32) -> (i32, i32, i32) {
    %c0_i32 = arith.constant 0 : i32
    %c0_i32_0 = arith.constant 0 : i32
    %c0_i32_1 = arith.constant 0 : i32
    return %c0_i32, %arg0, %c0_i32_0 : i32, i32, i32
  }
  func.func @transform_4(%arg0: i32) -> (i32, i32) {
    %c0_i32 = arith.constant 0 : i32
    %c0_i32_0 = arith.constant 0 : i32
    return %arg0, %c0_i32 : i32, i32
  }
  func.func @transform_5(%arg0: i32) -> (i32, i32) {
    %c0_i32 = arith.constant 0 : i32
    %c0_i32_0 = arith.constant 0 : i32
    return %arg0, %c0_i32 : i32, i32
  }
}

module attributes {stable_mosaic.version = 14 : i64} {
  func.func @_tc2_body(%arg0: i32, %arg1: memref<2x2000x64xf32, #tpu.memory_space<vmem>>, %arg2: memref<2000x1xf32, #tpu.memory_space<vmem>>, %arg3: memref<2000x1xf32, #tpu.memory_space<vmem>>, %arg4: memref<1x256xf32, #tpu.memory_space<vmem>>, %arg5: memref<128x256xf32, #tpu.memory_space<vmem>>, %arg6: memref<4x2000x64xf32, #tpu.memory_space<vmem>>) attributes {dimension_semantics = [#tpu.dimension_semantics<arbitrary>], iteration_bounds = array<i64: 5>, scalar_prefetch = 0 : i64, scratch_operands = 0 : i64, tpu.core_type = #tpu.core_type<tc>, window_params = [{transform_indices = @transform_0, window_bounds = array<i64: 2, 2000, 64>}, {transform_indices = @transform_1, window_bounds = array<i64: 2000, 1>}, {transform_indices = @transform_2, window_bounds = array<i64: 2000, 1>}, {pipeline_mode = #tpu.pipeline_mode<synchronous>, transform_indices = @transform_3, window_bounds = array<i64: 1, 256>}, {pipeline_mode = #tpu.pipeline_mode<synchronous>, transform_indices = @transform_4, window_bounds = array<i64: 128, 256>}, {transform_indices = @transform_5, window_bounds = array<i64: 4, 2000, 64>}]} {
    %get3A = arith.constant 0 : index
    %get3A_0 = arith.constant 0 : index
    %get3A_1 = arith.constant 0 : index
    %get3A_2 = vector.load %arg1[%get3A, %get3A_0, %get3A_1] : memref<2x2000x64xf32, #tpu.memory_space<vmem>>, vector<1x2000x64xf32>
    %get3A_3 = vector.shape_cast %get3A_2 : vector<1x2000x64xf32> to vector<2000x64xf32>
    %get3A_4 = arith.constant 1 : index
    %get3A_5 = arith.constant 0 : index
    %get3A_6 = arith.constant 0 : index
    %get3A_7 = vector.load %arg1[%get3A_4, %get3A_5, %get3A_6] : memref<2x2000x64xf32, #tpu.memory_space<vmem>>, vector<1x2000x64xf32>
    %get3A_8 = vector.shape_cast %get3A_7 : vector<1x2000x64xf32> to vector<2000x64xf32>
    %concatenate3A = tpu.concatenate %get3A_3, %get3A_8 in 1 : vector<2000x64xf32>, vector<2000x64xf32> -> vector<2000x128xf32>
    %get3A_9 = arith.constant 0 : index
    %get3A_10 = arith.constant 0 : index
    %get3A_11 = vector.load %arg5[%get3A_9, %get3A_10] : memref<128x256xf32, #tpu.memory_space<vmem>>, vector<128x256xf32>
    %dot_general3A = arith.constant dense<0.000000e+00> : vector<2000x256xf32>
    %dot_general3A_12 = tpu.matmul %concatenate3A, %get3A_11, %dot_general3A {dimension_numbers = #tpu.dot_dimension_numbers<[1], [0], [0], [1], [0, 0, 1, 1], [], []>, transpose_lhs_hint = false} : vector<2000x128xf32>, vector<128x256xf32>, vector<2000x256xf32> -> vector<2000x256xf32>
    %get3A_13 = arith.constant 0 : index
    %get3A_14 = arith.constant 0 : index
    %get3A_15 = vector.load %arg2[%get3A_13, %get3A_14] : memref<2000x1xf32, #tpu.memory_space<vmem>>, vector<2000x1xf32>
    %mul3A = vector.broadcast %get3A_15 : vector<2000x1xf32> to vector<2000x256xf32>
    %mul3A_16 = arith.mulf %dot_general3A_12, %mul3A : vector<2000x256xf32>
    %get3A_17 = arith.constant 0 : index
    %get3A_18 = arith.constant 0 : index
    %get3A_19 = vector.load %arg4[%get3A_17, %get3A_18] : memref<1x256xf32, #tpu.memory_space<vmem>>, vector<1x256xf32>
    %add3A = vector.broadcast %get3A_19 : vector<1x256xf32> to vector<2000x256xf32>
    %add3A_20 = arith.addf %mul3A_16, %add3A : vector<2000x256xf32>
    %max3A = arith.constant 0.000000e+00 : f32
    %max3A_21 = vector.broadcast %max3A : f32 to vector<2000x256xf32>
    %max3A_22 = arith.maximumf %add3A_20, %max3A_21 : vector<2000x256xf32>
    %get3A_23 = arith.constant 0 : index
    %get3A_24 = arith.constant 0 : index
    %get3A_25 = vector.load %arg3[%get3A_23, %get3A_24] : memref<2000x1xf32, #tpu.memory_space<vmem>>, vector<2000x1xf32>
    %mul3A_26 = vector.broadcast %get3A_25 : vector<2000x1xf32> to vector<2000x256xf32>
    %mul3A_27 = arith.mulf %max3A_22, %mul3A_26 : vector<2000x256xf32>
    %slice3A = vector.extract_strided_slice %mul3A_27 {offsets = [0, 0], sizes = [2000, 64], strides = [1, 1]} : vector<2000x256xf32> to vector<2000x64xf32>
    %swap3A = arith.constant 0 : index
    %swap3A_28 = arith.constant 0 : index
    %swap3A_29 = arith.constant 0 : index
    %swap3A_30 = vector.load %arg6[%swap3A, %swap3A_28, %swap3A_29] : memref<4x2000x64xf32, #tpu.memory_space<vmem>>, vector<1x2000x64xf32>
    %swap3A_31 = vector.shape_cast %swap3A_30 : vector<1x2000x64xf32> to vector<2000x64xf32>
    %swap3A_32 = vector.shape_cast %slice3A : vector<2000x64xf32> to vector<1x2000x64xf32>
    tpu.vector_store %arg6[%swap3A, %swap3A_28, %swap3A_29], %swap3A_32 {strides = array<i32>} : memref<4x2000x64xf32, #tpu.memory_space<vmem>>, vector<1x2000x64xf32>,
    %slice3A_33 = vector.extract_strided_slice %mul3A_27 {offsets = [0, 64], sizes = [2000, 64], strides = [1, 1]} : vector<2000x256xf32> to vector<2000x64xf32>
    %swap3A_34 = arith.constant 1 : index
    %swap3A_35 = arith.constant 0 : index
    %swap3A_36 = arith.constant 0 : index
    %swap3A_37 = vector.load %arg6[%swap3A_34, %swap3A_35, %swap3A_36] : memref<4x2000x64xf32, #tpu.memory_space<vmem>>, vector<1x2000x64xf32>
    %swap3A_38 = vector.shape_cast %swap3A_37 : vector<1x2000x64xf32> to vector<2000x64xf32>
    %swap3A_39 = vector.shape_cast %slice3A_33 : vector<2000x64xf32> to vector<1x2000x64xf32>
    tpu.vector_store %arg6[%swap3A_34, %swap3A_35, %swap3A_36], %swap3A_39 {strides = array<i32>} : memref<4x2000x64xf32, #tpu.memory_space<vmem>>, vector<1x2000x64xf32>,
    %slice3A_40 = vector.extract_strided_slice %mul3A_27 {offsets = [0, 128], sizes = [2000, 64], strides = [1, 1]} : vector<2000x256xf32> to vector<2000x64xf32>
    %swap3A_41 = arith.constant 2 : index
    %swap3A_42 = arith.constant 0 : index
    %swap3A_43 = arith.constant 0 : index
    %swap3A_44 = vector.load %arg6[%swap3A_41, %swap3A_42, %swap3A_43] : memref<4x2000x64xf32, #tpu.memory_space<vmem>>, vector<1x2000x64xf32>
    %swap3A_45 = vector.shape_cast %swap3A_44 : vector<1x2000x64xf32> to vector<2000x64xf32>
    %swap3A_46 = vector.shape_cast %slice3A_40 : vector<2000x64xf32> to vector<1x2000x64xf32>
    tpu.vector_store %arg6[%swap3A_41, %swap3A_42, %swap3A_43], %swap3A_46 {strides = array<i32>} : memref<4x2000x64xf32, #tpu.memory_space<vmem>>, vector<1x2000x64xf32>,
    %slice3A_47 = vector.extract_strided_slice %mul3A_27 {offsets = [0, 192], sizes = [2000, 64], strides = [1, 1]} : vector<2000x256xf32> to vector<2000x64xf32>
    %swap3A_48 = arith.constant 3 : index
    %swap3A_49 = arith.constant 0 : index
    %swap3A_50 = arith.constant 0 : index
    %swap3A_51 = vector.load %arg6[%swap3A_48, %swap3A_49, %swap3A_50] : memref<4x2000x64xf32, #tpu.memory_space<vmem>>, vector<1x2000x64xf32>
    %swap3A_52 = vector.shape_cast %swap3A_51 : vector<1x2000x64xf32> to vector<2000x64xf32>
    %swap3A_53 = vector.shape_cast %slice3A_47 : vector<2000x64xf32> to vector<1x2000x64xf32>
    tpu.vector_store %arg6[%swap3A_48, %swap3A_49, %swap3A_50], %swap3A_53 {strides = array<i32>} : memref<4x2000x64xf32, #tpu.memory_space<vmem>>, vector<1x2000x64xf32>,
    return
  }
  func.func @transform_0(%arg0: i32) -> (i32, i32, i32) {
    %c0_i32 = arith.constant 0 : i32
    %c0_i32_0 = arith.constant 0 : i32
    %c0_i32_1 = arith.constant 0 : i32
    return %c0_i32, %arg0, %c0_i32_0 : i32, i32, i32
  }
  func.func @transform_1(%arg0: i32) -> (i32, i32) {
    %c0_i32 = arith.constant 0 : i32
    %c0_i32_0 = arith.constant 0 : i32
    return %arg0, %c0_i32 : i32, i32
  }
  func.func @transform_2(%arg0: i32) -> (i32, i32) {
    %c0_i32 = arith.constant 0 : i32
    %c0_i32_0 = arith.constant 0 : i32
    return %arg0, %c0_i32 : i32, i32
  }
  func.func @transform_3(%arg0: i32) -> (i32, i32) {
    %c0_i32 = arith.constant 0 : i32
    %c0_i32_0 = arith.constant 0 : i32
    %c0_i32_1 = arith.constant 0 : i32
    return %c0_i32, %c0_i32_0 : i32, i32
  }
  func.func @transform_4(%arg0: i32) -> (i32, i32) {
    %c0_i32 = arith.constant 0 : i32
    %c0_i32_0 = arith.constant 0 : i32
    %c0_i32_1 = arith.constant 0 : i32
    return %c0_i32, %c0_i32_0 : i32, i32
  }
  func.func @transform_5(%arg0: i32) -> (i32, i32, i32) {
    %c0_i32 = arith.constant 0 : i32
    %c0_i32_0 = arith.constant 0 : i32
    %c0_i32_1 = arith.constant 0 : i32
    return %c0_i32, %arg0, %c0_i32_0 : i32, i32, i32
  }
}

module attributes {stable_mosaic.version = 14 : i64} {
  func.func @_tc3_body(%arg0: i32, %arg1: memref<4x2000x64xf32, #tpu.memory_space<vmem>>, %arg2: memref<2000x1xf32, #tpu.memory_space<vmem>>, %arg3: memref<2000x1xf32, #tpu.memory_space<vmem>>, %arg4: memref<1x256xf32, #tpu.memory_space<vmem>>, %arg5: memref<256x256xf32, #tpu.memory_space<vmem>>, %arg6: memref<256x64xf32, #tpu.memory_space<vmem>>, %arg7: memref<2000x64xf32, #tpu.memory_space<vmem>>) attributes {dimension_semantics = [#tpu.dimension_semantics<arbitrary>], iteration_bounds = array<i64: 5>, scalar_prefetch = 0 : i64, scratch_operands = 0 : i64, tpu.core_type = #tpu.core_type<tc>, window_params = [{transform_indices = @transform_0, window_bounds = array<i64: 4, 2000, 64>}, {transform_indices = @transform_1, window_bounds = array<i64: 2000, 1>}, {transform_indices = @transform_2, window_bounds = array<i64: 2000, 1>}, {pipeline_mode = #tpu.pipeline_mode<synchronous>, transform_indices = @transform_3, window_bounds = array<i64: 1, 256>}, {pipeline_mode = #tpu.pipeline_mode<synchronous>, transform_indices = @transform_4, window_bounds = array<i64: 256, 256>}, {pipeline_mode = #tpu.pipeline_mode<synchronous>, transform_indices = @transform_5, window_bounds = array<i64: 256, 64>}, {transform_indices = @transform_6, window_bounds = array<i64: 2000, 64>}]} {
    %get3A = arith.constant 0 : index
    %get3A_0 = arith.constant 0 : index
    %get3A_1 = arith.constant 0 : index
    %get3A_2 = vector.load %arg1[%get3A, %get3A_0, %get3A_1] : memref<4x2000x64xf32, #tpu.memory_space<vmem>>, vector<1x2000x64xf32>
    %get3A_3 = vector.shape_cast %get3A_2 : vector<1x2000x64xf32> to vector<2000x64xf32>
    %get3A_4 = arith.constant 1 : index
    %get3A_5 = arith.constant 0 : index
    %get3A_6 = arith.constant 0 : index
    %get3A_7 = vector.load %arg1[%get3A_4, %get3A_5, %get3A_6] : memref<4x2000x64xf32, #tpu.memory_space<vmem>>, vector<1x2000x64xf32>
    %get3A_8 = vector.shape_cast %get3A_7 : vector<1x2000x64xf32> to vector<2000x64xf32>
    %get3A_9 = arith.constant 2 : index
    %get3A_10 = arith.constant 0 : index
    %get3A_11 = arith.constant 0 : index
    %get3A_12 = vector.load %arg1[%get3A_9, %get3A_10, %get3A_11] : memref<4x2000x64xf32, #tpu.memory_space<vmem>>, vector<1x2000x64xf32>
    %get3A_13 = vector.shape_cast %get3A_12 : vector<1x2000x64xf32> to vector<2000x64xf32>
    %get3A_14 = arith.constant 3 : index
    %get3A_15 = arith.constant 0 : index
    %get3A_16 = arith.constant 0 : index
    %get3A_17 = vector.load %arg1[%get3A_14, %get3A_15, %get3A_16] : memref<4x2000x64xf32, #tpu.memory_space<vmem>>, vector<1x2000x64xf32>
    %get3A_18 = vector.shape_cast %get3A_17 : vector<1x2000x64xf32> to vector<2000x64xf32>
    %concatenate3A = tpu.concatenate %get3A_3, %get3A_8, %get3A_13, %get3A_18 in 1 : vector<2000x64xf32>, vector<2000x64xf32>, vector<2000x64xf32>, vector<2000x64xf32> -> vector<2000x256xf32>
    %get3A_19 = arith.constant 0 : index
    %get3A_20 = arith.constant 0 : index
    %get3A_21 = vector.load %arg5[%get3A_19, %get3A_20] : memref<256x256xf32, #tpu.memory_space<vmem>>, vector<256x256xf32>
    %dot_general3A = arith.constant dense<0.000000e+00> : vector<2000x256xf32>
    %dot_general3A_22 = tpu.matmul %concatenate3A, %get3A_21, %dot_general3A {dimension_numbers = #tpu.dot_dimension_numbers<[1], [0], [0], [1], [0, 0, 1, 1], [], []>, transpose_lhs_hint = false} : vector<2000x256xf32>, vector<256x256xf32>, vector<2000x256xf32> -> vector<2000x256xf32>
    %get3A_23 = arith.constant 0 : index
    %get3A_24 = arith.constant 0 : index
    %get3A_25 = vector.load %arg2[%get3A_23, %get3A_24] : memref<2000x1xf32, #tpu.memory_space<vmem>>, vector<2000x1xf32>
    %mul3A = vector.broadcast %get3A_25 : vector<2000x1xf32> to vector<2000x256xf32>
    %mul3A_26 = arith.mulf %dot_general3A_22, %mul3A : vector<2000x256xf32>
    %get3A_27 = arith.constant 0 : index
    %get3A_28 = arith.constant 0 : index
    %get3A_29 = vector.load %arg4[%get3A_27, %get3A_28] : memref<1x256xf32, #tpu.memory_space<vmem>>, vector<1x256xf32>
    %add3A = vector.broadcast %get3A_29 : vector<1x256xf32> to vector<2000x256xf32>
    %add3A_30 = arith.addf %mul3A_26, %add3A : vector<2000x256xf32>
    %max3A = arith.constant 0.000000e+00 : f32
    %max3A_31 = vector.broadcast %max3A : f32 to vector<2000x256xf32>
    %max3A_32 = arith.maximumf %add3A_30, %max3A_31 : vector<2000x256xf32>
    %get3A_33 = arith.constant 0 : index
    %get3A_34 = arith.constant 0 : index
    %get3A_35 = vector.load %arg3[%get3A_33, %get3A_34] : memref<2000x1xf32, #tpu.memory_space<vmem>>, vector<2000x1xf32>
    %mul3A_36 = vector.broadcast %get3A_35 : vector<2000x1xf32> to vector<2000x256xf32>
    %mul3A_37 = arith.mulf %max3A_32, %mul3A_36 : vector<2000x256xf32>
    %get3A_38 = arith.constant 0 : index
    %get3A_39 = arith.constant 0 : index
    %get3A_40 = vector.load %arg6[%get3A_38, %get3A_39] : memref<256x64xf32, #tpu.memory_space<vmem>>, vector<256x64xf32>
    %dot_general3A_41 = arith.constant dense<0.000000e+00> : vector<2000x64xf32>
    %dot_general3A_42 = tpu.matmul %mul3A_37, %get3A_40, %dot_general3A_41 {dimension_numbers = #tpu.dot_dimension_numbers<[1], [0], [0], [1], [0, 0, 1, 1], [], []>, transpose_lhs_hint = false} : vector<2000x256xf32>, vector<256x64xf32>, vector<2000x64xf32> -> vector<2000x64xf32>
    %swap3A = arith.constant 0 : index
    %swap3A_43 = arith.constant 0 : index
    %swap3A_44 = vector.load %arg7[%swap3A, %swap3A_43] : memref<2000x64xf32, #tpu.memory_space<vmem>>, vector<2000x64xf32>
    tpu.vector_store %arg7[%swap3A, %swap3A_43], %dot_general3A_42 {strides = array<i32>} : memref<2000x64xf32, #tpu.memory_space<vmem>>, vector<2000x64xf32>,
    return
  }
  func.func @transform_0(%arg0: i32) -> (i32, i32, i32) {
    %c0_i32 = arith.constant 0 : i32
    %c0_i32_0 = arith.constant 0 : i32
    %c0_i32_1 = arith.constant 0 : i32
    return %c0_i32, %arg0, %c0_i32_0 : i32, i32, i32
  }
  func.func @transform_1(%arg0: i32) -> (i32, i32) {
    %c0_i32 = arith.constant 0 : i32
    %c0_i32_0 = arith.constant 0 : i32
    return %arg0, %c0_i32 : i32, i32
  }
  func.func @transform_2(%arg0: i32) -> (i32, i32) {
    %c0_i32 = arith.constant 0 : i32
    %c0_i32_0 = arith.constant 0 : i32
    return %arg0, %c0_i32 : i32, i32
  }
  func.func @transform_3(%arg0: i32) -> (i32, i32) {
    %c0_i32 = arith.constant 0 : i32
    %c0_i32_0 = arith.constant 0 : i32
    %c0_i32_1 = arith.constant 0 : i32
    return %c0_i32, %c0_i32_0 : i32, i32
  }
  func.func @transform_4(%arg0: i32) -> (i32, i32) {
    %c0_i32 = arith.constant 0 : i32
    %c0_i32_0 = arith.constant 0 : i32
    %c0_i32_1 = arith.constant 0 : i32
    return %c0_i32, %c0_i32_0 : i32, i32
  }
  func.func @transform_5(%arg0: i32) -> (i32, i32) {
    %c0_i32 = arith.constant 0 : i32
    %c0_i32_0 = arith.constant 0 : i32
    %c0_i32_1 = arith.constant 0 : i32
    return %c0_i32, %c0_i32_0 : i32, i32
  }
  func.func @transform_6(%arg0: i32) -> (i32, i32) {
    %c0_i32 = arith.constant 0 : i32
    %c0_i32_0 = arith.constant 0 : i32
    return %arg0, %c0_i32 : i32, i32
  }
}

module attributes {stable_mosaic.version = 14 : i64} {
  func.func @_tcf_body(%arg0: i32, %arg1: memref<2x2000x64xf32, #tpu.memory_space<vmem>>, %arg2: memref<2000x1xf32, #tpu.memory_space<vmem>>, %arg3: memref<1x64xf32, #tpu.memory_space<vmem>>, %arg4: memref<2000x64xf32, #tpu.memory_space<vmem>>) attributes {dimension_semantics = [#tpu.dimension_semantics<arbitrary>], iteration_bounds = array<i64: 5>, scalar_prefetch = 0 : i64, scratch_operands = 0 : i64, tpu.core_type = #tpu.core_type<tc>, window_params = [{transform_indices = @transform_0, window_bounds = array<i64: 2, 2000, 64>}, {transform_indices = @transform_1, window_bounds = array<i64: 2000, 1>}, {pipeline_mode = #tpu.pipeline_mode<synchronous>, transform_indices = @transform_2, window_bounds = array<i64: 1, 64>}, {transform_indices = @transform_3, window_bounds = array<i64: 2000, 64>}]} {
    %get3A = arith.constant 0 : index
    %get3A_0 = arith.constant 0 : index
    %get3A_1 = arith.constant 0 : index
    %get3A_2 = vector.load %arg1[%get3A, %get3A_0, %get3A_1] : memref<2x2000x64xf32, #tpu.memory_space<vmem>>, vector<1x2000x64xf32>
    %get3A_3 = vector.shape_cast %get3A_2 : vector<1x2000x64xf32> to vector<2000x64xf32>
    %get3A_4 = arith.constant 1 : index
    %get3A_5 = arith.constant 0 : index
    %get3A_6 = arith.constant 0 : index
    %get3A_7 = vector.load %arg1[%get3A_4, %get3A_5, %get3A_6] : memref<2x2000x64xf32, #tpu.memory_space<vmem>>, vector<1x2000x64xf32>
    %get3A_8 = vector.shape_cast %get3A_7 : vector<1x2000x64xf32> to vector<2000x64xf32>
    %add3A = arith.addf %get3A_3, %get3A_8 : vector<2000x64xf32>
    %get3A_9 = arith.constant 0 : index
    %get3A_10 = arith.constant 0 : index
    %get3A_11 = vector.load %arg2[%get3A_9, %get3A_10] : memref<2000x1xf32, #tpu.memory_space<vmem>>, vector<2000x1xf32>
    %mul3A = vector.broadcast %get3A_11 : vector<2000x1xf32> to vector<2000x64xf32>
    %mul3A_12 = arith.mulf %add3A, %mul3A : vector<2000x64xf32>
    %get3A_13 = arith.constant 0 : index
    %get3A_14 = arith.constant 0 : index
    %get3A_15 = vector.load %arg3[%get3A_13, %get3A_14] : memref<1x64xf32, #tpu.memory_space<vmem>>, vector<1x64xf32>
    %add3A_16 = vector.broadcast %get3A_15 : vector<1x64xf32> to vector<2000x64xf32>
    %add3A_17 = arith.addf %mul3A_12, %add3A_16 : vector<2000x64xf32>
    %swap3A = arith.constant 0 : index
    %swap3A_18 = arith.constant 0 : index
    %swap3A_19 = vector.load %arg4[%swap3A, %swap3A_18] : memref<2000x64xf32, #tpu.memory_space<vmem>>, vector<2000x64xf32>
    tpu.vector_store %arg4[%swap3A, %swap3A_18], %add3A_17 {strides = array<i32>} : memref<2000x64xf32, #tpu.memory_space<vmem>>, vector<2000x64xf32>,
    return
  }
  func.func @transform_0(%arg0: i32) -> (i32, i32, i32) {
    %c0_i32 = arith.constant 0 : i32
    %c0_i32_0 = arith.constant 0 : i32
    %c0_i32_1 = arith.constant 0 : i32
    return %c0_i32, %arg0, %c0_i32_0 : i32, i32, i32
  }
  func.func @transform_1(%arg0: i32) -> (i32, i32) {
    %c0_i32 = arith.constant 0 : i32
    %c0_i32_0 = arith.constant 0 : i32
    return %arg0, %c0_i32 : i32, i32
  }
  func.func @transform_2(%arg0: i32) -> (i32, i32) {
    %c0_i32 = arith.constant 0 : i32
    %c0_i32_0 = arith.constant 0 : i32
    %c0_i32_1 = arith.constant 0 : i32
    return %c0_i32, %c0_i32_0 : i32, i32
  }
  func.func @transform_3(%arg0: i32) -> (i32, i32) {
    %c0_i32 = arith.constant 0 : i32
    %c0_i32_0 = arith.constant 0 : i32
    return %arg0, %c0_i32 : i32, i32
  }
}

</mosaic_0001>

<sc_bundles>
// kernel: _run.10.cloned.1.call-start
scs
__scs_entry_jumppad:
0x0: {  	(pc) =	sbr.rel $0x88, $3  }
0x1: {  	(tag) =	ssettag $0x0;
	lr =	simm.s32 $0x1  }
0x2: {  	[smem:$0x3F99] =	sst lr;
	_ =	strace $0xD0000000  }
0x3: {  	_ = 	snop  }
0x4: {  	_ = 	snop  }
0x5: {  	_ = 	snop  }
0x6: {  	_ = 	snop  }
0x7: {  	_ = 	snop  }
__scs_overlays_trampoline_lowered:
0x8: {  	[smem:$0x3FA8] =	sst s0  }
0x9: {  	[smem:$0x3FA9] =	sst s1  }
0xa: {  	[smem:$0x3FAA] =	sst s2  }
0xb: {  	[smem:$0x3FAB] =	sst s3  }
0xc: {  	[smem:$0x3FAC] =	sst s4  }
0xd: {  	[smem:$0x3FAD] =	sst s5  }
0xe: {  	[smem:$0x3FAE] =	sst s6  }
0xf: {  	[smem:$0x3FAF] =	sst s7  }
0x10: {  	[smem:$0x3FB0] =	sst s8  }
0x11: {  	[smem:$0x3FB1] =	sst s9;
	s0 =	simm.s32 @!p0 $0x0  }
0x12: {  	s1 =	sld [smem:$0x3F97];
	s0 =	simm.s32 @p0 $0x1  }
0x13: {  	[smem:$0x3FB2] =	sst s0;
	s0 =	simm.s32 @!p1 $0x0  }
0x14: {  	s2 =	sld [smem:$0x3F96];
	s0 =	simm.s32 @p1 $0x1  }
0x15: {  	[smem:$0x3FB3] =	sst s0;
	s0 =	simm.s32 @!p2 $0x0  }
0x16: {  	s3 =	sld [smem:$0x3FDB];
	s0 =	simm.s32 @p2 $0x1  }
0x17: {  	s4 =	simm.s32 $0x1BF5;
	[smem:$0x3FB5] =	sst s0  }
0x18: {  	s0 =	sld [smem:$0x3F98];
	_ =	swait.ge [sflag:s4], $0x0  }
0x19: {  	s7 =	sld [smem:$0x3F99]  }
0x1a: {  	s8 =	sadd.s32 $0xFFFFE003, lr  }
0x1b: {  	s9 =	sadd.s32 $0xFFFFFEF7, lr;
	s5 =	simm.s32 $0xFFFFFFFF;
	p2 =	slt.u32 s8, $0xFFFFF086  }
0x1c: {  	p1 =	slt.u32 s9, $0xF7A;
	s5 =	simm.s32 @!p2 $0x0  }
0x1d: {  	s5 =	simm.s32 @p1 $0x1;
	p0 =	seq.s32 s7, s2  }
0x1e: {  	s7 =	smul.u32 @!p0 $0xF7A, s2;
	p2 =	seq.s32 @!p0 s5, $0x0  }
0x1f: {  	s9 =	smul.u32 $0xF7A, s1;
	s8 =	simm.s32 @!p0 $0x1BF5;
	p2 =	por !p2, p0  }
0x20: {  	[sflag:s8] =	ssyncset.s32 @!p0 $0xFFFFF086;
	s6 =	sadd.s32 @!p0 s3, s7;
	s7 =	simm.s32 @!p0 $0x108  }
0x21: {  	s3 =	sadd.s32 s3, s9;
	s6 =	sadd.s32 @!p0 $0x88, s6;
	s7 =	simm.s32 @p2 $0x1082  }
0x22: {  	[simem:s7], [sflag:s8] =	dma.local @!p0 [hbm:s6], $0xF7A  }
0x23: {  	s9 =	sor.u32 $0xD0000000, s2;
	s6 =	simm.s32 $0x108;
	_ =	swait.ge @!p0 [sflag:s8], $0x0  }
0x24: {  	s3 =	sadd.s32 $0x88, s3;
	s6 =	simm.s32 @!p1 $0x1082;
	[sflag:s4] =	ssyncset.s32 $0xFFFFF086  }
0x25: {  	[simem:s6], [sflag:s4] =	dma.local [hbm:s3], $0xF7A  }
0x26: {  	[smem:$0x3F99] =	sst s1;
	(tag) =	ssettag s2;
	_ =	strace s9  }
0x27: {  	s1 =	sld [smem:$0x3FA9]  }
0x28: {  	s2 =	sld [smem:$0x3FAA]  }
0x29: {  	s4 =	sld [smem:$0x3FAC]  }
0x2a: {  	p0 =	seq.s32 s5, $0x0;
	s5 =	sld [smem:$0x3FAD]  }
0x2b: {  	s6 =	sld [smem:$0x3FAE]  }
0x2c: {  	s7 =	sld [smem:$0x3FAF]  }
0x2d: {  	s3 =	simm.s32 $0x108;
	s8 =	sld [smem:$0x3FB0]  }
0x2e: {  	s3 =	simm.s32 @!p0 $0x1082;
	s9 =	sld [smem:$0x3FB1]  }
0x2f: {  	lr =	sadd.s32 s0, s3;
	s0 =	sld [smem:$0x3FA8]  }
0x30: {  	s3 =	sld [smem:$0x3FAB]  }
0x31: {  	[smem:$0x3FB4] =	sst s10  }
0x32: {  	s10 =	sld [smem:$0x3FB2];
	_ =	sdelay $0x3  }
0x33: {  	p0 =	seq.s32 s10, $0x1;
	s10 =	sld [smem:$0x3FB4];
	_ =	sdelay $0x3  }
0x34: {  	[smem:$0x3FB4] =	sst s10  }
0x35: {  	s10 =	sld [smem:$0x3FB3];
	_ =	sdelay $0x3  }
0x36: {  	p1 =	seq.s32 s10, $0x1;
	s10 =	sld [smem:$0x3FB4];
	_ =	sdelay $0x3  }
0x37: {  	[smem:$0x3FB4] =	sst s10  }
0x38: {  	s10 =	sld [smem:$0x3FB5]  }
0x39: {  	_ = 	snop;
	(pc) =	sbr.ind lr, $3  }
0x3a: {  	_ = 	snop  }
0x3b: {  	_ = 	snop  }
0x3c: {  	p2 =	seq.s32 s10, $0x1;
	s10 =	sld [smem:$0x3FB4]  }
0x3d: {  	_ =	shalt  }
0x3e: {  	_ =	shalt  }
0x3f: {  	_ =	shalt  }
0x40: {  	_ =	shalt  }
0x41: {  	_ =	shalt  }
0x42: {  	_ =	shalt  }
0x43: {  	_ =	shalt  }
0x44: {  	_ =	shalt  }
0x45: {  	_ =	shalt  }
0x46: {  	_ =	shalt  }
0x47: {  	_ =	shalt  }
0x48: {  	_ =	shalt  }
0x49: {  	_ =	shalt  }
0x4a: {  	_ =	shalt  }
0x4b: {  	_ =	shalt  }
0x4c: {  	_ =	shalt  }
0x4d: {  	_ =	shalt  }
0x4e: {  	_ =	shalt  }
0x4f: {  	_ =	shalt  }
0x50: {  	_ =	shalt  }
0x51: {  	_ =	shalt  }
0x52: {  	_ =	shalt  }
0x53: {  	_ =	shalt  }
0x54: {  	_ =	shalt  }
0x55: {  	_ =	shalt  }
0x56: {  	_ =	shalt  }
0x57: {  	_ =	shalt  }
0x58: {  	_ =	shalt  }
0x59: {  	_ =	shalt  }
0x5a: {  	_ =	shalt  }
0x5b: {  	_ =	shalt  }
0x5c: {  	_ =	shalt  }
0x5d: {  	_ =	shalt  }
0x5e: {  	_ =	shalt  }
0x5f: {  	_ =	shalt  }
0x60: {  	_ =	shalt  }
0x61: {  	_ =	shalt  }
0x62: {  	_ =	shalt  }
0x63: {  	_ =	shalt  }
0x64: {  	_ =	shalt  }
0x65: {  	_ =	shalt  }
0x66: {  	_ =	shalt  }
0x67: {  	_ =	shalt  }
0x68: {  	_ =	shalt  }
0x69: {  	_ =	shalt  }
0x6a: {  	_ =	shalt  }
0x6b: {  	_ =	shalt  }
0x6c: {  	_ =	shalt  }
0x6d: {  	_ =	shalt  }
0x6e: {  	_ =	shalt  }
0x6f: {  	_ =	shalt  }
0x70: {  	_ =	shalt  }
0x71: {  	_ =	shalt  }
0x72: {  	_ =	shalt  }
0x73: {  	_ =	shalt  }
0x74: {  	_ =	shalt  }
0x75: {  	_ =	shalt  }
0x76: {  	_ =	shalt  }
0x77: {  	_ =	shalt  }
0x78: {  	_ =	shalt  }
0x79: {  	_ =	shalt  }
0x7a: {  	_ =	shalt  }
0x7b: {  	_ =	shalt  }
0x7c: {  	_ =	shalt  }
0x7d: {  	_ =	shalt  }
0x7e: {  	_ =	shalt  }
0x7f: {  	_ =	shalt  }
0x80: {  	_ =	shalt  }
0x81: {  	_ =	shalt  }
0x82: {  	_ =	shalt  }
0x83: {  	_ =	shalt  }
0x84: {  	_ =	shalt  }
0x85: {  	_ =	shalt  }
0x86: {  	_ =	shalt  }
0x87: {  	_ =	shalt  }
.Lfunc_end0:
.L_simem_size_0:
called_computation_lowered:
.L_overlay_start_0:
0x88: {  	s2 =	sld [smem:$0x3FD9]  }
0x89: {  	s3 =	sld [smem:$0x3FFE];
	_ =	sdelay $0x1  }
0x8a: {  	s1 =	srdreg.scid  }
0x8b: {  	s0 =	sand.u32 $0x1, s1  }
0x8c: {  	s16 =	sshll.u32 s0, $0xA;
	s2 =	sadd.s32 s3, s2  }
0x8d: {  	s2 =	sadd.s32 s2, s16  }
0x8e: {  	[smem:$0x3FC0] =	sst s2  }
0x8f: {  	_ = 	snop  }
0x90: {  	(tm) =	ssettm $0x1  }
0x91: {  	s17 =	sld [smem:$0x3FFB];
	_ =	sdelay $0x3  }
0x92: {  	_ =	strace s17  }
0x93: {  	s2 =	sld [smem:$0x3FFC];
	_ =	sdelay $0x3  }
0x94: {  	_ =	strace s2  }
0x95: {  	s2 =	sld [smem:$0x3FFD];
	_ =	sdelay $0x3  }
0x96: {  	_ =	strace s2  }
0x97: {  	_ =	strace $0x8FFFFFFF  }
0x98: {  	s18 =	sld [smem:$0x3FDB];
	_ =	sdelay $0x1  }
0x99: {  	s19 =	simm.s32 $_scs_section_size  }
0x9a: {  	s4 =	simm.s32 $_size__tile_overlayer_lowered;
	s5 =	simm.s32 $_tile_overlayer_lowered  }
0x9b: {  	s22 =	simm.s32 $0x1BFF;
	s21 =	sshll.u32 s5, $0x1;
	s2 =	sadd.s32 s19, s18  }
0x9c: {  	s6 =	simm.s32 $0x0;
	s20 =	sshll.u32 s4, $0x1;
	s4 =	sadd.s32 s21, s2  }
0x9d: {  	[timem:s6], [sflag:s22] =	dma.local [hbm:s4], s20  }
0x9e: {  	_ =	swait.ge [sflag:s22], s20  }
0x9f: {  	s3 =	ssub.s32 $0x0, s20;
	[sflag:s22] =	ssyncset.done $0x0  }
0xa0: {  	[sflag:s22] =	ssyncadd.s32 s3;
	_ =	sdelay $0x1  }
0xa1: {  	s23 =	simm.s32 $0x1B8B  }
0xa2: {  	_ =	swait.ge [sflag:s23], $0x1  }
0xa3: {  	[sflag:s23] =	ssyncset.done $0x0  }
0xa4: {  	s25 =	simm.s32 $0x1B8E;
	s24 =	sld [smem:$0x3FFE];
	[sflag:s23] =	ssyncadd.s32 $0xFFFFFFFF  }
0xa5: {  	s26 =	simm.s32 $execute0_lowered;
	[smem:$0x3FD2] =	sst s25  }
0xa6: {  	s4 =	sshll.u32 s26, $0x1;
	_ =	strace $0x80000046;
	[dreg:$0x1] =	wrdreg $0xFFFFFFFF  }
0xa7: {  	s28 =	simm.s32 $_size_execute0_lowered;
	s2 =	sadd.s32 s2, s4;
	[dreg:$0x0] =	wrdreg $0x0  }
0xa8: {  	s4 =	sshll.u32 s28, $0x1;
	[dreg:$0x2] =	wrdreg s2  }
0xa9: {  	[dreg:$0x3] =	wrdreg s4  }
0xaa: {  	[dreg:$0x4] =	wrdreg $0xC0  }
0xab: {  	_ =	task [dreg:s6], $0x5FFFF  }
0xac: {  	[dreg:$0x1] =	wrdreg $0xFFFFFFFF  }
0xad: {  	[dreg:$0x0] =	wrdreg $0x60  }
0xae: {  	[dreg:$0x2] =	wrdreg s24  }
0xaf: {  	[dreg:$0x3] =	wrdreg $0x4E700  }
0xb0: {  	[dreg:$0x4] =	wrdreg $0x50E80  }
0xb1: {  	[dreg:$0x5] =	wrdreg $0x9  }
0xb2: {  	_ =	task.clear_ibuf [dreg:s6], $0x6FFFF;
	_ =	strace $0x90000046  }
0xb3: {  	s29 =	simm.s32 $0x9;
	_ =	strace $0x80000048  }
0xb4: {  	_ =	swait.ge [sflag:s29], $0x1  }
0xb5: {  	[sflag:s29] =	ssyncadd.s32 $0xFFFFFFFF  }
0xb6: {  	_ =	strace $0x90000048  }
0xb7: {  	_ =	sfence  }
0xb8: {  	s30 =	sld [smem:$0x0];
	_ =	sdelay $0x2  }
0xb9: {  	s31 =	sshll.u32 s1, $0xD;
	s1 =	sshrl.u32 s1, $0x2  }
0xba: {  	s3 =	sand.u32 $0x4000, s31;
	s1 =	sadd.s32 s1, s30  }
0xbb: {  	s0 =	sor.u32 s3, s0;
	s1 =	sshll.u32 s1, $0x11  }
0xbc: {  	s0 =	sor.u32 s1, s0  }
0xbd: {  	s0 =	sadd.s32 $0x8F2B, s0  }
0xbe: {  	[sflag:s0] =	ssyncadd.remote.s32 $0x1  }
0xbf: {  	_ =	sfence.sel $0xFFFF  }
0xc0: {  	[dreg:$0x0] =	wrdreg $0xFFFFFFFF;
	(pc) =	sbr.abs _section_cstart, $3  }
0xc1: {  	[dreg:$0x1] =	wrdreg $0xFFFFFFFF  }
0xc2: {  	_ =	task.clear_ibuf [dreg:s6], $0x2FFFF;
	_ =	strace $0x9FFFFFFF  }
0xc3: {  	(tm) =	ssettm $0x7FFFFFFF  }
tec
execute0_lowered:
.L_overlay_start_1:
0x0: {  	(tag) =	ssettag $0x1  }
0x1: {  	s6 =	rddreg [dreg:$0x0]  }
0x2: {  	s2 =	rddreg [dreg:$0x1];
	s0 =	srdreg.scid  }
0x3: {  	s3 =	rddreg [dreg:$0x2];
	s1 =	stileid.u32  }
0x4: {  	s4 =	simm.s32 $0x0;
	s12 =	simm.s32 $0x2710;
	s16 =	simm.s32 $0x50  }
0x5: {  	s17 =	simm.s32 $0x4E20;
	s18 =	simm.s32 $0x1;
	s19 =	simm.s32 $0x0  }
0x6: {  	s5 =	sand.u32 $0x1, s0;
	s0 =	rddreg [dreg:$0x3];
	s8 =	smul.u32 $0x3E8, s1  }
0x7: {  	[smem:$0x7FF] =	sst s4;
	p0 =	sgt.u32 s1, $0x9;
	s7 =	sshll.u32 s5, $0x4  }
0x8: {  	s9 =	smul.u32 $0x4E20, s5;
	_ =	strace $0x80000047;
	s10 =	ssub.s32 $0x2, s5  }
0x9: {  	s5 =	sadd.s32 $0x15400, s6;
	s13 =	sshll.u32 @!p0 s1, $0x6;
	s7 =	sor.u32 s1, s7  }
0xa: {  	s11 =	sshrl.u32 s10, $0x1;
	s14 =	sadd.s32 s8, s2;
	s15 =	sadd.s32 s8, s3  }
0xb: {  	s13 =	sor.u32 @!p0 $0x1C02, s13;
	s7 =	smul.u32 $0x4E2, s7;
	s9 =	sadd.s32 s8, s9  }
0xc: {  	s10 =	ssub.s32 s10, s11;
	s11 =	simm.s32 $0x2;
	s14 =	sshrl.u32 @!p0 s14, $0x3  }
0xd: {  	s15 =	sshrl.u32 @!p0 s15, $0x3;
	s9 =	sshrl.u32 s9, $0x3;
	s7 =	sadd.s32 s7, s6  }
0xe: {  	s10 =	smax.u32 s10, $0x1;
	s9 =	sadd.s32 s9, s6;
	s6 =	sadd.s32 $0xB600, s7  }
0xf: {  	v0 =	vimm.f32 $1.000000000e+00;
	s7 =	sadd.s32 $0x1800, s7;
	s8 =	sadd.s32 $0x15600, s9;
	s9 =	sadd.s32 $0x15AE2, s9  }
.LBB2_1:
0x10: {  	[tilespmem:s4], [sflag:$0x2] =	stream.linear.gather [hbm4b:s6+s4], $0x2710, $0x38;
	[tilespmem:$0x5360] =	vst v63  }
0x11: {  	_ =	swait.ge [sflag:s11], $0x2710  }
0x12: {  	[sflag:s11] =	ssyncset.done $0x0  }
0x13: {  	[sflag:s11] =	ssyncadd.s32 $0xFFFFD8F0  }
0x14: {  	[tilespmem:s12], [sflag:$0x2] =	stream.linear.gather [hbm4b:s7+s4], $0x2710, $0x38;
	[tilespmem:$0x5360] =	vst v63  }
0x15: {  	_ =	swait.ge [sflag:s11], $0x2710  }
0x16: {  	[sflag:s11] =	ssyncset.done $0x0  }
0x17: {  	[sflag:s11] =	ssyncadd.s32 $0xFFFFD8F0  }
0x18: {  	[tilespmem:$0x4E20] =	vst v0  }
0x19: {  	[tilespmem:$0x4E30] =	vst v0  }
0x1a: {  	[tilespmem:$0x4E40] =	vst v0  }
0x1b: {  	[tilespmem:$0x4E50] =	vst v0  }
0x1c: {  	s20 =	simm.s32 @!p0 $0x2;
	[tilespmem:$0x4E60] =	vst v0  }
0x1d: {  	[spmem:s14], [sflag:s13] =	dma.local @!p0 [hbm:s5], $0x7D  }
0x1e: {  	_ =	swait.ge @!p0 [sflag:s20], $0x7D  }
0x1f: {  	[sflag:s20] =	ssyncset.done @!p0 $0x0  }
0x20: {  	[sflag:s20] =	ssyncadd.s32 @!p0 $0xFFFFFF83  }
0x21: {  	[spmem:s15], [sflag:s13] =	dma.local @!p0 [hbm:s5], $0x7D  }
0x22: {  	_ =	swait.ge @!p0 [sflag:s20], $0x7D  }
0x23: {  	[sflag:s20] =	ssyncset.done @!p0 $0x0  }
0x24: {  	[sflag:s20] =	ssyncadd.s32 @!p0 $0xFFFFFF83  }
0x25: {  	s21 =	simm.s32 $0x0;
	[bflag:$0x0] =	sbarrier.arrive $0xFFFF  }
0x26: {  	[spmem:s2] =	stream.indirect.scatter.add.f32 [tilespmem:s17], [sflag:$0x1], $0x1, s21, s16, $0xb8;
	[tilespmem:$0x5360] =	vst v63  }
0x27: {  	s22 =	simm.s32 $0x2710  }
0x28: {  	[spmem:s3] =	stream.indirect.scatter.add.f32 [tilespmem:s17], [sflag:$0x1], $0x1, s22, s16, $0xb8;
	[tilespmem:$0x5360] =	vst v63  }
0x29: {  	s23 =	simm.s32 $0x50  }
0x2a: {  	[spmem:s2] =	stream.indirect.scatter.add.f32 [tilespmem:s17], [sflag:$0x1], $0x1, s23, s16, $0xb8;
	[tilespmem:$0x5360] =	vst v63  }
0x2b: {  	s24 =	simm.s32 $0x2760  }
0x2c: {  	[spmem:s3] =	stream.indirect.scatter.add.f32 [tilespmem:s17], [sflag:$0x1], $0x1, s24, s16, $0xb8;
	[tilespmem:$0x5360] =	vst v63  }
0x2d: {  	s25 =	simm.s32 $0xA0  }
0x2e: {  	[spmem:s2] =	stream.indirect.scatter.add.f32 [tilespmem:s17], [sflag:$0x1], $0x1, s25, s16, $0xb8;
	[tilespmem:$0x5360] =	vst v63  }
0x2f: {  	s26 =	simm.s32 $0x27B0  }
0x30: {  	[spmem:s3] =	stream.indirect.scatter.add.f32 [tilespmem:s17], [sflag:$0x1], $0x1, s26, s16, $0xb8;
	[tilespmem:$0x5360] =	vst v63  }
0x31: {  	s28 =	simm.s32 $0xF0  }
0x32: {  	[spmem:s2] =	stream.indirect.scatter.add.f32 [tilespmem:s17], [sflag:$0x1], $0x1, s28, s16, $0xb8;
	[tilespmem:$0x5360] =	vst v63  }
0x33: {  	s29 =	simm.s32 $0x2800  }
0x34: {  	[spmem:s3] =	stream.indirect.scatter.add.f32 [tilespmem:s17], [sflag:$0x1], $0x1, s29, s16, $0xb8;
	[tilespmem:$0x5360] =	vst v63  }
0x35: {  	s30 =	simm.s32 $0x140  }
0x36: {  	[spmem:s2] =	stream.indirect.scatter.add.f32 [tilespmem:s17], [sflag:$0x1], $0x1, s30, s16, $0xb8;
	[tilespmem:$0x5360] =	vst v63  }
0x37: {  	s31 =	simm.s32 $0x2850  }
0x38: {  	[spmem:s3] =	stream.indirect.scatter.add.f32 [tilespmem:s17], [sflag:$0x1], $0x1, s31, s16, $0xb8;
	[tilespmem:$0x5360] =	vst v63  }
0x39: {  	_ =	swait.ge [sflag:s18], $0x50  }
0x3a: {  	[sflag:s18] =	ssyncset.done $0x0  }
0x3b: {  	[sflag:s18] =	ssyncadd.s32 $0xFFFFFFB0  }
0x3c: {  	_ =	swait.ge [sflag:s18], $0x50  }
0x3d: {  	[sflag:s18] =	ssyncset.done $0x0  }
0x3e: {  	[sflag:s18] =	ssyncadd.s32 $0xFFFFFFB0  }
0x3f: {  	_ =	swait.ge [sflag:s18], $0x50  }
0x40: {  	[sflag:s18] =	ssyncset.done $0x0  }
0x41: {  	[sflag:s18] =	ssyncadd.s32 $0xFFFFFFB0  }
0x42: {  	_ =	swait.ge [sflag:s18], $0x50  }
0x43: {  	[sflag:s18] =	ssyncset.done $0x0  }
0x44: {  	[sflag:s18] =	ssyncadd.s32 $0xFFFFFFB0  }
0x45: {  	_ =	swait.ge [sflag:s18], $0x50  }
0x46: {  	[sflag:s18] =	ssyncset.done $0x0  }
0x47: {  	[sflag:s18] =	ssyncadd.s32 $0xFFFFFFB0  }
0x48: {  	_ =	swait.ge [sflag:s18], $0x50  }
0x49: {  	[sflag:s18] =	ssyncset.done $0x0  }
0x4a: {  	[sflag:s18] =	ssyncadd.s32 $0xFFFFFFB0  }
0x4b: {  	_ =	swait.ge [sflag:s18], $0x50  }
0x4c: {  	[sflag:s18] =	ssyncset.done $0x0  }
0x4d: {  	[sflag:s18] =	ssyncadd.s32 $0xFFFFFFB0  }
0x4e: {  	_ =	swait.ge [sflag:s18], $0x50  }
0x4f: {  	[sflag:s18] =	ssyncset.done $0x0  }
0x50: {  	[sflag:s18] =	ssyncadd.s32 $0xFFFFFFB0  }
0x51: {  	_ =	swait.ge [sflag:s18], $0x50  }
0x52: {  	[sflag:s18] =	ssyncset.done $0x0  }
0x53: {  	[sflag:s18] =	ssyncadd.s32 $0xFFFFFFB0  }
0x54: {  	_ =	swait.ge [sflag:s18], $0x50  }
0x55: {  	s20 =	simm.s32 $0x640;
	s22 =	simm.s32 $0xC80;
	[sflag:s18] =	ssyncset.done $0x0  }
.LBB2_2:
0x56: {  	s23 =	sshra.s32 s20, $0x2  }
0x57: {  	[sflag:s18] =	ssyncadd.s32 $0xFFFFFFB0;
	s20 =	smov.u32 s22;
	s21 =	sadd.s32 $0x640, s22  }
0x58: {  	[spmem:s2] =	stream.indirect.scatter.add.f32 [tilespmem:s17], [sflag:$0x1], $0x1, s23, s16, $0xb8;
	[tilespmem:$0x5360] =	vst v63  }
0x59: {  	p1 =	sne.s32 s22, $0x9600;
	s22 =	sadd.s32 $0x2710, s23  }
0x5a: {  	[spmem:s3] =	stream.indirect.scatter.add.f32 [tilespmem:s17], [sflag:$0x1], $0x1, s22, s16, $0xb8;
	[tilespmem:$0x5360] =	vst v63  }
0x5b: {  	s22 =	sadd.s32 $0x50, s23  }
0x5c: {  	[spmem:s2] =	stream.indirect.scatter.add.f32 [tilespmem:s17], [sflag:$0x1], $0x1, s22, s16, $0xb8;
	[tilespmem:$0x5360] =	vst v63  }
0x5d: {  	s22 =	sadd.s32 $0x2760, s23  }
0x5e: {  	[spmem:s3] =	stream.indirect.scatter.add.f32 [tilespmem:s17], [sflag:$0x1], $0x1, s22, s16, $0xb8;
	[tilespmem:$0x5360] =	vst v63  }
0x5f: {  	s22 =	sadd.s32 $0xA0, s23  }
0x60: {  	[spmem:s2] =	stream.indirect.scatter.add.f32 [tilespmem:s17], [sflag:$0x1], $0x1, s22, s16, $0xb8;
	[tilespmem:$0x5360] =	vst v63  }
0x61: {  	s22 =	sadd.s32 $0x27B0, s23  }
0x62: {  	[spmem:s3] =	stream.indirect.scatter.add.f32 [tilespmem:s17], [sflag:$0x1], $0x1, s22, s16, $0xb8;
	[tilespmem:$0x5360] =	vst v63  }
0x63: {  	s22 =	sadd.s32 $0xF0, s23  }
0x64: {  	[spmem:s2] =	stream.indirect.scatter.add.f32 [tilespmem:s17], [sflag:$0x1], $0x1, s22, s16, $0xb8;
	[tilespmem:$0x5360] =	vst v63  }
0x65: {  	s22 =	sadd.s32 $0x2800, s23  }
0x66: {  	[spmem:s3] =	stream.indirect.scatter.add.f32 [tilespmem:s17], [sflag:$0x1], $0x1, s22, s16, $0xb8;
	[tilespmem:$0x5360] =	vst v63  }
0x67: {  	s22 =	sadd.s32 $0x140, s23  }
0x68: {  	[spmem:s2] =	stream.indirect.scatter.add.f32 [tilespmem:s17], [sflag:$0x1], $0x1, s22, s16, $0xb8;
	[tilespmem:$0x5360] =	vst v63  }
0x69: {  	s22 =	sadd.s32 $0x2850, s23  }
0x6a: {  	[spmem:s3] =	stream.indirect.scatter.add.f32 [tilespmem:s17], [sflag:$0x1], $0x1, s22, s16, $0xb8;
	[tilespmem:$0x5360] =	vst v63  }
0x6b: {  	_ =	swait.ge [sflag:s18], $0x50  }
0x6c: {  	[sflag:s18] =	ssyncset.done $0x0  }
0x6d: {  	[sflag:s18] =	ssyncadd.s32 $0xFFFFFFB0  }
0x6e: {  	_ =	swait.ge [sflag:s18], $0x50  }
0x6f: {  	[sflag:s18] =	ssyncset.done $0x0  }
0x70: {  	[sflag:s18] =	ssyncadd.s32 $0xFFFFFFB0  }
0x71: {  	_ =	swait.ge [sflag:s18], $0x50  }
0x72: {  	[sflag:s18] =	ssyncset.done $0x0  }
0x73: {  	[sflag:s18] =	ssyncadd.s32 $0xFFFFFFB0  }
0x74: {  	_ =	swait.ge [sflag:s18], $0x50  }
0x75: {  	[sflag:s18] =	ssyncset.done $0x0  }
0x76: {  	[sflag:s18] =	ssyncadd.s32 $0xFFFFFFB0  }
0x77: {  	_ =	swait.ge [sflag:s18], $0x50  }
0x78: {  	[sflag:s18] =	ssyncset.done $0x0  }
0x79: {  	[sflag:s18] =	ssyncadd.s32 $0xFFFFFFB0  }
0x7a: {  	_ =	swait.ge [sflag:s18], $0x50  }
0x7b: {  	[sflag:s18] =	ssyncset.done $0x0  }
0x7c: {  	[sflag:s18] =	ssyncadd.s32 $0xFFFFFFB0  }
0x7d: {  	_ =	swait.ge [sflag:s18], $0x50  }
0x7e: {  	[sflag:s18] =	ssyncset.done $0x0  }
0x7f: {  	[sflag:s18] =	ssyncadd.s32 $0xFFFFFFB0  }
0x80: {  	_ =	swait.ge [sflag:s18], $0x50  }
0x81: {  	[sflag:s18] =	ssyncset.done $0x0  }
0x82: {  	[sflag:s18] =	ssyncadd.s32 $0xFFFFFFB0  }
.Ltmp0:
0x83: {  	_ =	swait.ge [sflag:s18], $0x50;
	(pc) =	sbr.rel @p1 .LBB2_2-.Ltmp0, $4  }
0x84: {  	[sflag:s18] =	ssyncset.done $0x0  }
0x85: {  	[sflag:s18] =	ssyncadd.s32 $0xFFFFFFB0  }
0x86: {  	_ =	swait.ge [sflag:s18], $0x50  }
0x87: {  	s22 =	smov.u32 s21;
	[sflag:s18] =	ssyncset.done $0x0  }
0x88: {  	s20 =	sshra.s32 s20, $0x2;
	[sflag:s18] =	ssyncadd.s32 $0xFFFFFFB0  }
0x89: {  	[spmem:s2] =	stream.indirect.scatter.add.f32 [tilespmem:s17], [sflag:$0x1], $0x1, s20, s16, $0xb8;
	[tilespmem:$0x5360] =	vst v63  }
0x8a: {  	s21 =	sadd.s32 $0x2710, s20  }
0x8b: {  	[spmem:s3] =	stream.indirect.scatter.add.f32 [tilespmem:s17], [sflag:$0x1], $0x1, s21, s16, $0xb8;
	[tilespmem:$0x5360] =	vst v63  }
0x8c: {  	s24 =	sadd.s32 $0x50, s20  }
0x8d: {  	[spmem:s2] =	stream.indirect.scatter.add.f32 [tilespmem:s17], [sflag:$0x1], $0x1, s24, s16, $0xb8;
	[tilespmem:$0x5360] =	vst v63  }
0x8e: {  	s25 =	sadd.s32 $0x2760, s20  }
0x8f: {  	[spmem:s3] =	stream.indirect.scatter.add.f32 [tilespmem:s17], [sflag:$0x1], $0x1, s25, s16, $0xb8;
	[tilespmem:$0x5360] =	vst v63  }
0x90: {  	s26 =	sadd.s32 $0xA0, s20  }
0x91: {  	[spmem:s2] =	stream.indirect.scatter.add.f32 [tilespmem:s17], [sflag:$0x1], $0x1, s26, s16, $0xb8;
	[tilespmem:$0x5360] =	vst v63  }
0x92: {  	s28 =	sadd.s32 $0x27B0, s20  }
0x93: {  	[spmem:s3] =	stream.indirect.scatter.add.f32 [tilespmem:s17], [sflag:$0x1], $0x1, s28, s16, $0xb8;
	[tilespmem:$0x5360] =	vst v63  }
0x94: {  	s29 =	sadd.s32 $0xF0, s20  }
0x95: {  	[spmem:s2] =	stream.indirect.scatter.add.f32 [tilespmem:s17], [sflag:$0x1], $0x1, s29, s16, $0xb8;
	[tilespmem:$0x5360] =	vst v63  }
0x96: {  	s30 =	sadd.s32 $0x2800, s20  }
0x97: {  	[spmem:s3] =	stream.indirect.scatter.add.f32 [tilespmem:s17], [sflag:$0x1], $0x1, s30, s16, $0xb8;
	[tilespmem:$0x5360] =	vst v63  }
0x98: {  	s31 =	sadd.s32 $0x140, s20  }
0x99: {  	[spmem:s2] =	stream.indirect.scatter.add.f32 [tilespmem:s17], [sflag:$0x1], $0x1, s31, s16, $0xb8;
	[tilespmem:$0x5360] =	vst v63  }
0x9a: {  	s20 =	sadd.s32 $0x2850, s20  }
0x9b: {  	[spmem:s3] =	stream.indirect.scatter.add.f32 [tilespmem:s17], [sflag:$0x1], $0x1, s20, s16, $0xb8;
	[tilespmem:$0x5360] =	vst v63  }
0x9c: {  	_ =	swait.ge [sflag:s18], $0x50  }
0x9d: {  	[sflag:s18] =	ssyncset.done $0x0  }
0x9e: {  	[sflag:s18] =	ssyncadd.s32 $0xFFFFFFB0  }
0x9f: {  	_ =	swait.ge [sflag:s18], $0x50  }
0xa0: {  	[sflag:s18] =	ssyncset.done $0x0  }
0xa1: {  	[sflag:s18] =	ssyncadd.s32 $0xFFFFFFB0  }
0xa2: {  	_ =	swait.ge [sflag:s18], $0x50  }
0xa3: {  	[sflag:s18] =	ssyncset.done $0x0  }
0xa4: {  	[sflag:s18] =	ssyncadd.s32 $0xFFFFFFB0  }
0xa5: {  	_ =	swait.ge [sflag:s18], $0x50  }
0xa6: {  	[sflag:s18] =	ssyncset.done $0x0  }
0xa7: {  	[sflag:s18] =	ssyncadd.s32 $0xFFFFFFB0  }
0xa8: {  	_ =	swait.ge [sflag:s18], $0x50  }
0xa9: {  	[sflag:s18] =	ssyncset.done $0x0  }
0xaa: {  	[sflag:s18] =	ssyncadd.s32 $0xFFFFFFB0  }
0xab: {  	_ =	swait.ge [sflag:s18], $0x50  }
0xac: {  	[sflag:s18] =	ssyncset.done $0x0  }
0xad: {  	[sflag:s18] =	ssyncadd.s32 $0xFFFFFFB0  }
0xae: {  	_ =	swait.ge [sflag:s18], $0x50  }
0xaf: {  	[sflag:s18] =	ssyncset.done $0x0  }
0xb0: {  	[sflag:s18] =	ssyncadd.s32 $0xFFFFFFB0  }
0xb1: {  	_ =	swait.ge [sflag:s18], $0x50  }
0xb2: {  	[sflag:s18] =	ssyncset.done $0x0  }
0xb3: {  	[sflag:s18] =	ssyncadd.s32 $0xFFFFFFB0  }
0xb4: {  	_ =	swait.ge [sflag:s18], $0x50  }
0xb5: {  	[sflag:s18] =	ssyncset.done $0x0  }
0xb6: {  	[sflag:s18] =	ssyncadd.s32 $0xFFFFFFB0  }
0xb7: {  	_ =	swait.ge [sflag:s18], $0x50  }
0xb8: {  	[sflag:s18] =	ssyncset.done $0x0  }
0xb9: {  	[sflag:s18] =	ssyncadd.s32 $0xFFFFFFB0  }
0xba: {  	s20 =	simm.s32 @!p0 $0x2;
	[bflag:$0x0] =	sbarrier.arrive $0xFFFF  }
0xbb: {  	[hbm:s8], [sflag:s13] =	dma.local @!p0 [spmem:s14], $0x7D  }
0xbc: {  	s19 =	sadd.s32 $0x1, s19;
	_ =	swait.ge @!p0 [sflag:s20], $0x7D  }
0xbd: {  	p1 =	sne.s32 s19, s10;
	[sflag:s20] =	ssyncset.done @!p0 $0x0  }
.Ltmp1:
0xbe: {  	[sflag:s20] =	ssyncadd.s32 @!p0 $0xFFFFFF83;
	(pc) =	sbr.rel @p1 .LBB2_1-.Ltmp1, $4  }
0xbf: {  	[hbm:s9], [sflag:s13] =	dma.local @!p0 [spmem:s15], $0x7D  }
0xc0: {  	_ =	swait.ge @!p0 [sflag:s20], $0x7D  }
0xc1: {  	[sflag:s20] =	ssyncset.done @!p0 $0x0  }
0xc2: {  	[sflag:s20] =	ssyncadd.s32 @!p0 $0xFFFFFF83  }
0xc3: {  	_ =	sfence.sel $0x180000  }
0xc4: {  	[bflag:$0x0] =	sbarrier.arrive $0xFFFF  }
0xc5: {  	p0 =	sne.s32 s1, $0x0;
	_ =	strace $0x90000047  }
0xc6: {  	s0 =	sadd.s32 @!p0 $0x100000, s0;
	[bflag:$0x2] =	sbarrier.arrive $0xFFFF  }
0xc7: {  	[sflag:s0] =	ssyncadd.tile.s32 @!p0 $0x1;
	_ =	shalt  }
.Lfunc_end2:
_tile_overlayer_lowered:
.L_overlay_start_2:
0xc8: {  	(tag) =	ssettag $0x2  }
0xc9: {  	s0 =	rddreg [dreg:$0x0];
	s2 =	stileid.u32  }
0xca: {  	s1 =	rddreg [dreg:$0x1];
	p0 =	sne.s32 s2, $0x0  }
0xcb: {  	s3 =	rddreg [dreg:$0x2];
	[bflag:$0x3] =	sbarrier.arrive $0xFFFF;
	s2 =	simm.s32 @!p0 $0x1C02  }
0xcc: {  	[timem:s3], [sflag:s2] =	dma.local @!p0 [hbm:s0], s1  }
0xcd: {  	s0 =	simm.s32 @!p0 $0x2  }
0xce: {  	_ =	swait.ge @!p0 [sflag:s0], s1  }
0xcf: {  	s1 =	ssub.s32 @!p0 $0x0, s1;
	[sflag:s0] =	ssyncset.done @!p0 $0x0  }
0xd0: {  	[sflag:s0] =	ssyncadd.s32 @!p0 s1  }
0xd1: {  	[bflag:$0x3] =	sbarrier.arrive $0xFFFF  }
0xd2: {  	_ =	shalt  }

// kernel: _run.13.cloned.1.call-start
scs
__scs_entry_jumppad:
0x0: {  	(pc) =	sbr.rel $0x88, $3  }
0x1: {  	(tag) =	ssettag $0x0;
	lr =	simm.s32 $0x1  }
0x2: {  	[smem:$0x3F99] =	sst lr;
	_ =	strace $0xD0000000  }
0x3: {  	_ = 	snop  }
0x4: {  	_ = 	snop  }
0x5: {  	_ = 	snop  }
0x6: {  	_ = 	snop  }
0x7: {  	_ = 	snop  }
__scs_overlays_trampoline_lowered:
0x8: {  	[smem:$0x3FA8] =	sst s0  }
0x9: {  	[smem:$0x3FA9] =	sst s1  }
0xa: {  	[smem:$0x3FAA] =	sst s2  }
0xb: {  	[smem:$0x3FAB] =	sst s3  }
0xc: {  	[smem:$0x3FAC] =	sst s4  }
0xd: {  	[smem:$0x3FAD] =	sst s5  }
0xe: {  	[smem:$0x3FAE] =	sst s6  }
0xf: {  	[smem:$0x3FAF] =	sst s7  }
0x10: {  	[smem:$0x3FB0] =	sst s8  }
0x11: {  	[smem:$0x3FB1] =	sst s9;
	s0 =	simm.s32 @!p0 $0x0  }
0x12: {  	s1 =	sld [smem:$0x3F97];
	s0 =	simm.s32 @p0 $0x1  }
0x13: {  	[smem:$0x3FB2] =	sst s0;
	s0 =	simm.s32 @!p1 $0x0  }
0x14: {  	s2 =	sld [smem:$0x3F96];
	s0 =	simm.s32 @p1 $0x1  }
0x15: {  	[smem:$0x3FB3] =	sst s0;
	s0 =	simm.s32 @!p2 $0x0  }
0x16: {  	s3 =	sld [smem:$0x3FDB];
	s0 =	simm.s32 @p2 $0x1  }
0x17: {  	s4 =	simm.s32 $0x1BF5;
	[smem:$0x3FB5] =	sst s0  }
0x18: {  	s0 =	sld [smem:$0x3F98];
	_ =	swait.ge [sflag:s4], $0x0  }
0x19: {  	s7 =	sld [smem:$0x3F99]  }
0x1a: {  	s8 =	sadd.s32 $0xFFFFE003, lr  }
0x1b: {  	s9 =	sadd.s32 $0xFFFFFEF7, lr;
	s5 =	simm.s32 $0xFFFFFFFF;
	p2 =	slt.u32 s8, $0xFFFFF086  }
0x1c: {  	p1 =	slt.u32 s9, $0xF7A;
	s5 =	simm.s32 @!p2 $0x0  }
0x1d: {  	s5 =	simm.s32 @p1 $0x1;
	p0 =	seq.s32 s7, s2  }
0x1e: {  	s7 =	smul.u32 @!p0 $0xF7A, s2;
	p2 =	seq.s32 @!p0 s5, $0x0  }
0x1f: {  	s9 =	smul.u32 $0xF7A, s1;
	s8 =	simm.s32 @!p0 $0x1BF5;
	p2 =	por !p2, p0  }
0x20: {  	[sflag:s8] =	ssyncset.s32 @!p0 $0xFFFFF086;
	s6 =	sadd.s32 @!p0 s3, s7;
	s7 =	simm.s32 @!p0 $0x108  }
0x21: {  	s3 =	sadd.s32 s3, s9;
	s6 =	sadd.s32 @!p0 $0x88, s6;
	s7 =	simm.s32 @p2 $0x1082  }
0x22: {  	[simem:s7], [sflag:s8] =	dma.local @!p0 [hbm:s6], $0xF7A  }
0x23: {  	s9 =	sor.u32 $0xD0000000, s2;
	s6 =	simm.s32 $0x108;
	_ =	swait.ge @!p0 [sflag:s8], $0x0  }
0x24: {  	s3 =	sadd.s32 $0x88, s3;
	s6 =	simm.s32 @!p1 $0x1082;
	[sflag:s4] =	ssyncset.s32 $0xFFFFF086  }
0x25: {  	[simem:s6], [sflag:s4] =	dma.local [hbm:s3], $0xF7A  }
0x26: {  	[smem:$0x3F99] =	sst s1;
	(tag) =	ssettag s2;
	_ =	strace s9  }
0x27: {  	s1 =	sld [smem:$0x3FA9]  }
0x28: {  	s2 =	sld [smem:$0x3FAA]  }
0x29: {  	s4 =	sld [smem:$0x3FAC]  }
0x2a: {  	p0 =	seq.s32 s5, $0x0;
	s5 =	sld [smem:$0x3FAD]  }
0x2b: {  	s6 =	sld [smem:$0x3FAE]  }
0x2c: {  	s7 =	sld [smem:$0x3FAF]  }
0x2d: {  	s3 =	simm.s32 $0x108;
	s8 =	sld [smem:$0x3FB0]  }
0x2e: {  	s3 =	simm.s32 @!p0 $0x1082;
	s9 =	sld [smem:$0x3FB1]  }
0x2f: {  	lr =	sadd.s32 s0, s3;
	s0 =	sld [smem:$0x3FA8]  }
0x30: {  	s3 =	sld [smem:$0x3FAB]  }
0x31: {  	[smem:$0x3FB4] =	sst s10  }
0x32: {  	s10 =	sld [smem:$0x3FB2];
	_ =	sdelay $0x3  }
0x33: {  	p0 =	seq.s32 s10, $0x1;
	s10 =	sld [smem:$0x3FB4];
	_ =	sdelay $0x3  }
0x34: {  	[smem:$0x3FB4] =	sst s10  }
0x35: {  	s10 =	sld [smem:$0x3FB3];
	_ =	sdelay $0x3  }
0x36: {  	p1 =	seq.s32 s10, $0x1;
	s10 =	sld [smem:$0x3FB4];
	_ =	sdelay $0x3  }
0x37: {  	[smem:$0x3FB4] =	sst s10  }
0x38: {  	s10 =	sld [smem:$0x3FB5]  }
0x39: {  	_ = 	snop;
	(pc) =	sbr.ind lr, $3  }
0x3a: {  	_ = 	snop  }
0x3b: {  	_ = 	snop  }
0x3c: {  	p2 =	seq.s32 s10, $0x1;
	s10 =	sld [smem:$0x3FB4]  }
0x3d: {  	_ =	shalt  }
0x3e: {  	_ =	shalt  }
0x3f: {  	_ =	shalt  }
0x40: {  	_ =	shalt  }
0x41: {  	_ =	shalt  }
0x42: {  	_ =	shalt  }
0x43: {  	_ =	shalt  }
0x44: {  	_ =	shalt  }
0x45: {  	_ =	shalt  }
0x46: {  	_ =	shalt  }
0x47: {  	_ =	shalt  }
0x48: {  	_ =	shalt  }
0x49: {  	_ =	shalt  }
0x4a: {  	_ =	shalt  }
0x4b: {  	_ =	shalt  }
0x4c: {  	_ =	shalt  }
0x4d: {  	_ =	shalt  }
0x4e: {  	_ =	shalt  }
0x4f: {  	_ =	shalt  }
0x50: {  	_ =	shalt  }
0x51: {  	_ =	shalt  }
0x52: {  	_ =	shalt  }
0x53: {  	_ =	shalt  }
0x54: {  	_ =	shalt  }
0x55: {  	_ =	shalt  }
0x56: {  	_ =	shalt  }
0x57: {  	_ =	shalt  }
0x58: {  	_ =	shalt  }
0x59: {  	_ =	shalt  }
0x5a: {  	_ =	shalt  }
0x5b: {  	_ =	shalt  }
0x5c: {  	_ =	shalt  }
0x5d: {  	_ =	shalt  }
0x5e: {  	_ =	shalt  }
0x5f: {  	_ =	shalt  }
0x60: {  	_ =	shalt  }
0x61: {  	_ =	shalt  }
0x62: {  	_ =	shalt  }
0x63: {  	_ =	shalt  }
0x64: {  	_ =	shalt  }
0x65: {  	_ =	shalt  }
0x66: {  	_ =	shalt  }
0x67: {  	_ =	shalt  }
0x68: {  	_ =	shalt  }
0x69: {  	_ =	shalt  }
0x6a: {  	_ =	shalt  }
0x6b: {  	_ =	shalt  }
0x6c: {  	_ =	shalt  }
0x6d: {  	_ =	shalt  }
0x6e: {  	_ =	shalt  }
0x6f: {  	_ =	shalt  }
0x70: {  	_ =	shalt  }
0x71: {  	_ =	shalt  }
0x72: {  	_ =	shalt  }
0x73: {  	_ =	shalt  }
0x74: {  	_ =	shalt  }
0x75: {  	_ =	shalt  }
0x76: {  	_ =	shalt  }
0x77: {  	_ =	shalt  }
0x78: {  	_ =	shalt  }
0x79: {  	_ =	shalt  }
0x7a: {  	_ =	shalt  }
0x7b: {  	_ =	shalt  }
0x7c: {  	_ =	shalt  }
0x7d: {  	_ =	shalt  }
0x7e: {  	_ =	shalt  }
0x7f: {  	_ =	shalt  }
0x80: {  	_ =	shalt  }
0x81: {  	_ =	shalt  }
0x82: {  	_ =	shalt  }
0x83: {  	_ =	shalt  }
0x84: {  	_ =	shalt  }
0x85: {  	_ =	shalt  }
0x86: {  	_ =	shalt  }
0x87: {  	_ =	shalt  }
.Lfunc_end0:
.L_simem_size_0:
called_computation.1_lowered:
.L_overlay_start_0:
0x88: {  	s2 =	sld [smem:$0x3FD9]  }
0x89: {  	s3 =	sld [smem:$0x3FFE];
	_ =	sdelay $0x1  }
0x8a: {  	s1 =	srdreg.scid  }
0x8b: {  	s0 =	sand.u32 $0x1, s1  }
0x8c: {  	s17 =	sshll.u32 s0, $0xA;
	s2 =	sadd.s32 s3, s2  }
0x8d: {  	s2 =	sadd.s32 s2, s17  }
0x8e: {  	[smem:$0x3FC0] =	sst s2  }
0x8f: {  	_ = 	snop  }
0x90: {  	s2 =	sld [smem:$0x3FD0];
	(tm) =	ssettm $0x1  }
0x91: {  	s18 =	sld [smem:$0x3FFB];
	_ =	sdelay $0x3  }
0x92: {  	_ =	strace s18  }
0x93: {  	s3 =	sld [smem:$0x3FFC];
	_ =	sdelay $0x3  }
0x94: {  	_ =	strace s3  }
0x95: {  	s3 =	sld [smem:$0x3FFD];
	_ =	sdelay $0x3  }
0x96: {  	_ =	strace s3  }
0x97: {  	_ =	strace $0x8FFFFFFF  }
0x98: {  	s19 =	sld [smem:$0x3FDB];
	_ =	sdelay $0x1  }
0x99: {  	s4 =	simm.s32 $_scs_section_size  }
0x9a: {  	s5 =	simm.s32 $_size__tile_overlayer_lowered;
	s6 =	simm.s32 $_tile_overlayer_lowered  }
0x9b: {  	s22 =	simm.s32 $0x1BFF;
	s21 =	sshll.u32 s6, $0x1;
	s3 =	sadd.s32 s4, s19  }
0x9c: {  	s7 =	simm.s32 $0x0;
	s20 =	sshll.u32 s5, $0x1;
	s5 =	sadd.s32 s21, s3  }
0x9d: {  	[timem:s7], [sflag:s22] =	dma.local [hbm:s5], s20  }
0x9e: {  	_ =	swait.ge [sflag:s22], s20  }
0x9f: {  	s4 =	ssub.s32 $0x0, s20;
	[sflag:s22] =	ssyncset.done $0x0  }
0xa0: {  	[sflag:s22] =	ssyncadd.s32 s4;
	_ =	sdelay $0x1  }
0xa1: {  	s23 =	simm.s32 $0x1B8B  }
0xa2: {  	_ =	swait.ge [sflag:s23], $0x1  }
0xa3: {  	[sflag:s23] =	ssyncset.done $0x0  }
0xa4: {  	s25 =	simm.s32 $0x1B8E;
	s24 =	sld [smem:$0x3FFE];
	[sflag:s23] =	ssyncadd.s32 $0xFFFFFFFF  }
0xa5: {  	s26 =	simm.s32 $execute0_lowered;
	[smem:$0x3FD2] =	sst s25  }
0xa6: {  	s5 =	sshll.u32 s26, $0x1;
	_ =	strace $0x80000049;
	[dreg:$0x1] =	wrdreg $0xFFFFFFFF  }
0xa7: {  	s28 =	simm.s32 $_size_execute0_lowered;
	s3 =	sadd.s32 s3, s5;
	[dreg:$0x0] =	wrdreg $0x0  }
0xa8: {  	s5 =	sshll.u32 s28, $0x1;
	[dreg:$0x2] =	wrdreg s3  }
0xa9: {  	[dreg:$0x3] =	wrdreg s5  }
0xaa: {  	[dreg:$0x4] =	wrdreg $0xC0  }
0xab: {  	_ =	task [dreg:s7], $0x5FFFF  }
0xac: {  	[dreg:$0x1] =	wrdreg $0xFFFFFFFF  }
0xad: {  	[dreg:$0x0] =	wrdreg $0x60  }
0xae: {  	[dreg:$0x2] =	wrdreg s24  }
0xaf: {  	[dreg:$0x3] =	wrdreg s2  }
0xb0: {  	[dreg:$0x4] =	wrdreg $0x100400  }
0xb1: {  	[dreg:$0x5] =	wrdreg $0x9  }
0xb2: {  	_ =	task.clear_ibuf [dreg:s7], $0x6FFFF;
	_ =	strace $0x90000049  }
0xb3: {  	s29 =	simm.s32 $0x9;
	_ =	strace $0x8000004B  }
0xb4: {  	_ =	swait.ge [sflag:s29], $0x1  }
0xb5: {  	[sflag:s29] =	ssyncadd.s32 $0xFFFFFFFF  }
0xb6: {  	_ =	strace $0x9000004B  }
0xb7: {  	_ =	sfence  }
0xb8: {  	s30 =	sld [smem:$0x0];
	_ =	sdelay $0x2  }
0xb9: {  	s31 =	sshll.u32 s1, $0xD;
	s1 =	sshrl.u32 s1, $0x2  }
0xba: {  	s3 =	sand.u32 $0x4000, s31;
	s1 =	sadd.s32 s1, s30  }
0xbb: {  	s0 =	sor.u32 s3, s0;
	s1 =	sshll.u32 s1, $0x11  }
0xbc: {  	s0 =	sor.u32 s1, s0  }
0xbd: {  	s0 =	sadd.s32 $0x8F2B, s0  }
0xbe: {  	[sflag:s0] =	ssyncadd.remote.s32 $0x1  }
0xbf: {  	_ =	sfence.sel $0xFFFF  }
0xc0: {  	[dreg:$0x0] =	wrdreg $0xFFFFFFFF;
	(pc) =	sbr.abs _section_cstart, $3  }
0xc1: {  	[dreg:$0x1] =	wrdreg $0xFFFFFFFF  }
0xc2: {  	_ =	task.clear_ibuf [dreg:s7], $0x2FFFF;
	_ =	strace $0x9FFFFFFF  }
0xc3: {  	(tm) =	ssettm $0x7FFFFFFF  }
tec
execute0_lowered:
.L_overlay_start_1:
0x0: {  	(tag) =	ssettag $0x1  }
0x1: {  	s0 =	rddreg [dreg:$0x0]  }
0x2: {  	s1 =	rddreg [dreg:$0x1]  }
0x3: {  	s12 =	stileid.u32;
	s3 =	srdreg.scid  }
0x4: {  	s2 =	rddreg [dreg:$0x2];
	s14 =	simm.s32 $0x50;
	s15 =	simm.s32 $0x9C40  }
0x5: {  	s16 =	simm.s32 $0xB040;
	s18 =	simm.s32 $0xC440;
	s20 =	simm.s32 $0xD840  }
0x6: {  	s22 =	simm.s32 $0xEC40;
	s23 =	simm.s32 $0x1;
	s28 =	simm.s32 $0x5  }
0x7: {  	s29 =	simm.s32 $0x9AB0;
	s30 =	simm.s32 $0x9B00;
	s5 =	smul.u32 $0x9C4, s12  }
0x8: {  	s31 =	simm.s32 $0x9B50;
	s6 =	sand.u32 $0x1, s3;
	s8 =	smul.u32 $0x1F40, s12  }
0x9: {  	s3 =	simm.s32 $0x0;
	s4 =	sadd.s32 $0x15400, s0;
	s10 =	smul.u32 $0x3E800, s12  }
0xa: {  	p0 =	sgt.u32 s12, $0x9;
	s7 =	smul.u32 $0x13880, s6;
	[smem:$0x7FF] =	sst s3  }
0xb: {  	s24 =	sshll.u32 s6, $0x4;
	s6 =	ssub.s32 $0x2, s6;
	_ =	strace $0x8000004A  }
0xc: {  	s9 =	sadd.s32 s5, s0;
	s5 =	sadd.s32 $0x3C600, s0;
	s25 =	sshrl.u32 s6, $0x1  }
0xd: {  	s26 =	sshrl.u32 s10, $0x2;
	s10 =	simm.s32 $0x0;
	s7 =	sadd.s32 s8, s7  }
0xe: {  	s8 =	sor.u32 s12, s24;
	s11 =	ssub.s32 s6, s25;
	s6 =	sadd.s32 $0x1800, s9  }
0xf: {  	s24 =	simm.s32 $0x2;
	s25 =	simm.s32 $0x3;
	s8 =	smul.u32 $0x9C4, s8  }
0x10: {  	s0 =	sadd.s32 s7, s0;
	s9 =	smax.u32 s11, $0x1;
	s11 =	simm.s32 $0x6  }
0x11: {  	s7 =	sadd.s32 s1, s8;
	s8 =	sadd.s32 $0x3E600, s0;
	s0 =	sshll.u32 @!p0 s12, $0x6  }
0x12: {  	s1 =	sadd.s32 s26, s2;
	s26 =	simm.s32 $0x4;
	s12 =	sor.u32 @!p0 $0x1C06, s0  }
0x13: {  	s13 =	sshrl.u32 @!p0 s1, $0x3;
	s1 =	simm.s32 $0x9BA0;
	s0 =	simm.s32 $0x9BF0  }
.LBB2_1:
0x14: {  	s17 =	simm.s32 $0x4E20  }
0x15: {  	[tilespmem:s17], [sflag:$0x6] =	stream.linear.gather [hbm4b:s6+s3], $0x4E20, $0x38;
	[tilespmem:$0x19CA0] =	vst v63  }
0x16: {  	_ =	swait.ge [sflag:s11], $0x4E20  }
0x17: {  	[sflag:s11] =	ssyncset.done $0x0  }
0x18: {  	[sflag:s11] =	ssyncadd.s32 $0xFFFFB1E0  }
0x19: {  	[tilespmem:s3], [sflag:$0x6] =	stream.linear.gather [hbm4b:s7+s3], $0x4E20, $0x38;
	[tilespmem:$0x19CA0] =	vst v63  }
0x1a: {  	_ =	swait.ge [sflag:s11], $0x4E20  }
0x1b: {  	[sflag:s11] =	ssyncset.done $0x0  }
0x1c: {  	s17 =	simm.s32 @!p0 $0x6;
	[sflag:s11] =	ssyncadd.s32 $0xFFFFB1E0  }
0x1d: {  	[spmem:s13], [sflag:s12] =	dma.local @!p0 [hbm:s5], $0x1F40  }
0x1e: {  	_ =	swait.ge @!p0 [sflag:s17], $0x1F40  }
0x1f: {  	[sflag:s17] =	ssyncset.done @!p0 $0x0  }
0x20: {  	[sflag:s17] =	ssyncadd.s32 @!p0 $0xFFFFE0C0  }
0x21: {  	[bflag:$0x0] =	sbarrier.arrive $0xFFFF  }
0x22: {  	[tilespmem:s15], [sflag:$0x1] =	stream.indirect.gather [hbm4b:s4+s14], $0x40, s3, s14, $0xb8;
	[tilespmem:$0x19CA0] =	vst v63  }
0x23: {  	_ = 	snop  }
0x24: {  	[tilespmem:s16], [sflag:$0x2] =	stream.indirect.gather [hbm4b:s4+s14], $0x40, s14, s14, $0xb8;
	[tilespmem:$0x19CA0] =	vst v63  }
0x25: {  	s19 =	simm.s32 $0xA0  }
0x26: {  	[tilespmem:s18], [sflag:$0x3] =	stream.indirect.gather [hbm4b:s4+s14], $0x40, s19, s14, $0xb8;
	[tilespmem:$0x19CA0] =	vst v63  }
0x27: {  	s21 =	simm.s32 $0xF0  }
0x28: {  	[tilespmem:s20], [sflag:$0x4] =	stream.indirect.gather [hbm4b:s4+s14], $0x40, s21, s14, $0xb8;
	[tilespmem:$0x19CA0] =	vst v63  }
0x29: {  	s19 =	simm.s32 $0x140  }
0x2a: {  	[tilespmem:s22], [sflag:$0x5] =	stream.indirect.gather [hbm4b:s4+s14], $0x40, s19, s14, $0xb8;
	[tilespmem:$0x19CA0] =	vst v63  }
0x2b: {  	_ =	swait.ge [sflag:s23], $0x1400  }
0x2c: {  	[sflag:s23] =	ssyncset.done $0x0  }
0x2d: {  	s21 =	simm.s32 $0x4E20;
	[sflag:s23] =	ssyncadd.s32 $0xFFFFEC00  }
0x2e: {  	[spmem:s2] =	stream.indirect.scatter.add.f32 [tilespmem:s15], [sflag:$0x6], $0x40, s21, s14, $0xb8;
	[tilespmem:$0x19CA0] =	vst v63  }
0x2f: {  	_ =	swait.ge [sflag:s11], $0x1400  }
0x30: {  	[sflag:s11] =	ssyncset.done $0x0  }
0x31: {  	s19 =	simm.s32 $0x190;
	[sflag:s11] =	ssyncadd.s32 $0xFFFFEC00  }
0x32: {  	[tilespmem:s15], [sflag:$0x1] =	stream.indirect.gather [hbm4b:s4+s14], $0x40, s19, s14, $0xb8;
	[tilespmem:$0x19CA0] =	vst v63  }
0x33: {  	_ =	swait.ge [sflag:s24], $0x1400  }
0x34: {  	[sflag:s24] =	ssyncset.done $0x0  }
0x35: {  	s21 =	simm.s32 $0x4E70;
	[sflag:s24] =	ssyncadd.s32 $0xFFFFEC00  }
0x36: {  	[spmem:s2] =	stream.indirect.scatter.add.f32 [tilespmem:s16], [sflag:$0x6], $0x40, s21, s14, $0xb8;
	[tilespmem:$0x19CA0] =	vst v63  }
0x37: {  	_ =	swait.ge [sflag:s11], $0x1400  }
0x38: {  	[sflag:s11] =	ssyncset.done $0x0  }
0x39: {  	s19 =	simm.s32 $0x1E0;
	[sflag:s11] =	ssyncadd.s32 $0xFFFFEC00  }
0x3a: {  	[tilespmem:s16], [sflag:$0x2] =	stream.indirect.gather [hbm4b:s4+s14], $0x40, s19, s14, $0xb8;
	[tilespmem:$0x19CA0] =	vst v63  }
0x3b: {  	_ =	swait.ge [sflag:s25], $0x1400  }
0x3c: {  	[sflag:s25] =	ssyncset.done $0x0  }
0x3d: {  	s21 =	simm.s32 $0x4EC0;
	[sflag:s25] =	ssyncadd.s32 $0xFFFFEC00  }
0x3e: {  	[spmem:s2] =	stream.indirect.scatter.add.f32 [tilespmem:s18], [sflag:$0x6], $0x40, s21, s14, $0xb8;
	[tilespmem:$0x19CA0] =	vst v63  }
0x3f: {  	_ =	swait.ge [sflag:s11], $0x1400  }
0x40: {  	[sflag:s11] =	ssyncset.done $0x0  }
0x41: {  	s19 =	simm.s32 $0x230;
	[sflag:s11] =	ssyncadd.s32 $0xFFFFEC00  }
0x42: {  	[tilespmem:s18], [sflag:$0x3] =	stream.indirect.gather [hbm4b:s4+s14], $0x40, s19, s14, $0xb8;
	[tilespmem:$0x19CA0] =	vst v63  }
0x43: {  	_ =	swait.ge [sflag:s26], $0x1400  }
0x44: {  	[sflag:s26] =	ssyncset.done $0x0  }
0x45: {  	s21 =	simm.s32 $0x4F10;
	[sflag:s26] =	ssyncadd.s32 $0xFFFFEC00  }
0x46: {  	[spmem:s2] =	stream.indirect.scatter.add.f32 [tilespmem:s20], [sflag:$0x6], $0x40, s21, s14, $0xb8;
	[tilespmem:$0x19CA0] =	vst v63  }
0x47: {  	_ =	swait.ge [sflag:s11], $0x1400  }
0x48: {  	[sflag:s11] =	ssyncset.done $0x0  }
0x49: {  	s19 =	simm.s32 $0x280;
	[sflag:s11] =	ssyncadd.s32 $0xFFFFEC00  }
0x4a: {  	[tilespmem:s20], [sflag:$0x4] =	stream.indirect.gather [hbm4b:s4+s14], $0x40, s19, s14, $0xb8;
	[tilespmem:$0x19CA0] =	vst v63  }
0x4b: {  	_ =	swait.ge [sflag:s28], $0x1400  }
0x4c: {  	[sflag:s28] =	ssyncset.done $0x0  }
0x4d: {  	s21 =	simm.s32 $0x4F60;
	[sflag:s28] =	ssyncadd.s32 $0xFFFFEC00  }
0x4e: {  	[spmem:s2] =	stream.indirect.scatter.add.f32 [tilespmem:s22], [sflag:$0x6], $0x40, s21, s14, $0xb8;
	[tilespmem:$0x19CA0] =	vst v63  }
0x4f: {  	_ =	swait.ge [sflag:s11], $0x1400  }
0x50: {  	[sflag:s11] =	ssyncset.done $0x0  }
0x51: {  	s17 =	simm.s32 $0x640;
	s19 =	simm.s32 $0x2D0;
	[sflag:s11] =	ssyncadd.s32 $0xFFFFEC00  }
.LBB2_2:
0x52: {  	[tilespmem:s22], [sflag:$0x5] =	stream.indirect.gather [hbm4b:s4+s14], $0x40, s19, s14, $0xb8;
	[tilespmem:$0x19CA0] =	vst v63  }
0x53: {  	s19 =	smov.u32 s17  }
0x54: {  	p1 =	sne.s32 s17, $0x12C00;
	s17 =	sadd.s32 $0x640, s17;
	_ =	swait.ge [sflag:s23], $0x1400  }
0x55: {  	s19 =	sshra.s32 s19, $0x2;
	[sflag:s23] =	ssyncset.done $0x0  }
0x56: {  	s21 =	sadd.s32 $0x4E20, s19;
	[sflag:s23] =	ssyncadd.s32 $0xFFFFEC00  }
0x57: {  	[spmem:s2] =	stream.indirect.scatter.add.f32 [tilespmem:s15], [sflag:$0x6], $0x40, s21, s14, $0xb8;
	[tilespmem:$0x19CA0] =	vst v63  }
0x58: {  	_ =	swait.ge [sflag:s11], $0x1400  }
0x59: {  	[sflag:s11] =	ssyncset.done $0x0  }
0x5a: {  	s21 =	sadd.s32 $0x190, s19;
	[sflag:s11] =	ssyncadd.s32 $0xFFFFEC00  }
0x5b: {  	[tilespmem:s15], [sflag:$0x1] =	stream.indirect.gather [hbm4b:s4+s14], $0x40, s21, s14, $0xb8;
	[tilespmem:$0x19CA0] =	vst v63  }
0x5c: {  	_ =	swait.ge [sflag:s24], $0x1400  }
0x5d: {  	[sflag:s24] =	ssyncset.done $0x0  }
0x5e: {  	s21 =	sadd.s32 $0x4E70, s19;
	[sflag:s24] =	ssyncadd.s32 $0xFFFFEC00  }
0x5f: {  	[spmem:s2] =	stream.indirect.scatter.add.f32 [tilespmem:s16], [sflag:$0x6], $0x40, s21, s14, $0xb8;
	[tilespmem:$0x19CA0] =	vst v63  }
0x60: {  	_ =	swait.ge [sflag:s11], $0x1400  }
0x61: {  	[sflag:s11] =	ssyncset.done $0x0  }
0x62: {  	s21 =	sadd.s32 $0x1E0, s19;
	[sflag:s11] =	ssyncadd.s32 $0xFFFFEC00  }
0x63: {  	[tilespmem:s16], [sflag:$0x2] =	stream.indirect.gather [hbm4b:s4+s14], $0x40, s21, s14, $0xb8;
	[tilespmem:$0x19CA0] =	vst v63  }
0x64: {  	_ =	swait.ge [sflag:s25], $0x1400  }
0x65: {  	[sflag:s25] =	ssyncset.done $0x0  }
0x66: {  	s21 =	sadd.s32 $0x4EC0, s19;
	[sflag:s25] =	ssyncadd.s32 $0xFFFFEC00  }
0x67: {  	[spmem:s2] =	stream.indirect.scatter.add.f32 [tilespmem:s18], [sflag:$0x6], $0x40, s21, s14, $0xb8;
	[tilespmem:$0x19CA0] =	vst v63  }
0x68: {  	_ =	swait.ge [sflag:s11], $0x1400  }
0x69: {  	[sflag:s11] =	ssyncset.done $0x0  }
0x6a: {  	s21 =	sadd.s32 $0x230, s19;
	[sflag:s11] =	ssyncadd.s32 $0xFFFFEC00  }
0x6b: {  	[tilespmem:s18], [sflag:$0x3] =	stream.indirect.gather [hbm4b:s4+s14], $0x40, s21, s14, $0xb8;
	[tilespmem:$0x19CA0] =	vst v63  }
0x6c: {  	_ =	swait.ge [sflag:s26], $0x1400  }
0x6d: {  	[sflag:s26] =	ssyncset.done $0x0  }
0x6e: {  	s21 =	sadd.s32 $0x4F10, s19;
	[sflag:s26] =	ssyncadd.s32 $0xFFFFEC00  }
0x6f: {  	[spmem:s2] =	stream.indirect.scatter.add.f32 [tilespmem:s20], [sflag:$0x6], $0x40, s21, s14, $0xb8;
	[tilespmem:$0x19CA0] =	vst v63  }
0x70: {  	_ =	swait.ge [sflag:s11], $0x1400  }
0x71: {  	[sflag:s11] =	ssyncset.done $0x0  }
0x72: {  	s21 =	sadd.s32 $0x280, s19;
	[sflag:s11] =	ssyncadd.s32 $0xFFFFEC00  }
0x73: {  	[tilespmem:s20], [sflag:$0x4] =	stream.indirect.gather [hbm4b:s4+s14], $0x40, s21, s14, $0xb8;
	[tilespmem:$0x19CA0] =	vst v63  }
0x74: {  	_ =	swait.ge [sflag:s28], $0x1400  }
0x75: {  	[sflag:s28] =	ssyncset.done $0x0  }
.Ltmp0:
0x76: {  	s21 =	sadd.s32 $0x4F60, s19;
	[sflag:s28] =	ssyncadd.s32 $0xFFFFEC00;
	(pc) =	sbr.rel @p1 .LBB2_2-.Ltmp0, $4  }
0x77: {  	[spmem:s2] =	stream.indirect.scatter.add.f32 [tilespmem:s22], [sflag:$0x6], $0x40, s21, s14, $0xb8;
	[tilespmem:$0x19CA0] =	vst v63  }
0x78: {  	_ =	swait.ge [sflag:s11], $0x1400  }
0x79: {  	[sflag:s11] =	ssyncset.done $0x0  }
0x7a: {  	s19 =	sadd.s32 $0x2D0, s19;
	[sflag:s11] =	ssyncadd.s32 $0xFFFFEC00  }
0x7b: {  	[tilespmem:s22], [sflag:$0x5] =	stream.indirect.gather [hbm4b:s4+s14], $0x40, s19, s14, $0xb8;
	[tilespmem:$0x19CA0] =	vst v63  }
0x7c: {  	_ =	swait.ge [sflag:s23], $0x1400  }
0x7d: {  	[sflag:s23] =	ssyncset.done $0x0  }
0x7e: {  	[sflag:s23] =	ssyncadd.s32 $0xFFFFEC00  }
0x7f: {  	[spmem:s2] =	stream.indirect.scatter.add.f32 [tilespmem:s15], [sflag:$0x6], $0x40, s29, s14, $0xb8;
	[tilespmem:$0x19CA0] =	vst v63  }
0x80: {  	_ =	swait.ge [sflag:s11], $0x1400  }
0x81: {  	[sflag:s11] =	ssyncset.done $0x0  }
0x82: {  	[sflag:s11] =	ssyncadd.s32 $0xFFFFEC00  }
0x83: {  	_ =	swait.ge [sflag:s24], $0x1400  }
0x84: {  	[sflag:s24] =	ssyncset.done $0x0  }
0x85: {  	[sflag:s24] =	ssyncadd.s32 $0xFFFFEC00  }
0x86: {  	[spmem:s2] =	stream.indirect.scatter.add.f32 [tilespmem:s16], [sflag:$0x6], $0x40, s30, s14, $0xb8;
	[tilespmem:$0x19CA0] =	vst v63  }
0x87: {  	_ =	swait.ge [sflag:s11], $0x1400  }
0x88: {  	[sflag:s11] =	ssyncset.done $0x0  }
0x89: {  	[sflag:s11] =	ssyncadd.s32 $0xFFFFEC00  }
0x8a: {  	_ =	swait.ge [sflag:s25], $0x1400  }
0x8b: {  	[sflag:s25] =	ssyncset.done $0x0  }
0x8c: {  	[sflag:s25] =	ssyncadd.s32 $0xFFFFEC00  }
0x8d: {  	[spmem:s2] =	stream.indirect.scatter.add.f32 [tilespmem:s18], [sflag:$0x6], $0x40, s31, s14, $0xb8;
	[tilespmem:$0x19CA0] =	vst v63  }
0x8e: {  	_ =	swait.ge [sflag:s11], $0x1400  }
0x8f: {  	[sflag:s11] =	ssyncset.done $0x0  }
0x90: {  	[sflag:s11] =	ssyncadd.s32 $0xFFFFEC00  }
0x91: {  	_ =	swait.ge [sflag:s26], $0x1400  }
0x92: {  	[sflag:s26] =	ssyncset.done $0x0  }
0x93: {  	[sflag:s26] =	ssyncadd.s32 $0xFFFFEC00  }
0x94: {  	[spmem:s2] =	stream.indirect.scatter.add.f32 [tilespmem:s20], [sflag:$0x6], $0x40, s1, s14, $0xb8;
	[tilespmem:$0x19CA0] =	vst v63  }
0x95: {  	_ =	swait.ge [sflag:s11], $0x1400  }
0x96: {  	[sflag:s11] =	ssyncset.done $0x0  }
0x97: {  	[sflag:s11] =	ssyncadd.s32 $0xFFFFEC00  }
0x98: {  	_ =	swait.ge [sflag:s28], $0x1400  }
0x99: {  	[sflag:s28] =	ssyncset.done $0x0  }
0x9a: {  	[sflag:s28] =	ssyncadd.s32 $0xFFFFEC00  }
0x9b: {  	[spmem:s2] =	stream.indirect.scatter.add.f32 [tilespmem:s22], [sflag:$0x6], $0x40, s0, s14, $0xb8;
	[tilespmem:$0x19CA0] =	vst v63  }
0x9c: {  	_ =	swait.ge [sflag:s11], $0x1400  }
0x9d: {  	s10 =	sadd.s32 $0x1, s10;
	[sflag:s11] =	ssyncset.done $0x0  }
0x9e: {  	p1 =	sne.s32 s10, s9;
	[sflag:s11] =	ssyncadd.s32 $0xFFFFEC00  }
.Ltmp1:
0x9f: {  	s17 =	simm.s32 @!p0 $0x6;
	[bflag:$0x0] =	sbarrier.arrive $0xFFFF;
	(pc) =	sbr.rel @p1 .LBB2_1-.Ltmp1, $4  }
0xa0: {  	[hbm:s8], [sflag:s12] =	dma.local @!p0 [spmem:s13], $0x1F40  }
0xa1: {  	_ =	swait.ge @!p0 [sflag:s17], $0x1F40  }
0xa2: {  	[sflag:s17] =	ssyncset.done @!p0 $0x0  }
0xa3: {  	[sflag:s17] =	ssyncadd.s32 @!p0 $0xFFFFE0C0  }
0xa4: {  	_ =	sfence.sel $0x180000  }
0xa5: {  	[bflag:$0x0] =	sbarrier.arrive $0xFFFF  }
0xa6: {  	_ =	strace $0x9000004A  }
0xa7: {  	s0 =	stileid.u32;
	[bflag:$0x2] =	sbarrier.arrive $0xFFFF  }
0xa8: {  	p0 =	sne.s32 s0, $0x0;
	s0 =	rddreg [dreg:$0x3]  }
0xa9: {  	s0 =	sadd.s32 @!p0 $0x100000, s0  }
0xaa: {  	[sflag:s0] =	ssyncadd.tile.s32 @!p0 $0x1;
	_ =	shalt  }
.Lfunc_end2:
_tile_overlayer_lowered:
.L_overlay_start_2:
0xab: {  	(tag) =	ssettag $0x2  }
0xac: {  	s0 =	rddreg [dreg:$0x0];
	s2 =	stileid.u32  }
0xad: {  	s1 =	rddreg [dreg:$0x1];
	p0 =	sne.s32 s2, $0x0  }
0xae: {  	s3 =	rddreg [dreg:$0x2];
	[bflag:$0x3] =	sbarrier.arrive $0xFFFF;
	s2 =	simm.s32 @!p0 $0x1C06  }
0xaf: {  	[timem:s3], [sflag:s2] =	dma.local @!p0 [hbm:s0], s1  }
0xb0: {  	s0 =	simm.s32 @!p0 $0x6  }
0xb1: {  	_ =	swait.ge @!p0 [sflag:s0], s1  }
0xb2: {  	s1 =	ssub.s32 @!p0 $0x0, s1;
	[sflag:s0] =	ssyncset.done @!p0 $0x0  }
0xb3: {  	[sflag:s0] =	ssyncadd.s32 @!p0 s1  }
0xb4: {  	[bflag:$0x3] =	sbarrier.arrive $0xFFFF  }
0xb5: {  	_ =	shalt  }

// kernel: _run.16.cloned.1.call-start
scs
__scs_entry_jumppad:
0x0: {  	(pc) =	sbr.rel $0x88, $3  }
0x1: {  	(tag) =	ssettag $0x0;
	lr =	simm.s32 $0x1  }
0x2: {  	[smem:$0x3F99] =	sst lr;
	_ =	strace $0xD0000000  }
0x3: {  	_ = 	snop  }
0x4: {  	_ = 	snop  }
0x5: {  	_ = 	snop  }
0x6: {  	_ = 	snop  }
0x7: {  	_ = 	snop  }
__scs_overlays_trampoline_lowered:
0x8: {  	[smem:$0x3FA8] =	sst s0  }
0x9: {  	[smem:$0x3FA9] =	sst s1  }
0xa: {  	[smem:$0x3FAA] =	sst s2  }
0xb: {  	[smem:$0x3FAB] =	sst s3  }
0xc: {  	[smem:$0x3FAC] =	sst s4  }
0xd: {  	[smem:$0x3FAD] =	sst s5  }
0xe: {  	[smem:$0x3FAE] =	sst s6  }
0xf: {  	[smem:$0x3FAF] =	sst s7  }
0x10: {  	[smem:$0x3FB0] =	sst s8  }
0x11: {  	[smem:$0x3FB1] =	sst s9;
	s0 =	simm.s32 @!p0 $0x0  }
0x12: {  	s1 =	sld [smem:$0x3F97];
	s0 =	simm.s32 @p0 $0x1  }
0x13: {  	[smem:$0x3FB2] =	sst s0;
	s0 =	simm.s32 @!p1 $0x0  }
0x14: {  	s2 =	sld [smem:$0x3F96];
	s0 =	simm.s32 @p1 $0x1  }
0x15: {  	[smem:$0x3FB3] =	sst s0;
	s0 =	simm.s32 @!p2 $0x0  }
0x16: {  	s3 =	sld [smem:$0x3FDB];
	s0 =	simm.s32 @p2 $0x1  }
0x17: {  	s4 =	simm.s32 $0x1BF5;
	[smem:$0x3FB5] =	sst s0  }
0x18: {  	s0 =	sld [smem:$0x3F98];
	_ =	swait.ge [sflag:s4], $0x0  }
0x19: {  	s7 =	sld [smem:$0x3F99]  }
0x1a: {  	s8 =	sadd.s32 $0xFFFFE003, lr  }
0x1b: {  	s9 =	sadd.s32 $0xFFFFFEF7, lr;
	s5 =	simm.s32 $0xFFFFFFFF;
	p2 =	slt.u32 s8, $0xFFFFF086  }
0x1c: {  	p1 =	slt.u32 s9, $0xF7A;
	s5 =	simm.s32 @!p2 $0x0  }
0x1d: {  	s5 =	simm.s32 @p1 $0x1;
	p0 =	seq.s32 s7, s2  }
0x1e: {  	s7 =	smul.u32 @!p0 $0xF7A, s2;
	p2 =	seq.s32 @!p0 s5, $0x0  }
0x1f: {  	s9 =	smul.u32 $0xF7A, s1;
	s8 =	simm.s32 @!p0 $0x1BF5;
	p2 =	por !p2, p0  }
0x20: {  	[sflag:s8] =	ssyncset.s32 @!p0 $0xFFFFF086;
	s6 =	sadd.s32 @!p0 s3, s7;
	s7 =	simm.s32 @!p0 $0x108  }
0x21: {  	s3 =	sadd.s32 s3, s9;
	s6 =	sadd.s32 @!p0 $0x88, s6;
	s7 =	simm.s32 @p2 $0x1082  }
0x22: {  	[simem:s7], [sflag:s8] =	dma.local @!p0 [hbm:s6], $0xF7A  }
0x23: {  	s9 =	sor.u32 $0xD0000000, s2;
	s6 =	simm.s32 $0x108;
	_ =	swait.ge @!p0 [sflag:s8], $0x0  }
0x24: {  	s3 =	sadd.s32 $0x88, s3;
	s6 =	simm.s32 @!p1 $0x1082;
	[sflag:s4] =	ssyncset.s32 $0xFFFFF086  }
0x25: {  	[simem:s6], [sflag:s4] =	dma.local [hbm:s3], $0xF7A  }
0x26: {  	[smem:$0x3F99] =	sst s1;
	(tag) =	ssettag s2;
	_ =	strace s9  }
0x27: {  	s1 =	sld [smem:$0x3FA9]  }
0x28: {  	s2 =	sld [smem:$0x3FAA]  }
0x29: {  	s4 =	sld [smem:$0x3FAC]  }
0x2a: {  	p0 =	seq.s32 s5, $0x0;
	s5 =	sld [smem:$0x3FAD]  }
0x2b: {  	s6 =	sld [smem:$0x3FAE]  }
0x2c: {  	s7 =	sld [smem:$0x3FAF]  }
0x2d: {  	s3 =	simm.s32 $0x108;
	s8 =	sld [smem:$0x3FB0]  }
0x2e: {  	s3 =	simm.s32 @!p0 $0x1082;
	s9 =	sld [smem:$0x3FB1]  }
0x2f: {  	lr =	sadd.s32 s0, s3;
	s0 =	sld [smem:$0x3FA8]  }
0x30: {  	s3 =	sld [smem:$0x3FAB]  }
0x31: {  	[smem:$0x3FB4] =	sst s10  }
0x32: {  	s10 =	sld [smem:$0x3FB2];
	_ =	sdelay $0x3  }
0x33: {  	p0 =	seq.s32 s10, $0x1;
	s10 =	sld [smem:$0x3FB4];
	_ =	sdelay $0x3  }
0x34: {  	[smem:$0x3FB4] =	sst s10  }
0x35: {  	s10 =	sld [smem:$0x3FB3];
	_ =	sdelay $0x3  }
0x36: {  	p1 =	seq.s32 s10, $0x1;
	s10 =	sld [smem:$0x3FB4];
	_ =	sdelay $0x3  }
0x37: {  	[smem:$0x3FB4] =	sst s10  }
0x38: {  	s10 =	sld [smem:$0x3FB5]  }
0x39: {  	_ = 	snop;
	(pc) =	sbr.ind lr, $3  }
0x3a: {  	_ = 	snop  }
0x3b: {  	_ = 	snop  }
0x3c: {  	p2 =	seq.s32 s10, $0x1;
	s10 =	sld [smem:$0x3FB4]  }
0x3d: {  	_ =	shalt  }
0x3e: {  	_ =	shalt  }
0x3f: {  	_ =	shalt  }
0x40: {  	_ =	shalt  }
0x41: {  	_ =	shalt  }
0x42: {  	_ =	shalt  }
0x43: {  	_ =	shalt  }
0x44: {  	_ =	shalt  }
0x45: {  	_ =	shalt  }
0x46: {  	_ =	shalt  }
0x47: {  	_ =	shalt  }
0x48: {  	_ =	shalt  }
0x49: {  	_ =	shalt  }
0x4a: {  	_ =	shalt  }
0x4b: {  	_ =	shalt  }
0x4c: {  	_ =	shalt  }
0x4d: {  	_ =	shalt  }
0x4e: {  	_ =	shalt  }
0x4f: {  	_ =	shalt  }
0x50: {  	_ =	shalt  }
0x51: {  	_ =	shalt  }
0x52: {  	_ =	shalt  }
0x53: {  	_ =	shalt  }
0x54: {  	_ =	shalt  }
0x55: {  	_ =	shalt  }
0x56: {  	_ =	shalt  }
0x57: {  	_ =	shalt  }
0x58: {  	_ =	shalt  }
0x59: {  	_ =	shalt  }
0x5a: {  	_ =	shalt  }
0x5b: {  	_ =	shalt  }
0x5c: {  	_ =	shalt  }
0x5d: {  	_ =	shalt  }
0x5e: {  	_ =	shalt  }
0x5f: {  	_ =	shalt  }
0x60: {  	_ =	shalt  }
0x61: {  	_ =	shalt  }
0x62: {  	_ =	shalt  }
0x63: {  	_ =	shalt  }
0x64: {  	_ =	shalt  }
0x65: {  	_ =	shalt  }
0x66: {  	_ =	shalt  }
0x67: {  	_ =	shalt  }
0x68: {  	_ =	shalt  }
0x69: {  	_ =	shalt  }
0x6a: {  	_ =	shalt  }
0x6b: {  	_ =	shalt  }
0x6c: {  	_ =	shalt  }
0x6d: {  	_ =	shalt  }
0x6e: {  	_ =	shalt  }
0x6f: {  	_ =	shalt  }
0x70: {  	_ =	shalt  }
0x71: {  	_ =	shalt  }
0x72: {  	_ =	shalt  }
0x73: {  	_ =	shalt  }
0x74: {  	_ =	shalt  }
0x75: {  	_ =	shalt  }
0x76: {  	_ =	shalt  }
0x77: {  	_ =	shalt  }
0x78: {  	_ =	shalt  }
0x79: {  	_ =	shalt  }
0x7a: {  	_ =	shalt  }
0x7b: {  	_ =	shalt  }
0x7c: {  	_ =	shalt  }
0x7d: {  	_ =	shalt  }
0x7e: {  	_ =	shalt  }
0x7f: {  	_ =	shalt  }
0x80: {  	_ =	shalt  }
0x81: {  	_ =	shalt  }
0x82: {  	_ =	shalt  }
0x83: {  	_ =	shalt  }
0x84: {  	_ =	shalt  }
0x85: {  	_ =	shalt  }
0x86: {  	_ =	shalt  }
0x87: {  	_ =	shalt  }
.Lfunc_end0:
.L_simem_size_0:
called_computation.2_lowered:
.L_overlay_start_0:
0x88: {  	s2 =	sld [smem:$0x3FD9]  }
0x89: {  	s3 =	sld [smem:$0x3FFE];
	_ =	sdelay $0x1  }
0x8a: {  	s1 =	srdreg.scid  }
0x8b: {  	s0 =	sand.u32 $0x1, s1  }
0x8c: {  	s16 =	sshll.u32 s0, $0xA;
	s2 =	sadd.s32 s3, s2  }
0x8d: {  	s2 =	sadd.s32 s2, s16  }
0x8e: {  	[smem:$0x3FC0] =	sst s2  }
0x8f: {  	_ = 	snop  }
0x90: {  	(tm) =	ssettm $0x1  }
0x91: {  	s17 =	sld [smem:$0x3FFB];
	_ =	sdelay $0x3  }
0x92: {  	_ =	strace s17  }
0x93: {  	s2 =	sld [smem:$0x3FFC];
	_ =	sdelay $0x3  }
0x94: {  	_ =	strace s2  }
0x95: {  	s2 =	sld [smem:$0x3FFD];
	_ =	sdelay $0x3  }
0x96: {  	_ =	strace s2  }
0x97: {  	_ =	strace $0x8FFFFFFF  }
0x98: {  	s18 =	sld [smem:$0x3FDB];
	_ =	sdelay $0x1  }
0x99: {  	s19 =	simm.s32 $_scs_section_size  }
0x9a: {  	s4 =	simm.s32 $_size__tile_overlayer_lowered;
	s5 =	simm.s32 $_tile_overlayer_lowered  }
0x9b: {  	s22 =	simm.s32 $0x1BFF;
	s21 =	sshll.u32 s5, $0x1;
	s2 =	sadd.s32 s19, s18  }
0x9c: {  	s6 =	simm.s32 $0x0;
	s20 =	sshll.u32 s4, $0x1;
	s4 =	sadd.s32 s21, s2  }
0x9d: {  	[timem:s6], [sflag:s22] =	dma.local [hbm:s4], s20  }
0x9e: {  	_ =	swait.ge [sflag:s22], s20  }
0x9f: {  	s3 =	ssub.s32 $0x0, s20;
	[sflag:s22] =	ssyncset.done $0x0  }
0xa0: {  	[sflag:s22] =	ssyncadd.s32 s3;
	_ =	sdelay $0x1  }
0xa1: {  	s23 =	simm.s32 $0x1B8B  }
0xa2: {  	_ =	swait.ge [sflag:s23], $0x1  }
0xa3: {  	[sflag:s23] =	ssyncset.done $0x0  }
0xa4: {  	s25 =	simm.s32 $0x1B8E;
	s24 =	sld [smem:$0x3FFE];
	[sflag:s23] =	ssyncadd.s32 $0xFFFFFFFF  }
0xa5: {  	s26 =	simm.s32 $execute0_lowered;
	[smem:$0x3FD2] =	sst s25  }
0xa6: {  	s4 =	sshll.u32 s26, $0x1;
	_ =	strace $0x8000004C;
	[dreg:$0x1] =	wrdreg $0xFFFFFFFF  }
0xa7: {  	s28 =	simm.s32 $_size_execute0_lowered;
	s2 =	sadd.s32 s2, s4;
	[dreg:$0x0] =	wrdreg $0x0  }
0xa8: {  	s4 =	sshll.u32 s28, $0x1;
	[dreg:$0x2] =	wrdreg s2  }
0xa9: {  	[dreg:$0x3] =	wrdreg s4  }
0xaa: {  	[dreg:$0x4] =	wrdreg $0xC0  }
0xab: {  	_ =	task [dreg:s6], $0x5FFFF  }
0xac: {  	[dreg:$0x1] =	wrdreg $0xFFFFFFFF  }
0xad: {  	[dreg:$0x0] =	wrdreg $0x60  }
0xae: {  	[dreg:$0x2] =	wrdreg s24  }
0xaf: {  	[dreg:$0x3] =	wrdreg $0x100400  }
0xb0: {  	[dreg:$0x4] =	wrdreg $0x9  }
0xb1: {  	_ =	task.clear_ibuf [dreg:s6], $0x5FFFF;
	_ =	strace $0x9000004C  }
0xb2: {  	s29 =	simm.s32 $0x9;
	_ =	strace $0x8000004E  }
0xb3: {  	_ =	swait.ge [sflag:s29], $0x1  }
0xb4: {  	[sflag:s29] =	ssyncadd.s32 $0xFFFFFFFF  }
0xb5: {  	_ =	strace $0x9000004E  }
0xb6: {  	_ =	sfence  }
0xb7: {  	s30 =	sld [smem:$0x0];
	_ =	sdelay $0x2  }
0xb8: {  	s31 =	sshll.u32 s1, $0xD;
	s1 =	sshrl.u32 s1, $0x2  }
0xb9: {  	s3 =	sand.u32 $0x4000, s31;
	s1 =	sadd.s32 s1, s30  }
0xba: {  	s0 =	sor.u32 s3, s0;
	s1 =	sshll.u32 s1, $0x11  }
0xbb: {  	s0 =	sor.u32 s1, s0  }
0xbc: {  	s0 =	sadd.s32 $0x8F2B, s0  }
0xbd: {  	[sflag:s0] =	ssyncadd.remote.s32 $0x1  }
0xbe: {  	_ =	sfence.sel $0xFFFF  }
0xbf: {  	[dreg:$0x0] =	wrdreg $0xFFFFFFFF;
	(pc) =	sbr.abs _section_cstart, $3  }
0xc0: {  	[dreg:$0x1] =	wrdreg $0xFFFFFFFF  }
0xc1: {  	_ =	task.clear_ibuf [dreg:s6], $0x2FFFF;
	_ =	strace $0x9FFFFFFF  }
0xc2: {  	(tm) =	ssettm $0x7FFFFFFF  }
0xc3: {  	_ =	shalt  }
tec
execute0_lowered:
.L_overlay_start_1:
0x0: {  	(tag) =	ssettag $0x1  }
0x1: {  	s0 =	srdreg.scid;
	s1 =	rddreg [dreg:$0x0]  }
0x2: {  	s14 =	stileid.u32;
	s2 =	rddreg [dreg:$0x1]  }
0x3: {  	s16 =	simm.s32 $0x50;
	s17 =	simm.s32 $0x9C40;
	s18 =	simm.s32 $0xB040  }
0x4: {  	s19 =	simm.s32 $0xA0;
	s20 =	simm.s32 $0xC440;
	s6 =	smul.u32 $0x9C4, s14  }
0x5: {  	s21 =	simm.s32 $0xF0;
	s22 =	simm.s32 $0xD840;
	s7 =	smul.u32 $0x3E800, s14  }
0x6: {  	s28 =	simm.s32 $0x3;
	s29 =	simm.s32 $0x4;
	s10 =	smul.u32 $0x1F40, s14  }
0x7: {  	s30 =	simm.s32 $0x5;
	s0 =	sand.u32 $0x1, s0;
	s13 =	smul.u32 $0x3E8, s14  }
0x8: {  	s31 =	simm.s32 $0x9AB0;
	p0 =	sgt.u32 s14, $0x9;
	s8 =	smul.u32 $0x13880, s0  }
0x9: {  	s3 =	sshll.u32 s0, $0x4;
	s11 =	ssub.s32 $0x2, s0;
	s0 =	smul.u32 $0x2710, s0  }
0xa: {  	s4 =	sor.u32 s14, s3;
	s3 =	simm.s32 $0x0;
	s6 =	sadd.s32 s6, s1  }
0xb: {  	s12 =	sshrl.u32 s11, $0x1;
	s24 =	sshrl.u32 s7, $0x2;
	s5 =	smul.u32 $0x9C4, s4  }
0xc: {  	[smem:$0x7FF] =	sst s3;
	s4 =	sadd.s32 $0x128E00, s1;
	s11 =	ssub.s32 s11, s12  }
0xd: {  	s6 =	sadd.s32 $0x1800, s6;
	s25 =	sadd.s32 s10, s8;
	s0 =	sadd.s32 s13, s0  }
0xe: {  	s13 =	simm.s32 $0x6;
	s12 =	simm.s32 $0x9BA0;
	_ =	strace $0x8000004D  }
0xf: {  	[dreg:$0x3] =	wrdreg s6;
	s6 =	sadd.s32 s24, s2;
	s0 =	sshll.u32 s0, $0x3  }
0x10: {  	s26 =	smax.u32 s11, $0x1;
	s24 =	simm.s32 $0xEC40;
	s9 =	sadd.s32 s5, s1  }
0x11: {  	s5 =	sadd.s32 $0x3C600, s1;
	s1 =	sadd.s32 $0x8CA00, s1;
	[dreg:$0x7] =	wrdreg s26  }
0x12: {  	s15 =	sshrl.u32 @!p0 s6, $0x3;
	s26 =	simm.s32 $0x2;
	s6 =	simm.s32 $0x9BF0  }
0x13: {  	s23 =	sadd.s32 $0x65800, s9;
	s7 =	sadd.s32 s1, s25;
	s9 =	sadd.s32 $0x79080, s9  }
0x14: {  	s0 =	sadd.s32 s1, s0;
	s25 =	simm.s32 $0x1;
	[dreg:$0x4] =	wrdreg s23  }
0x15: {  	s1 =	simm.s32 $0x9B00;
	[dreg:$0x5] =	wrdreg s7;
	s0 =	sadd.s32 $0x27100, s0  }
0x16: {  	s23 =	simm.s32 $0x140;
	[dreg:$0x6] =	wrdreg s0;
	s0 =	sshll.u32 @!p0 s14, $0x6  }
0x17: {  	s7 =	simm.s32 $0x0;
	s14 =	sor.u32 @!p0 $0x1C06, s0;
	s0 =	simm.s32 $0x9B50  }
.LBB2_1:
0x18: {  	s8 =	rddreg [dreg:$0x3];
	s10 =	simm.s32 $0x4E20  }
0x19: {  	[tilespmem:s10], [sflag:$0x6] =	stream.linear.gather [hbm4b:s8+s3], $0x4E20, $0x38;
	[tilespmem:$0x19CA0] =	vst v63  }
0x1a: {  	_ =	swait.ge [sflag:s13], $0x4E20  }
0x1b: {  	[sflag:s13] =	ssyncset.done $0x0  }
0x1c: {  	s10 =	rddreg [dreg:$0x4];
	[sflag:s13] =	ssyncadd.s32 $0xFFFFB1E0  }
0x1d: {  	[tilespmem:s3], [sflag:$0x6] =	stream.linear.gather [hbm4b:s10+s3], $0x4E20, $0x38;
	[tilespmem:$0x19CA0] =	vst v63  }
0x1e: {  	_ =	swait.ge [sflag:s13], $0x4E20  }
0x1f: {  	[sflag:s13] =	ssyncset.done $0x0  }
0x20: {  	s8 =	simm.s32 @!p0 $0x6;
	[sflag:s13] =	ssyncadd.s32 $0xFFFFB1E0  }
0x21: {  	[spmem:s15], [sflag:s14] =	dma.local @!p0 [hbm:s5], $0x1F40  }
0x22: {  	_ =	swait.ge @!p0 [sflag:s8], $0x1F40  }
0x23: {  	[sflag:s8] =	ssyncset.done @!p0 $0x0  }
0x24: {  	[sflag:s8] =	ssyncadd.s32 @!p0 $0xFFFFE0C0  }
0x25: {  	[bflag:$0x0] =	sbarrier.arrive $0xFFFF  }
0x26: {  	[tilespmem:s17], [sflag:$0x1] =	stream.indirect.gather [hbm4b:s4+s16], $0x40, s3, s16, $0xb8;
	[tilespmem:$0x19CA0] =	vst v63  }
0x27: {  	_ = 	snop  }
0x28: {  	[tilespmem:s18], [sflag:$0x2] =	stream.indirect.gather [hbm4b:s4+s16], $0x40, s16, s16, $0xb8;
	[tilespmem:$0x19CA0] =	vst v63  }
0x29: {  	_ = 	snop  }
0x2a: {  	[tilespmem:s20], [sflag:$0x3] =	stream.indirect.gather [hbm4b:s4+s16], $0x40, s19, s16, $0xb8;
	[tilespmem:$0x19CA0] =	vst v63  }
0x2b: {  	_ = 	snop  }
0x2c: {  	[tilespmem:s22], [sflag:$0x4] =	stream.indirect.gather [hbm4b:s4+s16], $0x40, s21, s16, $0xb8;
	[tilespmem:$0x19CA0] =	vst v63  }
0x2d: {  	_ = 	snop  }
0x2e: {  	[tilespmem:s24], [sflag:$0x5] =	stream.indirect.gather [hbm4b:s4+s16], $0x40, s23, s16, $0xb8;
	[tilespmem:$0x19CA0] =	vst v63  }
0x2f: {  	_ =	swait.ge [sflag:s25], $0x1400  }
0x30: {  	[sflag:s25] =	ssyncset.done $0x0  }
0x31: {  	s11 =	simm.s32 $0x4E20;
	[sflag:s25] =	ssyncadd.s32 $0xFFFFEC00  }
0x32: {  	[spmem:s2] =	stream.indirect.scatter.add.f32 [tilespmem:s17], [sflag:$0x6], $0x40, s11, s16, $0xb8;
	[tilespmem:$0x19CA0] =	vst v63  }
0x33: {  	_ =	swait.ge [sflag:s13], $0x1400  }
0x34: {  	[sflag:s13] =	ssyncset.done $0x0  }
0x35: {  	s10 =	simm.s32 $0x190;
	[sflag:s13] =	ssyncadd.s32 $0xFFFFEC00  }
0x36: {  	[tilespmem:s17], [sflag:$0x1] =	stream.indirect.gather [hbm4b:s4+s16], $0x40, s10, s16, $0xb8;
	[tilespmem:$0x19CA0] =	vst v63  }
0x37: {  	_ =	swait.ge [sflag:s26], $0x1400  }
0x38: {  	[sflag:s26] =	ssyncset.done $0x0  }
0x39: {  	s11 =	simm.s32 $0x4E70;
	[sflag:s26] =	ssyncadd.s32 $0xFFFFEC00  }
0x3a: {  	[spmem:s2] =	stream.indirect.scatter.add.f32 [tilespmem:s18], [sflag:$0x6], $0x40, s11, s16, $0xb8;
	[tilespmem:$0x19CA0] =	vst v63  }
0x3b: {  	_ =	swait.ge [sflag:s13], $0x1400  }
0x3c: {  	[sflag:s13] =	ssyncset.done $0x0  }
0x3d: {  	s10 =	simm.s32 $0x1E0;
	[sflag:s13] =	ssyncadd.s32 $0xFFFFEC00  }
0x3e: {  	[tilespmem:s18], [sflag:$0x2] =	stream.indirect.gather [hbm4b:s4+s16], $0x40, s10, s16, $0xb8;
	[tilespmem:$0x19CA0] =	vst v63  }
0x3f: {  	_ =	swait.ge [sflag:s28], $0x1400  }
0x40: {  	[sflag:s28] =	ssyncset.done $0x0  }
0x41: {  	s11 =	simm.s32 $0x4EC0;
	[sflag:s28] =	ssyncadd.s32 $0xFFFFEC00  }
0x42: {  	[spmem:s2] =	stream.indirect.scatter.add.f32 [tilespmem:s20], [sflag:$0x6], $0x40, s11, s16, $0xb8;
	[tilespmem:$0x19CA0] =	vst v63  }
0x43: {  	_ =	swait.ge [sflag:s13], $0x1400  }
0x44: {  	[sflag:s13] =	ssyncset.done $0x0  }
0x45: {  	s10 =	simm.s32 $0x230;
	[sflag:s13] =	ssyncadd.s32 $0xFFFFEC00  }
0x46: {  	[tilespmem:s20], [sflag:$0x3] =	stream.indirect.gather [hbm4b:s4+s16], $0x40, s10, s16, $0xb8;
	[tilespmem:$0x19CA0] =	vst v63  }
0x47: {  	_ =	swait.ge [sflag:s29], $0x1400  }
0x48: {  	[sflag:s29] =	ssyncset.done $0x0  }
0x49: {  	s11 =	simm.s32 $0x4F10;
	[sflag:s29] =	ssyncadd.s32 $0xFFFFEC00  }
0x4a: {  	[spmem:s2] =	stream.indirect.scatter.add.f32 [tilespmem:s22], [sflag:$0x6], $0x40, s11, s16, $0xb8;
	[tilespmem:$0x19CA0] =	vst v63  }
0x4b: {  	_ =	swait.ge [sflag:s13], $0x1400  }
0x4c: {  	[sflag:s13] =	ssyncset.done $0x0  }
0x4d: {  	s10 =	simm.s32 $0x280;
	[sflag:s13] =	ssyncadd.s32 $0xFFFFEC00  }
0x4e: {  	[tilespmem:s22], [sflag:$0x4] =	stream.indirect.gather [hbm4b:s4+s16], $0x40, s10, s16, $0xb8;
	[tilespmem:$0x19CA0] =	vst v63  }
0x4f: {  	_ =	swait.ge [sflag:s30], $0x1400  }
0x50: {  	[sflag:s30] =	ssyncset.done $0x0  }
0x51: {  	s11 =	simm.s32 $0x4F60;
	[sflag:s30] =	ssyncadd.s32 $0xFFFFEC00  }
0x52: {  	[spmem:s2] =	stream.indirect.scatter.add.f32 [tilespmem:s24], [sflag:$0x6], $0x40, s11, s16, $0xb8;
	[tilespmem:$0x19CA0] =	vst v63  }
0x53: {  	_ =	swait.ge [sflag:s13], $0x1400  }
0x54: {  	[sflag:s13] =	ssyncset.done $0x0  }
0x55: {  	s8 =	simm.s32 $0x640;
	s10 =	simm.s32 $0x2D0;
	[sflag:s13] =	ssyncadd.s32 $0xFFFFEC00  }
.LBB2_2:
0x56: {  	[tilespmem:s24], [sflag:$0x5] =	stream.indirect.gather [hbm4b:s4+s16], $0x40, s10, s16, $0xb8;
	[tilespmem:$0x19CA0] =	vst v63  }
0x57: {  	s10 =	smov.u32 s8  }
0x58: {  	p1 =	sne.s32 s8, $0x12C00;
	s8 =	sadd.s32 $0x640, s8;
	_ =	swait.ge [sflag:s25], $0x1400  }
0x59: {  	s10 =	sshra.s32 s10, $0x2;
	[sflag:s25] =	ssyncset.done $0x0  }
0x5a: {  	s11 =	sadd.s32 $0x4E20, s10;
	[sflag:s25] =	ssyncadd.s32 $0xFFFFEC00  }
0x5b: {  	[spmem:s2] =	stream.indirect.scatter.add.f32 [tilespmem:s17], [sflag:$0x6], $0x40, s11, s16, $0xb8;
	[tilespmem:$0x19CA0] =	vst v63  }
0x5c: {  	_ =	swait.ge [sflag:s13], $0x1400  }
0x5d: {  	[sflag:s13] =	ssyncset.done $0x0  }
0x5e: {  	s11 =	sadd.s32 $0x190, s10;
	[sflag:s13] =	ssyncadd.s32 $0xFFFFEC00  }
0x5f: {  	[tilespmem:s17], [sflag:$0x1] =	stream.indirect.gather [hbm4b:s4+s16], $0x40, s11, s16, $0xb8;
	[tilespmem:$0x19CA0] =	vst v63  }
0x60: {  	_ =	swait.ge [sflag:s26], $0x1400  }
0x61: {  	[sflag:s26] =	ssyncset.done $0x0  }
0x62: {  	s11 =	sadd.s32 $0x4E70, s10;
	[sflag:s26] =	ssyncadd.s32 $0xFFFFEC00  }
0x63: {  	[spmem:s2] =	stream.indirect.scatter.add.f32 [tilespmem:s18], [sflag:$0x6], $0x40, s11, s16, $0xb8;
	[tilespmem:$0x19CA0] =	vst v63  }
0x64: {  	_ =	swait.ge [sflag:s13], $0x1400  }
0x65: {  	[sflag:s13] =	ssyncset.done $0x0  }
0x66: {  	s11 =	sadd.s32 $0x1E0, s10;
	[sflag:s13] =	ssyncadd.s32 $0xFFFFEC00  }
0x67: {  	[tilespmem:s18], [sflag:$0x2] =	stream.indirect.gather [hbm4b:s4+s16], $0x40, s11, s16, $0xb8;
	[tilespmem:$0x19CA0] =	vst v63  }
0x68: {  	_ =	swait.ge [sflag:s28], $0x1400  }
0x69: {  	[sflag:s28] =	ssyncset.done $0x0  }
0x6a: {  	s11 =	sadd.s32 $0x4EC0, s10;
	[sflag:s28] =	ssyncadd.s32 $0xFFFFEC00  }
0x6b: {  	[spmem:s2] =	stream.indirect.scatter.add.f32 [tilespmem:s20], [sflag:$0x6], $0x40, s11, s16, $0xb8;
	[tilespmem:$0x19CA0] =	vst v63  }
0x6c: {  	_ =	swait.ge [sflag:s13], $0x1400  }
0x6d: {  	[sflag:s13] =	ssyncset.done $0x0  }
0x6e: {  	s11 =	sadd.s32 $0x230, s10;
	[sflag:s13] =	ssyncadd.s32 $0xFFFFEC00  }
0x6f: {  	[tilespmem:s20], [sflag:$0x3] =	stream.indirect.gather [hbm4b:s4+s16], $0x40, s11, s16, $0xb8;
	[tilespmem:$0x19CA0] =	vst v63  }
0x70: {  	_ =	swait.ge [sflag:s29], $0x1400  }
0x71: {  	[sflag:s29] =	ssyncset.done $0x0  }
0x72: {  	s11 =	sadd.s32 $0x4F10, s10;
	[sflag:s29] =	ssyncadd.s32 $0xFFFFEC00  }
0x73: {  	[spmem:s2] =	stream.indirect.scatter.add.f32 [tilespmem:s22], [sflag:$0x6], $0x40, s11, s16, $0xb8;
	[tilespmem:$0x19CA0] =	vst v63  }
0x74: {  	_ =	swait.ge [sflag:s13], $0x1400  }
0x75: {  	[sflag:s13] =	ssyncset.done $0x0  }
0x76: {  	s11 =	sadd.s32 $0x280, s10;
	[sflag:s13] =	ssyncadd.s32 $0xFFFFEC00  }
0x77: {  	[tilespmem:s22], [sflag:$0x4] =	stream.indirect.gather [hbm4b:s4+s16], $0x40, s11, s16, $0xb8;
	[tilespmem:$0x19CA0] =	vst v63  }
0x78: {  	_ =	swait.ge [sflag:s30], $0x1400  }
0x79: {  	[sflag:s30] =	ssyncset.done $0x0  }
.Ltmp0:
0x7a: {  	s11 =	sadd.s32 $0x4F60, s10;
	[sflag:s30] =	ssyncadd.s32 $0xFFFFEC00;
	(pc) =	sbr.rel @p1 .LBB2_2-.Ltmp0, $4  }
0x7b: {  	[spmem:s2] =	stream.indirect.scatter.add.f32 [tilespmem:s24], [sflag:$0x6], $0x40, s11, s16, $0xb8;
	[tilespmem:$0x19CA0] =	vst v63  }
0x7c: {  	_ =	swait.ge [sflag:s13], $0x1400  }
0x7d: {  	[sflag:s13] =	ssyncset.done $0x0  }
0x7e: {  	s10 =	sadd.s32 $0x2D0, s10;
	[sflag:s13] =	ssyncadd.s32 $0xFFFFEC00  }
0x7f: {  	[tilespmem:s24], [sflag:$0x5] =	stream.indirect.gather [hbm4b:s4+s16], $0x40, s10, s16, $0xb8;
	[tilespmem:$0x19CA0] =	vst v63  }
0x80: {  	_ =	swait.ge [sflag:s25], $0x1400  }
0x81: {  	[sflag:s25] =	ssyncset.done $0x0  }
0x82: {  	[sflag:s25] =	ssyncadd.s32 $0xFFFFEC00  }
0x83: {  	[spmem:s2] =	stream.indirect.scatter.add.f32 [tilespmem:s17], [sflag:$0x6], $0x40, s31, s16, $0xb8;
	[tilespmem:$0x19CA0] =	vst v63  }
0x84: {  	_ =	swait.ge [sflag:s13], $0x1400  }
0x85: {  	[sflag:s13] =	ssyncset.done $0x0  }
0x86: {  	[sflag:s13] =	ssyncadd.s32 $0xFFFFEC00  }
0x87: {  	_ =	swait.ge [sflag:s26], $0x1400  }
0x88: {  	[sflag:s26] =	ssyncset.done $0x0  }
0x89: {  	[sflag:s26] =	ssyncadd.s32 $0xFFFFEC00  }
0x8a: {  	[spmem:s2] =	stream.indirect.scatter.add.f32 [tilespmem:s18], [sflag:$0x6], $0x40, s1, s16, $0xb8;
	[tilespmem:$0x19CA0] =	vst v63  }
0x8b: {  	_ =	swait.ge [sflag:s13], $0x1400  }
0x8c: {  	[sflag:s13] =	ssyncset.done $0x0  }
0x8d: {  	[sflag:s13] =	ssyncadd.s32 $0xFFFFEC00  }
0x8e: {  	_ =	swait.ge [sflag:s28], $0x1400  }
0x8f: {  	[sflag:s28] =	ssyncset.done $0x0  }
0x90: {  	[sflag:s28] =	ssyncadd.s32 $0xFFFFEC00  }
0x91: {  	[spmem:s2] =	stream.indirect.scatter.add.f32 [tilespmem:s20], [sflag:$0x6], $0x40, s0, s16, $0xb8;
	[tilespmem:$0x19CA0] =	vst v63  }
0x92: {  	_ =	swait.ge [sflag:s13], $0x1400  }
0x93: {  	[sflag:s13] =	ssyncset.done $0x0  }
0x94: {  	[sflag:s13] =	ssyncadd.s32 $0xFFFFEC00  }
0x95: {  	_ =	swait.ge [sflag:s29], $0x1400  }
0x96: {  	[sflag:s29] =	ssyncset.done $0x0  }
0x97: {  	[sflag:s29] =	ssyncadd.s32 $0xFFFFEC00  }
0x98: {  	[spmem:s2] =	stream.indirect.scatter.add.f32 [tilespmem:s22], [sflag:$0x6], $0x40, s12, s16, $0xb8;
	[tilespmem:$0x19CA0] =	vst v63  }
0x99: {  	_ =	swait.ge [sflag:s13], $0x1400  }
0x9a: {  	[sflag:s13] =	ssyncset.done $0x0  }
0x9b: {  	[sflag:s13] =	ssyncadd.s32 $0xFFFFEC00  }
0x9c: {  	_ =	swait.ge [sflag:s30], $0x1400  }
0x9d: {  	[sflag:s30] =	ssyncset.done $0x0  }
0x9e: {  	[sflag:s30] =	ssyncadd.s32 $0xFFFFEC00  }
0x9f: {  	[spmem:s2] =	stream.indirect.scatter.add.f32 [tilespmem:s24], [sflag:$0x6], $0x40, s6, s16, $0xb8;
	[tilespmem:$0x19CA0] =	vst v63  }
0xa0: {  	_ =	swait.ge [sflag:s13], $0x1400  }
0xa1: {  	[sflag:s13] =	ssyncset.done $0x0  }
0xa2: {  	[sflag:s13] =	ssyncadd.s32 $0xFFFFEC00  }
0xa3: {  	s8 =	simm.s32 @p0 $0x0;
	[bflag:$0x0] =	sbarrier.arrive $0xFFFF  }
0xa4: {  	[tilespmem:s8], [sflag:$0x6] =	stream.linear.gather @p0 [hbm4b:s9+s8], $0x4E20, $0x38;
	[tilespmem:$0x19CA0] =	vst v63  }
0xa5: {  	s8 =	simm.s32 @p0 $0x6  }
0xa6: {  	_ =	swait.ge @p0 [sflag:s8], $0x4E20  }
0xa7: {  	[sflag:s8] =	ssyncset.done @p0 $0x0  }
0xa8: {  	[sflag:s8] =	ssyncadd.s32 @p0 $0xFFFFB1E0;
	s8 =	rddreg [dreg:$0x5]  }
0xa9: {  	[hbm:s8], [sflag:s14] =	dma.local @!p0 [spmem:s15], $0x1F40  }
0xaa: {  	s8 =	simm.s32 @!p0 $0x6  }
0xab: {  	_ =	swait.ge @!p0 [sflag:s8], $0x1F40  }
0xac: {  	[sflag:s8] =	ssyncset.done @!p0 $0x0  }
0xad: {  	s10 =	simm.s32 @!p0 $0x0;
	[sflag:s8] =	ssyncadd.s32 @!p0 $0xFFFFE0C0  }
0xae: {  	[tilespmem:s10], [sflag:$0x6] =	stream.linear.gather @!p0 [hbm4b:s9+s10], $0x4E20, $0x38;
	[tilespmem:$0x19CA0] =	vst v63  }
0xaf: {  	_ =	swait.ge @!p0 [sflag:s8], $0x4E20  }
0xb0: {  	[sflag:s8] =	ssyncset.done @!p0 $0x0  }
0xb1: {  	[sflag:s8] =	ssyncadd.s32 @!p0 $0xFFFFB1E0  }
0xb2: {  	[spmem:s15], [sflag:s14] =	dma.local @!p0 [hbm:s5], $0x1F40  }
0xb3: {  	_ =	swait.ge @!p0 [sflag:s8], $0x1F40  }
0xb4: {  	[sflag:s8] =	ssyncset.done @!p0 $0x0  }
0xb5: {  	[sflag:s8] =	ssyncadd.s32 @!p0 $0xFFFFE0C0  }
0xb6: {  	s10 =	simm.s32 $0x0;
	[bflag:$0x0] =	sbarrier.arrive $0xFFFF  }
0xb7: {  	[tilespmem:s17], [sflag:$0x1] =	stream.indirect.gather [hbm4b:s4+s16], $0x40, s10, s16, $0xb8;
	[tilespmem:$0x19CA0] =	vst v63  }
0xb8: {  	_ = 	snop  }
0xb9: {  	[tilespmem:s18], [sflag:$0x2] =	stream.indirect.gather [hbm4b:s4+s16], $0x40, s16, s16, $0xb8;
	[tilespmem:$0x19CA0] =	vst v63  }
0xba: {  	_ = 	snop  }
0xbb: {  	[tilespmem:s20], [sflag:$0x3] =	stream.indirect.gather [hbm4b:s4+s16], $0x40, s19, s16, $0xb8;
	[tilespmem:$0x19CA0] =	vst v63  }
0xbc: {  	_ = 	snop  }
0xbd: {  	[tilespmem:s22], [sflag:$0x4] =	stream.indirect.gather [hbm4b:s4+s16], $0x40, s21, s16, $0xb8;
	[tilespmem:$0x19CA0] =	vst v63  }
0xbe: {  	_ = 	snop  }
0xbf: {  	[tilespmem:s24], [sflag:$0x5] =	stream.indirect.gather [hbm4b:s4+s16], $0x40, s23, s16, $0xb8;
	[tilespmem:$0x19CA0] =	vst v63  }
0xc0: {  	_ =	swait.ge [sflag:s25], $0x1400  }
0xc1: {  	[sflag:s25] =	ssyncset.done $0x0  }
0xc2: {  	s11 =	simm.s32 $0x4E20;
	[sflag:s25] =	ssyncadd.s32 $0xFFFFEC00  }
0xc3: {  	[spmem:s2] =	stream.indirect.scatter.add.f32 [tilespmem:s17], [sflag:$0x6], $0x40, s11, s16, $0xb8;
	[tilespmem:$0x19CA0] =	vst v63  }
0xc4: {  	_ =	swait.ge [sflag:s13], $0x1400  }
0xc5: {  	[sflag:s13] =	ssyncset.done $0x0  }
0xc6: {  	s10 =	simm.s32 $0x190;
	[sflag:s13] =	ssyncadd.s32 $0xFFFFEC00  }
0xc7: {  	[tilespmem:s17], [sflag:$0x1] =	stream.indirect.gather [hbm4b:s4+s16], $0x40, s10, s16, $0xb8;
	[tilespmem:$0x19CA0] =	vst v63  }
0xc8: {  	_ =	swait.ge [sflag:s26], $0x1400  }
0xc9: {  	[sflag:s26] =	ssyncset.done $0x0  }
0xca: {  	s11 =	simm.s32 $0x4E70;
	[sflag:s26] =	ssyncadd.s32 $0xFFFFEC00  }
0xcb: {  	[spmem:s2] =	stream.indirect.scatter.add.f32 [tilespmem:s18], [sflag:$0x6], $0x40, s11, s16, $0xb8;
	[tilespmem:$0x19CA0] =	vst v63  }
0xcc: {  	_ =	swait.ge [sflag:s13], $0x1400  }
0xcd: {  	[sflag:s13] =	ssyncset.done $0x0  }
0xce: {  	s10 =	simm.s32 $0x1E0;
	[sflag:s13] =	ssyncadd.s32 $0xFFFFEC00  }
0xcf: {  	[tilespmem:s18], [sflag:$0x2] =	stream.indirect.gather [hbm4b:s4+s16], $0x40, s10, s16, $0xb8;
	[tilespmem:$0x19CA0] =	vst v63  }
0xd0: {  	_ =	swait.ge [sflag:s28], $0x1400  }
0xd1: {  	[sflag:s28] =	ssyncset.done $0x0  }
0xd2: {  	s11 =	simm.s32 $0x4EC0;
	[sflag:s28] =	ssyncadd.s32 $0xFFFFEC00  }
0xd3: {  	[spmem:s2] =	stream.indirect.scatter.add.f32 [tilespmem:s20], [sflag:$0x6], $0x40, s11, s16, $0xb8;
	[tilespmem:$0x19CA0] =	vst v63  }
0xd4: {  	_ =	swait.ge [sflag:s13], $0x1400  }
0xd5: {  	[sflag:s13] =	ssyncset.done $0x0  }
0xd6: {  	s10 =	simm.s32 $0x230;
	[sflag:s13] =	ssyncadd.s32 $0xFFFFEC00  }
0xd7: {  	[tilespmem:s20], [sflag:$0x3] =	stream.indirect.gather [hbm4b:s4+s16], $0x40, s10, s16, $0xb8;
	[tilespmem:$0x19CA0] =	vst v63  }
0xd8: {  	_ =	swait.ge [sflag:s29], $0x1400  }
0xd9: {  	[sflag:s29] =	ssyncset.done $0x0  }
0xda: {  	s11 =	simm.s32 $0x4F10;
	[sflag:s29] =	ssyncadd.s32 $0xFFFFEC00  }
0xdb: {  	[spmem:s2] =	stream.indirect.scatter.add.f32 [tilespmem:s22], [sflag:$0x6], $0x40, s11, s16, $0xb8;
	[tilespmem:$0x19CA0] =	vst v63  }
0xdc: {  	_ =	swait.ge [sflag:s13], $0x1400  }
0xdd: {  	[sflag:s13] =	ssyncset.done $0x0  }
0xde: {  	s10 =	simm.s32 $0x280;
	[sflag:s13] =	ssyncadd.s32 $0xFFFFEC00  }
0xdf: {  	[tilespmem:s22], [sflag:$0x4] =	stream.indirect.gather [hbm4b:s4+s16], $0x40, s10, s16, $0xb8;
	[tilespmem:$0x19CA0] =	vst v63  }
0xe0: {  	_ =	swait.ge [sflag:s30], $0x1400  }
0xe1: {  	[sflag:s30] =	ssyncset.done $0x0  }
0xe2: {  	s11 =	simm.s32 $0x4F60;
	[sflag:s30] =	ssyncadd.s32 $0xFFFFEC00  }
0xe3: {  	[spmem:s2] =	stream.indirect.scatter.add.f32 [tilespmem:s24], [sflag:$0x6], $0x40, s11, s16, $0xb8;
	[tilespmem:$0x19CA0] =	vst v63  }
0xe4: {  	_ =	swait.ge [sflag:s13], $0x1400  }
0xe5: {  	[sflag:s13] =	ssyncset.done $0x0  }
0xe6: {  	s8 =	simm.s32 $0x640;
	s10 =	simm.s32 $0x2D0;
	[sflag:s13] =	ssyncadd.s32 $0xFFFFEC00  }
.LBB2_4:
0xe7: {  	[tilespmem:s24], [sflag:$0x5] =	stream.indirect.gather [hbm4b:s4+s16], $0x40, s10, s16, $0xb8;
	[tilespmem:$0x19CA0] =	vst v63  }
0xe8: {  	s10 =	smov.u32 s8  }
0xe9: {  	p1 =	sne.s32 s8, $0x12C00;
	s8 =	sadd.s32 $0x640, s8;
	_ =	swait.ge [sflag:s25], $0x1400  }
0xea: {  	s10 =	sshra.s32 s10, $0x2;
	[sflag:s25] =	ssyncset.done $0x0  }
0xeb: {  	s11 =	sadd.s32 $0x4E20, s10;
	[sflag:s25] =	ssyncadd.s32 $0xFFFFEC00  }
0xec: {  	[spmem:s2] =	stream.indirect.scatter.add.f32 [tilespmem:s17], [sflag:$0x6], $0x40, s11, s16, $0xb8;
	[tilespmem:$0x19CA0] =	vst v63  }
0xed: {  	_ =	swait.ge [sflag:s13], $0x1400  }
0xee: {  	[sflag:s13] =	ssyncset.done $0x0  }
0xef: {  	s11 =	sadd.s32 $0x190, s10;
	[sflag:s13] =	ssyncadd.s32 $0xFFFFEC00  }
0xf0: {  	[tilespmem:s17], [sflag:$0x1] =	stream.indirect.gather [hbm4b:s4+s16], $0x40, s11, s16, $0xb8;
	[tilespmem:$0x19CA0] =	vst v63  }
0xf1: {  	_ =	swait.ge [sflag:s26], $0x1400  }
0xf2: {  	[sflag:s26] =	ssyncset.done $0x0  }
0xf3: {  	s11 =	sadd.s32 $0x4E70, s10;
	[sflag:s26] =	ssyncadd.s32 $0xFFFFEC00  }
0xf4: {  	[spmem:s2] =	stream.indirect.scatter.add.f32 [tilespmem:s18], [sflag:$0x6], $0x40, s11, s16, $0xb8;
	[tilespmem:$0x19CA0] =	vst v63  }
0xf5: {  	_ =	swait.ge [sflag:s13], $0x1400  }
0xf6: {  	[sflag:s13] =	ssyncset.done $0x0  }
0xf7: {  	s11 =	sadd.s32 $0x1E0, s10;
	[sflag:s13] =	ssyncadd.s32 $0xFFFFEC00  }
0xf8: {  	[tilespmem:s18], [sflag:$0x2] =	stream.indirect.gather [hbm4b:s4+s16], $0x40, s11, s16, $0xb8;
	[tilespmem:$0x19CA0] =	vst v63  }
0xf9: {  	_ =	swait.ge [sflag:s28], $0x1400  }
0xfa: {  	[sflag:s28] =	ssyncset.done $0x0  }
0xfb: {  	s11 =	sadd.s32 $0x4EC0, s10;
	[sflag:s28] =	ssyncadd.s32 $0xFFFFEC00  }
0xfc: {  	[spmem:s2] =	stream.indirect.scatter.add.f32 [tilespmem:s20], [sflag:$0x6], $0x40, s11, s16, $0xb8;
	[tilespmem:$0x19CA0] =	vst v63  }
0xfd: {  	_ =	swait.ge [sflag:s13], $0x1400  }
0xfe: {  	[sflag:s13] =	ssyncset.done $0x0  }
0xff: {  	s11 =	sadd.s32 $0x230, s10;
	[sflag:s13] =	ssyncadd.s32 $0xFFFFEC00  }
0x100: {  	[tilespmem:s20], [sflag:$0x3] =	stream.indirect.gather [hbm4b:s4+s16], $0x40, s11, s16, $0xb8;
	[tilespmem:$0x19CA0] =	vst v63  }
0x101: {  	_ =	swait.ge [sflag:s29], $0x1400  }
0x102: {  	[sflag:s29] =	ssyncset.done $0x0  }
0x103: {  	s11 =	sadd.s32 $0x4F10, s10;
	[sflag:s29] =	ssyncadd.s32 $0xFFFFEC00  }
0x104: {  	[spmem:s2] =	stream.indirect.scatter.add.f32 [tilespmem:s22], [sflag:$0x6], $0x40, s11, s16, $0xb8;
	[tilespmem:$0x19CA0] =	vst v63  }
0x105: {  	_ =	swait.ge [sflag:s13], $0x1400  }
0x106: {  	[sflag:s13] =	ssyncset.done $0x0  }
0x107: {  	s11 =	sadd.s32 $0x280, s10;
	[sflag:s13] =	ssyncadd.s32 $0xFFFFEC00  }
0x108: {  	[tilespmem:s22], [sflag:$0x4] =	stream.indirect.gather [hbm4b:s4+s16], $0x40, s11, s16, $0xb8;
	[tilespmem:$0x19CA0] =	vst v63  }
0x109: {  	_ =	swait.ge [sflag:s30], $0x1400  }
0x10a: {  	[sflag:s30] =	ssyncset.done $0x0  }
.Ltmp1:
0x10b: {  	s11 =	sadd.s32 $0x4F60, s10;
	[sflag:s30] =	ssyncadd.s32 $0xFFFFEC00;
	(pc) =	sbr.rel @p1 .LBB2_4-.Ltmp1, $4  }
0x10c: {  	[spmem:s2] =	stream.indirect.scatter.add.f32 [tilespmem:s24], [sflag:$0x6], $0x40, s11, s16, $0xb8;
	[tilespmem:$0x19CA0] =	vst v63  }
0x10d: {  	_ =	swait.ge [sflag:s13], $0x1400  }
0x10e: {  	[sflag:s13] =	ssyncset.done $0x0  }
0x10f: {  	s10 =	sadd.s32 $0x2D0, s10;
	[sflag:s13] =	ssyncadd.s32 $0xFFFFEC00  }
0x110: {  	[tilespmem:s24], [sflag:$0x5] =	stream.indirect.gather [hbm4b:s4+s16], $0x40, s10, s16, $0xb8;
	[tilespmem:$0x19CA0] =	vst v63  }
0x111: {  	_ =	swait.ge [sflag:s25], $0x1400  }
0x112: {  	[sflag:s25] =	ssyncset.done $0x0  }
0x113: {  	[sflag:s25] =	ssyncadd.s32 $0xFFFFEC00  }
0x114: {  	[spmem:s2] =	stream.indirect.scatter.add.f32 [tilespmem:s17], [sflag:$0x6], $0x40, s31, s16, $0xb8;
	[tilespmem:$0x19CA0] =	vst v63  }
0x115: {  	_ =	swait.ge [sflag:s13], $0x1400  }
0x116: {  	[sflag:s13] =	ssyncset.done $0x0  }
0x117: {  	[sflag:s13] =	ssyncadd.s32 $0xFFFFEC00  }
0x118: {  	_ =	swait.ge [sflag:s26], $0x1400  }
0x119: {  	[sflag:s26] =	ssyncset.done $0x0  }
0x11a: {  	[sflag:s26] =	ssyncadd.s32 $0xFFFFEC00  }
0x11b: {  	[spmem:s2] =	stream.indirect.scatter.add.f32 [tilespmem:s18], [sflag:$0x6], $0x40, s1, s16, $0xb8;
	[tilespmem:$0x19CA0] =	vst v63  }
0x11c: {  	_ =	swait.ge [sflag:s13], $0x1400  }
0x11d: {  	[sflag:s13] =	ssyncset.done $0x0  }
0x11e: {  	[sflag:s13] =	ssyncadd.s32 $0xFFFFEC00  }
0x11f: {  	_ =	swait.ge [sflag:s28], $0x1400  }
0x120: {  	[sflag:s28] =	ssyncset.done $0x0  }
0x121: {  	[sflag:s28] =	ssyncadd.s32 $0xFFFFEC00  }
0x122: {  	[spmem:s2] =	stream.indirect.scatter.add.f32 [tilespmem:s20], [sflag:$0x6], $0x40, s0, s16, $0xb8;
	[tilespmem:$0x19CA0] =	vst v63  }
0x123: {  	_ =	swait.ge [sflag:s13], $0x1400  }
0x124: {  	[sflag:s13] =	ssyncset.done $0x0  }
0x125: {  	[sflag:s13] =	ssyncadd.s32 $0xFFFFEC00  }
0x126: {  	_ =	swait.ge [sflag:s29], $0x1400  }
0x127: {  	[sflag:s29] =	ssyncset.done $0x0  }
0x128: {  	[sflag:s29] =	ssyncadd.s32 $0xFFFFEC00  }
0x129: {  	[spmem:s2] =	stream.indirect.scatter.add.f32 [tilespmem:s22], [sflag:$0x6], $0x40, s12, s16, $0xb8;
	[tilespmem:$0x19CA0] =	vst v63  }
0x12a: {  	_ =	swait.ge [sflag:s13], $0x1400  }
0x12b: {  	[sflag:s13] =	ssyncset.done $0x0  }
0x12c: {  	[sflag:s13] =	ssyncadd.s32 $0xFFFFEC00  }
0x12d: {  	_ =	swait.ge [sflag:s30], $0x1400  }
0x12e: {  	[sflag:s30] =	ssyncset.done $0x0  }
0x12f: {  	[sflag:s30] =	ssyncadd.s32 $0xFFFFEC00  }
0x130: {  	[spmem:s2] =	stream.indirect.scatter.add.f32 [tilespmem:s24], [sflag:$0x6], $0x40, s6, s16, $0xb8;
	[tilespmem:$0x19CA0] =	vst v63  }
0x131: {  	_ =	swait.ge [sflag:s13], $0x1400  }
0x132: {  	[sflag:s13] =	ssyncset.done $0x0  }
0x133: {  	[sflag:s13] =	ssyncadd.s32 $0xFFFFEC00  }
0x134: {  	[bflag:$0x0] =	sbarrier.arrive $0xFFFF  }
0x135: {  	s8 =	rddreg [dreg:$0x6]  }
0x136: {  	[hbm:s8], [sflag:s14] =	dma.local @!p0 [spmem:s15], $0x1F40  }
0x137: {  	s8 =	simm.s32 @!p0 $0x6  }
0x138: {  	_ =	swait.ge @!p0 [sflag:s8], $0x1F40  }
0x139: {  	s7 =	sadd.s32 $0x1, s7;
	s11 =	rddreg [dreg:$0x7]  }
0x13a: {  	p1 =	sne.s32 s7, s11  }
.Ltmp2:
0x13b: {  	_ = 	snop;
	(pc) =	sbr.rel @p1 .LBB2_1-.Ltmp2, $3  }
0x13c: {  	_ =	sdelay $0x1  }
0x13d: {  	[sflag:s8] =	ssyncset.done @!p0 $0x0  }
0x13e: {  	[sflag:s8] =	ssyncadd.s32 @!p0 $0xFFFFE0C0  }
0x13f: {  	_ =	sfence.sel $0x180000  }
0x140: {  	[bflag:$0x0] =	sbarrier.arrive $0xFFFF  }
0x141: {  	_ =	strace $0x9000004D  }
0x142: {  	s0 =	stileid.u32;
	[bflag:$0x2] =	sbarrier.arrive $0xFFFF  }
0x143: {  	p0 =	sne.s32 s0, $0x0;
	s0 =	rddreg [dreg:$0x2]  }
0x144: {  	s0 =	sadd.s32 @!p0 $0x100000, s0  }
0x145: {  	[sflag:s0] =	ssyncadd.tile.s32 @!p0 $0x1;
	_ =	shalt  }
.Lfunc_end2:
_tile_overlayer_lowered:
.L_overlay_start_2:
0x146: {  	(tag) =	ssettag $0x2  }
0x147: {  	s0 =	rddreg [dreg:$0x0];
	s2 =	stileid.u32  }
0x148: {  	s1 =	rddreg [dreg:$0x1];
	p0 =	sne.s32 s2, $0x0  }
0x149: {  	s3 =	rddreg [dreg:$0x2];
	[bflag:$0x3] =	sbarrier.arrive $0xFFFF;
	s2 =	simm.s32 @!p0 $0x1C06  }
0x14a: {  	[timem:s3], [sflag:s2] =	dma.local @!p0 [hbm:s0], s1  }
0x14b: {  	s0 =	simm.s32 @!p0 $0x6  }
0x14c: {  	_ =	swait.ge @!p0 [sflag:s0], s1  }
0x14d: {  	s1 =	ssub.s32 @!p0 $0x0, s1;
	[sflag:s0] =	ssyncset.done @!p0 $0x0  }
0x14e: {  	[sflag:s0] =	ssyncadd.s32 @!p0 s1  }
0x14f: {  	[bflag:$0x3] =	sbarrier.arrive $0xFFFF  }
0x150: {  	_ =	shalt  }

// kernel: _run.19.cloned.1.call-start
scs
__scs_entry_jumppad:
0x0: {  	(pc) =	sbr.rel $0x88, $3  }
0x1: {  	(tag) =	ssettag $0x0;
	lr =	simm.s32 $0x1  }
0x2: {  	[smem:$0x3F99] =	sst lr;
	_ =	strace $0xD0000000  }
0x3: {  	_ = 	snop  }
0x4: {  	_ = 	snop  }
0x5: {  	_ = 	snop  }
0x6: {  	_ = 	snop  }
0x7: {  	_ = 	snop  }
__scs_overlays_trampoline_lowered:
0x8: {  	[smem:$0x3FA8] =	sst s0  }
0x9: {  	[smem:$0x3FA9] =	sst s1  }
0xa: {  	[smem:$0x3FAA] =	sst s2  }
0xb: {  	[smem:$0x3FAB] =	sst s3  }
0xc: {  	[smem:$0x3FAC] =	sst s4  }
0xd: {  	[smem:$0x3FAD] =	sst s5  }
0xe: {  	[smem:$0x3FAE] =	sst s6  }
0xf: {  	[smem:$0x3FAF] =	sst s7  }
0x10: {  	[smem:$0x3FB0] =	sst s8  }
0x11: {  	[smem:$0x3FB1] =	sst s9;
	s0 =	simm.s32 @!p0 $0x0  }
0x12: {  	s1 =	sld [smem:$0x3F97];
	s0 =	simm.s32 @p0 $0x1  }
0x13: {  	[smem:$0x3FB2] =	sst s0;
	s0 =	simm.s32 @!p1 $0x0  }
0x14: {  	s2 =	sld [smem:$0x3F96];
	s0 =	simm.s32 @p1 $0x1  }
0x15: {  	[smem:$0x3FB3] =	sst s0;
	s0 =	simm.s32 @!p2 $0x0  }
0x16: {  	s3 =	sld [smem:$0x3FDB];
	s0 =	simm.s32 @p2 $0x1  }
0x17: {  	s4 =	simm.s32 $0x1BF5;
	[smem:$0x3FB5] =	sst s0  }
0x18: {  	s0 =	sld [smem:$0x3F98];
	_ =	swait.ge [sflag:s4], $0x0  }
0x19: {  	s7 =	sld [smem:$0x3F99]  }
0x1a: {  	s8 =	sadd.s32 $0xFFFFE003, lr  }
0x1b: {  	s9 =	sadd.s32 $0xFFFFFEF7, lr;
	s5 =	simm.s32 $0xFFFFFFFF;
	p2 =	slt.u32 s8, $0xFFFFF086  }
0x1c: {  	p1 =	slt.u32 s9, $0xF7A;
	s5 =	simm.s32 @!p2 $0x0  }
0x1d: {  	s5 =	simm.s32 @p1 $0x1;
	p0 =	seq.s32 s7, s2  }
0x1e: {  	s7 =	smul.u32 @!p0 $0xF7A, s2;
	p2 =	seq.s32 @!p0 s5, $0x0  }
0x1f: {  	s9 =	smul.u32 $0xF7A, s1;
	s8 =	simm.s32 @!p0 $0x1BF5;
	p2 =	por !p2, p0  }
0x20: {  	[sflag:s8] =	ssyncset.s32 @!p0 $0xFFFFF086;
	s6 =	sadd.s32 @!p0 s3, s7;
	s7 =	simm.s32 @!p0 $0x108  }
0x21: {  	s3 =	sadd.s32 s3, s9;
	s6 =	sadd.s32 @!p0 $0x88, s6;
	s7 =	simm.s32 @p2 $0x1082  }
0x22: {  	[simem:s7], [sflag:s8] =	dma.local @!p0 [hbm:s6], $0xF7A  }
0x23: {  	s9 =	sor.u32 $0xD0000000, s2;
	s6 =	simm.s32 $0x108;
	_ =	swait.ge @!p0 [sflag:s8], $0x0  }
0x24: {  	s3 =	sadd.s32 $0x88, s3;
	s6 =	simm.s32 @!p1 $0x1082;
	[sflag:s4] =	ssyncset.s32 $0xFFFFF086  }
0x25: {  	[simem:s6], [sflag:s4] =	dma.local [hbm:s3], $0xF7A  }
0x26: {  	[smem:$0x3F99] =	sst s1;
	(tag) =	ssettag s2;
	_ =	strace s9  }
0x27: {  	s1 =	sld [smem:$0x3FA9]  }
0x28: {  	s2 =	sld [smem:$0x3FAA]  }
0x29: {  	s4 =	sld [smem:$0x3FAC]  }
0x2a: {  	p0 =	seq.s32 s5, $0x0;
	s5 =	sld [smem:$0x3FAD]  }
0x2b: {  	s6 =	sld [smem:$0x3FAE]  }
0x2c: {  	s7 =	sld [smem:$0x3FAF]  }
0x2d: {  	s3 =	simm.s32 $0x108;
	s8 =	sld [smem:$0x3FB0]  }
0x2e: {  	s3 =	simm.s32 @!p0 $0x1082;
	s9 =	sld [smem:$0x3FB1]  }
0x2f: {  	lr =	sadd.s32 s0, s3;
	s0 =	sld [smem:$0x3FA8]  }
0x30: {  	s3 =	sld [smem:$0x3FAB]  }
0x31: {  	[smem:$0x3FB4] =	sst s10  }
0x32: {  	s10 =	sld [smem:$0x3FB2];
	_ =	sdelay $0x3  }
0x33: {  	p0 =	seq.s32 s10, $0x1;
	s10 =	sld [smem:$0x3FB4];
	_ =	sdelay $0x3  }
0x34: {  	[smem:$0x3FB4] =	sst s10  }
0x35: {  	s10 =	sld [smem:$0x3FB3];
	_ =	sdelay $0x3  }
0x36: {  	p1 =	seq.s32 s10, $0x1;
	s10 =	sld [smem:$0x3FB4];
	_ =	sdelay $0x3  }
0x37: {  	[smem:$0x3FB4] =	sst s10  }
0x38: {  	s10 =	sld [smem:$0x3FB5]  }
0x39: {  	_ = 	snop;
	(pc) =	sbr.ind lr, $3  }
0x3a: {  	_ = 	snop  }
0x3b: {  	_ = 	snop  }
0x3c: {  	p2 =	seq.s32 s10, $0x1;
	s10 =	sld [smem:$0x3FB4]  }
0x3d: {  	_ =	shalt  }
0x3e: {  	_ =	shalt  }
0x3f: {  	_ =	shalt  }
0x40: {  	_ =	shalt  }
0x41: {  	_ =	shalt  }
0x42: {  	_ =	shalt  }
0x43: {  	_ =	shalt  }
0x44: {  	_ =	shalt  }
0x45: {  	_ =	shalt  }
0x46: {  	_ =	shalt  }
0x47: {  	_ =	shalt  }
0x48: {  	_ =	shalt  }
0x49: {  	_ =	shalt  }
0x4a: {  	_ =	shalt  }
0x4b: {  	_ =	shalt  }
0x4c: {  	_ =	shalt  }
0x4d: {  	_ =	shalt  }
0x4e: {  	_ =	shalt  }
0x4f: {  	_ =	shalt  }
0x50: {  	_ =	shalt  }
0x51: {  	_ =	shalt  }
0x52: {  	_ =	shalt  }
0x53: {  	_ =	shalt  }
0x54: {  	_ =	shalt  }
0x55: {  	_ =	shalt  }
0x56: {  	_ =	shalt  }
0x57: {  	_ =	shalt  }
0x58: {  	_ =	shalt  }
0x59: {  	_ =	shalt  }
0x5a: {  	_ =	shalt  }
0x5b: {  	_ =	shalt  }
0x5c: {  	_ =	shalt  }
0x5d: {  	_ =	shalt  }
0x5e: {  	_ =	shalt  }
0x5f: {  	_ =	shalt  }
0x60: {  	_ =	shalt  }
0x61: {  	_ =	shalt  }
0x62: {  	_ =	shalt  }
0x63: {  	_ =	shalt  }
0x64: {  	_ =	shalt  }
0x65: {  	_ =	shalt  }
0x66: {  	_ =	shalt  }
0x67: {  	_ =	shalt  }
0x68: {  	_ =	shalt  }
0x69: {  	_ =	shalt  }
0x6a: {  	_ =	shalt  }
0x6b: {  	_ =	shalt  }
0x6c: {  	_ =	shalt  }
0x6d: {  	_ =	shalt  }
0x6e: {  	_ =	shalt  }
0x6f: {  	_ =	shalt  }
0x70: {  	_ =	shalt  }
0x71: {  	_ =	shalt  }
0x72: {  	_ =	shalt  }
0x73: {  	_ =	shalt  }
0x74: {  	_ =	shalt  }
0x75: {  	_ =	shalt  }
0x76: {  	_ =	shalt  }
0x77: {  	_ =	shalt  }
0x78: {  	_ =	shalt  }
0x79: {  	_ =	shalt  }
0x7a: {  	_ =	shalt  }
0x7b: {  	_ =	shalt  }
0x7c: {  	_ =	shalt  }
0x7d: {  	_ =	shalt  }
0x7e: {  	_ =	shalt  }
0x7f: {  	_ =	shalt  }
0x80: {  	_ =	shalt  }
0x81: {  	_ =	shalt  }
0x82: {  	_ =	shalt  }
0x83: {  	_ =	shalt  }
0x84: {  	_ =	shalt  }
0x85: {  	_ =	shalt  }
0x86: {  	_ =	shalt  }
0x87: {  	_ =	shalt  }
.Lfunc_end0:
.L_simem_size_0:
called_computation.3_lowered:
.L_overlay_start_0:
0x88: {  	s2 =	sld [smem:$0x3FD9]  }
0x89: {  	s3 =	sld [smem:$0x3FFE];
	_ =	sdelay $0x1  }
0x8a: {  	s1 =	srdreg.scid  }
0x8b: {  	s0 =	sand.u32 $0x1, s1  }
0x8c: {  	s17 =	sshll.u32 s0, $0xA;
	s2 =	sadd.s32 s3, s2  }
0x8d: {  	s2 =	sadd.s32 s2, s17  }
0x8e: {  	[smem:$0x3FC0] =	sst s2  }
0x8f: {  	_ = 	snop  }
0x90: {  	s2 =	sld [smem:$0x3FD0];
	(tm) =	ssettm $0x1  }
0x91: {  	s18 =	sld [smem:$0x3FFB];
	_ =	sdelay $0x3  }
0x92: {  	_ =	strace s18  }
0x93: {  	s3 =	sld [smem:$0x3FFC];
	_ =	sdelay $0x3  }
0x94: {  	_ =	strace s3  }
0x95: {  	s3 =	sld [smem:$0x3FFD];
	_ =	sdelay $0x3  }
0x96: {  	_ =	strace s3  }
0x97: {  	_ =	strace $0x8FFFFFFF  }
0x98: {  	s19 =	sld [smem:$0x3FDB];
	_ =	sdelay $0x1  }
0x99: {  	s4 =	simm.s32 $_scs_section_size  }
0x9a: {  	s5 =	simm.s32 $_size__tile_overlayer_lowered;
	s6 =	simm.s32 $_tile_overlayer_lowered  }
0x9b: {  	s22 =	simm.s32 $0x1BFF;
	s21 =	sshll.u32 s6, $0x1;
	s3 =	sadd.s32 s4, s19  }
0x9c: {  	s7 =	simm.s32 $0x0;
	s20 =	sshll.u32 s5, $0x1;
	s5 =	sadd.s32 s21, s3  }
0x9d: {  	[timem:s7], [sflag:s22] =	dma.local [hbm:s5], s20  }
0x9e: {  	_ =	swait.ge [sflag:s22], s20  }
0x9f: {  	s4 =	ssub.s32 $0x0, s20;
	[sflag:s22] =	ssyncset.done $0x0  }
0xa0: {  	[sflag:s22] =	ssyncadd.s32 s4;
	_ =	sdelay $0x1  }
0xa1: {  	s23 =	simm.s32 $0x1B8B  }
0xa2: {  	_ =	swait.ge [sflag:s23], $0x1  }
0xa3: {  	[sflag:s23] =	ssyncset.done $0x0  }
0xa4: {  	s25 =	simm.s32 $0x1B8E;
	s24 =	sld [smem:$0x3FFE];
	[sflag:s23] =	ssyncadd.s32 $0xFFFFFFFF  }
0xa5: {  	s26 =	simm.s32 $execute0_lowered;
	[smem:$0x3FD2] =	sst s25  }
0xa6: {  	s5 =	sshll.u32 s26, $0x1;
	_ =	strace $0x8000004F;
	[dreg:$0x1] =	wrdreg $0xFFFFFFFF  }
0xa7: {  	s28 =	simm.s32 $_size_execute0_lowered;
	s3 =	sadd.s32 s3, s5;
	[dreg:$0x0] =	wrdreg $0x0  }
0xa8: {  	s5 =	sshll.u32 s28, $0x1;
	[dreg:$0x2] =	wrdreg s3  }
0xa9: {  	[dreg:$0x3] =	wrdreg s5  }
0xaa: {  	[dreg:$0x4] =	wrdreg $0xC0  }
0xab: {  	_ =	task [dreg:s7], $0x5FFFF  }
0xac: {  	[dreg:$0x1] =	wrdreg $0xFFFFFFFF  }
0xad: {  	[dreg:$0x0] =	wrdreg $0x60  }
0xae: {  	[dreg:$0x2] =	wrdreg s2  }
0xaf: {  	[dreg:$0x3] =	wrdreg s24  }
0xb0: {  	[dreg:$0x4] =	wrdreg $0xB2200  }
0xb1: {  	[dreg:$0x5] =	wrdreg $0x9  }
0xb2: {  	_ =	task.clear_ibuf [dreg:s7], $0x6FFFF;
	_ =	strace $0x9000004F  }
0xb3: {  	s29 =	simm.s32 $0x9;
	_ =	strace $0x80000051  }
0xb4: {  	_ =	swait.ge [sflag:s29], $0x1  }
0xb5: {  	[sflag:s29] =	ssyncadd.s32 $0xFFFFFFFF  }
0xb6: {  	_ =	strace $0x90000051  }
0xb7: {  	_ =	sfence  }
0xb8: {  	s30 =	sld [smem:$0x0];
	_ =	sdelay $0x2  }
0xb9: {  	s31 =	sshll.u32 s1, $0xD;
	s1 =	sshrl.u32 s1, $0x2  }
0xba: {  	s3 =	sand.u32 $0x4000, s31;
	s1 =	sadd.s32 s1, s30  }
0xbb: {  	s0 =	sor.u32 s3, s0;
	s1 =	sshll.u32 s1, $0x11  }
0xbc: {  	s0 =	sor.u32 s1, s0  }
0xbd: {  	s0 =	sadd.s32 $0x8F2B, s0  }
0xbe: {  	[sflag:s0] =	ssyncadd.remote.s32 $0x1  }
0xbf: {  	_ =	sfence.sel $0xFFFF  }
0xc0: {  	[dreg:$0x0] =	wrdreg $0xFFFFFFFF;
	(pc) =	sbr.abs _section_cstart, $3  }
0xc1: {  	[dreg:$0x1] =	wrdreg $0xFFFFFFFF  }
0xc2: {  	_ =	task.clear_ibuf [dreg:s7], $0x2FFFF;
	_ =	strace $0x9FFFFFFF  }
0xc3: {  	(tm) =	ssettm $0x7FFFFFFF  }
tec
execute0_lowered:
.L_overlay_start_1:
0x0: {  	(tag) =	ssettag $0x1  }
0x1: {  	s1 =	rddreg [dreg:$0x0]  }
0x2: {  	s0 =	srdreg.scid;
	s6 =	rddreg [dreg:$0x1]  }
0x3: {  	s10 =	stileid.u32;
	s3 =	rddreg [dreg:$0x2]  }
0x4: {  	s4 =	simm.s32 $0x0;
	s14 =	simm.s32 $0x50;
	s15 =	simm.s32 $0x4E20  }
0x5: {  	s16 =	simm.s32 $0x6220;
	s18 =	simm.s32 $0x7620;
	s20 =	simm.s32 $0x8A20  }
0x6: {  	s22 =	simm.s32 $0x9E20;
	s23 =	simm.s32 $0x1;
	s24 =	simm.s32 $0x2  }
0x7: {  	s25 =	simm.s32 $0x3;
	s28 =	simm.s32 $0x5;
	s29 =	simm.s32 $0x4C90  }
0x8: {  	s30 =	simm.s32 $0x4CE0;
	s31 =	simm.s32 $0x4D30;
	s11 =	simm.s32 $0x0  }
0x9: {  	s0 =	sand.u32 $0x1, s0;
	[smem:$0x7FF] =	sst s4;
	s7 =	smul.u32 $0x1F40, s10  }
0xa: {  	s8 =	smul.u32 $0x3E800, s10;
	p0 =	sgt.u32 s10, $0x9;
	s2 =	sshll.u32 s0, $0x4  }
0xb: {  	s5 =	smul.u32 $0x13880, s0;
	s0 =	ssub.s32 $0x2, s0;
	s2 =	sor.u32 s10, s2  }
0xc: {  	_ =	strace $0x80000050;
	s26 =	sshrl.u32 s0, $0x1;
	s2 =	smul.u32 $0x4E2, s2  }
0xd: {  	s8 =	sshrl.u32 s8, $0x2;
	s7 =	sadd.s32 s7, s5;
	s5 =	sadd.s32 $0x3C600, s6  }
0xe: {  	s0 =	ssub.s32 s0, s26;
	s9 =	sadd.s32 s7, s6;
	s2 =	sadd.s32 s2, s6  }
0xf: {  	s6 =	sadd.s32 $0xB600, s2;
	s7 =	sadd.s32 $0x1800, s2;
	s2 =	sadd.s32 s8, s3  }
0x10: {  	s8 =	sadd.s32 $0x15400, s9;
	s9 =	smax.u32 s0, $0x1;
	s0 =	sshll.u32 @!p0 s10, $0x6  }
0x11: {  	s26 =	simm.s32 $0x4;
	s10 =	simm.s32 $0x6;
	s12 =	sor.u32 @!p0 $0x1C06, s0  }
0x12: {  	s13 =	sshrl.u32 @!p0 s2, $0x3;
	s2 =	simm.s32 $0x4D80;
	s0 =	simm.s32 $0x4DD0  }
.LBB2_1:
0x13: {  	[tilespmem:s4], [sflag:$0x6] =	stream.linear.gather [hbm4b:s6+s4], $0x2710, $0x38;
	[tilespmem:$0x14E80] =	vst v63  }
0x14: {  	_ =	swait.ge [sflag:s10], $0x2710  }
0x15: {  	[sflag:s10] =	ssyncset.done $0x0  }
0x16: {  	s17 =	simm.s32 $0x2710;
	[sflag:s10] =	ssyncadd.s32 $0xFFFFD8F0  }
0x17: {  	[tilespmem:s17], [sflag:$0x6] =	stream.linear.gather [hbm4b:s7+s4], $0x2710, $0x38;
	[tilespmem:$0x14E80] =	vst v63  }
0x18: {  	_ =	swait.ge [sflag:s10], $0x2710  }
0x19: {  	[sflag:s10] =	ssyncset.done $0x0  }
0x1a: {  	s17 =	simm.s32 @!p0 $0x6;
	[sflag:s10] =	ssyncadd.s32 $0xFFFFD8F0  }
0x1b: {  	[spmem:s13], [sflag:s12] =	dma.local @!p0 [hbm:s5], $0x1F40  }
0x1c: {  	_ =	swait.ge @!p0 [sflag:s17], $0x1F40  }
0x1d: {  	[sflag:s17] =	ssyncset.done @!p0 $0x0  }
0x1e: {  	[sflag:s17] =	ssyncadd.s32 @!p0 $0xFFFFE0C0  }
0x1f: {  	[bflag:$0x0] =	sbarrier.arrive $0xFFFF  }
0x20: {  	[tilespmem:s15], [sflag:$0x1] =	stream.indirect.gather [hbm4b:s1+s14], $0x40, s4, s14, $0xb8;
	[tilespmem:$0x14E80] =	vst v63  }
0x21: {  	_ = 	snop  }
0x22: {  	[tilespmem:s16], [sflag:$0x2] =	stream.indirect.gather [hbm4b:s1+s14], $0x40, s14, s14, $0xb8;
	[tilespmem:$0x14E80] =	vst v63  }
0x23: {  	s19 =	simm.s32 $0xA0  }
0x24: {  	[tilespmem:s18], [sflag:$0x3] =	stream.indirect.gather [hbm4b:s1+s14], $0x40, s19, s14, $0xb8;
	[tilespmem:$0x14E80] =	vst v63  }
0x25: {  	s21 =	simm.s32 $0xF0  }
0x26: {  	[tilespmem:s20], [sflag:$0x4] =	stream.indirect.gather [hbm4b:s1+s14], $0x40, s21, s14, $0xb8;
	[tilespmem:$0x14E80] =	vst v63  }
0x27: {  	s19 =	simm.s32 $0x140  }
0x28: {  	[tilespmem:s22], [sflag:$0x5] =	stream.indirect.gather [hbm4b:s1+s14], $0x40, s19, s14, $0xb8;
	[tilespmem:$0x14E80] =	vst v63  }
0x29: {  	_ =	swait.ge [sflag:s23], $0x1400  }
0x2a: {  	[sflag:s23] =	ssyncset.done $0x0  }
0x2b: {  	s21 =	simm.s32 $0x2710;
	[sflag:s23] =	ssyncadd.s32 $0xFFFFEC00  }
0x2c: {  	[spmem:s3] =	stream.indirect.scatter.add.f32 [tilespmem:s15], [sflag:$0x6], $0x40, s21, s14, $0xb8;
	[tilespmem:$0x14E80] =	vst v63  }
0x2d: {  	_ =	swait.ge [sflag:s10], $0x1400  }
0x2e: {  	[sflag:s10] =	ssyncset.done $0x0  }
0x2f: {  	s19 =	simm.s32 $0x190;
	[sflag:s10] =	ssyncadd.s32 $0xFFFFEC00  }
0x30: {  	[tilespmem:s15], [sflag:$0x1] =	stream.indirect.gather [hbm4b:s1+s14], $0x40, s19, s14, $0xb8;
	[tilespmem:$0x14E80] =	vst v63  }
0x31: {  	_ =	swait.ge [sflag:s24], $0x1400  }
0x32: {  	[sflag:s24] =	ssyncset.done $0x0  }
0x33: {  	s21 =	simm.s32 $0x2760;
	[sflag:s24] =	ssyncadd.s32 $0xFFFFEC00  }
0x34: {  	[spmem:s3] =	stream.indirect.scatter.add.f32 [tilespmem:s16], [sflag:$0x6], $0x40, s21, s14, $0xb8;
	[tilespmem:$0x14E80] =	vst v63  }
0x35: {  	_ =	swait.ge [sflag:s10], $0x1400  }
0x36: {  	[sflag:s10] =	ssyncset.done $0x0  }
0x37: {  	s19 =	simm.s32 $0x1E0;
	[sflag:s10] =	ssyncadd.s32 $0xFFFFEC00  }
0x38: {  	[tilespmem:s16], [sflag:$0x2] =	stream.indirect.gather [hbm4b:s1+s14], $0x40, s19, s14, $0xb8;
	[tilespmem:$0x14E80] =	vst v63  }
0x39: {  	_ =	swait.ge [sflag:s25], $0x1400  }
0x3a: {  	[sflag:s25] =	ssyncset.done $0x0  }
0x3b: {  	s21 =	simm.s32 $0x27B0;
	[sflag:s25] =	ssyncadd.s32 $0xFFFFEC00  }
0x3c: {  	[spmem:s3] =	stream.indirect.scatter.add.f32 [tilespmem:s18], [sflag:$0x6], $0x40, s21, s14, $0xb8;
	[tilespmem:$0x14E80] =	vst v63  }
0x3d: {  	_ =	swait.ge [sflag:s10], $0x1400  }
0x3e: {  	[sflag:s10] =	ssyncset.done $0x0  }
0x3f: {  	s19 =	simm.s32 $0x230;
	[sflag:s10] =	ssyncadd.s32 $0xFFFFEC00  }
0x40: {  	[tilespmem:s18], [sflag:$0x3] =	stream.indirect.gather [hbm4b:s1+s14], $0x40, s19, s14, $0xb8;
	[tilespmem:$0x14E80] =	vst v63  }
0x41: {  	_ =	swait.ge [sflag:s26], $0x1400  }
0x42: {  	[sflag:s26] =	ssyncset.done $0x0  }
0x43: {  	s21 =	simm.s32 $0x2800;
	[sflag:s26] =	ssyncadd.s32 $0xFFFFEC00  }
0x44: {  	[spmem:s3] =	stream.indirect.scatter.add.f32 [tilespmem:s20], [sflag:$0x6], $0x40, s21, s14, $0xb8;
	[tilespmem:$0x14E80] =	vst v63  }
0x45: {  	_ =	swait.ge [sflag:s10], $0x1400  }
0x46: {  	[sflag:s10] =	ssyncset.done $0x0  }
0x47: {  	s19 =	simm.s32 $0x280;
	[sflag:s10] =	ssyncadd.s32 $0xFFFFEC00  }
0x48: {  	[tilespmem:s20], [sflag:$0x4] =	stream.indirect.gather [hbm4b:s1+s14], $0x40, s19, s14, $0xb8;
	[tilespmem:$0x14E80] =	vst v63  }
0x49: {  	_ =	swait.ge [sflag:s28], $0x1400  }
0x4a: {  	[sflag:s28] =	ssyncset.done $0x0  }
0x4b: {  	s21 =	simm.s32 $0x2850;
	[sflag:s28] =	ssyncadd.s32 $0xFFFFEC00  }
0x4c: {  	[spmem:s3] =	stream.indirect.scatter.add.f32 [tilespmem:s22], [sflag:$0x6], $0x40, s21, s14, $0xb8;
	[tilespmem:$0x14E80] =	vst v63  }
0x4d: {  	_ =	swait.ge [sflag:s10], $0x1400  }
0x4e: {  	[sflag:s10] =	ssyncset.done $0x0  }
0x4f: {  	s17 =	simm.s32 $0x640;
	s19 =	simm.s32 $0x2D0;
	[sflag:s10] =	ssyncadd.s32 $0xFFFFEC00  }
.LBB2_2:
0x50: {  	[tilespmem:s22], [sflag:$0x5] =	stream.indirect.gather [hbm4b:s1+s14], $0x40, s19, s14, $0xb8;
	[tilespmem:$0x14E80] =	vst v63  }
0x51: {  	s19 =	smov.u32 s17  }
0x52: {  	p1 =	sne.s32 s17, $0x8FC0;
	s17 =	sadd.s32 $0x640, s17;
	_ =	swait.ge [sflag:s23], $0x1400  }
0x53: {  	s19 =	sshra.s32 s19, $0x2;
	[sflag:s23] =	ssyncset.done $0x0  }
0x54: {  	s21 =	sadd.s32 $0x2710, s19;
	[sflag:s23] =	ssyncadd.s32 $0xFFFFEC00  }
0x55: {  	[spmem:s3] =	stream.indirect.scatter.add.f32 [tilespmem:s15], [sflag:$0x6], $0x40, s21, s14, $0xb8;
	[tilespmem:$0x14E80] =	vst v63  }
0x56: {  	_ =	swait.ge [sflag:s10], $0x1400  }
0x57: {  	[sflag:s10] =	ssyncset.done $0x0  }
0x58: {  	s21 =	sadd.s32 $0x190, s19;
	[sflag:s10] =	ssyncadd.s32 $0xFFFFEC00  }
0x59: {  	[tilespmem:s15], [sflag:$0x1] =	stream.indirect.gather [hbm4b:s1+s14], $0x40, s21, s14, $0xb8;
	[tilespmem:$0x14E80] =	vst v63  }
0x5a: {  	_ =	swait.ge [sflag:s24], $0x1400  }
0x5b: {  	[sflag:s24] =	ssyncset.done $0x0  }
0x5c: {  	s21 =	sadd.s32 $0x2760, s19;
	[sflag:s24] =	ssyncadd.s32 $0xFFFFEC00  }
0x5d: {  	[spmem:s3] =	stream.indirect.scatter.add.f32 [tilespmem:s16], [sflag:$0x6], $0x40, s21, s14, $0xb8;
	[tilespmem:$0x14E80] =	vst v63  }
0x5e: {  	_ =	swait.ge [sflag:s10], $0x1400  }
0x5f: {  	[sflag:s10] =	ssyncset.done $0x0  }
0x60: {  	s21 =	sadd.s32 $0x1E0, s19;
	[sflag:s10] =	ssyncadd.s32 $0xFFFFEC00  }
0x61: {  	[tilespmem:s16], [sflag:$0x2] =	stream.indirect.gather [hbm4b:s1+s14], $0x40, s21, s14, $0xb8;
	[tilespmem:$0x14E80] =	vst v63  }
0x62: {  	_ =	swait.ge [sflag:s25], $0x1400  }
0x63: {  	[sflag:s25] =	ssyncset.done $0x0  }
0x64: {  	s21 =	sadd.s32 $0x27B0, s19;
	[sflag:s25] =	ssyncadd.s32 $0xFFFFEC00  }
0x65: {  	[spmem:s3] =	stream.indirect.scatter.add.f32 [tilespmem:s18], [sflag:$0x6], $0x40, s21, s14, $0xb8;
	[tilespmem:$0x14E80] =	vst v63  }
0x66: {  	_ =	swait.ge [sflag:s10], $0x1400  }
0x67: {  	[sflag:s10] =	ssyncset.done $0x0  }
0x68: {  	s21 =	sadd.s32 $0x230, s19;
	[sflag:s10] =	ssyncadd.s32 $0xFFFFEC00  }
0x69: {  	[tilespmem:s18], [sflag:$0x3] =	stream.indirect.gather [hbm4b:s1+s14], $0x40, s21, s14, $0xb8;
	[tilespmem:$0x14E80] =	vst v63  }
0x6a: {  	_ =	swait.ge [sflag:s26], $0x1400  }
0x6b: {  	[sflag:s26] =	ssyncset.done $0x0  }
0x6c: {  	s21 =	sadd.s32 $0x2800, s19;
	[sflag:s26] =	ssyncadd.s32 $0xFFFFEC00  }
0x6d: {  	[spmem:s3] =	stream.indirect.scatter.add.f32 [tilespmem:s20], [sflag:$0x6], $0x40, s21, s14, $0xb8;
	[tilespmem:$0x14E80] =	vst v63  }
0x6e: {  	_ =	swait.ge [sflag:s10], $0x1400  }
0x6f: {  	[sflag:s10] =	ssyncset.done $0x0  }
0x70: {  	s21 =	sadd.s32 $0x280, s19;
	[sflag:s10] =	ssyncadd.s32 $0xFFFFEC00  }
0x71: {  	[tilespmem:s20], [sflag:$0x4] =	stream.indirect.gather [hbm4b:s1+s14], $0x40, s21, s14, $0xb8;
	[tilespmem:$0x14E80] =	vst v63  }
0x72: {  	_ =	swait.ge [sflag:s28], $0x1400  }
0x73: {  	[sflag:s28] =	ssyncset.done $0x0  }
.Ltmp0:
0x74: {  	s21 =	sadd.s32 $0x2850, s19;
	[sflag:s28] =	ssyncadd.s32 $0xFFFFEC00;
	(pc) =	sbr.rel @p1 .LBB2_2-.Ltmp0, $4  }
0x75: {  	[spmem:s3] =	stream.indirect.scatter.add.f32 [tilespmem:s22], [sflag:$0x6], $0x40, s21, s14, $0xb8;
	[tilespmem:$0x14E80] =	vst v63  }
0x76: {  	_ =	swait.ge [sflag:s10], $0x1400  }
0x77: {  	[sflag:s10] =	ssyncset.done $0x0  }
0x78: {  	s19 =	sadd.s32 $0x2D0, s19;
	[sflag:s10] =	ssyncadd.s32 $0xFFFFEC00  }
0x79: {  	[tilespmem:s22], [sflag:$0x5] =	stream.indirect.gather [hbm4b:s1+s14], $0x40, s19, s14, $0xb8;
	[tilespmem:$0x14E80] =	vst v63  }
0x7a: {  	_ =	swait.ge [sflag:s23], $0x1400  }
0x7b: {  	[sflag:s23] =	ssyncset.done $0x0  }
0x7c: {  	[sflag:s23] =	ssyncadd.s32 $0xFFFFEC00  }
0x7d: {  	[spmem:s3] =	stream.indirect.scatter.add.f32 [tilespmem:s15], [sflag:$0x6], $0x40, s29, s14, $0xb8;
	[tilespmem:$0x14E80] =	vst v63  }
0x7e: {  	_ =	swait.ge [sflag:s10], $0x1400  }
0x7f: {  	[sflag:s10] =	ssyncset.done $0x0  }
0x80: {  	[sflag:s10] =	ssyncadd.s32 $0xFFFFEC00  }
0x81: {  	_ =	swait.ge [sflag:s24], $0x1400  }
0x82: {  	[sflag:s24] =	ssyncset.done $0x0  }
0x83: {  	[sflag:s24] =	ssyncadd.s32 $0xFFFFEC00  }
0x84: {  	[spmem:s3] =	stream.indirect.scatter.add.f32 [tilespmem:s16], [sflag:$0x6], $0x40, s30, s14, $0xb8;
	[tilespmem:$0x14E80] =	vst v63  }
0x85: {  	_ =	swait.ge [sflag:s10], $0x1400  }
0x86: {  	[sflag:s10] =	ssyncset.done $0x0  }
0x87: {  	[sflag:s10] =	ssyncadd.s32 $0xFFFFEC00  }
0x88: {  	_ =	swait.ge [sflag:s25], $0x1400  }
0x89: {  	[sflag:s25] =	ssyncset.done $0x0  }
0x8a: {  	[sflag:s25] =	ssyncadd.s32 $0xFFFFEC00  }
0x8b: {  	[spmem:s3] =	stream.indirect.scatter.add.f32 [tilespmem:s18], [sflag:$0x6], $0x40, s31, s14, $0xb8;
	[tilespmem:$0x14E80] =	vst v63  }
0x8c: {  	_ =	swait.ge [sflag:s10], $0x1400  }
0x8d: {  	[sflag:s10] =	ssyncset.done $0x0  }
0x8e: {  	[sflag:s10] =	ssyncadd.s32 $0xFFFFEC00  }
0x8f: {  	_ =	swait.ge [sflag:s26], $0x1400  }
0x90: {  	[sflag:s26] =	ssyncset.done $0x0  }
0x91: {  	[sflag:s26] =	ssyncadd.s32 $0xFFFFEC00  }
0x92: {  	[spmem:s3] =	stream.indirect.scatter.add.f32 [tilespmem:s20], [sflag:$0x6], $0x40, s2, s14, $0xb8;
	[tilespmem:$0x14E80] =	vst v63  }
0x93: {  	_ =	swait.ge [sflag:s10], $0x1400  }
0x94: {  	[sflag:s10] =	ssyncset.done $0x0  }
0x95: {  	[sflag:s10] =	ssyncadd.s32 $0xFFFFEC00  }
0x96: {  	_ =	swait.ge [sflag:s28], $0x1400  }
0x97: {  	[sflag:s28] =	ssyncset.done $0x0  }
0x98: {  	[sflag:s28] =	ssyncadd.s32 $0xFFFFEC00  }
0x99: {  	[spmem:s3] =	stream.indirect.scatter.add.f32 [tilespmem:s22], [sflag:$0x6], $0x40, s0, s14, $0xb8;
	[tilespmem:$0x14E80] =	vst v63  }
0x9a: {  	_ =	swait.ge [sflag:s10], $0x1400  }
0x9b: {  	s11 =	sadd.s32 $0x1, s11;
	[sflag:s10] =	ssyncset.done $0x0  }
0x9c: {  	p1 =	sne.s32 s11, s9;
	[sflag:s10] =	ssyncadd.s32 $0xFFFFEC00  }
.Ltmp1:
0x9d: {  	s17 =	simm.s32 @!p0 $0x6;
	[bflag:$0x0] =	sbarrier.arrive $0xFFFF;
	(pc) =	sbr.rel @p1 .LBB2_1-.Ltmp1, $4  }
0x9e: {  	[hbm:s8], [sflag:s12] =	dma.local @!p0 [spmem:s13], $0x1F40  }
0x9f: {  	_ =	swait.ge @!p0 [sflag:s17], $0x1F40  }
0xa0: {  	[sflag:s17] =	ssyncset.done @!p0 $0x0  }
0xa1: {  	[sflag:s17] =	ssyncadd.s32 @!p0 $0xFFFFE0C0  }
0xa2: {  	_ =	sfence.sel $0x180000  }
0xa3: {  	[bflag:$0x0] =	sbarrier.arrive $0xFFFF  }
0xa4: {  	_ =	strace $0x90000050  }
0xa5: {  	s0 =	stileid.u32;
	[bflag:$0x2] =	sbarrier.arrive $0xFFFF  }
0xa6: {  	p0 =	sne.s32 s0, $0x0;
	s0 =	rddreg [dreg:$0x3]  }
0xa7: {  	s0 =	sadd.s32 @!p0 $0x100000, s0  }
0xa8: {  	[sflag:s0] =	ssyncadd.tile.s32 @!p0 $0x1;
	_ =	shalt  }
.Lfunc_end2:
_tile_overlayer_lowered:
.L_overlay_start_2:
0xa9: {  	(tag) =	ssettag $0x2  }
0xaa: {  	s0 =	rddreg [dreg:$0x0];
	s2 =	stileid.u32  }
0xab: {  	s1 =	rddreg [dreg:$0x1];
	p0 =	sne.s32 s2, $0x0  }
0xac: {  	s3 =	rddreg [dreg:$0x2];
	[bflag:$0x3] =	sbarrier.arrive $0xFFFF;
	s2 =	simm.s32 @!p0 $0x1C06  }
0xad: {  	[timem:s3], [sflag:s2] =	dma.local @!p0 [hbm:s0], s1  }
0xae: {  	s0 =	simm.s32 @!p0 $0x6  }
0xaf: {  	_ =	swait.ge @!p0 [sflag:s0], s1  }
0xb0: {  	s1 =	ssub.s32 @!p0 $0x0, s1;
	[sflag:s0] =	ssyncset.done @!p0 $0x0  }
0xb1: {  	[sflag:s0] =	ssyncadd.s32 @!p0 s1  }
0xb2: {  	[bflag:$0x3] =	sbarrier.arrive $0xFFFF  }
0xb3: {  	_ =	shalt  }

</sc_bundles>
